<compile_context>
chip_gen: v7x
topology: tpu7x:2x2x1
jax: 0.10.2.dev20260603
libtpu: 0.0.44.dev20260713+nightly
codegen_flags: <defaults>
</compile_context>

<pallas_src>
import jax
import jax.numpy as jnp
from jax import lax
from jax.experimental import pallas as pl
from jax.experimental.pallas import tpu as pltpu
from jax.experimental.pallas import tpu_sc as plsc

NUM_FACTOR = 32
NUM_ITEMS = 100000
BATCH = 16384
NC = 2
NS = 16
LANES = 16
NW = NC * NS
B_PER_W = BATCH // NW
G = 2
NBUF = 6
NGROUP = B_PER_W // G
TCOL = 128
ITEM_COLS = (NUM_ITEMS + TCOL - 1) // TCOL
NCOLS = 25
MAXM = 768
VW_ROWS = BATCH + 256


def _item_body(items_hbm, tab_i_hbm, w_hbm, vw_hbm,
               itv, colbuf, tlist, plist, plist2, vwbuf, wv, sem):
    wid = lax.axis_index("s") * NC + lax.axis_index("c")
    cstart = wid * ITEM_COLS // NW
    cend = (wid + 1) * ITEM_COLS // NW
    lo = cstart * TCOL
    hi = jnp.minimum(cend * TCOL, NUM_ITEMS)
    cbase = jnp.minimum(cstart, ITEM_COLS - NCOLS)

    pltpu.sync_copy(w_hbm, wv)
    col_copy = pltpu.async_copy(
        tab_i_hbm.at[:, pl.ds(pl.multiple_of(cbase * TCOL, TCOL),
                              NCOLS * TCOL)],
        colbuf, sem)

    w0 = wv[pl.ds(0, LANES)]
    w1 = wv[pl.ds(LANES, LANES)]
    lanes = lax.iota(jnp.int32, LANES)

    def fill_body(k, _):
        tlist[pl.ds(k * LANES, LANES)] = jnp.full((LANES,), lo, jnp.int32)
        plist[pl.ds(k * LANES, LANES)] = (
            BATCH + lanes + (k % 8) * LANES)
        return _
    lax.fori_loop(0, MAXM // LANES, fill_body, 0)

    def outer_scan(c, off):
        pltpu.sync_copy(items_hbm.at[pl.ds(c * 1024, 1024)], itv)
        def scan_body(i, off):
            tv = itv[pl.ds(i * LANES, LANES)]
            m = (tv >= lo) & (tv < hi)
            pv = lanes + (c * 1024 + i * LANES)
            plsc.store_compressed(tlist.at[pl.ds(off, LANES)], tv, mask=m)
            plsc.store_compressed(plist.at[pl.ds(off, LANES)], pv, mask=m)
            cnt = plsc.all_reduce_population_count(m)
            return off + cnt[0]
        return lax.fori_loop(0, 1024 // LANES, scan_body, off)
    nmatch = lax.fori_loop(0, BATCH // 1024, outer_scan, 0)
    col_copy.wait()

    for k in range(MAXM // TCOL):
        for rr in range(TCOL // LANES):
            plist2[k, pl.ds(rr * LANES, LANES)] = (
                plist[pl.ds(k * TCOL + rr * LANES, LANES)])

    for k in range(MAXM // TCOL):
        @pl.when(k * TCOL < nmatch)
        def _do_chunk(k=k):
            def chunk_body(rr, _):
                tvec = tlist[pl.ds(k * TCOL + rr * LANES, LANES)]
                tloc = tvec - cbase * TCOL
                for r in range(LANES):
                    tl = jnp.full((LANES,), tloc[r], jnp.int32)
                    g0 = plsc.load_gather(colbuf, [lanes, tl])
                    g1 = plsc.load_gather(colbuf, [lanes + LANES, tl])
                    row = rr * LANES + r
                    vwbuf[row, pl.ds(0, LANES)] = g0 * w0
                    vwbuf[row, pl.ds(LANES, LANES)] = g1 * w1
                return _
            lax.fori_loop(0, TCOL // LANES, chunk_body, 0)
            pltpu.async_copy(vwbuf, vw_hbm.at[plist2.at[k]], sem).wait()


def _user_body(users_hbm, tab_u_hbm, vw_hbm, b_hbm,
               out_hbm, idx_u, vwv, ubuf, out_v, b_v, sem_u, sem_v):
    wid = lax.axis_index("s") * NC + lax.axis_index("c")

    pltpu.sync_copy(users_hbm.at[wid], idx_u.at[pl.ds(0, B_PER_W)])
    pltpu.sync_copy(b_hbm, b_v)
    idx_u[pl.ds(B_PER_W, LANES)] = jnp.zeros((LANES,), jnp.int32)
    pltpu.async_copy(vw_hbm.at[pl.ds(wid * B_PER_W, B_PER_W)], vwv,
                     sem_v).wait()

    bias = b_v[pl.ds(0, LANES)]
    lanes = lax.iota(jnp.int32, LANES)

    def issue_group(g, slot):
        base = g * G
        uvec = idx_u[pl.ds(base, 16)]
        for r in range(G):
            cu = pl.multiple_of((uvec[r] >> 7) << 7, TCOL)
            pltpu.async_copy(tab_u_hbm.at[:, pl.ds(cu, TCOL)],
                             ubuf.at[slot, r], sem_u)

    def wait_group(slot):
        for r in range(G):
            pltpu.make_async_copy(tab_u_hbm.at[:, pl.ds(0, TCOL)],
                                  ubuf.at[slot, r], sem_u).wait()

    for p in range(NBUF - 1):
        issue_group(p, p)

    def group_body(g, acc):
        slot = g % NBUF
        base = g * G

        @pl.when(g + NBUF - 1 < NGROUP)
        def _issue():
            issue_group(g + NBUF - 1, (g + NBUF - 1) % NBUF)

        wait_group(slot)

        svec = jnp.full((LANES,), slot, jnp.int32)
        lu_all = idx_u[pl.ds(base, 16)] & (TCOL - 1)
        for r in range(G):
            rvec = jnp.full((LANES,), r, jnp.int32)
            lu = jnp.full((LANES,), lu_all[r], jnp.int32)
            u0 = plsc.load_gather(ubuf, [svec, rvec, lanes, lu])
            u1 = plsc.load_gather(ubuf, [svec, rvec, lanes + LANES, lu])
            vw0 = vwv[base + r, pl.ds(0, LANES)]
            vw1 = vwv[base + r, pl.ds(LANES, LANES)]
            p = u0 * vw0 + u1 * vw1
            s = jnp.sum(p, axis=0)
            acc = jnp.where(lanes == (g * G + r) % LANES, s, acc)

        @pl.when((g + 1) % (LANES // G) == 0)
        def _flush():
            t = acc + bias
            out_v[pl.ds((g // (LANES // G)) * LANES, LANES)] = (
                1.0 / (1.0 + jnp.exp(-t)))
        return acc

    lax.fori_loop(0, NGROUP, group_body, jnp.zeros((LANES,), jnp.float32))

    pltpu.sync_copy(out_v, out_hbm.at[pl.ds(wid * B_PER_W, B_PER_W)])


@jax.jit
def _gmf(users, items_flat, table_u_t, table_i_t, w_flat, b_bcast):
    mesh = plsc.VectorSubcoreMesh(
        core_axis_name="c", subcore_axis_name="s",
        num_cores=NC, num_subcores=NS)
    vw = pl.kernel(
        _item_body,
        out_type=jax.ShapeDtypeStruct((VW_ROWS, TCOL), jnp.float32),
        mesh=mesh,
        scratch_types=[
            pltpu.VMEM((1024,), jnp.int32),
            pltpu.VMEM((NUM_FACTOR, NCOLS * TCOL), jnp.float32),
            pltpu.VMEM((MAXM + LANES,), jnp.int32),
            pltpu.VMEM((MAXM + LANES,), jnp.int32),
            pltpu.VMEM((MAXM // TCOL, TCOL), jnp.int32),
            pltpu.VMEM((TCOL, TCOL), jnp.float32),
            pltpu.VMEM((2 * LANES,), jnp.float32),
            pltpu.SemaphoreType.DMA,
        ],
        compiler_params=pltpu.CompilerParams(needs_layout_passes=False),
    )(items_flat, table_i_t, w_flat)
    out = pl.kernel(
        _user_body,
        out_type=jax.ShapeDtypeStruct((BATCH,), jnp.float32),
        mesh=mesh,
        scratch_types=[
            pltpu.VMEM((B_PER_W + LANES,), jnp.int32),
            pltpu.VMEM((B_PER_W, TCOL), jnp.float32),
            pltpu.VMEM((NBUF, G, NUM_FACTOR, TCOL), jnp.float32),
            pltpu.VMEM((B_PER_W,), jnp.float32),
            pltpu.VMEM((LANES,), jnp.float32),
            pltpu.SemaphoreType.DMA,
            pltpu.SemaphoreType.DMA,
        ],
        compiler_params=pltpu.CompilerParams(needs_layout_passes=False),
    )(users.reshape(NW, B_PER_W), table_u_t, vw, b_bcast)
    return out


def kernel(users, items, user_table, item_table, W, b):
    out = _gmf(users.astype(jnp.int32), items.astype(jnp.int32),
               user_table.T, item_table.T,
               W.reshape(-1), jnp.broadcast_to(b, (LANES,)))
    return out.reshape(BATCH, 1)

# --- scband reference (transcript-rebuilt; emitter-appended) ---
"""Pipeline reference for scband-gmf-13675175871077 (READ-ONLY COPY).

The authoritative reference and input builder live on the scoring server;
editing this copy changes nothing except your own understanding.
"""

import jax, jax.numpy as jnp
import numpy as np

NUM_USERS = 1000000
NUM_ITEMS = 100000
NUM_FACTOR = 32
BATCH = 16384


def setup_inputs(seed: int = 0) -> dict:
    key = jax.random.key(seed)
    k1, k2, k3, k4, k5, k6 = jax.random.split(key, 6)
    users = jax.random.randint(k1, (BATCH,), 0, NUM_USERS, dtype=jnp.int64 if jax.config.jax_enable_x64 else jnp.int32)
    items = jax.random.randint(k2, (BATCH,), 0, NUM_ITEMS, dtype=jnp.int64 if jax.config.jax_enable_x64 else jnp.int32)
    user_table = jax.random.normal(k3, (NUM_USERS, NUM_FACTOR), dtype=jnp.float32)
    item_table = jax.random.normal(k4, (NUM_ITEMS, NUM_FACTOR), dtype=jnp.float32)
    # nn.Linear(num_factor, 1): weight [1, num_factor], bias [1]
    bound = 1.0 / np.sqrt(NUM_FACTOR)
    W = jax.random.uniform(k5, (1, NUM_FACTOR), minval=-bound, maxval=bound, dtype=jnp.float32)
    b = jax.random.uniform(k6, (1,), minval=-bound, maxval=bound, dtype=jnp.float32)
    return {"users": users, "items": items, "user_table": user_table, "item_table": item_table, "W": W, "b": b}


def reference(users, items, user_table, item_table, W, b):
    # GMF forward: elementwise product of user/item embeddings -> Linear -> Sigmoid
    u = jnp.take(user_table, users, axis=0)   # [B, F] gather
    v = jnp.take(item_table, items, axis=0)   # [B, F] gather
    embedding_elementwise = u * v              # [B, F]
    logits = embedding_elementwise @ W.T + b   # [B, 1]
    output = jax.nn.sigmoid(logits)
    return output

if __name__ == "__main__":
    import jax
    _d = setup_inputs()
    print(jax.jit(kernel)(*tuple(_d.values())))

</pallas_src>

<mosaic_0001>
#map = affine_map<(d0, d1) -> (0, 0)>
#map1 = affine_map<(d0, d1) -> (0)>
module attributes {stable_mosaic.version = 14 : i64} {
  func.func @_user_body(%arg0: i32, %arg1: i32, %arg2: memref<32x512xi32, #tpu.memory_space<hbm>>, %arg3: memref<32x1000000xf32, #tpu.memory_space<hbm>>, %arg4: memref<16640x128xf32, #tpu.memory_space<hbm>>, %arg5: memref<16xf32, #tpu.memory_space<hbm>>, %arg6: memref<16384xf32, #tpu.memory_space<hbm>>, %arg7: memref<528xi32, #tpu.memory_space<vmem>>, %arg8: memref<512x128xf32, #tpu.memory_space<vmem>>, %arg9: memref<6x2x32x128xf32, #tpu.memory_space<vmem>>, %arg10: memref<512xf32, #tpu.memory_space<vmem>>, %arg11: memref<16xf32, #tpu.memory_space<vmem>>, %arg12: memref<!tpu.dma_semaphore, #tpu.memory_space<semaphore_mem>>, %arg13: memref<!tpu.dma_semaphore, #tpu.memory_space<semaphore_mem>>) attributes {dimension_semantics = [#tpu.dimension_semantics<core_parallel>, #tpu.dimension_semantics<subcore_parallel>], iteration_bounds = array<i64: 2, 16>, scalar_prefetch = 0 : i64, scratch_operands = 7 : i64, tpu.core_type = #tpu.core_type<sc_vector_subcore>, window_params = [{transform_indices = #map}, {transform_indices = #map}, {transform_indices = #map}, {transform_indices = #map1}, {transform_indices = #map1}]} {
    %mul3A = arith.constant 2 : i32
    %mul3A_0 = arith.muli %arg1, %mul3A : i32
    %add3A = arith.addi %mul3A_0, %arg0 : i32
    "tpu.region"() ({
      %run_scoped3A = tpu.sem_alloc : memref<!tpu.dma_semaphore, #tpu.memory_space<semaphore_mem>>
      %dma_start3A_236 = arith.constant 0 : i32
      %dma_start3A_237 = tpu.memref_slice %arg7[%dma_start3A_236] : memref<528xi32, #tpu.memory_space<vmem>> -> memref<512xi32, #tpu.memory_space<vmem>>
      %dma_start3A_238 = arith.constant 0 : i32
      %dma_start3A_239 = tpu.memref_slice %arg2[%add3A, %dma_start3A_238] : memref<32x512xi32, #tpu.memory_space<hbm>> -> memref<1x512xi32, #tpu.memory_space<hbm>>
      %dma_start3A_240 = tpu.memref_squeeze %dma_start3A_239 : memref<1x512xi32, #tpu.memory_space<hbm>> -> memref<512xi32, #tpu.memory_space<hbm>>
      %dma_start3A_241 = arith.constant 0 : i32
      %dma_start3A_242 = tpu.memref_slice %arg7[%dma_start3A_241] : memref<528xi32, #tpu.memory_space<vmem>> -> memref<512xi32, #tpu.memory_space<vmem>>
      %dma_start3A_243 = arith.constant 0 : i32
      %dma_start3A_244 = tpu.memref_slice %arg2[%add3A, %dma_start3A_243] : memref<32x512xi32, #tpu.memory_space<hbm>> -> memref<1x512xi32, #tpu.memory_space<hbm>>
      %dma_start3A_245 = tpu.memref_squeeze %dma_start3A_244 : memref<1x512xi32, #tpu.memory_space<hbm>> -> memref<512xi32, #tpu.memory_space<hbm>>
      tpu.enqueue_dma source(%dma_start3A_245 : memref<512xi32, #tpu.memory_space<hbm>>) target(%dma_start3A_242 : memref<512xi32, #tpu.memory_space<vmem>>) target_semaphore(%run_scoped3A : memref<!tpu.dma_semaphore, #tpu.memory_space<semaphore_mem>>)
      %dma_wait3A_246 = arith.constant 0 : i32
      %dma_wait3A_247 = tpu.memref_slice %arg7[%dma_wait3A_246] : memref<528xi32, #tpu.memory_space<vmem>> -> memref<512xi32, #tpu.memory_space<vmem>>
      %dma_wait3A_248 = arith.constant 0 : i32
      %dma_wait3A_249 = tpu.memref_slice %arg2[%add3A, %dma_wait3A_248] : memref<32x512xi32, #tpu.memory_space<hbm>> -> memref<1x512xi32, #tpu.memory_space<hbm>>
      %dma_wait3A_250 = tpu.memref_squeeze %dma_wait3A_249 : memref<1x512xi32, #tpu.memory_space<hbm>> -> memref<512xi32, #tpu.memory_space<hbm>>
      %dma_wait3A_251 = arith.constant 0 : i32
      %dma_wait3A_252 = tpu.memref_slice %arg7[%dma_wait3A_251] : memref<528xi32, #tpu.memory_space<vmem>> -> memref<512xi32, #tpu.memory_space<vmem>>
      %dma_wait3A_253 = arith.constant 0 : i32
      %dma_wait3A_254 = tpu.memref_slice %arg2[%add3A, %dma_wait3A_253] : memref<32x512xi32, #tpu.memory_space<hbm>> -> memref<1x512xi32, #tpu.memory_space<hbm>>
      %dma_wait3A_255 = tpu.memref_squeeze %dma_wait3A_254 : memref<1x512xi32, #tpu.memory_space<hbm>> -> memref<512xi32, #tpu.memory_space<hbm>>
      tpu.wait_dma2 semaphore(%run_scoped3A : memref<!tpu.dma_semaphore, #tpu.memory_space<semaphore_mem>>) src(%dma_wait3A_255 : memref<512xi32, #tpu.memory_space<hbm>>) dst(%dma_wait3A_252 : memref<512xi32, #tpu.memory_space<vmem>>)
      tpu.yield
    }) : () -> ()
    "tpu.region"() ({
      %run_scoped3A = tpu.sem_alloc : memref<!tpu.dma_semaphore, #tpu.memory_space<semaphore_mem>>
      tpu.enqueue_dma source(%arg5 : memref<16xf32, #tpu.memory_space<hbm>>) target(%arg11 : memref<16xf32, #tpu.memory_space<vmem>>) target_semaphore(%run_scoped3A : memref<!tpu.dma_semaphore, #tpu.memory_space<semaphore_mem>>)
      tpu.wait_dma2 semaphore(%run_scoped3A : memref<!tpu.dma_semaphore, #tpu.memory_space<semaphore_mem>>) src(%arg5 : memref<16xf32, #tpu.memory_space<hbm>>) dst(%arg11 : memref<16xf32, #tpu.memory_space<vmem>>)
      tpu.yield
    }) : () -> ()
    %broadcast_in_dim3A = arith.constant 0 : i32
    %broadcast_in_dim3A_1 = vector.broadcast %broadcast_in_dim3A : i32 to vector<16xi32>
    %swap3A = arith.constant 512 : index
    %swap3A_2 = tpu.vector_load %arg7[%swap3A] {strides = array<i32>} : memref<528xi32, #tpu.memory_space<vmem>>, vector<16xi32>,
    tpu.vector_store %arg7[%swap3A], %broadcast_in_dim3A_1 {strides = array<i32>} : memref<528xi32, #tpu.memory_space<vmem>>, vector<16xi32>,
    %mul3A_3 = arith.constant 512 : i32
    %mul3A_4 = arith.muli %add3A, %mul3A_3 : i32
    %dma_start3A = arith.constant 0 : i32
    %dma_start3A_5 = tpu.memref_slice %arg4[%mul3A_4, %dma_start3A] : memref<16640x128xf32, #tpu.memory_space<hbm>> -> memref<512x128xf32, #tpu.memory_space<hbm>>
    %dma_start3A_6 = arith.constant 0 : i32
    %dma_start3A_7 = tpu.memref_slice %arg4[%mul3A_4, %dma_start3A_6] : memref<16640x128xf32, #tpu.memory_space<hbm>> -> memref<512x128xf32, #tpu.memory_space<hbm>>
    tpu.enqueue_dma source(%dma_start3A_7 : memref<512x128xf32, #tpu.memory_space<hbm>>) target(%arg8 : memref<512x128xf32, #tpu.memory_space<vmem>>) target_semaphore(%arg13 : memref<!tpu.dma_semaphore, #tpu.memory_space<semaphore_mem>>)
    %dma_wait3A = arith.constant 0 : i32
    %dma_wait3A_8 = tpu.memref_slice %arg4[%mul3A_4, %dma_wait3A] : memref<16640x128xf32, #tpu.memory_space<hbm>> -> memref<512x128xf32, #tpu.memory_space<hbm>>
    %dma_wait3A_9 = arith.constant 0 : i32
    %dma_wait3A_10 = tpu.memref_slice %arg4[%mul3A_4, %dma_wait3A_9] : memref<16640x128xf32, #tpu.memory_space<hbm>> -> memref<512x128xf32, #tpu.memory_space<hbm>>
    tpu.wait_dma2 semaphore(%arg13 : memref<!tpu.dma_semaphore, #tpu.memory_space<semaphore_mem>>) src(%dma_wait3A_10 : memref<512x128xf32, #tpu.memory_space<hbm>>) dst(%arg8 : memref<512x128xf32, #tpu.memory_space<vmem>>)
    %get3A = arith.constant 0 : index
    %get3A_11 = tpu.vector_load %arg11[%get3A] {strides = array<i32>} : memref<16xf32, #tpu.memory_space<vmem>>, vector<16xf32>,
    %iota3A = tpu.iota {dimensions = array<i32: 0>} : vector<16xi32>
    %get3A_12 = arith.constant 0 : index
    %get3A_13 = tpu.vector_load %arg7[%get3A_12] {strides = array<i32>} : memref<528xi32, #tpu.memory_space<vmem>>, vector<16xi32>,
    %slice3A = vector.extract_strided_slice %get3A_13 {offsets = [0], sizes = [1], strides = [1]} : vector<16xi32> to vector<1xi32>
    %squeeze3A = vector.extract %slice3A[0] : i32 from vector<1xi32>
    %shift_right_arithmetic3A = arith.constant 7 : i32
    %shift_right_arithmetic3A_14 = arith.shrsi %squeeze3A, %shift_right_arithmetic3A : i32
    %shift_left3A = arith.constant 7 : i32
    %shift_left3A_15 = arith.shli %shift_right_arithmetic3A_14, %shift_left3A : i32
    %multiple_of3A = tpu.assume_multiple %shift_left3A_15, 128 : i32
    %dma_start3A_16 = arith.constant 0 : i32
    %dma_start3A_17 = arith.constant 0 : i32
    %dma_start3A_18 = arith.constant 0 : i32
    %dma_start3A_19 = arith.constant 0 : i32
    %dma_start3A_20 = tpu.memref_slice %arg9[%dma_start3A_16, %dma_start3A_17, %dma_start3A_18, %dma_start3A_19] : memref<6x2x32x128xf32, #tpu.memory_space<vmem>> -> memref<1x1x32x128xf32, #tpu.memory_space<vmem>>
    %dma_start3A_21 = tpu.memref_squeeze %dma_start3A_20 : memref<1x1x32x128xf32, #tpu.memory_space<vmem>> -> memref<32x128xf32, #tpu.memory_space<vmem>>
    %dma_start3A_22 = arith.constant 0 : i32
    %dma_start3A_23 = tpu.memref_slice %arg3[%dma_start3A_22, %multiple_of3A] : memref<32x1000000xf32, #tpu.memory_space<hbm>> -> memref<32x128xf32, #tpu.memory_space<hbm>>
    %dma_start3A_24 = arith.constant 0 : i32
    %dma_start3A_25 = arith.constant 0 : i32
    %dma_start3A_26 = tpu.memref_slice %arg9[%dma_start3A_16, %dma_start3A_17, %dma_start3A_24, %dma_start3A_25] : memref<6x2x32x128xf32, #tpu.memory_space<vmem>> -> memref<1x1x32x128xf32, #tpu.memory_space<vmem>>
    %dma_start3A_27 = tpu.memref_squeeze %dma_start3A_26 : memref<1x1x32x128xf32, #tpu.memory_space<vmem>> -> memref<32x128xf32, #tpu.memory_space<vmem>>
    %dma_start3A_28 = arith.constant 0 : i32
    %dma_start3A_29 = tpu.memref_slice %arg3[%dma_start3A_28, %multiple_of3A] : memref<32x1000000xf32, #tpu.memory_space<hbm>> -> memref<32x128xf32, #tpu.memory_space<hbm>>
    tpu.enqueue_dma source(%dma_start3A_29 : memref<32x128xf32, #tpu.memory_space<hbm>>) target(%dma_start3A_27 : memref<32x128xf32, #tpu.memory_space<vmem>>) target_semaphore(%arg12 : memref<!tpu.dma_semaphore, #tpu.memory_space<semaphore_mem>>)
    %slice3A_30 = vector.extract_strided_slice %get3A_13 {offsets = [1], sizes = [1], strides = [1]} : vector<16xi32> to vector<1xi32>
    %squeeze3A_31 = vector.extract %slice3A_30[0] : i32 from vector<1xi32>
    %shift_right_arithmetic3A_32 = arith.constant 7 : i32
    %shift_right_arithmetic3A_33 = arith.shrsi %squeeze3A_31, %shift_right_arithmetic3A_32 : i32
    %shift_left3A_34 = arith.constant 7 : i32
    %shift_left3A_35 = arith.shli %shift_right_arithmetic3A_33, %shift_left3A_34 : i32
    %multiple_of3A_36 = tpu.assume_multiple %shift_left3A_35, 128 : i32
    %dma_start3A_37 = arith.constant 0 : i32
    %dma_start3A_38 = arith.constant 1 : i32
    %dma_start3A_39 = arith.constant 0 : i32
    %dma_start3A_40 = arith.constant 0 : i32
    %dma_start3A_41 = tpu.memref_slice %arg9[%dma_start3A_37, %dma_start3A_38, %dma_start3A_39, %dma_start3A_40] : memref<6x2x32x128xf32, #tpu.memory_space<vmem>> -> memref<1x1x32x128xf32, #tpu.memory_space<vmem>>
    %dma_start3A_42 = tpu.memref_squeeze %dma_start3A_41 : memref<1x1x32x128xf32, #tpu.memory_space<vmem>> -> memref<32x128xf32, #tpu.memory_space<vmem>>
    %dma_start3A_43 = arith.constant 0 : i32
    %dma_start3A_44 = tpu.memref_slice %arg3[%dma_start3A_43, %multiple_of3A_36] : memref<32x1000000xf32, #tpu.memory_space<hbm>> -> memref<32x128xf32, #tpu.memory_space<hbm>>
    %dma_start3A_45 = arith.constant 0 : i32
    %dma_start3A_46 = arith.constant 0 : i32
    %dma_start3A_47 = tpu.memref_slice %arg9[%dma_start3A_37, %dma_start3A_38, %dma_start3A_45, %dma_start3A_46] : memref<6x2x32x128xf32, #tpu.memory_space<vmem>> -> memref<1x1x32x128xf32, #tpu.memory_space<vmem>>
    %dma_start3A_48 = tpu.memref_squeeze %dma_start3A_47 : memref<1x1x32x128xf32, #tpu.memory_space<vmem>> -> memref<32x128xf32, #tpu.memory_space<vmem>>
    %dma_start3A_49 = arith.constant 0 : i32
    %dma_start3A_50 = tpu.memref_slice %arg3[%dma_start3A_49, %multiple_of3A_36] : memref<32x1000000xf32, #tpu.memory_space<hbm>> -> memref<32x128xf32, #tpu.memory_space<hbm>>
    tpu.enqueue_dma source(%dma_start3A_50 : memref<32x128xf32, #tpu.memory_space<hbm>>) target(%dma_start3A_48 : memref<32x128xf32, #tpu.memory_space<vmem>>) target_semaphore(%arg12 : memref<!tpu.dma_semaphore, #tpu.memory_space<semaphore_mem>>)
    %get3A_51 = arith.constant 2 : index
    %get3A_52 = tpu.vector_load %arg7[%get3A_51] {strides = array<i32>} : memref<528xi32, #tpu.memory_space<vmem>>, vector<16xi32>,
    %slice3A_53 = vector.extract_strided_slice %get3A_52 {offsets = [0], sizes = [1], strides = [1]} : vector<16xi32> to vector<1xi32>
    %squeeze3A_54 = vector.extract %slice3A_53[0] : i32 from vector<1xi32>
    %shift_right_arithmetic3A_55 = arith.constant 7 : i32
    %shift_right_arithmetic3A_56 = arith.shrsi %squeeze3A_54, %shift_right_arithmetic3A_55 : i32
    %shift_left3A_57 = arith.constant 7 : i32
    %shift_left3A_58 = arith.shli %shift_right_arithmetic3A_56, %shift_left3A_57 : i32
    %multiple_of3A_59 = tpu.assume_multiple %shift_left3A_58, 128 : i32
    %dma_start3A_60 = arith.constant 1 : i32
    %dma_start3A_61 = arith.constant 0 : i32
    %dma_start3A_62 = arith.constant 0 : i32
    %dma_start3A_63 = arith.constant 0 : i32
    %dma_start3A_64 = tpu.memref_slice %arg9[%dma_start3A_60, %dma_start3A_61, %dma_start3A_62, %dma_start3A_63] : memref<6x2x32x128xf32, #tpu.memory_space<vmem>> -> memref<1x1x32x128xf32, #tpu.memory_space<vmem>>
    %dma_start3A_65 = tpu.memref_squeeze %dma_start3A_64 : memref<1x1x32x128xf32, #tpu.memory_space<vmem>> -> memref<32x128xf32, #tpu.memory_space<vmem>>
    %dma_start3A_66 = arith.constant 0 : i32
    %dma_start3A_67 = tpu.memref_slice %arg3[%dma_start3A_66, %multiple_of3A_59] : memref<32x1000000xf32, #tpu.memory_space<hbm>> -> memref<32x128xf32, #tpu.memory_space<hbm>>
    %dma_start3A_68 = arith.constant 0 : i32
    %dma_start3A_69 = arith.constant 0 : i32
    %dma_start3A_70 = tpu.memref_slice %arg9[%dma_start3A_60, %dma_start3A_61, %dma_start3A_68, %dma_start3A_69] : memref<6x2x32x128xf32, #tpu.memory_space<vmem>> -> memref<1x1x32x128xf32, #tpu.memory_space<vmem>>
    %dma_start3A_71 = tpu.memref_squeeze %dma_start3A_70 : memref<1x1x32x128xf32, #tpu.memory_space<vmem>> -> memref<32x128xf32, #tpu.memory_space<vmem>>
    %dma_start3A_72 = arith.constant 0 : i32
    %dma_start3A_73 = tpu.memref_slice %arg3[%dma_start3A_72, %multiple_of3A_59] : memref<32x1000000xf32, #tpu.memory_space<hbm>> -> memref<32x128xf32, #tpu.memory_space<hbm>>
    tpu.enqueue_dma source(%dma_start3A_73 : memref<32x128xf32, #tpu.memory_space<hbm>>) target(%dma_start3A_71 : memref<32x128xf32, #tpu.memory_space<vmem>>) target_semaphore(%arg12 : memref<!tpu.dma_semaphore, #tpu.memory_space<semaphore_mem>>)
    %slice3A_74 = vector.extract_strided_slice %get3A_52 {offsets = [1], sizes = [1], strides = [1]} : vector<16xi32> to vector<1xi32>
    %squeeze3A_75 = vector.extract %slice3A_74[0] : i32 from vector<1xi32>
    %shift_right_arithmetic3A_76 = arith.constant 7 : i32
    %shift_right_arithmetic3A_77 = arith.shrsi %squeeze3A_75, %shift_right_arithmetic3A_76 : i32
    %shift_left3A_78 = arith.constant 7 : i32
    %shift_left3A_79 = arith.shli %shift_right_arithmetic3A_77, %shift_left3A_78 : i32
    %multiple_of3A_80 = tpu.assume_multiple %shift_left3A_79, 128 : i32
    %dma_start3A_81 = arith.constant 1 : i32
    %dma_start3A_82 = arith.constant 1 : i32
    %dma_start3A_83 = arith.constant 0 : i32
    %dma_start3A_84 = arith.constant 0 : i32
    %dma_start3A_85 = tpu.memref_slice %arg9[%dma_start3A_81, %dma_start3A_82, %dma_start3A_83, %dma_start3A_84] : memref<6x2x32x128xf32, #tpu.memory_space<vmem>> -> memref<1x1x32x128xf32, #tpu.memory_space<vmem>>
    %dma_start3A_86 = tpu.memref_squeeze %dma_start3A_85 : memref<1x1x32x128xf32, #tpu.memory_space<vmem>> -> memref<32x128xf32, #tpu.memory_space<vmem>>
    %dma_start3A_87 = arith.constant 0 : i32
    %dma_start3A_88 = tpu.memref_slice %arg3[%dma_start3A_87, %multiple_of3A_80] : memref<32x1000000xf32, #tpu.memory_space<hbm>> -> memref<32x128xf32, #tpu.memory_space<hbm>>
    %dma_start3A_89 = arith.constant 0 : i32
    %dma_start3A_90 = arith.constant 0 : i32
    %dma_start3A_91 = tpu.memref_slice %arg9[%dma_start3A_81, %dma_start3A_82, %dma_start3A_89, %dma_start3A_90] : memref<6x2x32x128xf32, #tpu.memory_space<vmem>> -> memref<1x1x32x128xf32, #tpu.memory_space<vmem>>
    %dma_start3A_92 = tpu.memref_squeeze %dma_start3A_91 : memref<1x1x32x128xf32, #tpu.memory_space<vmem>> -> memref<32x128xf32, #tpu.memory_space<vmem>>
    %dma_start3A_93 = arith.constant 0 : i32
    %dma_start3A_94 = tpu.memref_slice %arg3[%dma_start3A_93, %multiple_of3A_80] : memref<32x1000000xf32, #tpu.memory_space<hbm>> -> memref<32x128xf32, #tpu.memory_space<hbm>>
    tpu.enqueue_dma source(%dma_start3A_94 : memref<32x128xf32, #tpu.memory_space<hbm>>) target(%dma_start3A_92 : memref<32x128xf32, #tpu.memory_space<vmem>>) target_semaphore(%arg12 : memref<!tpu.dma_semaphore, #tpu.memory_space<semaphore_mem>>)
    %get3A_95 = arith.constant 4 : index
    %get3A_96 = tpu.vector_load %arg7[%get3A_95] {strides = array<i32>} : memref<528xi32, #tpu.memory_space<vmem>>, vector<16xi32>,
    %slice3A_97 = vector.extract_strided_slice %get3A_96 {offsets = [0], sizes = [1], strides = [1]} : vector<16xi32> to vector<1xi32>
    %squeeze3A_98 = vector.extract %slice3A_97[0] : i32 from vector<1xi32>
    %shift_right_arithmetic3A_99 = arith.constant 7 : i32
    %shift_right_arithmetic3A_100 = arith.shrsi %squeeze3A_98, %shift_right_arithmetic3A_99 : i32
    %shift_left3A_101 = arith.constant 7 : i32
    %shift_left3A_102 = arith.shli %shift_right_arithmetic3A_100, %shift_left3A_101 : i32
    %multiple_of3A_103 = tpu.assume_multiple %shift_left3A_102, 128 : i32
    %dma_start3A_104 = arith.constant 2 : i32
    %dma_start3A_105 = arith.constant 0 : i32
    %dma_start3A_106 = arith.constant 0 : i32
    %dma_start3A_107 = arith.constant 0 : i32
    %dma_start3A_108 = tpu.memref_slice %arg9[%dma_start3A_104, %dma_start3A_105, %dma_start3A_106, %dma_start3A_107] : memref<6x2x32x128xf32, #tpu.memory_space<vmem>> -> memref<1x1x32x128xf32, #tpu.memory_space<vmem>>
    %dma_start3A_109 = tpu.memref_squeeze %dma_start3A_108 : memref<1x1x32x128xf32, #tpu.memory_space<vmem>> -> memref<32x128xf32, #tpu.memory_space<vmem>>
    %dma_start3A_110 = arith.constant 0 : i32
    %dma_start3A_111 = tpu.memref_slice %arg3[%dma_start3A_110, %multiple_of3A_103] : memref<32x1000000xf32, #tpu.memory_space<hbm>> -> memref<32x128xf32, #tpu.memory_space<hbm>>
    %dma_start3A_112 = arith.constant 0 : i32
    %dma_start3A_113 = arith.constant 0 : i32
    %dma_start3A_114 = tpu.memref_slice %arg9[%dma_start3A_104, %dma_start3A_105, %dma_start3A_112, %dma_start3A_113] : memref<6x2x32x128xf32, #tpu.memory_space<vmem>> -> memref<1x1x32x128xf32, #tpu.memory_space<vmem>>
    %dma_start3A_115 = tpu.memref_squeeze %dma_start3A_114 : memref<1x1x32x128xf32, #tpu.memory_space<vmem>> -> memref<32x128xf32, #tpu.memory_space<vmem>>
    %dma_start3A_116 = arith.constant 0 : i32
    %dma_start3A_117 = tpu.memref_slice %arg3[%dma_start3A_116, %multiple_of3A_103] : memref<32x1000000xf32, #tpu.memory_space<hbm>> -> memref<32x128xf32, #tpu.memory_space<hbm>>
    tpu.enqueue_dma source(%dma_start3A_117 : memref<32x128xf32, #tpu.memory_space<hbm>>) target(%dma_start3A_115 : memref<32x128xf32, #tpu.memory_space<vmem>>) target_semaphore(%arg12 : memref<!tpu.dma_semaphore, #tpu.memory_space<semaphore_mem>>)
    %slice3A_118 = vector.extract_strided_slice %get3A_96 {offsets = [1], sizes = [1], strides = [1]} : vector<16xi32> to vector<1xi32>
    %squeeze3A_119 = vector.extract %slice3A_118[0] : i32 from vector<1xi32>
    %shift_right_arithmetic3A_120 = arith.constant 7 : i32
    %shift_right_arithmetic3A_121 = arith.shrsi %squeeze3A_119, %shift_right_arithmetic3A_120 : i32
    %shift_left3A_122 = arith.constant 7 : i32
    %shift_left3A_123 = arith.shli %shift_right_arithmetic3A_121, %shift_left3A_122 : i32
    %multiple_of3A_124 = tpu.assume_multiple %shift_left3A_123, 128 : i32
    %dma_start3A_125 = arith.constant 2 : i32
    %dma_start3A_126 = arith.constant 1 : i32
    %dma_start3A_127 = arith.constant 0 : i32
    %dma_start3A_128 = arith.constant 0 : i32
    %dma_start3A_129 = tpu.memref_slice %arg9[%dma_start3A_125, %dma_start3A_126, %dma_start3A_127, %dma_start3A_128] : memref<6x2x32x128xf32, #tpu.memory_space<vmem>> -> memref<1x1x32x128xf32, #tpu.memory_space<vmem>>
    %dma_start3A_130 = tpu.memref_squeeze %dma_start3A_129 : memref<1x1x32x128xf32, #tpu.memory_space<vmem>> -> memref<32x128xf32, #tpu.memory_space<vmem>>
    %dma_start3A_131 = arith.constant 0 : i32
    %dma_start3A_132 = tpu.memref_slice %arg3[%dma_start3A_131, %multiple_of3A_124] : memref<32x1000000xf32, #tpu.memory_space<hbm>> -> memref<32x128xf32, #tpu.memory_space<hbm>>
    %dma_start3A_133 = arith.constant 0 : i32
    %dma_start3A_134 = arith.constant 0 : i32
    %dma_start3A_135 = tpu.memref_slice %arg9[%dma_start3A_125, %dma_start3A_126, %dma_start3A_133, %dma_start3A_134] : memref<6x2x32x128xf32, #tpu.memory_space<vmem>> -> memref<1x1x32x128xf32, #tpu.memory_space<vmem>>
    %dma_start3A_136 = tpu.memref_squeeze %dma_start3A_135 : memref<1x1x32x128xf32, #tpu.memory_space<vmem>> -> memref<32x128xf32, #tpu.memory_space<vmem>>
    %dma_start3A_137 = arith.constant 0 : i32
    %dma_start3A_138 = tpu.memref_slice %arg3[%dma_start3A_137, %multiple_of3A_124] : memref<32x1000000xf32, #tpu.memory_space<hbm>> -> memref<32x128xf32, #tpu.memory_space<hbm>>
    tpu.enqueue_dma source(%dma_start3A_138 : memref<32x128xf32, #tpu.memory_space<hbm>>) target(%dma_start3A_136 : memref<32x128xf32, #tpu.memory_space<vmem>>) target_semaphore(%arg12 : memref<!tpu.dma_semaphore, #tpu.memory_space<semaphore_mem>>)
    %get3A_139 = arith.constant 6 : index
    %get3A_140 = tpu.vector_load %arg7[%get3A_139] {strides = array<i32>} : memref<528xi32, #tpu.memory_space<vmem>>, vector<16xi32>,
    %slice3A_141 = vector.extract_strided_slice %get3A_140 {offsets = [0], sizes = [1], strides = [1]} : vector<16xi32> to vector<1xi32>
    %squeeze3A_142 = vector.extract %slice3A_141[0] : i32 from vector<1xi32>
    %shift_right_arithmetic3A_143 = arith.constant 7 : i32
    %shift_right_arithmetic3A_144 = arith.shrsi %squeeze3A_142, %shift_right_arithmetic3A_143 : i32
    %shift_left3A_145 = arith.constant 7 : i32
    %shift_left3A_146 = arith.shli %shift_right_arithmetic3A_144, %shift_left3A_145 : i32
    %multiple_of3A_147 = tpu.assume_multiple %shift_left3A_146, 128 : i32
    %dma_start3A_148 = arith.constant 3 : i32
    %dma_start3A_149 = arith.constant 0 : i32
    %dma_start3A_150 = arith.constant 0 : i32
    %dma_start3A_151 = arith.constant 0 : i32
    %dma_start3A_152 = tpu.memref_slice %arg9[%dma_start3A_148, %dma_start3A_149, %dma_start3A_150, %dma_start3A_151] : memref<6x2x32x128xf32, #tpu.memory_space<vmem>> -> memref<1x1x32x128xf32, #tpu.memory_space<vmem>>
    %dma_start3A_153 = tpu.memref_squeeze %dma_start3A_152 : memref<1x1x32x128xf32, #tpu.memory_space<vmem>> -> memref<32x128xf32, #tpu.memory_space<vmem>>
    %dma_start3A_154 = arith.constant 0 : i32
    %dma_start3A_155 = tpu.memref_slice %arg3[%dma_start3A_154, %multiple_of3A_147] : memref<32x1000000xf32, #tpu.memory_space<hbm>> -> memref<32x128xf32, #tpu.memory_space<hbm>>
    %dma_start3A_156 = arith.constant 0 : i32
    %dma_start3A_157 = arith.constant 0 : i32
    %dma_start3A_158 = tpu.memref_slice %arg9[%dma_start3A_148, %dma_start3A_149, %dma_start3A_156, %dma_start3A_157] : memref<6x2x32x128xf32, #tpu.memory_space<vmem>> -> memref<1x1x32x128xf32, #tpu.memory_space<vmem>>
    %dma_start3A_159 = tpu.memref_squeeze %dma_start3A_158 : memref<1x1x32x128xf32, #tpu.memory_space<vmem>> -> memref<32x128xf32, #tpu.memory_space<vmem>>
    %dma_start3A_160 = arith.constant 0 : i32
    %dma_start3A_161 = tpu.memref_slice %arg3[%dma_start3A_160, %multiple_of3A_147] : memref<32x1000000xf32, #tpu.memory_space<hbm>> -> memref<32x128xf32, #tpu.memory_space<hbm>>
    tpu.enqueue_dma source(%dma_start3A_161 : memref<32x128xf32, #tpu.memory_space<hbm>>) target(%dma_start3A_159 : memref<32x128xf32, #tpu.memory_space<vmem>>) target_semaphore(%arg12 : memref<!tpu.dma_semaphore, #tpu.memory_space<semaphore_mem>>)
    %slice3A_162 = vector.extract_strided_slice %get3A_140 {offsets = [1], sizes = [1], strides = [1]} : vector<16xi32> to vector<1xi32>
    %squeeze3A_163 = vector.extract %slice3A_162[0] : i32 from vector<1xi32>
    %shift_right_arithmetic3A_164 = arith.constant 7 : i32
    %shift_right_arithmetic3A_165 = arith.shrsi %squeeze3A_163, %shift_right_arithmetic3A_164 : i32
    %shift_left3A_166 = arith.constant 7 : i32
    %shift_left3A_167 = arith.shli %shift_right_arithmetic3A_165, %shift_left3A_166 : i32
    %multiple_of3A_168 = tpu.assume_multiple %shift_left3A_167, 128 : i32
    %dma_start3A_169 = arith.constant 3 : i32
    %dma_start3A_170 = arith.constant 1 : i32
    %dma_start3A_171 = arith.constant 0 : i32
    %dma_start3A_172 = arith.constant 0 : i32
    %dma_start3A_173 = tpu.memref_slice %arg9[%dma_start3A_169, %dma_start3A_170, %dma_start3A_171, %dma_start3A_172] : memref<6x2x32x128xf32, #tpu.memory_space<vmem>> -> memref<1x1x32x128xf32, #tpu.memory_space<vmem>>
    %dma_start3A_174 = tpu.memref_squeeze %dma_start3A_173 : memref<1x1x32x128xf32, #tpu.memory_space<vmem>> -> memref<32x128xf32, #tpu.memory_space<vmem>>
    %dma_start3A_175 = arith.constant 0 : i32
    %dma_start3A_176 = tpu.memref_slice %arg3[%dma_start3A_175, %multiple_of3A_168] : memref<32x1000000xf32, #tpu.memory_space<hbm>> -> memref<32x128xf32, #tpu.memory_space<hbm>>
    %dma_start3A_177 = arith.constant 0 : i32
    %dma_start3A_178 = arith.constant 0 : i32
    %dma_start3A_179 = tpu.memref_slice %arg9[%dma_start3A_169, %dma_start3A_170, %dma_start3A_177, %dma_start3A_178] : memref<6x2x32x128xf32, #tpu.memory_space<vmem>> -> memref<1x1x32x128xf32, #tpu.memory_space<vmem>>
    %dma_start3A_180 = tpu.memref_squeeze %dma_start3A_179 : memref<1x1x32x128xf32, #tpu.memory_space<vmem>> -> memref<32x128xf32, #tpu.memory_space<vmem>>
    %dma_start3A_181 = arith.constant 0 : i32
    %dma_start3A_182 = tpu.memref_slice %arg3[%dma_start3A_181, %multiple_of3A_168] : memref<32x1000000xf32, #tpu.memory_space<hbm>> -> memref<32x128xf32, #tpu.memory_space<hbm>>
    tpu.enqueue_dma source(%dma_start3A_182 : memref<32x128xf32, #tpu.memory_space<hbm>>) target(%dma_start3A_180 : memref<32x128xf32, #tpu.memory_space<vmem>>) target_semaphore(%arg12 : memref<!tpu.dma_semaphore, #tpu.memory_space<semaphore_mem>>)
    %get3A_183 = arith.constant 8 : index
    %get3A_184 = tpu.vector_load %arg7[%get3A_183] {strides = array<i32>} : memref<528xi32, #tpu.memory_space<vmem>>, vector<16xi32>,
    %slice3A_185 = vector.extract_strided_slice %get3A_184 {offsets = [0], sizes = [1], strides = [1]} : vector<16xi32> to vector<1xi32>
    %squeeze3A_186 = vector.extract %slice3A_185[0] : i32 from vector<1xi32>
    %shift_right_arithmetic3A_187 = arith.constant 7 : i32
    %shift_right_arithmetic3A_188 = arith.shrsi %squeeze3A_186, %shift_right_arithmetic3A_187 : i32
    %shift_left3A_189 = arith.constant 7 : i32
    %shift_left3A_190 = arith.shli %shift_right_arithmetic3A_188, %shift_left3A_189 : i32
    %multiple_of3A_191 = tpu.assume_multiple %shift_left3A_190, 128 : i32
    %dma_start3A_192 = arith.constant 4 : i32
    %dma_start3A_193 = arith.constant 0 : i32
    %dma_start3A_194 = arith.constant 0 : i32
    %dma_start3A_195 = arith.constant 0 : i32
    %dma_start3A_196 = tpu.memref_slice %arg9[%dma_start3A_192, %dma_start3A_193, %dma_start3A_194, %dma_start3A_195] : memref<6x2x32x128xf32, #tpu.memory_space<vmem>> -> memref<1x1x32x128xf32, #tpu.memory_space<vmem>>
    %dma_start3A_197 = tpu.memref_squeeze %dma_start3A_196 : memref<1x1x32x128xf32, #tpu.memory_space<vmem>> -> memref<32x128xf32, #tpu.memory_space<vmem>>
    %dma_start3A_198 = arith.constant 0 : i32
    %dma_start3A_199 = tpu.memref_slice %arg3[%dma_start3A_198, %multiple_of3A_191] : memref<32x1000000xf32, #tpu.memory_space<hbm>> -> memref<32x128xf32, #tpu.memory_space<hbm>>
    %dma_start3A_200 = arith.constant 0 : i32
    %dma_start3A_201 = arith.constant 0 : i32
    %dma_start3A_202 = tpu.memref_slice %arg9[%dma_start3A_192, %dma_start3A_193, %dma_start3A_200, %dma_start3A_201] : memref<6x2x32x128xf32, #tpu.memory_space<vmem>> -> memref<1x1x32x128xf32, #tpu.memory_space<vmem>>
    %dma_start3A_203 = tpu.memref_squeeze %dma_start3A_202 : memref<1x1x32x128xf32, #tpu.memory_space<vmem>> -> memref<32x128xf32, #tpu.memory_space<vmem>>
    %dma_start3A_204 = arith.constant 0 : i32
    %dma_start3A_205 = tpu.memref_slice %arg3[%dma_start3A_204, %multiple_of3A_191] : memref<32x1000000xf32, #tpu.memory_space<hbm>> -> memref<32x128xf32, #tpu.memory_space<hbm>>
    tpu.enqueue_dma source(%dma_start3A_205 : memref<32x128xf32, #tpu.memory_space<hbm>>) target(%dma_start3A_203 : memref<32x128xf32, #tpu.memory_space<vmem>>) target_semaphore(%arg12 : memref<!tpu.dma_semaphore, #tpu.memory_space<semaphore_mem>>)
    %slice3A_206 = vector.extract_strided_slice %get3A_184 {offsets = [1], sizes = [1], strides = [1]} : vector<16xi32> to vector<1xi32>
    %squeeze3A_207 = vector.extract %slice3A_206[0] : i32 from vector<1xi32>
    %shift_right_arithmetic3A_208 = arith.constant 7 : i32
    %shift_right_arithmetic3A_209 = arith.shrsi %squeeze3A_207, %shift_right_arithmetic3A_208 : i32
    %shift_left3A_210 = arith.constant 7 : i32
    %shift_left3A_211 = arith.shli %shift_right_arithmetic3A_209, %shift_left3A_210 : i32
    %multiple_of3A_212 = tpu.assume_multiple %shift_left3A_211, 128 : i32
    %dma_start3A_213 = arith.constant 4 : i32
    %dma_start3A_214 = arith.constant 1 : i32
    %dma_start3A_215 = arith.constant 0 : i32
    %dma_start3A_216 = arith.constant 0 : i32
    %dma_start3A_217 = tpu.memref_slice %arg9[%dma_start3A_213, %dma_start3A_214, %dma_start3A_215, %dma_start3A_216] : memref<6x2x32x128xf32, #tpu.memory_space<vmem>> -> memref<1x1x32x128xf32, #tpu.memory_space<vmem>>
    %dma_start3A_218 = tpu.memref_squeeze %dma_start3A_217 : memref<1x1x32x128xf32, #tpu.memory_space<vmem>> -> memref<32x128xf32, #tpu.memory_space<vmem>>
    %dma_start3A_219 = arith.constant 0 : i32
    %dma_start3A_220 = tpu.memref_slice %arg3[%dma_start3A_219, %multiple_of3A_212] : memref<32x1000000xf32, #tpu.memory_space<hbm>> -> memref<32x128xf32, #tpu.memory_space<hbm>>
    %dma_start3A_221 = arith.constant 0 : i32
    %dma_start3A_222 = arith.constant 0 : i32
    %dma_start3A_223 = tpu.memref_slice %arg9[%dma_start3A_213, %dma_start3A_214, %dma_start3A_221, %dma_start3A_222] : memref<6x2x32x128xf32, #tpu.memory_space<vmem>> -> memref<1x1x32x128xf32, #tpu.memory_space<vmem>>
    %dma_start3A_224 = tpu.memref_squeeze %dma_start3A_223 : memref<1x1x32x128xf32, #tpu.memory_space<vmem>> -> memref<32x128xf32, #tpu.memory_space<vmem>>
    %dma_start3A_225 = arith.constant 0 : i32
    %dma_start3A_226 = tpu.memref_slice %arg3[%dma_start3A_225, %multiple_of3A_212] : memref<32x1000000xf32, #tpu.memory_space<hbm>> -> memref<32x128xf32, #tpu.memory_space<hbm>>
    tpu.enqueue_dma source(%dma_start3A_226 : memref<32x128xf32, #tpu.memory_space<hbm>>) target(%dma_start3A_224 : memref<32x128xf32, #tpu.memory_space<vmem>>) target_semaphore(%arg12 : memref<!tpu.dma_semaphore, #tpu.memory_space<semaphore_mem>>)
    %broadcast_in_dim3A_227 = arith.constant 0.000000e+00 : f32
    %broadcast_in_dim3A_228 = vector.broadcast %broadcast_in_dim3A_227 : f32 to vector<16xf32>
    %scan3A = arith.constant 0 : i32
    %scan3A_229 = arith.constant 256 : i32
    %scan3A_230 = arith.addi %scan3A, %scan3A_229 : i32
    %scan3A_231 = arith.constant 1 : i32
    %scan3A_232 = scf.for %scan3A_236 = %scan3A to %scan3A_230 step %scan3A_231 iter_args(%scan3A_237 = %broadcast_in_dim3A_228) -> (vector<16xf32>)  : i32 {
      %jit3A = arith.constant 6 : i32
      %eq3A = arith.constant 0 : i32
      %eq3A_238 = arith.cmpi eq, %jit3A, %eq3A : i32
      %jit3A_239 = arith.constant 1 : i32
      %select_n3A = arith.select %eq3A_238, %jit3A_239, %jit3A : i32
      %rem3A = arith.remsi %scan3A_236, %select_n3A : i32
      %ne3A = arith.constant 0 : i32
      %ne3A_240 = arith.cmpi ne, %rem3A, %ne3A : i32
      %lt3A = arith.constant 0 : i32
      %lt3A_241 = arith.cmpi slt, %rem3A, %lt3A : i32
      %lt3A_242 = arith.constant 0 : i32
      %lt3A_243 = arith.cmpi slt, %select_n3A, %lt3A_242 : i32
      %ne3A_244 = arith.xori %lt3A_241, %lt3A_243 : i1
      %and3A = arith.andi %ne3A_244, %ne3A_240 : i1
      %add3A_245 = arith.addi %rem3A, %select_n3A : i32
      %select_n3A_246 = arith.select %and3A, %add3A_245, %rem3A : i32
      %mul3A_247 = arith.constant 2 : i32
      %mul3A_248 = arith.muli %scan3A_236, %mul3A_247 : i32
      %add3A_249 = arith.constant 6 : i32
      %add3A_250 = arith.addi %scan3A_236, %add3A_249 : i32
      %sub3A = arith.constant 1 : i32
      %sub3A_251 = arith.subi %add3A_250, %sub3A : i32
      %lt3A_252 = arith.constant 256 : i32
      %lt3A_253 = arith.cmpi slt, %sub3A_251, %lt3A_252 : i32
      %convert_element_type3A = arith.extui %lt3A_253 : i1 to i32
      %cond3A = arith.constant 0 : i32
      %cond3A_254 = arith.cmpi ne, %convert_element_type3A, %cond3A : i32
      scf.if %cond3A_254 {
        %add3A_414 = arith.constant 6 : i32
        %add3A_415 = arith.addi %scan3A_236, %add3A_414 : i32
        %sub3A_416 = arith.constant 1 : i32
        %sub3A_417 = arith.subi %add3A_415, %sub3A_416 : i32
        %add3A_418 = arith.constant 6 : i32
        %add3A_419 = arith.addi %scan3A_236, %add3A_418 : i32
        %sub3A_420 = arith.constant 1 : i32
        %sub3A_421 = arith.subi %add3A_419, %sub3A_420 : i32
        %jit3A_422 = arith.constant 6 : i32
        %eq3A_423 = arith.constant 0 : i32
        %eq3A_424 = arith.cmpi eq, %jit3A_422, %eq3A_423 : i32
        %jit3A_425 = arith.constant 1 : i32
        %select_n3A_426 = arith.select %eq3A_424, %jit3A_425, %jit3A_422 : i32
        %rem3A_427 = arith.remsi %sub3A_421, %select_n3A_426 : i32
        %ne3A_428 = arith.constant 0 : i32
        %ne3A_429 = arith.cmpi ne, %rem3A_427, %ne3A_428 : i32
        %lt3A_430 = arith.constant 0 : i32
        %lt3A_431 = arith.cmpi slt, %rem3A_427, %lt3A_430 : i32
        %lt3A_432 = arith.constant 0 : i32
        %lt3A_433 = arith.cmpi slt, %select_n3A_426, %lt3A_432 : i32
        %ne3A_434 = arith.xori %lt3A_431, %lt3A_433 : i1
        %and3A_435 = arith.andi %ne3A_434, %ne3A_429 : i1
        %add3A_436 = arith.addi %rem3A_427, %select_n3A_426 : i32
        %select_n3A_437 = arith.select %and3A_435, %add3A_436, %rem3A_427 : i32
        %mul3A_438 = arith.constant 2 : i32
        %mul3A_439 = arith.muli %sub3A_417, %mul3A_438 : i32
        %get3A_440 = arith.index_cast %mul3A_439 : i32 to index
        %get3A_441 = tpu.vector_load %arg7[%get3A_440] {strides = array<i32>} : memref<528xi32, #tpu.memory_space<vmem>>, vector<16xi32>,
        %slice3A_442 = vector.extract_strided_slice %get3A_441 {offsets = [0], sizes = [1], strides = [1]} : vector<16xi32> to vector<1xi32>
        %squeeze3A_443 = vector.extract %slice3A_442[0] : i32 from vector<1xi32>
        %shift_right_arithmetic3A_444 = arith.constant 7 : i32
        %shift_right_arithmetic3A_445 = arith.shrsi %squeeze3A_443, %shift_right_arithmetic3A_444 : i32
        %shift_left3A_446 = arith.constant 7 : i32
        %shift_left3A_447 = arith.shli %shift_right_arithmetic3A_445, %shift_left3A_446 : i32
        %multiple_of3A_448 = tpu.assume_multiple %shift_left3A_447, 128 : i32
        %dma_start3A_449 = arith.constant 0 : i32
        %dma_start3A_450 = arith.constant 0 : i32
        %dma_start3A_451 = arith.constant 0 : i32
        %dma_start3A_452 = tpu.memref_slice %arg9[%select_n3A_437, %dma_start3A_449, %dma_start3A_450, %dma_start3A_451] : memref<6x2x32x128xf32, #tpu.memory_space<vmem>> -> memref<1x1x32x128xf32, #tpu.memory_space<vmem>>
        %dma_start3A_453 = tpu.memref_squeeze %dma_start3A_452 : memref<1x1x32x128xf32, #tpu.memory_space<vmem>> -> memref<32x128xf32, #tpu.memory_space<vmem>>
        %dma_start3A_454 = arith.constant 0 : i32
        %dma_start3A_455 = tpu.memref_slice %arg3[%dma_start3A_454, %multiple_of3A_448] : memref<32x1000000xf32, #tpu.memory_space<hbm>> -> memref<32x128xf32, #tpu.memory_space<hbm>>
        %dma_start3A_456 = arith.constant 0 : i32
        %dma_start3A_457 = arith.constant 0 : i32
        %dma_start3A_458 = tpu.memref_slice %arg9[%select_n3A_437, %dma_start3A_449, %dma_start3A_456, %dma_start3A_457] : memref<6x2x32x128xf32, #tpu.memory_space<vmem>> -> memref<1x1x32x128xf32, #tpu.memory_space<vmem>>
        %dma_start3A_459 = tpu.memref_squeeze %dma_start3A_458 : memref<1x1x32x128xf32, #tpu.memory_space<vmem>> -> memref<32x128xf32, #tpu.memory_space<vmem>>
        %dma_start3A_460 = arith.constant 0 : i32
        %dma_start3A_461 = tpu.memref_slice %arg3[%dma_start3A_460, %multiple_of3A_448] : memref<32x1000000xf32, #tpu.memory_space<hbm>> -> memref<32x128xf32, #tpu.memory_space<hbm>>
        tpu.enqueue_dma source(%dma_start3A_461 : memref<32x128xf32, #tpu.memory_space<hbm>>) target(%dma_start3A_459 : memref<32x128xf32, #tpu.memory_space<vmem>>) target_semaphore(%arg12 : memref<!tpu.dma_semaphore, #tpu.memory_space<semaphore_mem>>)
        %slice3A_462 = vector.extract_strided_slice %get3A_441 {offsets = [1], sizes = [1], strides = [1]} : vector<16xi32> to vector<1xi32>
        %squeeze3A_463 = vector.extract %slice3A_462[0] : i32 from vector<1xi32>
        %shift_right_arithmetic3A_464 = arith.constant 7 : i32
        %shift_right_arithmetic3A_465 = arith.shrsi %squeeze3A_463, %shift_right_arithmetic3A_464 : i32
        %shift_left3A_466 = arith.constant 7 : i32
        %shift_left3A_467 = arith.shli %shift_right_arithmetic3A_465, %shift_left3A_466 : i32
        %multiple_of3A_468 = tpu.assume_multiple %shift_left3A_467, 128 : i32
        %dma_start3A_469 = arith.constant 1 : i32
        %dma_start3A_470 = arith.constant 0 : i32
        %dma_start3A_471 = arith.constant 0 : i32
        %dma_start3A_472 = tpu.memref_slice %arg9[%select_n3A_437, %dma_start3A_469, %dma_start3A_470, %dma_start3A_471] : memref<6x2x32x128xf32, #tpu.memory_space<vmem>> -> memref<1x1x32x128xf32, #tpu.memory_space<vmem>>
        %dma_start3A_473 = tpu.memref_squeeze %dma_start3A_472 : memref<1x1x32x128xf32, #tpu.memory_space<vmem>> -> memref<32x128xf32, #tpu.memory_space<vmem>>
        %dma_start3A_474 = arith.constant 0 : i32
        %dma_start3A_475 = tpu.memref_slice %arg3[%dma_start3A_474, %multiple_of3A_468] : memref<32x1000000xf32, #tpu.memory_space<hbm>> -> memref<32x128xf32, #tpu.memory_space<hbm>>
        %dma_start3A_476 = arith.constant 0 : i32
        %dma_start3A_477 = arith.constant 0 : i32
        %dma_start3A_478 = tpu.memref_slice %arg9[%select_n3A_437, %dma_start3A_469, %dma_start3A_476, %dma_start3A_477] : memref<6x2x32x128xf32, #tpu.memory_space<vmem>> -> memref<1x1x32x128xf32, #tpu.memory_space<vmem>>
        %dma_start3A_479 = tpu.memref_squeeze %dma_start3A_478 : memref<1x1x32x128xf32, #tpu.memory_space<vmem>> -> memref<32x128xf32, #tpu.memory_space<vmem>>
        %dma_start3A_480 = arith.constant 0 : i32
        %dma_start3A_481 = tpu.memref_slice %arg3[%dma_start3A_480, %multiple_of3A_468] : memref<32x1000000xf32, #tpu.memory_space<hbm>> -> memref<32x128xf32, #tpu.memory_space<hbm>>
        tpu.enqueue_dma source(%dma_start3A_481 : memref<32x128xf32, #tpu.memory_space<hbm>>) target(%dma_start3A_479 : memref<32x128xf32, #tpu.memory_space<vmem>>) target_semaphore(%arg12 : memref<!tpu.dma_semaphore, #tpu.memory_space<semaphore_mem>>)
      } else {
      }
      %dma_wait3A_255 = arith.constant 0 : i32
      %dma_wait3A_256 = arith.constant 0 : i32
      %dma_wait3A_257 = arith.constant 0 : i32
      %dma_wait3A_258 = tpu.memref_slice %arg9[%select_n3A_246, %dma_wait3A_255, %dma_wait3A_256, %dma_wait3A_257] : memref<6x2x32x128xf32, #tpu.memory_space<vmem>> -> memref<1x1x32x128xf32, #tpu.memory_space<vmem>>
      %dma_wait3A_259 = tpu.memref_squeeze %dma_wait3A_258 : memref<1x1x32x128xf32, #tpu.memory_space<vmem>> -> memref<32x128xf32, #tpu.memory_space<vmem>>
      %dma_wait3A_260 = arith.constant 0 : i32
      %dma_wait3A_261 = arith.constant 0 : i32
      %dma_wait3A_262 = tpu.memref_slice %arg3[%dma_wait3A_260, %dma_wait3A_261] : memref<32x1000000xf32, #tpu.memory_space<hbm>> -> memref<32x128xf32, #tpu.memory_space<hbm>>
      %dma_wait3A_263 = arith.constant 0 : i32
      %dma_wait3A_264 = arith.constant 0 : i32
      %dma_wait3A_265 = tpu.memref_slice %arg9[%select_n3A_246, %dma_wait3A_255, %dma_wait3A_263, %dma_wait3A_264] : memref<6x2x32x128xf32, #tpu.memory_space<vmem>> -> memref<1x1x32x128xf32, #tpu.memory_space<vmem>>
      %dma_wait3A_266 = tpu.memref_squeeze %dma_wait3A_265 : memref<1x1x32x128xf32, #tpu.memory_space<vmem>> -> memref<32x128xf32, #tpu.memory_space<vmem>>
      %dma_wait3A_267 = arith.constant 0 : i32
      %dma_wait3A_268 = arith.constant 0 : i32
      %dma_wait3A_269 = tpu.memref_slice %arg3[%dma_wait3A_267, %dma_wait3A_268] : memref<32x1000000xf32, #tpu.memory_space<hbm>> -> memref<32x128xf32, #tpu.memory_space<hbm>>
      tpu.wait_dma2 semaphore(%arg12 : memref<!tpu.dma_semaphore, #tpu.memory_space<semaphore_mem>>) src(%dma_wait3A_269 : memref<32x128xf32, #tpu.memory_space<hbm>>) dst(%dma_wait3A_266 : memref<32x128xf32, #tpu.memory_space<vmem>>)
      %dma_wait3A_270 = arith.constant 1 : i32
      %dma_wait3A_271 = arith.constant 0 : i32
      %dma_wait3A_272 = arith.constant 0 : i32
      %dma_wait3A_273 = tpu.memref_slice %arg9[%select_n3A_246, %dma_wait3A_270, %dma_wait3A_271, %dma_wait3A_272] : memref<6x2x32x128xf32, #tpu.memory_space<vmem>> -> memref<1x1x32x128xf32, #tpu.memory_space<vmem>>
      %dma_wait3A_274 = tpu.memref_squeeze %dma_wait3A_273 : memref<1x1x32x128xf32, #tpu.memory_space<vmem>> -> memref<32x128xf32, #tpu.memory_space<vmem>>
      %dma_wait3A_275 = arith.constant 0 : i32
      %dma_wait3A_276 = arith.constant 0 : i32
      %dma_wait3A_277 = tpu.memref_slice %arg3[%dma_wait3A_275, %dma_wait3A_276] : memref<32x1000000xf32, #tpu.memory_space<hbm>> -> memref<32x128xf32, #tpu.memory_space<hbm>>
      %dma_wait3A_278 = arith.constant 0 : i32
      %dma_wait3A_279 = arith.constant 0 : i32
      %dma_wait3A_280 = tpu.memref_slice %arg9[%select_n3A_246, %dma_wait3A_270, %dma_wait3A_278, %dma_wait3A_279] : memref<6x2x32x128xf32, #tpu.memory_space<vmem>> -> memref<1x1x32x128xf32, #tpu.memory_space<vmem>>
      %dma_wait3A_281 = tpu.memref_squeeze %dma_wait3A_280 : memref<1x1x32x128xf32, #tpu.memory_space<vmem>> -> memref<32x128xf32, #tpu.memory_space<vmem>>
      %dma_wait3A_282 = arith.constant 0 : i32
      %dma_wait3A_283 = arith.constant 0 : i32
      %dma_wait3A_284 = tpu.memref_slice %arg3[%dma_wait3A_282, %dma_wait3A_283] : memref<32x1000000xf32, #tpu.memory_space<hbm>> -> memref<32x128xf32, #tpu.memory_space<hbm>>
      tpu.wait_dma2 semaphore(%arg12 : memref<!tpu.dma_semaphore, #tpu.memory_space<semaphore_mem>>) src(%dma_wait3A_284 : memref<32x128xf32, #tpu.memory_space<hbm>>) dst(%dma_wait3A_281 : memref<32x128xf32, #tpu.memory_space<vmem>>)
      %broadcast_in_dim3A_285 = vector.broadcast %select_n3A_246 : i32 to vector<16xi32>
      %get3A_286 = arith.index_cast %mul3A_248 : i32 to index
      %get3A_287 = tpu.vector_load %arg7[%get3A_286] {strides = array<i32>} : memref<528xi32, #tpu.memory_space<vmem>>, vector<16xi32>,
      %and3A_288 = arith.constant 127 : i32
      %and3A_289 = vector.broadcast %and3A_288 : i32 to vector<16xi32>
      %and3A_290 = arith.andi %get3A_287, %and3A_289 : vector<16xi32>
      %broadcast_in_dim3A_291 = arith.constant 0 : i32
      %broadcast_in_dim3A_292 = vector.broadcast %broadcast_in_dim3A_291 : i32 to vector<16xi32>
      %slice3A_293 = vector.extract_strided_slice %and3A_290 {offsets = [0], sizes = [1], strides = [1]} : vector<16xi32> to vector<1xi32>
      %squeeze3A_294 = vector.extract %slice3A_293[0] : i32 from vector<1xi32>
      %broadcast_in_dim3A_295 = vector.broadcast %squeeze3A_294 : i32 to vector<16xi32>
      %gather3A = tpu.vector_load_idx %arg9[%broadcast_in_dim3A_285, %broadcast_in_dim3A_292, %iota3A, %broadcast_in_dim3A_295] : memref<6x2x32x128xf32, #tpu.memory_space<vmem>>[vector<16xi32>, vector<16xi32>, vector<16xi32>, vector<16xi32>], vector<16xf32>,
      %add3A_296 = arith.constant 16 : i32
      %add3A_297 = vector.broadcast %add3A_296 : i32 to vector<16xi32>
      %add3A_298 = arith.addi %iota3A, %add3A_297 : vector<16xi32>
      %gather3A_299 = tpu.vector_load_idx %arg9[%broadcast_in_dim3A_285, %broadcast_in_dim3A_292, %add3A_298, %broadcast_in_dim3A_295] : memref<6x2x32x128xf32, #tpu.memory_space<vmem>>[vector<16xi32>, vector<16xi32>, vector<16xi32>, vector<16xi32>], vector<16xf32>,
      %add3A_300 = arith.constant 0 : i32
      %add3A_301 = arith.addi %mul3A_248, %add3A_300 : i32
      %get3A_302 = arith.index_cast %add3A_301 : i32 to index
      %get3A_303 = arith.constant 0 : index
      %get3A_304 = tpu.vector_load %arg8[%get3A_302, %get3A_303] {strides = array<i32>} : memref<512x128xf32, #tpu.memory_space<vmem>>, vector<16xf32>,
      %add3A_305 = arith.constant 0 : i32
      %add3A_306 = arith.addi %mul3A_248, %add3A_305 : i32
      %get3A_307 = arith.index_cast %add3A_306 : i32 to index
      %get3A_308 = arith.constant 16 : index
      %get3A_309 = tpu.vector_load %arg8[%get3A_307, %get3A_308] {strides = array<i32>} : memref<512x128xf32, #tpu.memory_space<vmem>>, vector<16xf32>,
      %mul3A_310 = arith.mulf %gather3A, %get3A_304 : vector<16xf32>
      %mul3A_311 = arith.mulf %gather3A_299, %get3A_309 : vector<16xf32>
      %add3A_312 = arith.addf %mul3A_310, %mul3A_311 : vector<16xf32>
      %reduce_sum3A = arith.constant true
      %reduce_sum3A_313 = vector.broadcast %reduce_sum3A : i1 to vector<16xi1>
      %reduce_sum3A_314 = tpu.scan <sum>, %add3A_312 masked %reduce_sum3A_313 : vector<16xf32>, vector<16xi1> -> vector<16xf32>
      %reduce_sum3A_315 = vector.extract %reduce_sum3A_314[15] : f32 from vector<16xf32>
      %mul3A_316 = arith.constant 2 : i32
      %mul3A_317 = arith.muli %scan3A_236, %mul3A_316 : i32
      %add3A_318 = arith.constant 0 : i32
      %add3A_319 = arith.addi %mul3A_317, %add3A_318 : i32
      %jit3A_320 = arith.constant 16 : i32
      %eq3A_321 = arith.constant 0 : i32
      %eq3A_322 = arith.cmpi eq, %jit3A_320, %eq3A_321 : i32
      %jit3A_323 = arith.constant 1 : i32
      %select_n3A_324 = arith.select %eq3A_322, %jit3A_323, %jit3A_320 : i32
      %rem3A_325 = arith.remsi %add3A_319, %select_n3A_324 : i32
      %ne3A_326 = arith.constant 0 : i32
      %ne3A_327 = arith.cmpi ne, %rem3A_325, %ne3A_326 : i32
      %lt3A_328 = arith.constant 0 : i32
      %lt3A_329 = arith.cmpi slt, %rem3A_325, %lt3A_328 : i32
      %lt3A_330 = arith.constant 0 : i32
      %lt3A_331 = arith.cmpi slt, %select_n3A_324, %lt3A_330 : i32
      %ne3A_332 = arith.xori %lt3A_329, %lt3A_331 : i1
      %and3A_333 = arith.andi %ne3A_332, %ne3A_327 : i1
      %add3A_334 = arith.addi %rem3A_325, %select_n3A_324 : i32
      %select_n3A_335 = arith.select %and3A_333, %add3A_334, %rem3A_325 : i32
      %eq3A_336 = vector.broadcast %select_n3A_335 : i32 to vector<16xi32>
      %eq3A_337 = arith.cmpi eq, %iota3A, %eq3A_336 : vector<16xi32>
      %broadcast_in_dim3A_338 = vector.broadcast %reduce_sum3A_315 : f32 to vector<16xf32>
      %select_n3A_339 = arith.select %eq3A_337, %broadcast_in_dim3A_338, %scan3A_237 : vector<16xi1>, vector<16xf32>
      %broadcast_in_dim3A_340 = arith.constant 1 : i32
      %broadcast_in_dim3A_341 = vector.broadcast %broadcast_in_dim3A_340 : i32 to vector<16xi32>
      %slice3A_342 = vector.extract_strided_slice %and3A_290 {offsets = [1], sizes = [1], strides = [1]} : vector<16xi32> to vector<1xi32>
      %squeeze3A_343 = vector.extract %slice3A_342[0] : i32 from vector<1xi32>
      %broadcast_in_dim3A_344 = vector.broadcast %squeeze3A_343 : i32 to vector<16xi32>
      %gather3A_345 = tpu.vector_load_idx %arg9[%broadcast_in_dim3A_285, %broadcast_in_dim3A_341, %iota3A, %broadcast_in_dim3A_344] : memref<6x2x32x128xf32, #tpu.memory_space<vmem>>[vector<16xi32>, vector<16xi32>, vector<16xi32>, vector<16xi32>], vector<16xf32>,
      %add3A_346 = arith.constant 16 : i32
      %add3A_347 = vector.broadcast %add3A_346 : i32 to vector<16xi32>
      %add3A_348 = arith.addi %iota3A, %add3A_347 : vector<16xi32>
      %gather3A_349 = tpu.vector_load_idx %arg9[%broadcast_in_dim3A_285, %broadcast_in_dim3A_341, %add3A_348, %broadcast_in_dim3A_344] : memref<6x2x32x128xf32, #tpu.memory_space<vmem>>[vector<16xi32>, vector<16xi32>, vector<16xi32>, vector<16xi32>], vector<16xf32>,
      %add3A_350 = arith.constant 1 : i32
      %add3A_351 = arith.addi %mul3A_248, %add3A_350 : i32
      %get3A_352 = arith.index_cast %add3A_351 : i32 to index
      %get3A_353 = arith.constant 0 : index
      %get3A_354 = tpu.vector_load %arg8[%get3A_352, %get3A_353] {strides = array<i32>} : memref<512x128xf32, #tpu.memory_space<vmem>>, vector<16xf32>,
      %add3A_355 = arith.constant 1 : i32
      %add3A_356 = arith.addi %mul3A_248, %add3A_355 : i32
      %get3A_357 = arith.index_cast %add3A_356 : i32 to index
      %get3A_358 = arith.constant 16 : index
      %get3A_359 = tpu.vector_load %arg8[%get3A_357, %get3A_358] {strides = array<i32>} : memref<512x128xf32, #tpu.memory_space<vmem>>, vector<16xf32>,
      %mul3A_360 = arith.mulf %gather3A_345, %get3A_354 : vector<16xf32>
      %mul3A_361 = arith.mulf %gather3A_349, %get3A_359 : vector<16xf32>
      %add3A_362 = arith.addf %mul3A_360, %mul3A_361 : vector<16xf32>
      %reduce_sum3A_363 = arith.constant true
      %reduce_sum3A_364 = vector.broadcast %reduce_sum3A_363 : i1 to vector<16xi1>
      %reduce_sum3A_365 = tpu.scan <sum>, %add3A_362 masked %reduce_sum3A_364 : vector<16xf32>, vector<16xi1> -> vector<16xf32>
      %reduce_sum3A_366 = vector.extract %reduce_sum3A_365[15] : f32 from vector<16xf32>
      %mul3A_367 = arith.constant 2 : i32
      %mul3A_368 = arith.muli %scan3A_236, %mul3A_367 : i32
      %add3A_369 = arith.constant 1 : i32
      %add3A_370 = arith.addi %mul3A_368, %add3A_369 : i32
      %jit3A_371 = arith.constant 16 : i32
      %eq3A_372 = arith.constant 0 : i32
      %eq3A_373 = arith.cmpi eq, %jit3A_371, %eq3A_372 : i32
      %jit3A_374 = arith.constant 1 : i32
      %select_n3A_375 = arith.select %eq3A_373, %jit3A_374, %jit3A_371 : i32
      %rem3A_376 = arith.remsi %add3A_370, %select_n3A_375 : i32
      %ne3A_377 = arith.constant 0 : i32
      %ne3A_378 = arith.cmpi ne, %rem3A_376, %ne3A_377 : i32
      %lt3A_379 = arith.constant 0 : i32
      %lt3A_380 = arith.cmpi slt, %rem3A_376, %lt3A_379 : i32
      %lt3A_381 = arith.constant 0 : i32
      %lt3A_382 = arith.cmpi slt, %select_n3A_375, %lt3A_381 : i32
      %ne3A_383 = arith.xori %lt3A_380, %lt3A_382 : i1
      %and3A_384 = arith.andi %ne3A_383, %ne3A_378 : i1
      %add3A_385 = arith.addi %rem3A_376, %select_n3A_375 : i32
      %select_n3A_386 = arith.select %and3A_384, %add3A_385, %rem3A_376 : i32
      %eq3A_387 = vector.broadcast %select_n3A_386 : i32 to vector<16xi32>
      %eq3A_388 = arith.cmpi eq, %iota3A, %eq3A_387 : vector<16xi32>
      %broadcast_in_dim3A_389 = vector.broadcast %reduce_sum3A_366 : f32 to vector<16xf32>
      %select_n3A_390 = arith.select %eq3A_388, %broadcast_in_dim3A_389, %select_n3A_339 : vector<16xi1>, vector<16xf32>
      %add3A_391 = arith.constant 1 : i32
      %add3A_392 = arith.addi %scan3A_236, %add3A_391 : i32
      %jit3A_393 = arith.constant 8 : i32
      %eq3A_394 = arith.constant 0 : i32
      %eq3A_395 = arith.cmpi eq, %jit3A_393, %eq3A_394 : i32
      %jit3A_396 = arith.constant 1 : i32
      %select_n3A_397 = arith.select %eq3A_395, %jit3A_396, %jit3A_393 : i32
      %rem3A_398 = arith.remsi %add3A_392, %select_n3A_397 : i32
      %ne3A_399 = arith.constant 0 : i32
      %ne3A_400 = arith.cmpi ne, %rem3A_398, %ne3A_399 : i32
      %lt3A_401 = arith.constant 0 : i32
      %lt3A_402 = arith.cmpi slt, %rem3A_398, %lt3A_401 : i32
      %lt3A_403 = arith.constant 0 : i32
      %lt3A_404 = arith.cmpi slt, %select_n3A_397, %lt3A_403 : i32
      %ne3A_405 = arith.xori %lt3A_402, %lt3A_404 : i1
      %and3A_406 = arith.andi %ne3A_405, %ne3A_400 : i1
      %add3A_407 = arith.addi %rem3A_398, %select_n3A_397 : i32
      %select_n3A_408 = arith.select %and3A_406, %add3A_407, %rem3A_398 : i32
      %eq3A_409 = arith.constant 0 : i32
      %eq3A_410 = arith.cmpi eq, %select_n3A_408, %eq3A_409 : i32
      %convert_element_type3A_411 = arith.extui %eq3A_410 : i1 to i32
      %cond3A_412 = arith.constant 0 : i32
      %cond3A_413 = arith.cmpi ne, %convert_element_type3A_411, %cond3A_412 : i32
      scf.if %cond3A_413 {
        %add3A_414 = arith.addf %select_n3A_390, %get3A_11 : vector<16xf32>
        %neg3A = arith.constant 0.000000e+00 : f32
        %neg3A_415 = vector.broadcast %neg3A : f32 to vector<16xf32>
        %neg3A_416 = arith.subf %neg3A_415, %add3A_414 : vector<16xf32>
        %exp3A = math.exp %neg3A_416 : vector<16xf32>
        %add3A_417 = arith.constant 1.000000e+00 : f32
        %add3A_418 = vector.broadcast %add3A_417 : f32 to vector<16xf32>
        %add3A_419 = arith.addf %add3A_418, %exp3A : vector<16xf32>
        %div3A = arith.constant 1.000000e+00 : f32
        %div3A_420 = vector.broadcast %div3A : f32 to vector<16xf32>
        %div3A_421 = arith.divf %div3A_420, %add3A_419 : vector<16xf32>
        %jit3A_422 = arith.constant 8 : i32
        %div3A_423 = arith.divsi %scan3A_236, %jit3A_422 : i32
        %sign3A = arith.constant 0 : i32
        %sign3A_424 = arith.cmpi sgt, %scan3A_236, %sign3A : i32
        %sign3A_425 = arith.extui %sign3A_424 : i1 to i32
        %sign3A_426 = arith.constant 0 : i32
        %sign3A_427 = arith.cmpi slt, %scan3A_236, %sign3A_426 : i32
        %sign3A_428 = arith.extui %sign3A_427 : i1 to i32
        %sign3A_429 = arith.subi %sign3A_425, %sign3A_428 : i32
        %sign3A_430 = arith.constant 0 : i32
        %sign3A_431 = arith.cmpi sgt, %jit3A_422, %sign3A_430 : i32
        %sign3A_432 = arith.extui %sign3A_431 : i1 to i32
        %sign3A_433 = arith.constant 0 : i32
        %sign3A_434 = arith.cmpi slt, %jit3A_422, %sign3A_433 : i32
        %sign3A_435 = arith.extui %sign3A_434 : i1 to i32
        %sign3A_436 = arith.subi %sign3A_432, %sign3A_435 : i32
        %ne3A_437 = arith.cmpi ne, %sign3A_429, %sign3A_436 : i32
        %rem3A_438 = arith.remsi %scan3A_236, %jit3A_422 : i32
        %ne3A_439 = arith.constant 0 : i32
        %ne3A_440 = arith.cmpi ne, %rem3A_438, %ne3A_439 : i32
        %and3A_441 = arith.andi %ne3A_437, %ne3A_440 : i1
        %sub3A_442 = arith.constant 1 : i32
        %sub3A_443 = arith.subi %div3A_423, %sub3A_442 : i32
        %select_n3A_444 = arith.select %and3A_441, %sub3A_443, %div3A_423 : i32
        %mul3A_445 = arith.constant 16 : i32
        %mul3A_446 = arith.muli %select_n3A_444, %mul3A_445 : i32
        %swap3A_447 = arith.index_cast %mul3A_446 : i32 to index
        %swap3A_448 = tpu.vector_load %arg10[%swap3A_447] {strides = array<i32>} : memref<512xf32, #tpu.memory_space<vmem>>, vector<16xf32>,
        tpu.vector_store %arg10[%swap3A_447], %div3A_421 {strides = array<i32>} : memref<512xf32, #tpu.memory_space<vmem>>, vector<16xf32>,
      } else {
      }
      scf.yield %select_n3A_390 : vector<16xf32>
    }
    %scan3A_233 = arith.constant 256 : i32
    %mul3A_234 = arith.constant 512 : i32
    %mul3A_235 = arith.muli %add3A, %mul3A_234 : i32
    "tpu.region"() ({
      %run_scoped3A = tpu.sem_alloc : memref<!tpu.dma_semaphore, #tpu.memory_space<semaphore_mem>>
      %dma_start3A_236 = tpu.memref_slice %arg6[%mul3A_235] : memref<16384xf32, #tpu.memory_space<hbm>> -> memref<512xf32, #tpu.memory_space<hbm>>
      %dma_start3A_237 = tpu.memref_slice %arg6[%mul3A_235] : memref<16384xf32, #tpu.memory_space<hbm>> -> memref<512xf32, #tpu.memory_space<hbm>>
      tpu.enqueue_dma source(%arg10 : memref<512xf32, #tpu.memory_space<vmem>>) target(%dma_start3A_237 : memref<512xf32, #tpu.memory_space<hbm>>) target_semaphore(%run_scoped3A : memref<!tpu.dma_semaphore, #tpu.memory_space<semaphore_mem>>)
      %dma_wait3A_238 = tpu.memref_slice %arg6[%mul3A_235] : memref<16384xf32, #tpu.memory_space<hbm>> -> memref<512xf32, #tpu.memory_space<hbm>>
      %dma_wait3A_239 = tpu.memref_slice %arg6[%mul3A_235] : memref<16384xf32, #tpu.memory_space<hbm>> -> memref<512xf32, #tpu.memory_space<hbm>>
      tpu.wait_dma2 semaphore(%run_scoped3A : memref<!tpu.dma_semaphore, #tpu.memory_space<semaphore_mem>>) src(%arg10 : memref<512xf32, #tpu.memory_space<vmem>>) dst(%dma_wait3A_239 : memref<512xf32, #tpu.memory_space<hbm>>)
      tpu.yield
    }) : () -> ()
    return
  }
}

#map = affine_map<(d0, d1) -> (0)>
#map1 = affine_map<(d0, d1) -> (0, 0)>
module attributes {stable_mosaic.version = 14 : i64} {
  func.func @_item_body(%arg0: i32, %arg1: i32, %arg2: memref<16384xi32, #tpu.memory_space<hbm>>, %arg3: memref<32x100000xf32, #tpu.memory_space<hbm>>, %arg4: memref<32xf32, #tpu.memory_space<hbm>>, %arg5: memref<16640x128xf32, #tpu.memory_space<hbm>>, %arg6: memref<1024xi32, #tpu.memory_space<vmem>>, %arg7: memref<32x3200xf32, #tpu.memory_space<vmem>>, %arg8: memref<784xi32, #tpu.memory_space<vmem>>, %arg9: memref<784xi32, #tpu.memory_space<vmem>>, %arg10: memref<6x128xi32, #tpu.memory_space<vmem>>, %arg11: memref<128x128xf32, #tpu.memory_space<vmem>>, %arg12: memref<32xf32, #tpu.memory_space<vmem>>, %arg13: memref<!tpu.dma_semaphore, #tpu.memory_space<semaphore_mem>>) attributes {dimension_semantics = [#tpu.dimension_semantics<core_parallel>, #tpu.dimension_semantics<subcore_parallel>], iteration_bounds = array<i64: 2, 16>, scalar_prefetch = 0 : i64, scratch_operands = 8 : i64, tpu.core_type = #tpu.core_type<sc_vector_subcore>, window_params = [{transform_indices = #map}, {transform_indices = #map1}, {transform_indices = #map}, {transform_indices = #map1}]} {
    %mul3A = arith.constant 2 : i32
    %mul3A_0 = arith.muli %arg1, %mul3A : i32
    %add3A = arith.addi %mul3A_0, %arg0 : i32
    %mul3A_1 = arith.constant 782 : i32
    %mul3A_2 = arith.muli %add3A, %mul3A_1 : i32
    %jit3A = arith.constant 32 : i32
    %div3A = arith.divsi %mul3A_2, %jit3A : i32
    %sign3A = arith.constant 0 : i32
    %sign3A_3 = arith.cmpi sgt, %mul3A_2, %sign3A : i32
    %sign3A_4 = arith.extui %sign3A_3 : i1 to i32
    %sign3A_5 = arith.constant 0 : i32
    %sign3A_6 = arith.cmpi slt, %mul3A_2, %sign3A_5 : i32
    %sign3A_7 = arith.extui %sign3A_6 : i1 to i32
    %sign3A_8 = arith.subi %sign3A_4, %sign3A_7 : i32
    %sign3A_9 = arith.constant 0 : i32
    %sign3A_10 = arith.cmpi sgt, %jit3A, %sign3A_9 : i32
    %sign3A_11 = arith.extui %sign3A_10 : i1 to i32
    %sign3A_12 = arith.constant 0 : i32
    %sign3A_13 = arith.cmpi slt, %jit3A, %sign3A_12 : i32
    %sign3A_14 = arith.extui %sign3A_13 : i1 to i32
    %sign3A_15 = arith.subi %sign3A_11, %sign3A_14 : i32
    %ne3A = arith.cmpi ne, %sign3A_8, %sign3A_15 : i32
    %rem3A = arith.remsi %mul3A_2, %jit3A : i32
    %ne3A_16 = arith.constant 0 : i32
    %ne3A_17 = arith.cmpi ne, %rem3A, %ne3A_16 : i32
    %and3A = arith.andi %ne3A, %ne3A_17 : i1
    %sub3A = arith.constant 1 : i32
    %sub3A_18 = arith.subi %div3A, %sub3A : i32
    %select_n3A = arith.select %and3A, %sub3A_18, %div3A : i32
    %add3A_19 = arith.constant 1 : i32
    %add3A_20 = arith.addi %add3A, %add3A_19 : i32
    %mul3A_21 = arith.constant 782 : i32
    %mul3A_22 = arith.muli %add3A_20, %mul3A_21 : i32
    %jit3A_23 = arith.constant 32 : i32
    %div3A_24 = arith.divsi %mul3A_22, %jit3A_23 : i32
    %sign3A_25 = arith.constant 0 : i32
    %sign3A_26 = arith.cmpi sgt, %mul3A_22, %sign3A_25 : i32
    %sign3A_27 = arith.extui %sign3A_26 : i1 to i32
    %sign3A_28 = arith.constant 0 : i32
    %sign3A_29 = arith.cmpi slt, %mul3A_22, %sign3A_28 : i32
    %sign3A_30 = arith.extui %sign3A_29 : i1 to i32
    %sign3A_31 = arith.subi %sign3A_27, %sign3A_30 : i32
    %sign3A_32 = arith.constant 0 : i32
    %sign3A_33 = arith.cmpi sgt, %jit3A_23, %sign3A_32 : i32
    %sign3A_34 = arith.extui %sign3A_33 : i1 to i32
    %sign3A_35 = arith.constant 0 : i32
    %sign3A_36 = arith.cmpi slt, %jit3A_23, %sign3A_35 : i32
    %sign3A_37 = arith.extui %sign3A_36 : i1 to i32
    %sign3A_38 = arith.subi %sign3A_34, %sign3A_37 : i32
    %ne3A_39 = arith.cmpi ne, %sign3A_31, %sign3A_38 : i32
    %rem3A_40 = arith.remsi %mul3A_22, %jit3A_23 : i32
    %ne3A_41 = arith.constant 0 : i32
    %ne3A_42 = arith.cmpi ne, %rem3A_40, %ne3A_41 : i32
    %and3A_43 = arith.andi %ne3A_39, %ne3A_42 : i1
    %sub3A_44 = arith.constant 1 : i32
    %sub3A_45 = arith.subi %div3A_24, %sub3A_44 : i32
    %select_n3A_46 = arith.select %and3A_43, %sub3A_45, %div3A_24 : i32
    %mul3A_47 = arith.constant 128 : i32
    %mul3A_48 = arith.muli %select_n3A, %mul3A_47 : i32
    %mul3A_49 = arith.constant 128 : i32
    %mul3A_50 = arith.muli %select_n3A_46, %mul3A_49 : i32
    %min3A = arith.constant 100000 : i32
    %min3A_51 = arith.minsi %mul3A_50, %min3A : i32
    %min3A_52 = arith.constant 757 : i32
    %min3A_53 = arith.minsi %select_n3A, %min3A_52 : i32
    "tpu.region"() ({
      %run_scoped3A = tpu.sem_alloc : memref<!tpu.dma_semaphore, #tpu.memory_space<semaphore_mem>>
      tpu.enqueue_dma source(%arg4 : memref<32xf32, #tpu.memory_space<hbm>>) target(%arg12 : memref<32xf32, #tpu.memory_space<vmem>>) target_semaphore(%run_scoped3A : memref<!tpu.dma_semaphore, #tpu.memory_space<semaphore_mem>>)
      tpu.wait_dma2 semaphore(%run_scoped3A : memref<!tpu.dma_semaphore, #tpu.memory_space<semaphore_mem>>) src(%arg4 : memref<32xf32, #tpu.memory_space<hbm>>) dst(%arg12 : memref<32xf32, #tpu.memory_space<vmem>>)
      tpu.yield
    }) : () -> ()
    %mul3A_54 = arith.constant 128 : i32
    %mul3A_55 = arith.muli %min3A_53, %mul3A_54 : i32
    %multiple_of3A = tpu.assume_multiple %mul3A_55, 128 : i32
    %dma_start3A = arith.constant 0 : i32
    %dma_start3A_56 = tpu.memref_slice %arg3[%dma_start3A, %multiple_of3A] : memref<32x100000xf32, #tpu.memory_space<hbm>> -> memref<32x3200xf32, #tpu.memory_space<hbm>>
    %dma_start3A_57 = arith.constant 0 : i32
    %dma_start3A_58 = tpu.memref_slice %arg3[%dma_start3A_57, %multiple_of3A] : memref<32x100000xf32, #tpu.memory_space<hbm>> -> memref<32x3200xf32, #tpu.memory_space<hbm>>
    tpu.enqueue_dma source(%dma_start3A_58 : memref<32x3200xf32, #tpu.memory_space<hbm>>) target(%arg7 : memref<32x3200xf32, #tpu.memory_space<vmem>>) target_semaphore(%arg13 : memref<!tpu.dma_semaphore, #tpu.memory_space<semaphore_mem>>)
    %get3A = arith.constant 0 : index
    %get3A_59 = tpu.vector_load %arg12[%get3A] {strides = array<i32>} : memref<32xf32, #tpu.memory_space<vmem>>, vector<16xf32>,
    %get3A_60 = arith.constant 16 : index
    %get3A_61 = tpu.vector_load %arg12[%get3A_60] {strides = array<i32>} : memref<32xf32, #tpu.memory_space<vmem>>, vector<16xf32>,
    %iota3A = tpu.iota {dimensions = array<i32: 0>} : vector<16xi32>
    %scan3A = arith.constant 0 : i32
    %scan3A_62 = arith.constant 0 : i32
    %scan3A_63 = arith.constant 48 : i32
    %scan3A_64 = arith.addi %scan3A_62, %scan3A_63 : i32
    %scan3A_65 = arith.constant 1 : i32
    scf.for %scan3A_391 = %scan3A_62 to %scan3A_64 step %scan3A_65  : i32 {
      %broadcast_in_dim3A = vector.broadcast %mul3A_48 : i32 to vector<16xi32>
      %mul3A_392 = arith.constant 16 : i32
      %mul3A_393 = arith.muli %scan3A_391, %mul3A_392 : i32
      %swap3A_394 = arith.index_cast %mul3A_393 : i32 to index
      %swap3A_395 = tpu.vector_load %arg8[%swap3A_394] {strides = array<i32>} : memref<784xi32, #tpu.memory_space<vmem>>, vector<16xi32>,
      tpu.vector_store %arg8[%swap3A_394], %broadcast_in_dim3A {strides = array<i32>} : memref<784xi32, #tpu.memory_space<vmem>>, vector<16xi32>,
      %add3A_396 = arith.constant 16384 : i32
      %add3A_397 = vector.broadcast %add3A_396 : i32 to vector<16xi32>
      %add3A_398 = arith.addi %add3A_397, %iota3A : vector<16xi32>
      %jit3A_399 = arith.constant 8 : i32
      %eq3A = arith.constant 0 : i32
      %eq3A_400 = arith.cmpi eq, %jit3A_399, %eq3A : i32
      %jit3A_401 = arith.constant 1 : i32
      %select_n3A_402 = arith.select %eq3A_400, %jit3A_401, %jit3A_399 : i32
      %rem3A_403 = arith.remsi %scan3A_391, %select_n3A_402 : i32
      %ne3A_404 = arith.constant 0 : i32
      %ne3A_405 = arith.cmpi ne, %rem3A_403, %ne3A_404 : i32
      %lt3A = arith.constant 0 : i32
      %lt3A_406 = arith.cmpi slt, %rem3A_403, %lt3A : i32
      %lt3A_407 = arith.constant 0 : i32
      %lt3A_408 = arith.cmpi slt, %select_n3A_402, %lt3A_407 : i32
      %ne3A_409 = arith.xori %lt3A_406, %lt3A_408 : i1
      %and3A_410 = arith.andi %ne3A_409, %ne3A_405 : i1
      %add3A_411 = arith.addi %rem3A_403, %select_n3A_402 : i32
      %select_n3A_412 = arith.select %and3A_410, %add3A_411, %rem3A_403 : i32
      %mul3A_413 = arith.constant 16 : i32
      %mul3A_414 = arith.muli %select_n3A_412, %mul3A_413 : i32
      %add3A_415 = vector.broadcast %mul3A_414 : i32 to vector<16xi32>
      %add3A_416 = arith.addi %add3A_398, %add3A_415 : vector<16xi32>
      %mul3A_417 = arith.constant 16 : i32
      %mul3A_418 = arith.muli %scan3A_391, %mul3A_417 : i32
      %swap3A_419 = arith.index_cast %mul3A_418 : i32 to index
      %swap3A_420 = tpu.vector_load %arg9[%swap3A_419] {strides = array<i32>} : memref<784xi32, #tpu.memory_space<vmem>>, vector<16xi32>,
      tpu.vector_store %arg9[%swap3A_419], %add3A_416 {strides = array<i32>} : memref<784xi32, #tpu.memory_space<vmem>>, vector<16xi32>,
    }
    %scan3A_66 = arith.constant 48 : i32
    %scan3A_67 = arith.constant 0 : i32
    %scan3A_68 = arith.constant 0 : i32
    %scan3A_69 = arith.constant 16 : i32
    %scan3A_70 = arith.addi %scan3A_68, %scan3A_69 : i32
    %scan3A_71 = arith.constant 1 : i32
    %scan3A_72 = scf.for %scan3A_391 = %scan3A_68 to %scan3A_70 step %scan3A_71 iter_args(%scan3A_392 = %scan3A_67) -> (i32)  : i32 {
      %mul3A_393 = arith.constant 1024 : i32
      %mul3A_394 = arith.muli %scan3A_391, %mul3A_393 : i32
      "tpu.region"() ({
        %run_scoped3A = tpu.sem_alloc : memref<!tpu.dma_semaphore, #tpu.memory_space<semaphore_mem>>
        %dma_start3A_401 = tpu.memref_slice %arg2[%mul3A_394] : memref<16384xi32, #tpu.memory_space<hbm>> -> memref<1024xi32, #tpu.memory_space<hbm>>
        %dma_start3A_402 = tpu.memref_slice %arg2[%mul3A_394] : memref<16384xi32, #tpu.memory_space<hbm>> -> memref<1024xi32, #tpu.memory_space<hbm>>
        tpu.enqueue_dma source(%dma_start3A_402 : memref<1024xi32, #tpu.memory_space<hbm>>) target(%arg6 : memref<1024xi32, #tpu.memory_space<vmem>>) target_semaphore(%run_scoped3A : memref<!tpu.dma_semaphore, #tpu.memory_space<semaphore_mem>>)
        %dma_wait3A_403 = tpu.memref_slice %arg2[%mul3A_394] : memref<16384xi32, #tpu.memory_space<hbm>> -> memref<1024xi32, #tpu.memory_space<hbm>>
        %dma_wait3A_404 = tpu.memref_slice %arg2[%mul3A_394] : memref<16384xi32, #tpu.memory_space<hbm>> -> memref<1024xi32, #tpu.memory_space<hbm>>
        tpu.wait_dma2 semaphore(%run_scoped3A : memref<!tpu.dma_semaphore, #tpu.memory_space<semaphore_mem>>) src(%dma_wait3A_404 : memref<1024xi32, #tpu.memory_space<hbm>>) dst(%arg6 : memref<1024xi32, #tpu.memory_space<vmem>>)
        tpu.yield
      }) : () -> ()
      %scan3A_395 = arith.constant 0 : i32
      %scan3A_396 = arith.constant 64 : i32
      %scan3A_397 = arith.addi %scan3A_395, %scan3A_396 : i32
      %scan3A_398 = arith.constant 1 : i32
      %scan3A_399 = scf.for %scan3A_401 = %scan3A_395 to %scan3A_397 step %scan3A_398 iter_args(%scan3A_402 = %scan3A_392) -> (i32)  : i32 {
        %mul3A_403 = arith.constant 16 : i32
        %mul3A_404 = arith.muli %scan3A_401, %mul3A_403 : i32
        %get3A_405 = arith.index_cast %mul3A_404 : i32 to index
        %get3A_406 = tpu.vector_load %arg6[%get3A_405] {strides = array<i32>} : memref<1024xi32, #tpu.memory_space<vmem>>, vector<16xi32>,
        %ge3A = vector.broadcast %mul3A_48 : i32 to vector<16xi32>
        %ge3A_407 = arith.cmpi sge, %get3A_406, %ge3A : vector<16xi32>
        %lt3A = vector.broadcast %min3A_51 : i32 to vector<16xi32>
        %lt3A_408 = arith.cmpi slt, %get3A_406, %lt3A : vector<16xi32>
        %and3A_409 = arith.andi %ge3A_407, %lt3A_408 : vector<16xi1>
        %mul3A_410 = arith.constant 1024 : i32
        %mul3A_411 = arith.muli %scan3A_391, %mul3A_410 : i32
        %mul3A_412 = arith.constant 16 : i32
        %mul3A_413 = arith.muli %scan3A_401, %mul3A_412 : i32
        %add3A_414 = arith.addi %mul3A_411, %mul3A_413 : i32
        %add3A_415 = vector.broadcast %add3A_414 : i32 to vector<16xi32>
        %add3A_416 = arith.addi %iota3A, %add3A_415 : vector<16xi32>
        %swap3A_417 = arith.index_cast %scan3A_402 : i32 to index
        %swap3A_418 = tpu.vector_load %arg8[%swap3A_417] masked %and3A_409 {strides = array<i32>} : memref<784xi32, #tpu.memory_space<vmem>>, vector<16xi32>, vector<16xi1>
        tpu.vector_store %arg8[%swap3A_417], %get3A_406 masked %and3A_409 {strides = array<i32>} : memref<784xi32, #tpu.memory_space<vmem>>, vector<16xi32>, vector<16xi1>
        %swap3A_419 = arith.index_cast %scan3A_402 : i32 to index
        %swap3A_420 = tpu.vector_load %arg9[%swap3A_419] masked %and3A_409 {strides = array<i32>} : memref<784xi32, #tpu.memory_space<vmem>>, vector<16xi32>, vector<16xi1>
        tpu.vector_store %arg9[%swap3A_419], %add3A_416 masked %and3A_409 {strides = array<i32>} : memref<784xi32, #tpu.memory_space<vmem>>, vector<16xi32>, vector<16xi1>
        %all_reduce_population_count3A = tpu.all_reduce %and3A_409 {dim = 0 : i64, kind = #tpu.reduction_kind<sum>} : vector<16xi1> -> vector<16xi32>
        %slice3A = vector.extract_strided_slice %all_reduce_population_count3A {offsets = [0], sizes = [1], strides = [1]} : vector<16xi32> to vector<1xi32>
        %squeeze3A = vector.extract %slice3A[0] : i32 from vector<1xi32>
        %add3A_421 = arith.addi %scan3A_402, %squeeze3A : i32
        scf.yield %add3A_421 : i32
      }
      %scan3A_400 = arith.constant 64 : i32
      scf.yield %scan3A_399 : i32
    }
    %scan3A_73 = arith.constant 16 : i32
    %dma_wait3A = arith.constant 0 : i32
    %dma_wait3A_74 = tpu.memref_slice %arg3[%dma_wait3A, %multiple_of3A] : memref<32x100000xf32, #tpu.memory_space<hbm>> -> memref<32x3200xf32, #tpu.memory_space<hbm>>
    %dma_wait3A_75 = arith.constant 0 : i32
    %dma_wait3A_76 = tpu.memref_slice %arg3[%dma_wait3A_75, %multiple_of3A] : memref<32x100000xf32, #tpu.memory_space<hbm>> -> memref<32x3200xf32, #tpu.memory_space<hbm>>
    tpu.wait_dma2 semaphore(%arg13 : memref<!tpu.dma_semaphore, #tpu.memory_space<semaphore_mem>>) src(%dma_wait3A_76 : memref<32x3200xf32, #tpu.memory_space<hbm>>) dst(%arg7 : memref<32x3200xf32, #tpu.memory_space<vmem>>)
    %get3A_77 = arith.constant 0 : index
    %get3A_78 = tpu.vector_load %arg9[%get3A_77] {strides = array<i32>} : memref<784xi32, #tpu.memory_space<vmem>>, vector<16xi32>,
    %swap3A = arith.constant 0 : i32
    %swap3A_79 = arith.index_cast %swap3A : i32 to index
    %swap3A_80 = arith.constant 0 : index
    %swap3A_81 = tpu.vector_load %arg10[%swap3A_79, %swap3A_80] {strides = array<i32>} : memref<6x128xi32, #tpu.memory_space<vmem>>, vector<16xi32>,
    tpu.vector_store %arg10[%swap3A_79, %swap3A_80], %get3A_78 {strides = array<i32>} : memref<6x128xi32, #tpu.memory_space<vmem>>, vector<16xi32>,
    %get3A_82 = arith.constant 16 : index
    %get3A_83 = tpu.vector_load %arg9[%get3A_82] {strides = array<i32>} : memref<784xi32, #tpu.memory_space<vmem>>, vector<16xi32>,
    %swap3A_84 = arith.constant 0 : i32
    %swap3A_85 = arith.index_cast %swap3A_84 : i32 to index
    %swap3A_86 = arith.constant 16 : index
    %swap3A_87 = tpu.vector_load %arg10[%swap3A_85, %swap3A_86] {strides = array<i32>} : memref<6x128xi32, #tpu.memory_space<vmem>>, vector<16xi32>,
    tpu.vector_store %arg10[%swap3A_85, %swap3A_86], %get3A_83 {strides = array<i32>} : memref<6x128xi32, #tpu.memory_space<vmem>>, vector<16xi32>,
    %get3A_88 = arith.constant 32 : index
    %get3A_89 = tpu.vector_load %arg9[%get3A_88] {strides = array<i32>} : memref<784xi32, #tpu.memory_space<vmem>>, vector<16xi32>,
    %swap3A_90 = arith.constant 0 : i32
    %swap3A_91 = arith.index_cast %swap3A_90 : i32 to index
    %swap3A_92 = arith.constant 32 : index
    %swap3A_93 = tpu.vector_load %arg10[%swap3A_91, %swap3A_92] {strides = array<i32>} : memref<6x128xi32, #tpu.memory_space<vmem>>, vector<16xi32>,
    tpu.vector_store %arg10[%swap3A_91, %swap3A_92], %get3A_89 {strides = array<i32>} : memref<6x128xi32, #tpu.memory_space<vmem>>, vector<16xi32>,
    %get3A_94 = arith.constant 48 : index
    %get3A_95 = tpu.vector_load %arg9[%get3A_94] {strides = array<i32>} : memref<784xi32, #tpu.memory_space<vmem>>, vector<16xi32>,
    %swap3A_96 = arith.constant 0 : i32
    %swap3A_97 = arith.index_cast %swap3A_96 : i32 to index
    %swap3A_98 = arith.constant 48 : index
    %swap3A_99 = tpu.vector_load %arg10[%swap3A_97, %swap3A_98] {strides = array<i32>} : memref<6x128xi32, #tpu.memory_space<vmem>>, vector<16xi32>,
    tpu.vector_store %arg10[%swap3A_97, %swap3A_98], %get3A_95 {strides = array<i32>} : memref<6x128xi32, #tpu.memory_space<vmem>>, vector<16xi32>,
    %get3A_100 = arith.constant 64 : index
    %get3A_101 = tpu.vector_load %arg9[%get3A_100] {strides = array<i32>} : memref<784xi32, #tpu.memory_space<vmem>>, vector<16xi32>,
    %swap3A_102 = arith.constant 0 : i32
    %swap3A_103 = arith.index_cast %swap3A_102 : i32 to index
    %swap3A_104 = arith.constant 64 : index
    %swap3A_105 = tpu.vector_load %arg10[%swap3A_103, %swap3A_104] {strides = array<i32>} : memref<6x128xi32, #tpu.memory_space<vmem>>, vector<16xi32>,
    tpu.vector_store %arg10[%swap3A_103, %swap3A_104], %get3A_101 {strides = array<i32>} : memref<6x128xi32, #tpu.memory_space<vmem>>, vector<16xi32>,
    %get3A_106 = arith.constant 80 : index
    %get3A_107 = tpu.vector_load %arg9[%get3A_106] {strides = array<i32>} : memref<784xi32, #tpu.memory_space<vmem>>, vector<16xi32>,
    %swap3A_108 = arith.constant 0 : i32
    %swap3A_109 = arith.index_cast %swap3A_108 : i32 to index
    %swap3A_110 = arith.constant 80 : index
    %swap3A_111 = tpu.vector_load %arg10[%swap3A_109, %swap3A_110] {strides = array<i32>} : memref<6x128xi32, #tpu.memory_space<vmem>>, vector<16xi32>,
    tpu.vector_store %arg10[%swap3A_109, %swap3A_110], %get3A_107 {strides = array<i32>} : memref<6x128xi32, #tpu.memory_space<vmem>>, vector<16xi32>,
    %get3A_112 = arith.constant 96 : index
    %get3A_113 = tpu.vector_load %arg9[%get3A_112] {strides = array<i32>} : memref<784xi32, #tpu.memory_space<vmem>>, vector<16xi32>,
    %swap3A_114 = arith.constant 0 : i32
    %swap3A_115 = arith.index_cast %swap3A_114 : i32 to index
    %swap3A_116 = arith.constant 96 : index
    %swap3A_117 = tpu.vector_load %arg10[%swap3A_115, %swap3A_116] {strides = array<i32>} : memref<6x128xi32, #tpu.memory_space<vmem>>, vector<16xi32>,
    tpu.vector_store %arg10[%swap3A_115, %swap3A_116], %get3A_113 {strides = array<i32>} : memref<6x128xi32, #tpu.memory_space<vmem>>, vector<16xi32>,
    %get3A_118 = arith.constant 112 : index
    %get3A_119 = tpu.vector_load %arg9[%get3A_118] {strides = array<i32>} : memref<784xi32, #tpu.memory_space<vmem>>, vector<16xi32>,
    %swap3A_120 = arith.constant 0 : i32
    %swap3A_121 = arith.index_cast %swap3A_120 : i32 to index
    %swap3A_122 = arith.constant 112 : index
    %swap3A_123 = tpu.vector_load %arg10[%swap3A_121, %swap3A_122] {strides = array<i32>} : memref<6x128xi32, #tpu.memory_space<vmem>>, vector<16xi32>,
    tpu.vector_store %arg10[%swap3A_121, %swap3A_122], %get3A_119 {strides = array<i32>} : memref<6x128xi32, #tpu.memory_space<vmem>>, vector<16xi32>,
    %get3A_124 = arith.constant 128 : index
    %get3A_125 = tpu.vector_load %arg9[%get3A_124] {strides = array<i32>} : memref<784xi32, #tpu.memory_space<vmem>>, vector<16xi32>,
    %swap3A_126 = arith.constant 1 : i32
    %swap3A_127 = arith.index_cast %swap3A_126 : i32 to index
    %swap3A_128 = arith.constant 0 : index
    %swap3A_129 = tpu.vector_load %arg10[%swap3A_127, %swap3A_128] {strides = array<i32>} : memref<6x128xi32, #tpu.memory_space<vmem>>, vector<16xi32>,
    tpu.vector_store %arg10[%swap3A_127, %swap3A_128], %get3A_125 {strides = array<i32>} : memref<6x128xi32, #tpu.memory_space<vmem>>, vector<16xi32>,
    %get3A_130 = arith.constant 144 : index
    %get3A_131 = tpu.vector_load %arg9[%get3A_130] {strides = array<i32>} : memref<784xi32, #tpu.memory_space<vmem>>, vector<16xi32>,
    %swap3A_132 = arith.constant 1 : i32
    %swap3A_133 = arith.index_cast %swap3A_132 : i32 to index
    %swap3A_134 = arith.constant 16 : index
    %swap3A_135 = tpu.vector_load %arg10[%swap3A_133, %swap3A_134] {strides = array<i32>} : memref<6x128xi32, #tpu.memory_space<vmem>>, vector<16xi32>,
    tpu.vector_store %arg10[%swap3A_133, %swap3A_134], %get3A_131 {strides = array<i32>} : memref<6x128xi32, #tpu.memory_space<vmem>>, vector<16xi32>,
    %get3A_136 = arith.constant 160 : index
    %get3A_137 = tpu.vector_load %arg9[%get3A_136] {strides = array<i32>} : memref<784xi32, #tpu.memory_space<vmem>>, vector<16xi32>,
    %swap3A_138 = arith.constant 1 : i32
    %swap3A_139 = arith.index_cast %swap3A_138 : i32 to index
    %swap3A_140 = arith.constant 32 : index
    %swap3A_141 = tpu.vector_load %arg10[%swap3A_139, %swap3A_140] {strides = array<i32>} : memref<6x128xi32, #tpu.memory_space<vmem>>, vector<16xi32>,
    tpu.vector_store %arg10[%swap3A_139, %swap3A_140], %get3A_137 {strides = array<i32>} : memref<6x128xi32, #tpu.memory_space<vmem>>, vector<16xi32>,
    %get3A_142 = arith.constant 176 : index
    %get3A_143 = tpu.vector_load %arg9[%get3A_142] {strides = array<i32>} : memref<784xi32, #tpu.memory_space<vmem>>, vector<16xi32>,
    %swap3A_144 = arith.constant 1 : i32
    %swap3A_145 = arith.index_cast %swap3A_144 : i32 to index
    %swap3A_146 = arith.constant 48 : index
    %swap3A_147 = tpu.vector_load %arg10[%swap3A_145, %swap3A_146] {strides = array<i32>} : memref<6x128xi32, #tpu.memory_space<vmem>>, vector<16xi32>,
    tpu.vector_store %arg10[%swap3A_145, %swap3A_146], %get3A_143 {strides = array<i32>} : memref<6x128xi32, #tpu.memory_space<vmem>>, vector<16xi32>,
    %get3A_148 = arith.constant 192 : index
    %get3A_149 = tpu.vector_load %arg9[%get3A_148] {strides = array<i32>} : memref<784xi32, #tpu.memory_space<vmem>>, vector<16xi32>,
    %swap3A_150 = arith.constant 1 : i32
    %swap3A_151 = arith.index_cast %swap3A_150 : i32 to index
    %swap3A_152 = arith.constant 64 : index
    %swap3A_153 = tpu.vector_load %arg10[%swap3A_151, %swap3A_152] {strides = array<i32>} : memref<6x128xi32, #tpu.memory_space<vmem>>, vector<16xi32>,
    tpu.vector_store %arg10[%swap3A_151, %swap3A_152], %get3A_149 {strides = array<i32>} : memref<6x128xi32, #tpu.memory_space<vmem>>, vector<16xi32>,
    %get3A_154 = arith.constant 208 : index
    %get3A_155 = tpu.vector_load %arg9[%get3A_154] {strides = array<i32>} : memref<784xi32, #tpu.memory_space<vmem>>, vector<16xi32>,
    %swap3A_156 = arith.constant 1 : i32
    %swap3A_157 = arith.index_cast %swap3A_156 : i32 to index
    %swap3A_158 = arith.constant 80 : index
    %swap3A_159 = tpu.vector_load %arg10[%swap3A_157, %swap3A_158] {strides = array<i32>} : memref<6x128xi32, #tpu.memory_space<vmem>>, vector<16xi32>,
    tpu.vector_store %arg10[%swap3A_157, %swap3A_158], %get3A_155 {strides = array<i32>} : memref<6x128xi32, #tpu.memory_space<vmem>>, vector<16xi32>,
    %get3A_160 = arith.constant 224 : index
    %get3A_161 = tpu.vector_load %arg9[%get3A_160] {strides = array<i32>} : memref<784xi32, #tpu.memory_space<vmem>>, vector<16xi32>,
    %swap3A_162 = arith.constant 1 : i32
    %swap3A_163 = arith.index_cast %swap3A_162 : i32 to index
    %swap3A_164 = arith.constant 96 : index
    %swap3A_165 = tpu.vector_load %arg10[%swap3A_163, %swap3A_164] {strides = array<i32>} : memref<6x128xi32, #tpu.memory_space<vmem>>, vector<16xi32>,
    tpu.vector_store %arg10[%swap3A_163, %swap3A_164], %get3A_161 {strides = array<i32>} : memref<6x128xi32, #tpu.memory_space<vmem>>, vector<16xi32>,
    %get3A_166 = arith.constant 240 : index
    %get3A_167 = tpu.vector_load %arg9[%get3A_166] {strides = array<i32>} : memref<784xi32, #tpu.memory_space<vmem>>, vector<16xi32>,
    %swap3A_168 = arith.constant 1 : i32
    %swap3A_169 = arith.index_cast %swap3A_168 : i32 to index
    %swap3A_170 = arith.constant 112 : index
    %swap3A_171 = tpu.vector_load %arg10[%swap3A_169, %swap3A_170] {strides = array<i32>} : memref<6x128xi32, #tpu.memory_space<vmem>>, vector<16xi32>,
    tpu.vector_store %arg10[%swap3A_169, %swap3A_170], %get3A_167 {strides = array<i32>} : memref<6x128xi32, #tpu.memory_space<vmem>>, vector<16xi32>,
    %get3A_172 = arith.constant 256 : index
    %get3A_173 = tpu.vector_load %arg9[%get3A_172] {strides = array<i32>} : memref<784xi32, #tpu.memory_space<vmem>>, vector<16xi32>,
    %swap3A_174 = arith.constant 2 : i32
    %swap3A_175 = arith.index_cast %swap3A_174 : i32 to index
    %swap3A_176 = arith.constant 0 : index
    %swap3A_177 = tpu.vector_load %arg10[%swap3A_175, %swap3A_176] {strides = array<i32>} : memref<6x128xi32, #tpu.memory_space<vmem>>, vector<16xi32>,
    tpu.vector_store %arg10[%swap3A_175, %swap3A_176], %get3A_173 {strides = array<i32>} : memref<6x128xi32, #tpu.memory_space<vmem>>, vector<16xi32>,
    %get3A_178 = arith.constant 272 : index
    %get3A_179 = tpu.vector_load %arg9[%get3A_178] {strides = array<i32>} : memref<784xi32, #tpu.memory_space<vmem>>, vector<16xi32>,
    %swap3A_180 = arith.constant 2 : i32
    %swap3A_181 = arith.index_cast %swap3A_180 : i32 to index
    %swap3A_182 = arith.constant 16 : index
    %swap3A_183 = tpu.vector_load %arg10[%swap3A_181, %swap3A_182] {strides = array<i32>} : memref<6x128xi32, #tpu.memory_space<vmem>>, vector<16xi32>,
    tpu.vector_store %arg10[%swap3A_181, %swap3A_182], %get3A_179 {strides = array<i32>} : memref<6x128xi32, #tpu.memory_space<vmem>>, vector<16xi32>,
    %get3A_184 = arith.constant 288 : index
    %get3A_185 = tpu.vector_load %arg9[%get3A_184] {strides = array<i32>} : memref<784xi32, #tpu.memory_space<vmem>>, vector<16xi32>,
    %swap3A_186 = arith.constant 2 : i32
    %swap3A_187 = arith.index_cast %swap3A_186 : i32 to index
    %swap3A_188 = arith.constant 32 : index
    %swap3A_189 = tpu.vector_load %arg10[%swap3A_187, %swap3A_188] {strides = array<i32>} : memref<6x128xi32, #tpu.memory_space<vmem>>, vector<16xi32>,
    tpu.vector_store %arg10[%swap3A_187, %swap3A_188], %get3A_185 {strides = array<i32>} : memref<6x128xi32, #tpu.memory_space<vmem>>, vector<16xi32>,
    %get3A_190 = arith.constant 304 : index
    %get3A_191 = tpu.vector_load %arg9[%get3A_190] {strides = array<i32>} : memref<784xi32, #tpu.memory_space<vmem>>, vector<16xi32>,
    %swap3A_192 = arith.constant 2 : i32
    %swap3A_193 = arith.index_cast %swap3A_192 : i32 to index
    %swap3A_194 = arith.constant 48 : index
    %swap3A_195 = tpu.vector_load %arg10[%swap3A_193, %swap3A_194] {strides = array<i32>} : memref<6x128xi32, #tpu.memory_space<vmem>>, vector<16xi32>,
    tpu.vector_store %arg10[%swap3A_193, %swap3A_194], %get3A_191 {strides = array<i32>} : memref<6x128xi32, #tpu.memory_space<vmem>>, vector<16xi32>,
    %get3A_196 = arith.constant 320 : index
    %get3A_197 = tpu.vector_load %arg9[%get3A_196] {strides = array<i32>} : memref<784xi32, #tpu.memory_space<vmem>>, vector<16xi32>,
    %swap3A_198 = arith.constant 2 : i32
    %swap3A_199 = arith.index_cast %swap3A_198 : i32 to index
    %swap3A_200 = arith.constant 64 : index
    %swap3A_201 = tpu.vector_load %arg10[%swap3A_199, %swap3A_200] {strides = array<i32>} : memref<6x128xi32, #tpu.memory_space<vmem>>, vector<16xi32>,
    tpu.vector_store %arg10[%swap3A_199, %swap3A_200], %get3A_197 {strides = array<i32>} : memref<6x128xi32, #tpu.memory_space<vmem>>, vector<16xi32>,
    %get3A_202 = arith.constant 336 : index
    %get3A_203 = tpu.vector_load %arg9[%get3A_202] {strides = array<i32>} : memref<784xi32, #tpu.memory_space<vmem>>, vector<16xi32>,
    %swap3A_204 = arith.constant 2 : i32
    %swap3A_205 = arith.index_cast %swap3A_204 : i32 to index
    %swap3A_206 = arith.constant 80 : index
    %swap3A_207 = tpu.vector_load %arg10[%swap3A_205, %swap3A_206] {strides = array<i32>} : memref<6x128xi32, #tpu.memory_space<vmem>>, vector<16xi32>,
    tpu.vector_store %arg10[%swap3A_205, %swap3A_206], %get3A_203 {strides = array<i32>} : memref<6x128xi32, #tpu.memory_space<vmem>>, vector<16xi32>,
    %get3A_208 = arith.constant 352 : index
    %get3A_209 = tpu.vector_load %arg9[%get3A_208] {strides = array<i32>} : memref<784xi32, #tpu.memory_space<vmem>>, vector<16xi32>,
    %swap3A_210 = arith.constant 2 : i32
    %swap3A_211 = arith.index_cast %swap3A_210 : i32 to index
    %swap3A_212 = arith.constant 96 : index
    %swap3A_213 = tpu.vector_load %arg10[%swap3A_211, %swap3A_212] {strides = array<i32>} : memref<6x128xi32, #tpu.memory_space<vmem>>, vector<16xi32>,
    tpu.vector_store %arg10[%swap3A_211, %swap3A_212], %get3A_209 {strides = array<i32>} : memref<6x128xi32, #tpu.memory_space<vmem>>, vector<16xi32>,
    %get3A_214 = arith.constant 368 : index
    %get3A_215 = tpu.vector_load %arg9[%get3A_214] {strides = array<i32>} : memref<784xi32, #tpu.memory_space<vmem>>, vector<16xi32>,
    %swap3A_216 = arith.constant 2 : i32
    %swap3A_217 = arith.index_cast %swap3A_216 : i32 to index
    %swap3A_218 = arith.constant 112 : index
    %swap3A_219 = tpu.vector_load %arg10[%swap3A_217, %swap3A_218] {strides = array<i32>} : memref<6x128xi32, #tpu.memory_space<vmem>>, vector<16xi32>,
    tpu.vector_store %arg10[%swap3A_217, %swap3A_218], %get3A_215 {strides = array<i32>} : memref<6x128xi32, #tpu.memory_space<vmem>>, vector<16xi32>,
    %get3A_220 = arith.constant 384 : index
    %get3A_221 = tpu.vector_load %arg9[%get3A_220] {strides = array<i32>} : memref<784xi32, #tpu.memory_space<vmem>>, vector<16xi32>,
    %swap3A_222 = arith.constant 3 : i32
    %swap3A_223 = arith.index_cast %swap3A_222 : i32 to index
    %swap3A_224 = arith.constant 0 : index
    %swap3A_225 = tpu.vector_load %arg10[%swap3A_223, %swap3A_224] {strides = array<i32>} : memref<6x128xi32, #tpu.memory_space<vmem>>, vector<16xi32>,
    tpu.vector_store %arg10[%swap3A_223, %swap3A_224], %get3A_221 {strides = array<i32>} : memref<6x128xi32, #tpu.memory_space<vmem>>, vector<16xi32>,
    %get3A_226 = arith.constant 400 : index
    %get3A_227 = tpu.vector_load %arg9[%get3A_226] {strides = array<i32>} : memref<784xi32, #tpu.memory_space<vmem>>, vector<16xi32>,
    %swap3A_228 = arith.constant 3 : i32
    %swap3A_229 = arith.index_cast %swap3A_228 : i32 to index
    %swap3A_230 = arith.constant 16 : index
    %swap3A_231 = tpu.vector_load %arg10[%swap3A_229, %swap3A_230] {strides = array<i32>} : memref<6x128xi32, #tpu.memory_space<vmem>>, vector<16xi32>,
    tpu.vector_store %arg10[%swap3A_229, %swap3A_230], %get3A_227 {strides = array<i32>} : memref<6x128xi32, #tpu.memory_space<vmem>>, vector<16xi32>,
    %get3A_232 = arith.constant 416 : index
    %get3A_233 = tpu.vector_load %arg9[%get3A_232] {strides = array<i32>} : memref<784xi32, #tpu.memory_space<vmem>>, vector<16xi32>,
    %swap3A_234 = arith.constant 3 : i32
    %swap3A_235 = arith.index_cast %swap3A_234 : i32 to index
    %swap3A_236 = arith.constant 32 : index
    %swap3A_237 = tpu.vector_load %arg10[%swap3A_235, %swap3A_236] {strides = array<i32>} : memref<6x128xi32, #tpu.memory_space<vmem>>, vector<16xi32>,
    tpu.vector_store %arg10[%swap3A_235, %swap3A_236], %get3A_233 {strides = array<i32>} : memref<6x128xi32, #tpu.memory_space<vmem>>, vector<16xi32>,
    %get3A_238 = arith.constant 432 : index
    %get3A_239 = tpu.vector_load %arg9[%get3A_238] {strides = array<i32>} : memref<784xi32, #tpu.memory_space<vmem>>, vector<16xi32>,
    %swap3A_240 = arith.constant 3 : i32
    %swap3A_241 = arith.index_cast %swap3A_240 : i32 to index
    %swap3A_242 = arith.constant 48 : index
    %swap3A_243 = tpu.vector_load %arg10[%swap3A_241, %swap3A_242] {strides = array<i32>} : memref<6x128xi32, #tpu.memory_space<vmem>>, vector<16xi32>,
    tpu.vector_store %arg10[%swap3A_241, %swap3A_242], %get3A_239 {strides = array<i32>} : memref<6x128xi32, #tpu.memory_space<vmem>>, vector<16xi32>,
    %get3A_244 = arith.constant 448 : index
    %get3A_245 = tpu.vector_load %arg9[%get3A_244] {strides = array<i32>} : memref<784xi32, #tpu.memory_space<vmem>>, vector<16xi32>,
    %swap3A_246 = arith.constant 3 : i32
    %swap3A_247 = arith.index_cast %swap3A_246 : i32 to index
    %swap3A_248 = arith.constant 64 : index
    %swap3A_249 = tpu.vector_load %arg10[%swap3A_247, %swap3A_248] {strides = array<i32>} : memref<6x128xi32, #tpu.memory_space<vmem>>, vector<16xi32>,
    tpu.vector_store %arg10[%swap3A_247, %swap3A_248], %get3A_245 {strides = array<i32>} : memref<6x128xi32, #tpu.memory_space<vmem>>, vector<16xi32>,
    %get3A_250 = arith.constant 464 : index
    %get3A_251 = tpu.vector_load %arg9[%get3A_250] {strides = array<i32>} : memref<784xi32, #tpu.memory_space<vmem>>, vector<16xi32>,
    %swap3A_252 = arith.constant 3 : i32
    %swap3A_253 = arith.index_cast %swap3A_252 : i32 to index
    %swap3A_254 = arith.constant 80 : index
    %swap3A_255 = tpu.vector_load %arg10[%swap3A_253, %swap3A_254] {strides = array<i32>} : memref<6x128xi32, #tpu.memory_space<vmem>>, vector<16xi32>,
    tpu.vector_store %arg10[%swap3A_253, %swap3A_254], %get3A_251 {strides = array<i32>} : memref<6x128xi32, #tpu.memory_space<vmem>>, vector<16xi32>,
    %get3A_256 = arith.constant 480 : index
    %get3A_257 = tpu.vector_load %arg9[%get3A_256] {strides = array<i32>} : memref<784xi32, #tpu.memory_space<vmem>>, vector<16xi32>,
    %swap3A_258 = arith.constant 3 : i32
    %swap3A_259 = arith.index_cast %swap3A_258 : i32 to index
    %swap3A_260 = arith.constant 96 : index
    %swap3A_261 = tpu.vector_load %arg10[%swap3A_259, %swap3A_260] {strides = array<i32>} : memref<6x128xi32, #tpu.memory_space<vmem>>, vector<16xi32>,
    tpu.vector_store %arg10[%swap3A_259, %swap3A_260], %get3A_257 {strides = array<i32>} : memref<6x128xi32, #tpu.memory_space<vmem>>, vector<16xi32>,
    %get3A_262 = arith.constant 496 : index
    %get3A_263 = tpu.vector_load %arg9[%get3A_262] {strides = array<i32>} : memref<784xi32, #tpu.memory_space<vmem>>, vector<16xi32>,
    %swap3A_264 = arith.constant 3 : i32
    %swap3A_265 = arith.index_cast %swap3A_264 : i32 to index
    %swap3A_266 = arith.constant 112 : index
    %swap3A_267 = tpu.vector_load %arg10[%swap3A_265, %swap3A_266] {strides = array<i32>} : memref<6x128xi32, #tpu.memory_space<vmem>>, vector<16xi32>,
    tpu.vector_store %arg10[%swap3A_265, %swap3A_266], %get3A_263 {strides = array<i32>} : memref<6x128xi32, #tpu.memory_space<vmem>>, vector<16xi32>,
    %get3A_268 = arith.constant 512 : index
    %get3A_269 = tpu.vector_load %arg9[%get3A_268] {strides = array<i32>} : memref<784xi32, #tpu.memory_space<vmem>>, vector<16xi32>,
    %swap3A_270 = arith.constant 4 : i32
    %swap3A_271 = arith.index_cast %swap3A_270 : i32 to index
    %swap3A_272 = arith.constant 0 : index
    %swap3A_273 = tpu.vector_load %arg10[%swap3A_271, %swap3A_272] {strides = array<i32>} : memref<6x128xi32, #tpu.memory_space<vmem>>, vector<16xi32>,
    tpu.vector_store %arg10[%swap3A_271, %swap3A_272], %get3A_269 {strides = array<i32>} : memref<6x128xi32, #tpu.memory_space<vmem>>, vector<16xi32>,
    %get3A_274 = arith.constant 528 : index
    %get3A_275 = tpu.vector_load %arg9[%get3A_274] {strides = array<i32>} : memref<784xi32, #tpu.memory_space<vmem>>, vector<16xi32>,
    %swap3A_276 = arith.constant 4 : i32
    %swap3A_277 = arith.index_cast %swap3A_276 : i32 to index
    %swap3A_278 = arith.constant 16 : index
    %swap3A_279 = tpu.vector_load %arg10[%swap3A_277, %swap3A_278] {strides = array<i32>} : memref<6x128xi32, #tpu.memory_space<vmem>>, vector<16xi32>,
    tpu.vector_store %arg10[%swap3A_277, %swap3A_278], %get3A_275 {strides = array<i32>} : memref<6x128xi32, #tpu.memory_space<vmem>>, vector<16xi32>,
    %get3A_280 = arith.constant 544 : index
    %get3A_281 = tpu.vector_load %arg9[%get3A_280] {strides = array<i32>} : memref<784xi32, #tpu.memory_space<vmem>>, vector<16xi32>,
    %swap3A_282 = arith.constant 4 : i32
    %swap3A_283 = arith.index_cast %swap3A_282 : i32 to index
    %swap3A_284 = arith.constant 32 : index
    %swap3A_285 = tpu.vector_load %arg10[%swap3A_283, %swap3A_284] {strides = array<i32>} : memref<6x128xi32, #tpu.memory_space<vmem>>, vector<16xi32>,
    tpu.vector_store %arg10[%swap3A_283, %swap3A_284], %get3A_281 {strides = array<i32>} : memref<6x128xi32, #tpu.memory_space<vmem>>, vector<16xi32>,
    %get3A_286 = arith.constant 560 : index
    %get3A_287 = tpu.vector_load %arg9[%get3A_286] {strides = array<i32>} : memref<784xi32, #tpu.memory_space<vmem>>, vector<16xi32>,
    %swap3A_288 = arith.constant 4 : i32
    %swap3A_289 = arith.index_cast %swap3A_288 : i32 to index
    %swap3A_290 = arith.constant 48 : index
    %swap3A_291 = tpu.vector_load %arg10[%swap3A_289, %swap3A_290] {strides = array<i32>} : memref<6x128xi32, #tpu.memory_space<vmem>>, vector<16xi32>,
    tpu.vector_store %arg10[%swap3A_289, %swap3A_290], %get3A_287 {strides = array<i32>} : memref<6x128xi32, #tpu.memory_space<vmem>>, vector<16xi32>,
    %get3A_292 = arith.constant 576 : index
    %get3A_293 = tpu.vector_load %arg9[%get3A_292] {strides = array<i32>} : memref<784xi32, #tpu.memory_space<vmem>>, vector<16xi32>,
    %swap3A_294 = arith.constant 4 : i32
    %swap3A_295 = arith.index_cast %swap3A_294 : i32 to index
    %swap3A_296 = arith.constant 64 : index
    %swap3A_297 = tpu.vector_load %arg10[%swap3A_295, %swap3A_296] {strides = array<i32>} : memref<6x128xi32, #tpu.memory_space<vmem>>, vector<16xi32>,
    tpu.vector_store %arg10[%swap3A_295, %swap3A_296], %get3A_293 {strides = array<i32>} : memref<6x128xi32, #tpu.memory_space<vmem>>, vector<16xi32>,
    %get3A_298 = arith.constant 592 : index
    %get3A_299 = tpu.vector_load %arg9[%get3A_298] {strides = array<i32>} : memref<784xi32, #tpu.memory_space<vmem>>, vector<16xi32>,
    %swap3A_300 = arith.constant 4 : i32
    %swap3A_301 = arith.index_cast %swap3A_300 : i32 to index
    %swap3A_302 = arith.constant 80 : index
    %swap3A_303 = tpu.vector_load %arg10[%swap3A_301, %swap3A_302] {strides = array<i32>} : memref<6x128xi32, #tpu.memory_space<vmem>>, vector<16xi32>,
    tpu.vector_store %arg10[%swap3A_301, %swap3A_302], %get3A_299 {strides = array<i32>} : memref<6x128xi32, #tpu.memory_space<vmem>>, vector<16xi32>,
    %get3A_304 = arith.constant 608 : index
    %get3A_305 = tpu.vector_load %arg9[%get3A_304] {strides = array<i32>} : memref<784xi32, #tpu.memory_space<vmem>>, vector<16xi32>,
    %swap3A_306 = arith.constant 4 : i32
    %swap3A_307 = arith.index_cast %swap3A_306 : i32 to index
    %swap3A_308 = arith.constant 96 : index
    %swap3A_309 = tpu.vector_load %arg10[%swap3A_307, %swap3A_308] {strides = array<i32>} : memref<6x128xi32, #tpu.memory_space<vmem>>, vector<16xi32>,
    tpu.vector_store %arg10[%swap3A_307, %swap3A_308], %get3A_305 {strides = array<i32>} : memref<6x128xi32, #tpu.memory_space<vmem>>, vector<16xi32>,
    %get3A_310 = arith.constant 624 : index
    %get3A_311 = tpu.vector_load %arg9[%get3A_310] {strides = array<i32>} : memref<784xi32, #tpu.memory_space<vmem>>, vector<16xi32>,
    %swap3A_312 = arith.constant 4 : i32
    %swap3A_313 = arith.index_cast %swap3A_312 : i32 to index
    %swap3A_314 = arith.constant 112 : index
    %swap3A_315 = tpu.vector_load %arg10[%swap3A_313, %swap3A_314] {strides = array<i32>} : memref<6x128xi32, #tpu.memory_space<vmem>>, vector<16xi32>,
    tpu.vector_store %arg10[%swap3A_313, %swap3A_314], %get3A_311 {strides = array<i32>} : memref<6x128xi32, #tpu.memory_space<vmem>>, vector<16xi32>,
    %get3A_316 = arith.constant 640 : index
    %get3A_317 = tpu.vector_load %arg9[%get3A_316] {strides = array<i32>} : memref<784xi32, #tpu.memory_space<vmem>>, vector<16xi32>,
    %swap3A_318 = arith.constant 5 : i32
    %swap3A_319 = arith.index_cast %swap3A_318 : i32 to index
    %swap3A_320 = arith.constant 0 : index
    %swap3A_321 = tpu.vector_load %arg10[%swap3A_319, %swap3A_320] {strides = array<i32>} : memref<6x128xi32, #tpu.memory_space<vmem>>, vector<16xi32>,
    tpu.vector_store %arg10[%swap3A_319, %swap3A_320], %get3A_317 {strides = array<i32>} : memref<6x128xi32, #tpu.memory_space<vmem>>, vector<16xi32>,
    %get3A_322 = arith.constant 656 : index
    %get3A_323 = tpu.vector_load %arg9[%get3A_322] {strides = array<i32>} : memref<784xi32, #tpu.memory_space<vmem>>, vector<16xi32>,
    %swap3A_324 = arith.constant 5 : i32
    %swap3A_325 = arith.index_cast %swap3A_324 : i32 to index
    %swap3A_326 = arith.constant 16 : index
    %swap3A_327 = tpu.vector_load %arg10[%swap3A_325, %swap3A_326] {strides = array<i32>} : memref<6x128xi32, #tpu.memory_space<vmem>>, vector<16xi32>,
    tpu.vector_store %arg10[%swap3A_325, %swap3A_326], %get3A_323 {strides = array<i32>} : memref<6x128xi32, #tpu.memory_space<vmem>>, vector<16xi32>,
    %get3A_328 = arith.constant 672 : index
    %get3A_329 = tpu.vector_load %arg9[%get3A_328] {strides = array<i32>} : memref<784xi32, #tpu.memory_space<vmem>>, vector<16xi32>,
    %swap3A_330 = arith.constant 5 : i32
    %swap3A_331 = arith.index_cast %swap3A_330 : i32 to index
    %swap3A_332 = arith.constant 32 : index
    %swap3A_333 = tpu.vector_load %arg10[%swap3A_331, %swap3A_332] {strides = array<i32>} : memref<6x128xi32, #tpu.memory_space<vmem>>, vector<16xi32>,
    tpu.vector_store %arg10[%swap3A_331, %swap3A_332], %get3A_329 {strides = array<i32>} : memref<6x128xi32, #tpu.memory_space<vmem>>, vector<16xi32>,
    %get3A_334 = arith.constant 688 : index
    %get3A_335 = tpu.vector_load %arg9[%get3A_334] {strides = array<i32>} : memref<784xi32, #tpu.memory_space<vmem>>, vector<16xi32>,
    %swap3A_336 = arith.constant 5 : i32
    %swap3A_337 = arith.index_cast %swap3A_336 : i32 to index
    %swap3A_338 = arith.constant 48 : index
    %swap3A_339 = tpu.vector_load %arg10[%swap3A_337, %swap3A_338] {strides = array<i32>} : memref<6x128xi32, #tpu.memory_space<vmem>>, vector<16xi32>,
    tpu.vector_store %arg10[%swap3A_337, %swap3A_338], %get3A_335 {strides = array<i32>} : memref<6x128xi32, #tpu.memory_space<vmem>>, vector<16xi32>,
    %get3A_340 = arith.constant 704 : index
    %get3A_341 = tpu.vector_load %arg9[%get3A_340] {strides = array<i32>} : memref<784xi32, #tpu.memory_space<vmem>>, vector<16xi32>,
    %swap3A_342 = arith.constant 5 : i32
    %swap3A_343 = arith.index_cast %swap3A_342 : i32 to index
    %swap3A_344 = arith.constant 64 : index
    %swap3A_345 = tpu.vector_load %arg10[%swap3A_343, %swap3A_344] {strides = array<i32>} : memref<6x128xi32, #tpu.memory_space<vmem>>, vector<16xi32>,
    tpu.vector_store %arg10[%swap3A_343, %swap3A_344], %get3A_341 {strides = array<i32>} : memref<6x128xi32, #tpu.memory_space<vmem>>, vector<16xi32>,
    %get3A_346 = arith.constant 720 : index
    %get3A_347 = tpu.vector_load %arg9[%get3A_346] {strides = array<i32>} : memref<784xi32, #tpu.memory_space<vmem>>, vector<16xi32>,
    %swap3A_348 = arith.constant 5 : i32
    %swap3A_349 = arith.index_cast %swap3A_348 : i32 to index
    %swap3A_350 = arith.constant 80 : index
    %swap3A_351 = tpu.vector_load %arg10[%swap3A_349, %swap3A_350] {strides = array<i32>} : memref<6x128xi32, #tpu.memory_space<vmem>>, vector<16xi32>,
    tpu.vector_store %arg10[%swap3A_349, %swap3A_350], %get3A_347 {strides = array<i32>} : memref<6x128xi32, #tpu.memory_space<vmem>>, vector<16xi32>,
    %get3A_352 = arith.constant 736 : index
    %get3A_353 = tpu.vector_load %arg9[%get3A_352] {strides = array<i32>} : memref<784xi32, #tpu.memory_space<vmem>>, vector<16xi32>,
    %swap3A_354 = arith.constant 5 : i32
    %swap3A_355 = arith.index_cast %swap3A_354 : i32 to index
    %swap3A_356 = arith.constant 96 : index
    %swap3A_357 = tpu.vector_load %arg10[%swap3A_355, %swap3A_356] {strides = array<i32>} : memref<6x128xi32, #tpu.memory_space<vmem>>, vector<16xi32>,
    tpu.vector_store %arg10[%swap3A_355, %swap3A_356], %get3A_353 {strides = array<i32>} : memref<6x128xi32, #tpu.memory_space<vmem>>, vector<16xi32>,
    %get3A_358 = arith.constant 752 : index
    %get3A_359 = tpu.vector_load %arg9[%get3A_358] {strides = array<i32>} : memref<784xi32, #tpu.memory_space<vmem>>, vector<16xi32>,
    %swap3A_360 = arith.constant 5 : i32
    %swap3A_361 = arith.index_cast %swap3A_360 : i32 to index
    %swap3A_362 = arith.constant 112 : index
    %swap3A_363 = tpu.vector_load %arg10[%swap3A_361, %swap3A_362] {strides = array<i32>} : memref<6x128xi32, #tpu.memory_space<vmem>>, vector<16xi32>,
    tpu.vector_store %arg10[%swap3A_361, %swap3A_362], %get3A_359 {strides = array<i32>} : memref<6x128xi32, #tpu.memory_space<vmem>>, vector<16xi32>,
    %gt3A = arith.constant 0 : i32
    %gt3A_364 = arith.cmpi sgt, %scan3A_72, %gt3A : i32
    %convert_element_type3A = arith.extui %gt3A_364 : i1 to i32
    %cond3A = arith.constant 0 : i32
    %cond3A_365 = arith.cmpi ne, %convert_element_type3A, %cond3A : i32
    scf.if %cond3A_365 {
      %scan3A_391 = arith.constant 0 : i32
      %scan3A_392 = arith.constant 0 : i32
      %scan3A_393 = arith.constant 8 : i32
      %scan3A_394 = arith.addi %scan3A_392, %scan3A_393 : i32
      %scan3A_395 = arith.constant 1 : i32
      scf.for %scan3A_411 = %scan3A_392 to %scan3A_394 step %scan3A_395  : i32 {
        %mul3A_412 = arith.constant 16 : i32
        %mul3A_413 = arith.muli %scan3A_411, %mul3A_412 : i32
        %add3A_414 = arith.constant 0 : i32
        %add3A_415 = arith.addi %add3A_414, %mul3A_413 : i32
        %get3A_416 = arith.index_cast %add3A_415 : i32 to index
        %get3A_417 = tpu.vector_load %arg8[%get3A_416] {strides = array<i32>} : memref<784xi32, #tpu.memory_space<vmem>>, vector<16xi32>,
        %mul3A_418 = arith.constant 128 : i32
        %mul3A_419 = arith.muli %min3A_53, %mul3A_418 : i32
        %sub3A_420 = vector.broadcast %mul3A_419 : i32 to vector<16xi32>
        %sub3A_421 = arith.subi %get3A_417, %sub3A_420 : vector<16xi32>
        %slice3A = vector.extract_strided_slice %sub3A_421 {offsets = [0], sizes = [1], strides = [1]} : vector<16xi32> to vector<1xi32>
        %squeeze3A = vector.extract %slice3A[0] : i32 from vector<1xi32>
        %broadcast_in_dim3A = vector.broadcast %squeeze3A : i32 to vector<16xi32>
        %gather3A = tpu.vector_load_idx %arg7[%iota3A, %broadcast_in_dim3A] : memref<32x3200xf32, #tpu.memory_space<vmem>>[vector<16xi32>, vector<16xi32>], vector<16xf32>,
        %add3A_422 = arith.constant 16 : i32
        %add3A_423 = vector.broadcast %add3A_422 : i32 to vector<16xi32>
        %add3A_424 = arith.addi %iota3A, %add3A_423 : vector<16xi32>
        %gather3A_425 = tpu.vector_load_idx %arg7[%add3A_424, %broadcast_in_dim3A] : memref<32x3200xf32, #tpu.memory_space<vmem>>[vector<16xi32>, vector<16xi32>], vector<16xf32>,
        %mul3A_426 = arith.constant 16 : i32
        %mul3A_427 = arith.muli %scan3A_411, %mul3A_426 : i32
        %add3A_428 = arith.constant 0 : i32
        %add3A_429 = arith.addi %mul3A_427, %add3A_428 : i32
        %mul3A_430 = arith.mulf %gather3A, %get3A_59 : vector<16xf32>
        %swap3A_431 = arith.index_cast %add3A_429 : i32 to index
        %swap3A_432 = arith.constant 0 : index
        %swap3A_433 = tpu.vector_load %arg11[%swap3A_431, %swap3A_432] {strides = array<i32>} : memref<128x128xf32, #tpu.memory_space<vmem>>, vector<16xf32>,
        tpu.vector_store %arg11[%swap3A_431, %swap3A_432], %mul3A_430 {strides = array<i32>} : memref<128x128xf32, #tpu.memory_space<vmem>>, vector<16xf32>,
        %mul3A_434 = arith.mulf %gather3A_425, %get3A_61 : vector<16xf32>
        %swap3A_435 = arith.index_cast %add3A_429 : i32 to index
        %swap3A_436 = arith.constant 16 : index
        %swap3A_437 = tpu.vector_load %arg11[%swap3A_435, %swap3A_436] {strides = array<i32>} : memref<128x128xf32, #tpu.memory_space<vmem>>, vector<16xf32>,
        tpu.vector_store %arg11[%swap3A_435, %swap3A_436], %mul3A_434 {strides = array<i32>} : memref<128x128xf32, #tpu.memory_space<vmem>>, vector<16xf32>,
        %slice3A_438 = vector.extract_strided_slice %sub3A_421 {offsets = [1], sizes = [1], strides = [1]} : vector<16xi32> to vector<1xi32>
        %squeeze3A_439 = vector.extract %slice3A_438[0] : i32 from vector<1xi32>
        %broadcast_in_dim3A_440 = vector.broadcast %squeeze3A_439 : i32 to vector<16xi32>
        %gather3A_441 = tpu.vector_load_idx %arg7[%iota3A, %broadcast_in_dim3A_440] : memref<32x3200xf32, #tpu.memory_space<vmem>>[vector<16xi32>, vector<16xi32>], vector<16xf32>,
        %add3A_442 = arith.constant 16 : i32
        %add3A_443 = vector.broadcast %add3A_442 : i32 to vector<16xi32>
        %add3A_444 = arith.addi %iota3A, %add3A_443 : vector<16xi32>
        %gather3A_445 = tpu.vector_load_idx %arg7[%add3A_444, %broadcast_in_dim3A_440] : memref<32x3200xf32, #tpu.memory_space<vmem>>[vector<16xi32>, vector<16xi32>], vector<16xf32>,
        %mul3A_446 = arith.constant 16 : i32
        %mul3A_447 = arith.muli %scan3A_411, %mul3A_446 : i32
        %add3A_448 = arith.constant 1 : i32
        %add3A_449 = arith.addi %mul3A_447, %add3A_448 : i32
        %mul3A_450 = arith.mulf %gather3A_441, %get3A_59 : vector<16xf32>
        %swap3A_451 = arith.index_cast %add3A_449 : i32 to index
        %swap3A_452 = arith.constant 0 : index
        %swap3A_453 = tpu.vector_load %arg11[%swap3A_451, %swap3A_452] {strides = array<i32>} : memref<128x128xf32, #tpu.memory_space<vmem>>, vector<16xf32>,
        tpu.vector_store %arg11[%swap3A_451, %swap3A_452], %mul3A_450 {strides = array<i32>} : memref<128x128xf32, #tpu.memory_space<vmem>>, vector<16xf32>,
        %mul3A_454 = arith.mulf %gather3A_445, %get3A_61 : vector<16xf32>
        %swap3A_455 = arith.index_cast %add3A_449 : i32 to index
        %swap3A_456 = arith.constant 16 : index
        %swap3A_457 = tpu.vector_load %arg11[%swap3A_455, %swap3A_456] {strides = array<i32>} : memref<128x128xf32, #tpu.memory_space<vmem>>, vector<16xf32>,
        tpu.vector_store %arg11[%swap3A_455, %swap3A_456], %mul3A_454 {strides = array<i32>} : memref<128x128xf32, #tpu.memory_space<vmem>>, vector<16xf32>,
        %slice3A_458 = vector.extract_strided_slice %sub3A_421 {offsets = [2], sizes = [1], strides = [1]} : vector<16xi32> to vector<1xi32>
        %squeeze3A_459 = vector.extract %slice3A_458[0] : i32 from vector<1xi32>
        %broadcast_in_dim3A_460 = vector.broadcast %squeeze3A_459 : i32 to vector<16xi32>
        %gather3A_461 = tpu.vector_load_idx %arg7[%iota3A, %broadcast_in_dim3A_460] : memref<32x3200xf32, #tpu.memory_space<vmem>>[vector<16xi32>, vector<16xi32>], vector<16xf32>,
        %add3A_462 = arith.constant 16 : i32
        %add3A_463 = vector.broadcast %add3A_462 : i32 to vector<16xi32>
        %add3A_464 = arith.addi %iota3A, %add3A_463 : vector<16xi32>
        %gather3A_465 = tpu.vector_load_idx %arg7[%add3A_464, %broadcast_in_dim3A_460] : memref<32x3200xf32, #tpu.memory_space<vmem>>[vector<16xi32>, vector<16xi32>], vector<16xf32>,
        %mul3A_466 = arith.constant 16 : i32
        %mul3A_467 = arith.muli %scan3A_411, %mul3A_466 : i32
        %add3A_468 = arith.constant 2 : i32
        %add3A_469 = arith.addi %mul3A_467, %add3A_468 : i32
        %mul3A_470 = arith.mulf %gather3A_461, %get3A_59 : vector<16xf32>
        %swap3A_471 = arith.index_cast %add3A_469 : i32 to index
        %swap3A_472 = arith.constant 0 : index
        %swap3A_473 = tpu.vector_load %arg11[%swap3A_471, %swap3A_472] {strides = array<i32>} : memref<128x128xf32, #tpu.memory_space<vmem>>, vector<16xf32>,
        tpu.vector_store %arg11[%swap3A_471, %swap3A_472], %mul3A_470 {strides = array<i32>} : memref<128x128xf32, #tpu.memory_space<vmem>>, vector<16xf32>,
        %mul3A_474 = arith.mulf %gather3A_465, %get3A_61 : vector<16xf32>
        %swap3A_475 = arith.index_cast %add3A_469 : i32 to index
        %swap3A_476 = arith.constant 16 : index
        %swap3A_477 = tpu.vector_load %arg11[%swap3A_475, %swap3A_476] {strides = array<i32>} : memref<128x128xf32, #tpu.memory_space<vmem>>, vector<16xf32>,
        tpu.vector_store %arg11[%swap3A_475, %swap3A_476], %mul3A_474 {strides = array<i32>} : memref<128x128xf32, #tpu.memory_space<vmem>>, vector<16xf32>,
        %slice3A_478 = vector.extract_strided_slice %sub3A_421 {offsets = [3], sizes = [1], strides = [1]} : vector<16xi32> to vector<1xi32>
        %squeeze3A_479 = vector.extract %slice3A_478[0] : i32 from vector<1xi32>
        %broadcast_in_dim3A_480 = vector.broadcast %squeeze3A_479 : i32 to vector<16xi32>
        %gather3A_481 = tpu.vector_load_idx %arg7[%iota3A, %broadcast_in_dim3A_480] : memref<32x3200xf32, #tpu.memory_space<vmem>>[vector<16xi32>, vector<16xi32>], vector<16xf32>,
        %add3A_482 = arith.constant 16 : i32
        %add3A_483 = vector.broadcast %add3A_482 : i32 to vector<16xi32>
        %add3A_484 = arith.addi %iota3A, %add3A_483 : vector<16xi32>
        %gather3A_485 = tpu.vector_load_idx %arg7[%add3A_484, %broadcast_in_dim3A_480] : memref<32x3200xf32, #tpu.memory_space<vmem>>[vector<16xi32>, vector<16xi32>], vector<16xf32>,
        %mul3A_486 = arith.constant 16 : i32
        %mul3A_487 = arith.muli %scan3A_411, %mul3A_486 : i32
        %add3A_488 = arith.constant 3 : i32
        %add3A_489 = arith.addi %mul3A_487, %add3A_488 : i32
        %mul3A_490 = arith.mulf %gather3A_481, %get3A_59 : vector<16xf32>
        %swap3A_491 = arith.index_cast %add3A_489 : i32 to index
        %swap3A_492 = arith.constant 0 : index
        %swap3A_493 = tpu.vector_load %arg11[%swap3A_491, %swap3A_492] {strides = array<i32>} : memref<128x128xf32, #tpu.memory_space<vmem>>, vector<16xf32>,
        tpu.vector_store %arg11[%swap3A_491, %swap3A_492], %mul3A_490 {strides = array<i32>} : memref<128x128xf32, #tpu.memory_space<vmem>>, vector<16xf32>,
        %mul3A_494 = arith.mulf %gather3A_485, %get3A_61 : vector<16xf32>
        %swap3A_495 = arith.index_cast %add3A_489 : i32 to index
        %swap3A_496 = arith.constant 16 : index
        %swap3A_497 = tpu.vector_load %arg11[%swap3A_495, %swap3A_496] {strides = array<i32>} : memref<128x128xf32, #tpu.memory_space<vmem>>, vector<16xf32>,
        tpu.vector_store %arg11[%swap3A_495, %swap3A_496], %mul3A_494 {strides = array<i32>} : memref<128x128xf32, #tpu.memory_space<vmem>>, vector<16xf32>,
        %slice3A_498 = vector.extract_strided_slice %sub3A_421 {offsets = [4], sizes = [1], strides = [1]} : vector<16xi32> to vector<1xi32>
        %squeeze3A_499 = vector.extract %slice3A_498[0] : i32 from vector<1xi32>
        %broadcast_in_dim3A_500 = vector.broadcast %squeeze3A_499 : i32 to vector<16xi32>
        %gather3A_501 = tpu.vector_load_idx %arg7[%iota3A, %broadcast_in_dim3A_500] : memref<32x3200xf32, #tpu.memory_space<vmem>>[vector<16xi32>, vector<16xi32>], vector<16xf32>,
        %add3A_502 = arith.constant 16 : i32
        %add3A_503 = vector.broadcast %add3A_502 : i32 to vector<16xi32>
        %add3A_504 = arith.addi %iota3A, %add3A_503 : vector<16xi32>
        %gather3A_505 = tpu.vector_load_idx %arg7[%add3A_504, %broadcast_in_dim3A_500] : memref<32x3200xf32, #tpu.memory_space<vmem>>[vector<16xi32>, vector<16xi32>], vector<16xf32>,
        %mul3A_506 = arith.constant 16 : i32
        %mul3A_507 = arith.muli %scan3A_411, %mul3A_506 : i32
        %add3A_508 = arith.constant 4 : i32
        %add3A_509 = arith.addi %mul3A_507, %add3A_508 : i32
        %mul3A_510 = arith.mulf %gather3A_501, %get3A_59 : vector<16xf32>
        %swap3A_511 = arith.index_cast %add3A_509 : i32 to index
        %swap3A_512 = arith.constant 0 : index
        %swap3A_513 = tpu.vector_load %arg11[%swap3A_511, %swap3A_512] {strides = array<i32>} : memref<128x128xf32, #tpu.memory_space<vmem>>, vector<16xf32>,
        tpu.vector_store %arg11[%swap3A_511, %swap3A_512], %mul3A_510 {strides = array<i32>} : memref<128x128xf32, #tpu.memory_space<vmem>>, vector<16xf32>,
        %mul3A_514 = arith.mulf %gather3A_505, %get3A_61 : vector<16xf32>
        %swap3A_515 = arith.index_cast %add3A_509 : i32 to index
        %swap3A_516 = arith.constant 16 : index
        %swap3A_517 = tpu.vector_load %arg11[%swap3A_515, %swap3A_516] {strides = array<i32>} : memref<128x128xf32, #tpu.memory_space<vmem>>, vector<16xf32>,
        tpu.vector_store %arg11[%swap3A_515, %swap3A_516], %mul3A_514 {strides = array<i32>} : memref<128x128xf32, #tpu.memory_space<vmem>>, vector<16xf32>,
        %slice3A_518 = vector.extract_strided_slice %sub3A_421 {offsets = [5], sizes = [1], strides = [1]} : vector<16xi32> to vector<1xi32>
        %squeeze3A_519 = vector.extract %slice3A_518[0] : i32 from vector<1xi32>
        %broadcast_in_dim3A_520 = vector.broadcast %squeeze3A_519 : i32 to vector<16xi32>
        %gather3A_521 = tpu.vector_load_idx %arg7[%iota3A, %broadcast_in_dim3A_520] : memref<32x3200xf32, #tpu.memory_space<vmem>>[vector<16xi32>, vector<16xi32>], vector<16xf32>,
        %add3A_522 = arith.constant 16 : i32
        %add3A_523 = vector.broadcast %add3A_522 : i32 to vector<16xi32>
        %add3A_524 = arith.addi %iota3A, %add3A_523 : vector<16xi32>
        %gather3A_525 = tpu.vector_load_idx %arg7[%add3A_524, %broadcast_in_dim3A_520] : memref<32x3200xf32, #tpu.memory_space<vmem>>[vector<16xi32>, vector<16xi32>], vector<16xf32>,
        %mul3A_526 = arith.constant 16 : i32
        %mul3A_527 = arith.muli %scan3A_411, %mul3A_526 : i32
        %add3A_528 = arith.constant 5 : i32
        %add3A_529 = arith.addi %mul3A_527, %add3A_528 : i32
        %mul3A_530 = arith.mulf %gather3A_521, %get3A_59 : vector<16xf32>
        %swap3A_531 = arith.index_cast %add3A_529 : i32 to index
        %swap3A_532 = arith.constant 0 : index
        %swap3A_533 = tpu.vector_load %arg11[%swap3A_531, %swap3A_532] {strides = array<i32>} : memref<128x128xf32, #tpu.memory_space<vmem>>, vector<16xf32>,
        tpu.vector_store %arg11[%swap3A_531, %swap3A_532], %mul3A_530 {strides = array<i32>} : memref<128x128xf32, #tpu.memory_space<vmem>>, vector<16xf32>,
        %mul3A_534 = arith.mulf %gather3A_525, %get3A_61 : vector<16xf32>
        %swap3A_535 = arith.index_cast %add3A_529 : i32 to index
        %swap3A_536 = arith.constant 16 : index
        %swap3A_537 = tpu.vector_load %arg11[%swap3A_535, %swap3A_536] {strides = array<i32>} : memref<128x128xf32, #tpu.memory_space<vmem>>, vector<16xf32>,
        tpu.vector_store %arg11[%swap3A_535, %swap3A_536], %mul3A_534 {strides = array<i32>} : memref<128x128xf32, #tpu.memory_space<vmem>>, vector<16xf32>,
        %slice3A_538 = vector.extract_strided_slice %sub3A_421 {offsets = [6], sizes = [1], strides = [1]} : vector<16xi32> to vector<1xi32>
        %squeeze3A_539 = vector.extract %slice3A_538[0] : i32 from vector<1xi32>
        %broadcast_in_dim3A_540 = vector.broadcast %squeeze3A_539 : i32 to vector<16xi32>
        %gather3A_541 = tpu.vector_load_idx %arg7[%iota3A, %broadcast_in_dim3A_540] : memref<32x3200xf32, #tpu.memory_space<vmem>>[vector<16xi32>, vector<16xi32>], vector<16xf32>,
        %add3A_542 = arith.constant 16 : i32
        %add3A_543 = vector.broadcast %add3A_542 : i32 to vector<16xi32>
        %add3A_544 = arith.addi %iota3A, %add3A_543 : vector<16xi32>
        %gather3A_545 = tpu.vector_load_idx %arg7[%add3A_544, %broadcast_in_dim3A_540] : memref<32x3200xf32, #tpu.memory_space<vmem>>[vector<16xi32>, vector<16xi32>], vector<16xf32>,
        %mul3A_546 = arith.constant 16 : i32
        %mul3A_547 = arith.muli %scan3A_411, %mul3A_546 : i32
        %add3A_548 = arith.constant 6 : i32
        %add3A_549 = arith.addi %mul3A_547, %add3A_548 : i32
        %mul3A_550 = arith.mulf %gather3A_541, %get3A_59 : vector<16xf32>
        %swap3A_551 = arith.index_cast %add3A_549 : i32 to index
        %swap3A_552 = arith.constant 0 : index
        %swap3A_553 = tpu.vector_load %arg11[%swap3A_551, %swap3A_552] {strides = array<i32>} : memref<128x128xf32, #tpu.memory_space<vmem>>, vector<16xf32>,
        tpu.vector_store %arg11[%swap3A_551, %swap3A_552], %mul3A_550 {strides = array<i32>} : memref<128x128xf32, #tpu.memory_space<vmem>>, vector<16xf32>,
        %mul3A_554 = arith.mulf %gather3A_545, %get3A_61 : vector<16xf32>
        %swap3A_555 = arith.index_cast %add3A_549 : i32 to index
        %swap3A_556 = arith.constant 16 : index
        %swap3A_557 = tpu.vector_load %arg11[%swap3A_555, %swap3A_556] {strides = array<i32>} : memref<128x128xf32, #tpu.memory_space<vmem>>, vector<16xf32>,
        tpu.vector_store %arg11[%swap3A_555, %swap3A_556], %mul3A_554 {strides = array<i32>} : memref<128x128xf32, #tpu.memory_space<vmem>>, vector<16xf32>,
        %slice3A_558 = vector.extract_strided_slice %sub3A_421 {offsets = [7], sizes = [1], strides = [1]} : vector<16xi32> to vector<1xi32>
        %squeeze3A_559 = vector.extract %slice3A_558[0] : i32 from vector<1xi32>
        %broadcast_in_dim3A_560 = vector.broadcast %squeeze3A_559 : i32 to vector<16xi32>
        %gather3A_561 = tpu.vector_load_idx %arg7[%iota3A, %broadcast_in_dim3A_560] : memref<32x3200xf32, #tpu.memory_space<vmem>>[vector<16xi32>, vector<16xi32>], vector<16xf32>,
        %add3A_562 = arith.constant 16 : i32
        %add3A_563 = vector.broadcast %add3A_562 : i32 to vector<16xi32>
        %add3A_564 = arith.addi %iota3A, %add3A_563 : vector<16xi32>
        %gather3A_565 = tpu.vector_load_idx %arg7[%add3A_564, %broadcast_in_dim3A_560] : memref<32x3200xf32, #tpu.memory_space<vmem>>[vector<16xi32>, vector<16xi32>], vector<16xf32>,
        %mul3A_566 = arith.constant 16 : i32
        %mul3A_567 = arith.muli %scan3A_411, %mul3A_566 : i32
        %add3A_568 = arith.constant 7 : i32
        %add3A_569 = arith.addi %mul3A_567, %add3A_568 : i32
        %mul3A_570 = arith.mulf %gather3A_561, %get3A_59 : vector<16xf32>
        %swap3A_571 = arith.index_cast %add3A_569 : i32 to index
        %swap3A_572 = arith.constant 0 : index
        %swap3A_573 = tpu.vector_load %arg11[%swap3A_571, %swap3A_572] {strides = array<i32>} : memref<128x128xf32, #tpu.memory_space<vmem>>, vector<16xf32>,
        tpu.vector_store %arg11[%swap3A_571, %swap3A_572], %mul3A_570 {strides = array<i32>} : memref<128x128xf32, #tpu.memory_space<vmem>>, vector<16xf32>,
        %mul3A_574 = arith.mulf %gather3A_565, %get3A_61 : vector<16xf32>
        %swap3A_575 = arith.index_cast %add3A_569 : i32 to index
        %swap3A_576 = arith.constant 16 : index
        %swap3A_577 = tpu.vector_load %arg11[%swap3A_575, %swap3A_576] {strides = array<i32>} : memref<128x128xf32, #tpu.memory_space<vmem>>, vector<16xf32>,
        tpu.vector_store %arg11[%swap3A_575, %swap3A_576], %mul3A_574 {strides = array<i32>} : memref<128x128xf32, #tpu.memory_space<vmem>>, vector<16xf32>,
        %slice3A_578 = vector.extract_strided_slice %sub3A_421 {offsets = [8], sizes = [1], strides = [1]} : vector<16xi32> to vector<1xi32>
        %squeeze3A_579 = vector.extract %slice3A_578[0] : i32 from vector<1xi32>
        %broadcast_in_dim3A_580 = vector.broadcast %squeeze3A_579 : i32 to vector<16xi32>
        %gather3A_581 = tpu.vector_load_idx %arg7[%iota3A, %broadcast_in_dim3A_580] : memref<32x3200xf32, #tpu.memory_space<vmem>>[vector<16xi32>, vector<16xi32>], vector<16xf32>,
        %add3A_582 = arith.constant 16 : i32
        %add3A_583 = vector.broadcast %add3A_582 : i32 to vector<16xi32>
        %add3A_584 = arith.addi %iota3A, %add3A_583 : vector<16xi32>
        %gather3A_585 = tpu.vector_load_idx %arg7[%add3A_584, %broadcast_in_dim3A_580] : memref<32x3200xf32, #tpu.memory_space<vmem>>[vector<16xi32>, vector<16xi32>], vector<16xf32>,
        %mul3A_586 = arith.constant 16 : i32
        %mul3A_587 = arith.muli %scan3A_411, %mul3A_586 : i32
        %add3A_588 = arith.constant 8 : i32
        %add3A_589 = arith.addi %mul3A_587, %add3A_588 : i32
        %mul3A_590 = arith.mulf %gather3A_581, %get3A_59 : vector<16xf32>
        %swap3A_591 = arith.index_cast %add3A_589 : i32 to index
        %swap3A_592 = arith.constant 0 : index
        %swap3A_593 = tpu.vector_load %arg11[%swap3A_591, %swap3A_592] {strides = array<i32>} : memref<128x128xf32, #tpu.memory_space<vmem>>, vector<16xf32>,
        tpu.vector_store %arg11[%swap3A_591, %swap3A_592], %mul3A_590 {strides = array<i32>} : memref<128x128xf32, #tpu.memory_space<vmem>>, vector<16xf32>,
        %mul3A_594 = arith.mulf %gather3A_585, %get3A_61 : vector<16xf32>
        %swap3A_595 = arith.index_cast %add3A_589 : i32 to index
        %swap3A_596 = arith.constant 16 : index
        %swap3A_597 = tpu.vector_load %arg11[%swap3A_595, %swap3A_596] {strides = array<i32>} : memref<128x128xf32, #tpu.memory_space<vmem>>, vector<16xf32>,
        tpu.vector_store %arg11[%swap3A_595, %swap3A_596], %mul3A_594 {strides = array<i32>} : memref<128x128xf32, #tpu.memory_space<vmem>>, vector<16xf32>,
        %slice3A_598 = vector.extract_strided_slice %sub3A_421 {offsets = [9], sizes = [1], strides = [1]} : vector<16xi32> to vector<1xi32>
        %squeeze3A_599 = vector.extract %slice3A_598[0] : i32 from vector<1xi32>
        %broadcast_in_dim3A_600 = vector.broadcast %squeeze3A_599 : i32 to vector<16xi32>
        %gather3A_601 = tpu.vector_load_idx %arg7[%iota3A, %broadcast_in_dim3A_600] : memref<32x3200xf32, #tpu.memory_space<vmem>>[vector<16xi32>, vector<16xi32>], vector<16xf32>,
        %add3A_602 = arith.constant 16 : i32
        %add3A_603 = vector.broadcast %add3A_602 : i32 to vector<16xi32>
        %add3A_604 = arith.addi %iota3A, %add3A_603 : vector<16xi32>
        %gather3A_605 = tpu.vector_load_idx %arg7[%add3A_604, %broadcast_in_dim3A_600] : memref<32x3200xf32, #tpu.memory_space<vmem>>[vector<16xi32>, vector<16xi32>], vector<16xf32>,
        %mul3A_606 = arith.constant 16 : i32
        %mul3A_607 = arith.muli %scan3A_411, %mul3A_606 : i32
        %add3A_608 = arith.constant 9 : i32
        %add3A_609 = arith.addi %mul3A_607, %add3A_608 : i32
        %mul3A_610 = arith.mulf %gather3A_601, %get3A_59 : vector<16xf32>
        %swap3A_611 = arith.index_cast %add3A_609 : i32 to index
        %swap3A_612 = arith.constant 0 : index
        %swap3A_613 = tpu.vector_load %arg11[%swap3A_611, %swap3A_612] {strides = array<i32>} : memref<128x128xf32, #tpu.memory_space<vmem>>, vector<16xf32>,
        tpu.vector_store %arg11[%swap3A_611, %swap3A_612], %mul3A_610 {strides = array<i32>} : memref<128x128xf32, #tpu.memory_space<vmem>>, vector<16xf32>,
        %mul3A_614 = arith.mulf %gather3A_605, %get3A_61 : vector<16xf32>
        %swap3A_615 = arith.index_cast %add3A_609 : i32 to index
        %swap3A_616 = arith.constant 16 : index
        %swap3A_617 = tpu.vector_load %arg11[%swap3A_615, %swap3A_616] {strides = array<i32>} : memref<128x128xf32, #tpu.memory_space<vmem>>, vector<16xf32>,
        tpu.vector_store %arg11[%swap3A_615, %swap3A_616], %mul3A_614 {strides = array<i32>} : memref<128x128xf32, #tpu.memory_space<vmem>>, vector<16xf32>,
        %slice3A_618 = vector.extract_strided_slice %sub3A_421 {offsets = [10], sizes = [1], strides = [1]} : vector<16xi32> to vector<1xi32>
        %squeeze3A_619 = vector.extract %slice3A_618[0] : i32 from vector<1xi32>
        %broadcast_in_dim3A_620 = vector.broadcast %squeeze3A_619 : i32 to vector<16xi32>
        %gather3A_621 = tpu.vector_load_idx %arg7[%iota3A, %broadcast_in_dim3A_620] : memref<32x3200xf32, #tpu.memory_space<vmem>>[vector<16xi32>, vector<16xi32>], vector<16xf32>,
        %add3A_622 = arith.constant 16 : i32
        %add3A_623 = vector.broadcast %add3A_622 : i32 to vector<16xi32>
        %add3A_624 = arith.addi %iota3A, %add3A_623 : vector<16xi32>
        %gather3A_625 = tpu.vector_load_idx %arg7[%add3A_624, %broadcast_in_dim3A_620] : memref<32x3200xf32, #tpu.memory_space<vmem>>[vector<16xi32>, vector<16xi32>], vector<16xf32>,
        %mul3A_626 = arith.constant 16 : i32
        %mul3A_627 = arith.muli %scan3A_411, %mul3A_626 : i32
        %add3A_628 = arith.constant 10 : i32
        %add3A_629 = arith.addi %mul3A_627, %add3A_628 : i32
        %mul3A_630 = arith.mulf %gather3A_621, %get3A_59 : vector<16xf32>
        %swap3A_631 = arith.index_cast %add3A_629 : i32 to index
        %swap3A_632 = arith.constant 0 : index
        %swap3A_633 = tpu.vector_load %arg11[%swap3A_631, %swap3A_632] {strides = array<i32>} : memref<128x128xf32, #tpu.memory_space<vmem>>, vector<16xf32>,
        tpu.vector_store %arg11[%swap3A_631, %swap3A_632], %mul3A_630 {strides = array<i32>} : memref<128x128xf32, #tpu.memory_space<vmem>>, vector<16xf32>,
        %mul3A_634 = arith.mulf %gather3A_625, %get3A_61 : vector<16xf32>
        %swap3A_635 = arith.index_cast %add3A_629 : i32 to index
        %swap3A_636 = arith.constant 16 : index
        %swap3A_637 = tpu.vector_load %arg11[%swap3A_635, %swap3A_636] {strides = array<i32>} : memref<128x128xf32, #tpu.memory_space<vmem>>, vector<16xf32>,
        tpu.vector_store %arg11[%swap3A_635, %swap3A_636], %mul3A_634 {strides = array<i32>} : memref<128x128xf32, #tpu.memory_space<vmem>>, vector<16xf32>,
        %slice3A_638 = vector.extract_strided_slice %sub3A_421 {offsets = [11], sizes = [1], strides = [1]} : vector<16xi32> to vector<1xi32>
        %squeeze3A_639 = vector.extract %slice3A_638[0] : i32 from vector<1xi32>
        %broadcast_in_dim3A_640 = vector.broadcast %squeeze3A_639 : i32 to vector<16xi32>
        %gather3A_641 = tpu.vector_load_idx %arg7[%iota3A, %broadcast_in_dim3A_640] : memref<32x3200xf32, #tpu.memory_space<vmem>>[vector<16xi32>, vector<16xi32>], vector<16xf32>,
        %add3A_642 = arith.constant 16 : i32
        %add3A_643 = vector.broadcast %add3A_642 : i32 to vector<16xi32>
        %add3A_644 = arith.addi %iota3A, %add3A_643 : vector<16xi32>
        %gather3A_645 = tpu.vector_load_idx %arg7[%add3A_644, %broadcast_in_dim3A_640] : memref<32x3200xf32, #tpu.memory_space<vmem>>[vector<16xi32>, vector<16xi32>], vector<16xf32>,
        %mul3A_646 = arith.constant 16 : i32
        %mul3A_647 = arith.muli %scan3A_411, %mul3A_646 : i32
        %add3A_648 = arith.constant 11 : i32
        %add3A_649 = arith.addi %mul3A_647, %add3A_648 : i32
        %mul3A_650 = arith.mulf %gather3A_641, %get3A_59 : vector<16xf32>
        %swap3A_651 = arith.index_cast %add3A_649 : i32 to index
        %swap3A_652 = arith.constant 0 : index
        %swap3A_653 = tpu.vector_load %arg11[%swap3A_651, %swap3A_652] {strides = array<i32>} : memref<128x128xf32, #tpu.memory_space<vmem>>, vector<16xf32>,
        tpu.vector_store %arg11[%swap3A_651, %swap3A_652], %mul3A_650 {strides = array<i32>} : memref<128x128xf32, #tpu.memory_space<vmem>>, vector<16xf32>,
        %mul3A_654 = arith.mulf %gather3A_645, %get3A_61 : vector<16xf32>
        %swap3A_655 = arith.index_cast %add3A_649 : i32 to index
        %swap3A_656 = arith.constant 16 : index
        %swap3A_657 = tpu.vector_load %arg11[%swap3A_655, %swap3A_656] {strides = array<i32>} : memref<128x128xf32, #tpu.memory_space<vmem>>, vector<16xf32>,
        tpu.vector_store %arg11[%swap3A_655, %swap3A_656], %mul3A_654 {strides = array<i32>} : memref<128x128xf32, #tpu.memory_space<vmem>>, vector<16xf32>,
        %slice3A_658 = vector.extract_strided_slice %sub3A_421 {offsets = [12], sizes = [1], strides = [1]} : vector<16xi32> to vector<1xi32>
        %squeeze3A_659 = vector.extract %slice3A_658[0] : i32 from vector<1xi32>
        %broadcast_in_dim3A_660 = vector.broadcast %squeeze3A_659 : i32 to vector<16xi32>
        %gather3A_661 = tpu.vector_load_idx %arg7[%iota3A, %broadcast_in_dim3A_660] : memref<32x3200xf32, #tpu.memory_space<vmem>>[vector<16xi32>, vector<16xi32>], vector<16xf32>,
        %add3A_662 = arith.constant 16 : i32
        %add3A_663 = vector.broadcast %add3A_662 : i32 to vector<16xi32>
        %add3A_664 = arith.addi %iota3A, %add3A_663 : vector<16xi32>
        %gather3A_665 = tpu.vector_load_idx %arg7[%add3A_664, %broadcast_in_dim3A_660] : memref<32x3200xf32, #tpu.memory_space<vmem>>[vector<16xi32>, vector<16xi32>], vector<16xf32>,
        %mul3A_666 = arith.constant 16 : i32
        %mul3A_667 = arith.muli %scan3A_411, %mul3A_666 : i32
        %add3A_668 = arith.constant 12 : i32
        %add3A_669 = arith.addi %mul3A_667, %add3A_668 : i32
        %mul3A_670 = arith.mulf %gather3A_661, %get3A_59 : vector<16xf32>
        %swap3A_671 = arith.index_cast %add3A_669 : i32 to index
        %swap3A_672 = arith.constant 0 : index
        %swap3A_673 = tpu.vector_load %arg11[%swap3A_671, %swap3A_672] {strides = array<i32>} : memref<128x128xf32, #tpu.memory_space<vmem>>, vector<16xf32>,
        tpu.vector_store %arg11[%swap3A_671, %swap3A_672], %mul3A_670 {strides = array<i32>} : memref<128x128xf32, #tpu.memory_space<vmem>>, vector<16xf32>,
        %mul3A_674 = arith.mulf %gather3A_665, %get3A_61 : vector<16xf32>
        %swap3A_675 = arith.index_cast %add3A_669 : i32 to index
        %swap3A_676 = arith.constant 16 : index
        %swap3A_677 = tpu.vector_load %arg11[%swap3A_675, %swap3A_676] {strides = array<i32>} : memref<128x128xf32, #tpu.memory_space<vmem>>, vector<16xf32>,
        tpu.vector_store %arg11[%swap3A_675, %swap3A_676], %mul3A_674 {strides = array<i32>} : memref<128x128xf32, #tpu.memory_space<vmem>>, vector<16xf32>,
        %slice3A_678 = vector.extract_strided_slice %sub3A_421 {offsets = [13], sizes = [1], strides = [1]} : vector<16xi32> to vector<1xi32>
        %squeeze3A_679 = vector.extract %slice3A_678[0] : i32 from vector<1xi32>
        %broadcast_in_dim3A_680 = vector.broadcast %squeeze3A_679 : i32 to vector<16xi32>
        %gather3A_681 = tpu.vector_load_idx %arg7[%iota3A, %broadcast_in_dim3A_680] : memref<32x3200xf32, #tpu.memory_space<vmem>>[vector<16xi32>, vector<16xi32>], vector<16xf32>,
        %add3A_682 = arith.constant 16 : i32
        %add3A_683 = vector.broadcast %add3A_682 : i32 to vector<16xi32>
        %add3A_684 = arith.addi %iota3A, %add3A_683 : vector<16xi32>
        %gather3A_685 = tpu.vector_load_idx %arg7[%add3A_684, %broadcast_in_dim3A_680] : memref<32x3200xf32, #tpu.memory_space<vmem>>[vector<16xi32>, vector<16xi32>], vector<16xf32>,
        %mul3A_686 = arith.constant 16 : i32
        %mul3A_687 = arith.muli %scan3A_411, %mul3A_686 : i32
        %add3A_688 = arith.constant 13 : i32
        %add3A_689 = arith.addi %mul3A_687, %add3A_688 : i32
        %mul3A_690 = arith.mulf %gather3A_681, %get3A_59 : vector<16xf32>
        %swap3A_691 = arith.index_cast %add3A_689 : i32 to index
        %swap3A_692 = arith.constant 0 : index
        %swap3A_693 = tpu.vector_load %arg11[%swap3A_691, %swap3A_692] {strides = array<i32>} : memref<128x128xf32, #tpu.memory_space<vmem>>, vector<16xf32>,
        tpu.vector_store %arg11[%swap3A_691, %swap3A_692], %mul3A_690 {strides = array<i32>} : memref<128x128xf32, #tpu.memory_space<vmem>>, vector<16xf32>,
        %mul3A_694 = arith.mulf %gather3A_685, %get3A_61 : vector<16xf32>
        %swap3A_695 = arith.index_cast %add3A_689 : i32 to index
        %swap3A_696 = arith.constant 16 : index
        %swap3A_697 = tpu.vector_load %arg11[%swap3A_695, %swap3A_696] {strides = array<i32>} : memref<128x128xf32, #tpu.memory_space<vmem>>, vector<16xf32>,
        tpu.vector_store %arg11[%swap3A_695, %swap3A_696], %mul3A_694 {strides = array<i32>} : memref<128x128xf32, #tpu.memory_space<vmem>>, vector<16xf32>,
        %slice3A_698 = vector.extract_strided_slice %sub3A_421 {offsets = [14], sizes = [1], strides = [1]} : vector<16xi32> to vector<1xi32>
        %squeeze3A_699 = vector.extract %slice3A_698[0] : i32 from vector<1xi32>
        %broadcast_in_dim3A_700 = vector.broadcast %squeeze3A_699 : i32 to vector<16xi32>
        %gather3A_701 = tpu.vector_load_idx %arg7[%iota3A, %broadcast_in_dim3A_700] : memref<32x3200xf32, #tpu.memory_space<vmem>>[vector<16xi32>, vector<16xi32>], vector<16xf32>,
        %add3A_702 = arith.constant 16 : i32
        %add3A_703 = vector.broadcast %add3A_702 : i32 to vector<16xi32>
        %add3A_704 = arith.addi %iota3A, %add3A_703 : vector<16xi32>
        %gather3A_705 = tpu.vector_load_idx %arg7[%add3A_704, %broadcast_in_dim3A_700] : memref<32x3200xf32, #tpu.memory_space<vmem>>[vector<16xi32>, vector<16xi32>], vector<16xf32>,
        %mul3A_706 = arith.constant 16 : i32
        %mul3A_707 = arith.muli %scan3A_411, %mul3A_706 : i32
        %add3A_708 = arith.constant 14 : i32
        %add3A_709 = arith.addi %mul3A_707, %add3A_708 : i32
        %mul3A_710 = arith.mulf %gather3A_701, %get3A_59 : vector<16xf32>
        %swap3A_711 = arith.index_cast %add3A_709 : i32 to index
        %swap3A_712 = arith.constant 0 : index
        %swap3A_713 = tpu.vector_load %arg11[%swap3A_711, %swap3A_712] {strides = array<i32>} : memref<128x128xf32, #tpu.memory_space<vmem>>, vector<16xf32>,
        tpu.vector_store %arg11[%swap3A_711, %swap3A_712], %mul3A_710 {strides = array<i32>} : memref<128x128xf32, #tpu.memory_space<vmem>>, vector<16xf32>,
        %mul3A_714 = arith.mulf %gather3A_705, %get3A_61 : vector<16xf32>
        %swap3A_715 = arith.index_cast %add3A_709 : i32 to index
        %swap3A_716 = arith.constant 16 : index
        %swap3A_717 = tpu.vector_load %arg11[%swap3A_715, %swap3A_716] {strides = array<i32>} : memref<128x128xf32, #tpu.memory_space<vmem>>, vector<16xf32>,
        tpu.vector_store %arg11[%swap3A_715, %swap3A_716], %mul3A_714 {strides = array<i32>} : memref<128x128xf32, #tpu.memory_space<vmem>>, vector<16xf32>,
        %slice3A_718 = vector.extract_strided_slice %sub3A_421 {offsets = [15], sizes = [1], strides = [1]} : vector<16xi32> to vector<1xi32>
        %squeeze3A_719 = vector.extract %slice3A_718[0] : i32 from vector<1xi32>
        %broadcast_in_dim3A_720 = vector.broadcast %squeeze3A_719 : i32 to vector<16xi32>
        %gather3A_721 = tpu.vector_load_idx %arg7[%iota3A, %broadcast_in_dim3A_720] : memref<32x3200xf32, #tpu.memory_space<vmem>>[vector<16xi32>, vector<16xi32>], vector<16xf32>,
        %add3A_722 = arith.constant 16 : i32
        %add3A_723 = vector.broadcast %add3A_722 : i32 to vector<16xi32>
        %add3A_724 = arith.addi %iota3A, %add3A_723 : vector<16xi32>
        %gather3A_725 = tpu.vector_load_idx %arg7[%add3A_724, %broadcast_in_dim3A_720] : memref<32x3200xf32, #tpu.memory_space<vmem>>[vector<16xi32>, vector<16xi32>], vector<16xf32>,
        %mul3A_726 = arith.constant 16 : i32
        %mul3A_727 = arith.muli %scan3A_411, %mul3A_726 : i32
        %add3A_728 = arith.constant 15 : i32
        %add3A_729 = arith.addi %mul3A_727, %add3A_728 : i32
        %mul3A_730 = arith.mulf %gather3A_721, %get3A_59 : vector<16xf32>
        %swap3A_731 = arith.index_cast %add3A_729 : i32 to index
        %swap3A_732 = arith.constant 0 : index
        %swap3A_733 = tpu.vector_load %arg11[%swap3A_731, %swap3A_732] {strides = array<i32>} : memref<128x128xf32, #tpu.memory_space<vmem>>, vector<16xf32>,
        tpu.vector_store %arg11[%swap3A_731, %swap3A_732], %mul3A_730 {strides = array<i32>} : memref<128x128xf32, #tpu.memory_space<vmem>>, vector<16xf32>,
        %mul3A_734 = arith.mulf %gather3A_725, %get3A_61 : vector<16xf32>
        %swap3A_735 = arith.index_cast %add3A_729 : i32 to index
        %swap3A_736 = arith.constant 16 : index
        %swap3A_737 = tpu.vector_load %arg11[%swap3A_735, %swap3A_736] {strides = array<i32>} : memref<128x128xf32, #tpu.memory_space<vmem>>, vector<16xf32>,
        tpu.vector_store %arg11[%swap3A_735, %swap3A_736], %mul3A_734 {strides = array<i32>} : memref<128x128xf32, #tpu.memory_space<vmem>>, vector<16xf32>,
      }
      %scan3A_396 = arith.constant 8 : i32
      %dma_start3A_397 = arith.constant 0 : i32
      %dma_start3A_398 = arith.constant 0 : i32
      %dma_start3A_399 = tpu.memref_slice %arg10[%dma_start3A_397, %dma_start3A_398] : memref<6x128xi32, #tpu.memory_space<vmem>> -> memref<1x128xi32, #tpu.memory_space<vmem>>
      %dma_start3A_400 = tpu.memref_squeeze %dma_start3A_399 : memref<1x128xi32, #tpu.memory_space<vmem>> -> memref<128xi32, #tpu.memory_space<vmem>>
      %dma_start3A_401 = arith.constant 0 : i32
      %dma_start3A_402 = arith.constant 0 : i32
      %dma_start3A_403 = tpu.memref_slice %arg5[%dma_start3A_401, %dma_start3A_402] : memref<16640x128xf32, #tpu.memory_space<hbm>> -> memref<16640x128xf32, #tpu.memory_space<hbm>>
      tpu.enqueue_indirect_dma source(%arg11 : memref<128x128xf32, #tpu.memory_space<vmem>>) target(%dma_start3A_403 : memref<16640x128xf32, #tpu.memory_space<hbm>>) offsets(%dma_start3A_400 : memref<128xi32, #tpu.memory_space<vmem>>) semaphore(%arg13 : memref<!tpu.dma_semaphore, #tpu.memory_space<semaphore_mem>>)
      %dma_wait3A_404 = arith.constant 0 : i32
      %dma_wait3A_405 = arith.constant 0 : i32
      %dma_wait3A_406 = tpu.memref_slice %arg10[%dma_wait3A_404, %dma_wait3A_405] : memref<6x128xi32, #tpu.memory_space<vmem>> -> memref<1x128xi32, #tpu.memory_space<vmem>>
      %dma_wait3A_407 = tpu.memref_squeeze %dma_wait3A_406 : memref<1x128xi32, #tpu.memory_space<vmem>> -> memref<128xi32, #tpu.memory_space<vmem>>
      %dma_wait3A_408 = arith.constant 0 : i32
      %dma_wait3A_409 = arith.constant 0 : i32
      %dma_wait3A_410 = tpu.memref_slice %arg5[%dma_wait3A_408, %dma_wait3A_409] : memref<16640x128xf32, #tpu.memory_space<hbm>> -> memref<16640x128xf32, #tpu.memory_space<hbm>>
      tpu.wait_indirect_dma semaphore(%arg13 : memref<!tpu.dma_semaphore, #tpu.memory_space<semaphore_mem>>) src(%arg11 : memref<128x128xf32, #tpu.memory_space<vmem>>) dst(%dma_wait3A_410 : memref<16640x128xf32, #tpu.memory_space<hbm>>)
    } else {
    }
    %gt3A_366 = arith.constant 128 : i32
    %gt3A_367 = arith.cmpi sgt, %scan3A_72, %gt3A_366 : i32
    %convert_element_type3A_368 = arith.extui %gt3A_367 : i1 to i32
    %cond3A_369 = arith.constant 0 : i32
    %cond3A_370 = arith.cmpi ne, %convert_element_type3A_368, %cond3A_369 : i32
    scf.if %cond3A_370 {
      %scan3A_391 = arith.constant 0 : i32
      %scan3A_392 = arith.constant 0 : i32
      %scan3A_393 = arith.constant 8 : i32
      %scan3A_394 = arith.addi %scan3A_392, %scan3A_393 : i32
      %scan3A_395 = arith.constant 1 : i32
      scf.for %scan3A_411 = %scan3A_392 to %scan3A_394 step %scan3A_395  : i32 {
        %mul3A_412 = arith.constant 16 : i32
        %mul3A_413 = arith.muli %scan3A_411, %mul3A_412 : i32
        %add3A_414 = arith.constant 128 : i32
        %add3A_415 = arith.addi %add3A_414, %mul3A_413 : i32
        %get3A_416 = arith.index_cast %add3A_415 : i32 to index
        %get3A_417 = tpu.vector_load %arg8[%get3A_416] {strides = array<i32>} : memref<784xi32, #tpu.memory_space<vmem>>, vector<16xi32>,
        %mul3A_418 = arith.constant 128 : i32
        %mul3A_419 = arith.muli %min3A_53, %mul3A_418 : i32
        %sub3A_420 = vector.broadcast %mul3A_419 : i32 to vector<16xi32>
        %sub3A_421 = arith.subi %get3A_417, %sub3A_420 : vector<16xi32>
        %slice3A = vector.extract_strided_slice %sub3A_421 {offsets = [0], sizes = [1], strides = [1]} : vector<16xi32> to vector<1xi32>
        %squeeze3A = vector.extract %slice3A[0] : i32 from vector<1xi32>
        %broadcast_in_dim3A = vector.broadcast %squeeze3A : i32 to vector<16xi32>
        %gather3A = tpu.vector_load_idx %arg7[%iota3A, %broadcast_in_dim3A] : memref<32x3200xf32, #tpu.memory_space<vmem>>[vector<16xi32>, vector<16xi32>], vector<16xf32>,
        %add3A_422 = arith.constant 16 : i32
        %add3A_423 = vector.broadcast %add3A_422 : i32 to vector<16xi32>
        %add3A_424 = arith.addi %iota3A, %add3A_423 : vector<16xi32>
        %gather3A_425 = tpu.vector_load_idx %arg7[%add3A_424, %broadcast_in_dim3A] : memref<32x3200xf32, #tpu.memory_space<vmem>>[vector<16xi32>, vector<16xi32>], vector<16xf32>,
        %mul3A_426 = arith.constant 16 : i32
        %mul3A_427 = arith.muli %scan3A_411, %mul3A_426 : i32
        %add3A_428 = arith.constant 0 : i32
        %add3A_429 = arith.addi %mul3A_427, %add3A_428 : i32
        %mul3A_430 = arith.mulf %gather3A, %get3A_59 : vector<16xf32>
        %swap3A_431 = arith.index_cast %add3A_429 : i32 to index
        %swap3A_432 = arith.constant 0 : index
        %swap3A_433 = tpu.vector_load %arg11[%swap3A_431, %swap3A_432] {strides = array<i32>} : memref<128x128xf32, #tpu.memory_space<vmem>>, vector<16xf32>,
        tpu.vector_store %arg11[%swap3A_431, %swap3A_432], %mul3A_430 {strides = array<i32>} : memref<128x128xf32, #tpu.memory_space<vmem>>, vector<16xf32>,
        %mul3A_434 = arith.mulf %gather3A_425, %get3A_61 : vector<16xf32>
        %swap3A_435 = arith.index_cast %add3A_429 : i32 to index
        %swap3A_436 = arith.constant 16 : index
        %swap3A_437 = tpu.vector_load %arg11[%swap3A_435, %swap3A_436] {strides = array<i32>} : memref<128x128xf32, #tpu.memory_space<vmem>>, vector<16xf32>,
        tpu.vector_store %arg11[%swap3A_435, %swap3A_436], %mul3A_434 {strides = array<i32>} : memref<128x128xf32, #tpu.memory_space<vmem>>, vector<16xf32>,
        %slice3A_438 = vector.extract_strided_slice %sub3A_421 {offsets = [1], sizes = [1], strides = [1]} : vector<16xi32> to vector<1xi32>
        %squeeze3A_439 = vector.extract %slice3A_438[0] : i32 from vector<1xi32>
        %broadcast_in_dim3A_440 = vector.broadcast %squeeze3A_439 : i32 to vector<16xi32>
        %gather3A_441 = tpu.vector_load_idx %arg7[%iota3A, %broadcast_in_dim3A_440] : memref<32x3200xf32, #tpu.memory_space<vmem>>[vector<16xi32>, vector<16xi32>], vector<16xf32>,
        %add3A_442 = arith.constant 16 : i32
        %add3A_443 = vector.broadcast %add3A_442 : i32 to vector<16xi32>
        %add3A_444 = arith.addi %iota3A, %add3A_443 : vector<16xi32>
        %gather3A_445 = tpu.vector_load_idx %arg7[%add3A_444, %broadcast_in_dim3A_440] : memref<32x3200xf32, #tpu.memory_space<vmem>>[vector<16xi32>, vector<16xi32>], vector<16xf32>,
        %mul3A_446 = arith.constant 16 : i32
        %mul3A_447 = arith.muli %scan3A_411, %mul3A_446 : i32
        %add3A_448 = arith.constant 1 : i32
        %add3A_449 = arith.addi %mul3A_447, %add3A_448 : i32
        %mul3A_450 = arith.mulf %gather3A_441, %get3A_59 : vector<16xf32>
        %swap3A_451 = arith.index_cast %add3A_449 : i32 to index
        %swap3A_452 = arith.constant 0 : index
        %swap3A_453 = tpu.vector_load %arg11[%swap3A_451, %swap3A_452] {strides = array<i32>} : memref<128x128xf32, #tpu.memory_space<vmem>>, vector<16xf32>,
        tpu.vector_store %arg11[%swap3A_451, %swap3A_452], %mul3A_450 {strides = array<i32>} : memref<128x128xf32, #tpu.memory_space<vmem>>, vector<16xf32>,
        %mul3A_454 = arith.mulf %gather3A_445, %get3A_61 : vector<16xf32>
        %swap3A_455 = arith.index_cast %add3A_449 : i32 to index
        %swap3A_456 = arith.constant 16 : index
        %swap3A_457 = tpu.vector_load %arg11[%swap3A_455, %swap3A_456] {strides = array<i32>} : memref<128x128xf32, #tpu.memory_space<vmem>>, vector<16xf32>,
        tpu.vector_store %arg11[%swap3A_455, %swap3A_456], %mul3A_454 {strides = array<i32>} : memref<128x128xf32, #tpu.memory_space<vmem>>, vector<16xf32>,
        %slice3A_458 = vector.extract_strided_slice %sub3A_421 {offsets = [2], sizes = [1], strides = [1]} : vector<16xi32> to vector<1xi32>
        %squeeze3A_459 = vector.extract %slice3A_458[0] : i32 from vector<1xi32>
        %broadcast_in_dim3A_460 = vector.broadcast %squeeze3A_459 : i32 to vector<16xi32>
        %gather3A_461 = tpu.vector_load_idx %arg7[%iota3A, %broadcast_in_dim3A_460] : memref<32x3200xf32, #tpu.memory_space<vmem>>[vector<16xi32>, vector<16xi32>], vector<16xf32>,
        %add3A_462 = arith.constant 16 : i32
        %add3A_463 = vector.broadcast %add3A_462 : i32 to vector<16xi32>
        %add3A_464 = arith.addi %iota3A, %add3A_463 : vector<16xi32>
        %gather3A_465 = tpu.vector_load_idx %arg7[%add3A_464, %broadcast_in_dim3A_460] : memref<32x3200xf32, #tpu.memory_space<vmem>>[vector<16xi32>, vector<16xi32>], vector<16xf32>,
        %mul3A_466 = arith.constant 16 : i32
        %mul3A_467 = arith.muli %scan3A_411, %mul3A_466 : i32
        %add3A_468 = arith.constant 2 : i32
        %add3A_469 = arith.addi %mul3A_467, %add3A_468 : i32
        %mul3A_470 = arith.mulf %gather3A_461, %get3A_59 : vector<16xf32>
        %swap3A_471 = arith.index_cast %add3A_469 : i32 to index
        %swap3A_472 = arith.constant 0 : index
        %swap3A_473 = tpu.vector_load %arg11[%swap3A_471, %swap3A_472] {strides = array<i32>} : memref<128x128xf32, #tpu.memory_space<vmem>>, vector<16xf32>,
        tpu.vector_store %arg11[%swap3A_471, %swap3A_472], %mul3A_470 {strides = array<i32>} : memref<128x128xf32, #tpu.memory_space<vmem>>, vector<16xf32>,
        %mul3A_474 = arith.mulf %gather3A_465, %get3A_61 : vector<16xf32>
        %swap3A_475 = arith.index_cast %add3A_469 : i32 to index
        %swap3A_476 = arith.constant 16 : index
        %swap3A_477 = tpu.vector_load %arg11[%swap3A_475, %swap3A_476] {strides = array<i32>} : memref<128x128xf32, #tpu.memory_space<vmem>>, vector<16xf32>,
        tpu.vector_store %arg11[%swap3A_475, %swap3A_476], %mul3A_474 {strides = array<i32>} : memref<128x128xf32, #tpu.memory_space<vmem>>, vector<16xf32>,
        %slice3A_478 = vector.extract_strided_slice %sub3A_421 {offsets = [3], sizes = [1], strides = [1]} : vector<16xi32> to vector<1xi32>
        %squeeze3A_479 = vector.extract %slice3A_478[0] : i32 from vector<1xi32>
        %broadcast_in_dim3A_480 = vector.broadcast %squeeze3A_479 : i32 to vector<16xi32>
        %gather3A_481 = tpu.vector_load_idx %arg7[%iota3A, %broadcast_in_dim3A_480] : memref<32x3200xf32, #tpu.memory_space<vmem>>[vector<16xi32>, vector<16xi32>], vector<16xf32>,
        %add3A_482 = arith.constant 16 : i32
        %add3A_483 = vector.broadcast %add3A_482 : i32 to vector<16xi32>
        %add3A_484 = arith.addi %iota3A, %add3A_483 : vector<16xi32>
        %gather3A_485 = tpu.vector_load_idx %arg7[%add3A_484, %broadcast_in_dim3A_480] : memref<32x3200xf32, #tpu.memory_space<vmem>>[vector<16xi32>, vector<16xi32>], vector<16xf32>,
        %mul3A_486 = arith.constant 16 : i32
        %mul3A_487 = arith.muli %scan3A_411, %mul3A_486 : i32
        %add3A_488 = arith.constant 3 : i32
        %add3A_489 = arith.addi %mul3A_487, %add3A_488 : i32
        %mul3A_490 = arith.mulf %gather3A_481, %get3A_59 : vector<16xf32>
        %swap3A_491 = arith.index_cast %add3A_489 : i32 to index
        %swap3A_492 = arith.constant 0 : index
        %swap3A_493 = tpu.vector_load %arg11[%swap3A_491, %swap3A_492] {strides = array<i32>} : memref<128x128xf32, #tpu.memory_space<vmem>>, vector<16xf32>,
        tpu.vector_store %arg11[%swap3A_491, %swap3A_492], %mul3A_490 {strides = array<i32>} : memref<128x128xf32, #tpu.memory_space<vmem>>, vector<16xf32>,
        %mul3A_494 = arith.mulf %gather3A_485, %get3A_61 : vector<16xf32>
        %swap3A_495 = arith.index_cast %add3A_489 : i32 to index
        %swap3A_496 = arith.constant 16 : index
        %swap3A_497 = tpu.vector_load %arg11[%swap3A_495, %swap3A_496] {strides = array<i32>} : memref<128x128xf32, #tpu.memory_space<vmem>>, vector<16xf32>,
        tpu.vector_store %arg11[%swap3A_495, %swap3A_496], %mul3A_494 {strides = array<i32>} : memref<128x128xf32, #tpu.memory_space<vmem>>, vector<16xf32>,
        %slice3A_498 = vector.extract_strided_slice %sub3A_421 {offsets = [4], sizes = [1], strides = [1]} : vector<16xi32> to vector<1xi32>
        %squeeze3A_499 = vector.extract %slice3A_498[0] : i32 from vector<1xi32>
        %broadcast_in_dim3A_500 = vector.broadcast %squeeze3A_499 : i32 to vector<16xi32>
        %gather3A_501 = tpu.vector_load_idx %arg7[%iota3A, %broadcast_in_dim3A_500] : memref<32x3200xf32, #tpu.memory_space<vmem>>[vector<16xi32>, vector<16xi32>], vector<16xf32>,
        %add3A_502 = arith.constant 16 : i32
        %add3A_503 = vector.broadcast %add3A_502 : i32 to vector<16xi32>
        %add3A_504 = arith.addi %iota3A, %add3A_503 : vector<16xi32>
        %gather3A_505 = tpu.vector_load_idx %arg7[%add3A_504, %broadcast_in_dim3A_500] : memref<32x3200xf32, #tpu.memory_space<vmem>>[vector<16xi32>, vector<16xi32>], vector<16xf32>,
        %mul3A_506 = arith.constant 16 : i32
        %mul3A_507 = arith.muli %scan3A_411, %mul3A_506 : i32
        %add3A_508 = arith.constant 4 : i32
        %add3A_509 = arith.addi %mul3A_507, %add3A_508 : i32
        %mul3A_510 = arith.mulf %gather3A_501, %get3A_59 : vector<16xf32>
        %swap3A_511 = arith.index_cast %add3A_509 : i32 to index
        %swap3A_512 = arith.constant 0 : index
        %swap3A_513 = tpu.vector_load %arg11[%swap3A_511, %swap3A_512] {strides = array<i32>} : memref<128x128xf32, #tpu.memory_space<vmem>>, vector<16xf32>,
        tpu.vector_store %arg11[%swap3A_511, %swap3A_512], %mul3A_510 {strides = array<i32>} : memref<128x128xf32, #tpu.memory_space<vmem>>, vector<16xf32>,
        %mul3A_514 = arith.mulf %gather3A_505, %get3A_61 : vector<16xf32>
        %swap3A_515 = arith.index_cast %add3A_509 : i32 to index
        %swap3A_516 = arith.constant 16 : index
        %swap3A_517 = tpu.vector_load %arg11[%swap3A_515, %swap3A_516] {strides = array<i32>} : memref<128x128xf32, #tpu.memory_space<vmem>>, vector<16xf32>,
        tpu.vector_store %arg11[%swap3A_515, %swap3A_516], %mul3A_514 {strides = array<i32>} : memref<128x128xf32, #tpu.memory_space<vmem>>, vector<16xf32>,
        %slice3A_518 = vector.extract_strided_slice %sub3A_421 {offsets = [5], sizes = [1], strides = [1]} : vector<16xi32> to vector<1xi32>
        %squeeze3A_519 = vector.extract %slice3A_518[0] : i32 from vector<1xi32>
        %broadcast_in_dim3A_520 = vector.broadcast %squeeze3A_519 : i32 to vector<16xi32>
        %gather3A_521 = tpu.vector_load_idx %arg7[%iota3A, %broadcast_in_dim3A_520] : memref<32x3200xf32, #tpu.memory_space<vmem>>[vector<16xi32>, vector<16xi32>], vector<16xf32>,
        %add3A_522 = arith.constant 16 : i32
        %add3A_523 = vector.broadcast %add3A_522 : i32 to vector<16xi32>
        %add3A_524 = arith.addi %iota3A, %add3A_523 : vector<16xi32>
        %gather3A_525 = tpu.vector_load_idx %arg7[%add3A_524, %broadcast_in_dim3A_520] : memref<32x3200xf32, #tpu.memory_space<vmem>>[vector<16xi32>, vector<16xi32>], vector<16xf32>,
        %mul3A_526 = arith.constant 16 : i32
        %mul3A_527 = arith.muli %scan3A_411, %mul3A_526 : i32
        %add3A_528 = arith.constant 5 : i32
        %add3A_529 = arith.addi %mul3A_527, %add3A_528 : i32
        %mul3A_530 = arith.mulf %gather3A_521, %get3A_59 : vector<16xf32>
        %swap3A_531 = arith.index_cast %add3A_529 : i32 to index
        %swap3A_532 = arith.constant 0 : index
        %swap3A_533 = tpu.vector_load %arg11[%swap3A_531, %swap3A_532] {strides = array<i32>} : memref<128x128xf32, #tpu.memory_space<vmem>>, vector<16xf32>,
        tpu.vector_store %arg11[%swap3A_531, %swap3A_532], %mul3A_530 {strides = array<i32>} : memref<128x128xf32, #tpu.memory_space<vmem>>, vector<16xf32>,
        %mul3A_534 = arith.mulf %gather3A_525, %get3A_61 : vector<16xf32>
        %swap3A_535 = arith.index_cast %add3A_529 : i32 to index
        %swap3A_536 = arith.constant 16 : index
        %swap3A_537 = tpu.vector_load %arg11[%swap3A_535, %swap3A_536] {strides = array<i32>} : memref<128x128xf32, #tpu.memory_space<vmem>>, vector<16xf32>,
        tpu.vector_store %arg11[%swap3A_535, %swap3A_536], %mul3A_534 {strides = array<i32>} : memref<128x128xf32, #tpu.memory_space<vmem>>, vector<16xf32>,
        %slice3A_538 = vector.extract_strided_slice %sub3A_421 {offsets = [6], sizes = [1], strides = [1]} : vector<16xi32> to vector<1xi32>
        %squeeze3A_539 = vector.extract %slice3A_538[0] : i32 from vector<1xi32>
        %broadcast_in_dim3A_540 = vector.broadcast %squeeze3A_539 : i32 to vector<16xi32>
        %gather3A_541 = tpu.vector_load_idx %arg7[%iota3A, %broadcast_in_dim3A_540] : memref<32x3200xf32, #tpu.memory_space<vmem>>[vector<16xi32>, vector<16xi32>], vector<16xf32>,
        %add3A_542 = arith.constant 16 : i32
        %add3A_543 = vector.broadcast %add3A_542 : i32 to vector<16xi32>
        %add3A_544 = arith.addi %iota3A, %add3A_543 : vector<16xi32>
        %gather3A_545 = tpu.vector_load_idx %arg7[%add3A_544, %broadcast_in_dim3A_540] : memref<32x3200xf32, #tpu.memory_space<vmem>>[vector<16xi32>, vector<16xi32>], vector<16xf32>,
        %mul3A_546 = arith.constant 16 : i32
        %mul3A_547 = arith.muli %scan3A_411, %mul3A_546 : i32
        %add3A_548 = arith.constant 6 : i32
        %add3A_549 = arith.addi %mul3A_547, %add3A_548 : i32
        %mul3A_550 = arith.mulf %gather3A_541, %get3A_59 : vector<16xf32>
        %swap3A_551 = arith.index_cast %add3A_549 : i32 to index
        %swap3A_552 = arith.constant 0 : index
        %swap3A_553 = tpu.vector_load %arg11[%swap3A_551, %swap3A_552] {strides = array<i32>} : memref<128x128xf32, #tpu.memory_space<vmem>>, vector<16xf32>,
        tpu.vector_store %arg11[%swap3A_551, %swap3A_552], %mul3A_550 {strides = array<i32>} : memref<128x128xf32, #tpu.memory_space<vmem>>, vector<16xf32>,
        %mul3A_554 = arith.mulf %gather3A_545, %get3A_61 : vector<16xf32>
        %swap3A_555 = arith.index_cast %add3A_549 : i32 to index
        %swap3A_556 = arith.constant 16 : index
        %swap3A_557 = tpu.vector_load %arg11[%swap3A_555, %swap3A_556] {strides = array<i32>} : memref<128x128xf32, #tpu.memory_space<vmem>>, vector<16xf32>,
        tpu.vector_store %arg11[%swap3A_555, %swap3A_556], %mul3A_554 {strides = array<i32>} : memref<128x128xf32, #tpu.memory_space<vmem>>, vector<16xf32>,
        %slice3A_558 = vector.extract_strided_slice %sub3A_421 {offsets = [7], sizes = [1], strides = [1]} : vector<16xi32> to vector<1xi32>
        %squeeze3A_559 = vector.extract %slice3A_558[0] : i32 from vector<1xi32>
        %broadcast_in_dim3A_560 = vector.broadcast %squeeze3A_559 : i32 to vector<16xi32>
        %gather3A_561 = tpu.vector_load_idx %arg7[%iota3A, %broadcast_in_dim3A_560] : memref<32x3200xf32, #tpu.memory_space<vmem>>[vector<16xi32>, vector<16xi32>], vector<16xf32>,
        %add3A_562 = arith.constant 16 : i32
        %add3A_563 = vector.broadcast %add3A_562 : i32 to vector<16xi32>
        %add3A_564 = arith.addi %iota3A, %add3A_563 : vector<16xi32>
        %gather3A_565 = tpu.vector_load_idx %arg7[%add3A_564, %broadcast_in_dim3A_560] : memref<32x3200xf32, #tpu.memory_space<vmem>>[vector<16xi32>, vector<16xi32>], vector<16xf32>,
        %mul3A_566 = arith.constant 16 : i32
        %mul3A_567 = arith.muli %scan3A_411, %mul3A_566 : i32
        %add3A_568 = arith.constant 7 : i32
        %add3A_569 = arith.addi %mul3A_567, %add3A_568 : i32
        %mul3A_570 = arith.mulf %gather3A_561, %get3A_59 : vector<16xf32>
        %swap3A_571 = arith.index_cast %add3A_569 : i32 to index
        %swap3A_572 = arith.constant 0 : index
        %swap3A_573 = tpu.vector_load %arg11[%swap3A_571, %swap3A_572] {strides = array<i32>} : memref<128x128xf32, #tpu.memory_space<vmem>>, vector<16xf32>,
        tpu.vector_store %arg11[%swap3A_571, %swap3A_572], %mul3A_570 {strides = array<i32>} : memref<128x128xf32, #tpu.memory_space<vmem>>, vector<16xf32>,
        %mul3A_574 = arith.mulf %gather3A_565, %get3A_61 : vector<16xf32>
        %swap3A_575 = arith.index_cast %add3A_569 : i32 to index
        %swap3A_576 = arith.constant 16 : index
        %swap3A_577 = tpu.vector_load %arg11[%swap3A_575, %swap3A_576] {strides = array<i32>} : memref<128x128xf32, #tpu.memory_space<vmem>>, vector<16xf32>,
        tpu.vector_store %arg11[%swap3A_575, %swap3A_576], %mul3A_574 {strides = array<i32>} : memref<128x128xf32, #tpu.memory_space<vmem>>, vector<16xf32>,
        %slice3A_578 = vector.extract_strided_slice %sub3A_421 {offsets = [8], sizes = [1], strides = [1]} : vector<16xi32> to vector<1xi32>
        %squeeze3A_579 = vector.extract %slice3A_578[0] : i32 from vector<1xi32>
        %broadcast_in_dim3A_580 = vector.broadcast %squeeze3A_579 : i32 to vector<16xi32>
        %gather3A_581 = tpu.vector_load_idx %arg7[%iota3A, %broadcast_in_dim3A_580] : memref<32x3200xf32, #tpu.memory_space<vmem>>[vector<16xi32>, vector<16xi32>], vector<16xf32>,
        %add3A_582 = arith.constant 16 : i32
        %add3A_583 = vector.broadcast %add3A_582 : i32 to vector<16xi32>
        %add3A_584 = arith.addi %iota3A, %add3A_583 : vector<16xi32>
        %gather3A_585 = tpu.vector_load_idx %arg7[%add3A_584, %broadcast_in_dim3A_580] : memref<32x3200xf32, #tpu.memory_space<vmem>>[vector<16xi32>, vector<16xi32>], vector<16xf32>,
        %mul3A_586 = arith.constant 16 : i32
        %mul3A_587 = arith.muli %scan3A_411, %mul3A_586 : i32
        %add3A_588 = arith.constant 8 : i32
        %add3A_589 = arith.addi %mul3A_587, %add3A_588 : i32
        %mul3A_590 = arith.mulf %gather3A_581, %get3A_59 : vector<16xf32>
        %swap3A_591 = arith.index_cast %add3A_589 : i32 to index
        %swap3A_592 = arith.constant 0 : index
        %swap3A_593 = tpu.vector_load %arg11[%swap3A_591, %swap3A_592] {strides = array<i32>} : memref<128x128xf32, #tpu.memory_space<vmem>>, vector<16xf32>,
        tpu.vector_store %arg11[%swap3A_591, %swap3A_592], %mul3A_590 {strides = array<i32>} : memref<128x128xf32, #tpu.memory_space<vmem>>, vector<16xf32>,
        %mul3A_594 = arith.mulf %gather3A_585, %get3A_61 : vector<16xf32>
        %swap3A_595 = arith.index_cast %add3A_589 : i32 to index
        %swap3A_596 = arith.constant 16 : index
        %swap3A_597 = tpu.vector_load %arg11[%swap3A_595, %swap3A_596] {strides = array<i32>} : memref<128x128xf32, #tpu.memory_space<vmem>>, vector<16xf32>,
        tpu.vector_store %arg11[%swap3A_595, %swap3A_596], %mul3A_594 {strides = array<i32>} : memref<128x128xf32, #tpu.memory_space<vmem>>, vector<16xf32>,
        %slice3A_598 = vector.extract_strided_slice %sub3A_421 {offsets = [9], sizes = [1], strides = [1]} : vector<16xi32> to vector<1xi32>
        %squeeze3A_599 = vector.extract %slice3A_598[0] : i32 from vector<1xi32>
        %broadcast_in_dim3A_600 = vector.broadcast %squeeze3A_599 : i32 to vector<16xi32>
        %gather3A_601 = tpu.vector_load_idx %arg7[%iota3A, %broadcast_in_dim3A_600] : memref<32x3200xf32, #tpu.memory_space<vmem>>[vector<16xi32>, vector<16xi32>], vector<16xf32>,
        %add3A_602 = arith.constant 16 : i32
        %add3A_603 = vector.broadcast %add3A_602 : i32 to vector<16xi32>
        %add3A_604 = arith.addi %iota3A, %add3A_603 : vector<16xi32>
        %gather3A_605 = tpu.vector_load_idx %arg7[%add3A_604, %broadcast_in_dim3A_600] : memref<32x3200xf32, #tpu.memory_space<vmem>>[vector<16xi32>, vector<16xi32>], vector<16xf32>,
        %mul3A_606 = arith.constant 16 : i32
        %mul3A_607 = arith.muli %scan3A_411, %mul3A_606 : i32
        %add3A_608 = arith.constant 9 : i32
        %add3A_609 = arith.addi %mul3A_607, %add3A_608 : i32
        %mul3A_610 = arith.mulf %gather3A_601, %get3A_59 : vector<16xf32>
        %swap3A_611 = arith.index_cast %add3A_609 : i32 to index
        %swap3A_612 = arith.constant 0 : index
        %swap3A_613 = tpu.vector_load %arg11[%swap3A_611, %swap3A_612] {strides = array<i32>} : memref<128x128xf32, #tpu.memory_space<vmem>>, vector<16xf32>,
        tpu.vector_store %arg11[%swap3A_611, %swap3A_612], %mul3A_610 {strides = array<i32>} : memref<128x128xf32, #tpu.memory_space<vmem>>, vector<16xf32>,
        %mul3A_614 = arith.mulf %gather3A_605, %get3A_61 : vector<16xf32>
        %swap3A_615 = arith.index_cast %add3A_609 : i32 to index
        %swap3A_616 = arith.constant 16 : index
        %swap3A_617 = tpu.vector_load %arg11[%swap3A_615, %swap3A_616] {strides = array<i32>} : memref<128x128xf32, #tpu.memory_space<vmem>>, vector<16xf32>,
        tpu.vector_store %arg11[%swap3A_615, %swap3A_616], %mul3A_614 {strides = array<i32>} : memref<128x128xf32, #tpu.memory_space<vmem>>, vector<16xf32>,
        %slice3A_618 = vector.extract_strided_slice %sub3A_421 {offsets = [10], sizes = [1], strides = [1]} : vector<16xi32> to vector<1xi32>
        %squeeze3A_619 = vector.extract %slice3A_618[0] : i32 from vector<1xi32>
        %broadcast_in_dim3A_620 = vector.broadcast %squeeze3A_619 : i32 to vector<16xi32>
        %gather3A_621 = tpu.vector_load_idx %arg7[%iota3A, %broadcast_in_dim3A_620] : memref<32x3200xf32, #tpu.memory_space<vmem>>[vector<16xi32>, vector<16xi32>], vector<16xf32>,
        %add3A_622 = arith.constant 16 : i32
        %add3A_623 = vector.broadcast %add3A_622 : i32 to vector<16xi32>
        %add3A_624 = arith.addi %iota3A, %add3A_623 : vector<16xi32>
        %gather3A_625 = tpu.vector_load_idx %arg7[%add3A_624, %broadcast_in_dim3A_620] : memref<32x3200xf32, #tpu.memory_space<vmem>>[vector<16xi32>, vector<16xi32>], vector<16xf32>,
        %mul3A_626 = arith.constant 16 : i32
        %mul3A_627 = arith.muli %scan3A_411, %mul3A_626 : i32
        %add3A_628 = arith.constant 10 : i32
        %add3A_629 = arith.addi %mul3A_627, %add3A_628 : i32
        %mul3A_630 = arith.mulf %gather3A_621, %get3A_59 : vector<16xf32>
        %swap3A_631 = arith.index_cast %add3A_629 : i32 to index
        %swap3A_632 = arith.constant 0 : index
        %swap3A_633 = tpu.vector_load %arg11[%swap3A_631, %swap3A_632] {strides = array<i32>} : memref<128x128xf32, #tpu.memory_space<vmem>>, vector<16xf32>,
        tpu.vector_store %arg11[%swap3A_631, %swap3A_632], %mul3A_630 {strides = array<i32>} : memref<128x128xf32, #tpu.memory_space<vmem>>, vector<16xf32>,
        %mul3A_634 = arith.mulf %gather3A_625, %get3A_61 : vector<16xf32>
        %swap3A_635 = arith.index_cast %add3A_629 : i32 to index
        %swap3A_636 = arith.constant 16 : index
        %swap3A_637 = tpu.vector_load %arg11[%swap3A_635, %swap3A_636] {strides = array<i32>} : memref<128x128xf32, #tpu.memory_space<vmem>>, vector<16xf32>,
        tpu.vector_store %arg11[%swap3A_635, %swap3A_636], %mul3A_634 {strides = array<i32>} : memref<128x128xf32, #tpu.memory_space<vmem>>, vector<16xf32>,
        %slice3A_638 = vector.extract_strided_slice %sub3A_421 {offsets = [11], sizes = [1], strides = [1]} : vector<16xi32> to vector<1xi32>
        %squeeze3A_639 = vector.extract %slice3A_638[0] : i32 from vector<1xi32>
        %broadcast_in_dim3A_640 = vector.broadcast %squeeze3A_639 : i32 to vector<16xi32>
        %gather3A_641 = tpu.vector_load_idx %arg7[%iota3A, %broadcast_in_dim3A_640] : memref<32x3200xf32, #tpu.memory_space<vmem>>[vector<16xi32>, vector<16xi32>], vector<16xf32>,
        %add3A_642 = arith.constant 16 : i32
        %add3A_643 = vector.broadcast %add3A_642 : i32 to vector<16xi32>
        %add3A_644 = arith.addi %iota3A, %add3A_643 : vector<16xi32>
        %gather3A_645 = tpu.vector_load_idx %arg7[%add3A_644, %broadcast_in_dim3A_640] : memref<32x3200xf32, #tpu.memory_space<vmem>>[vector<16xi32>, vector<16xi32>], vector<16xf32>,
        %mul3A_646 = arith.constant 16 : i32
        %mul3A_647 = arith.muli %scan3A_411, %mul3A_646 : i32
        %add3A_648 = arith.constant 11 : i32
        %add3A_649 = arith.addi %mul3A_647, %add3A_648 : i32
        %mul3A_650 = arith.mulf %gather3A_641, %get3A_59 : vector<16xf32>
        %swap3A_651 = arith.index_cast %add3A_649 : i32 to index
        %swap3A_652 = arith.constant 0 : index
        %swap3A_653 = tpu.vector_load %arg11[%swap3A_651, %swap3A_652] {strides = array<i32>} : memref<128x128xf32, #tpu.memory_space<vmem>>, vector<16xf32>,
        tpu.vector_store %arg11[%swap3A_651, %swap3A_652], %mul3A_650 {strides = array<i32>} : memref<128x128xf32, #tpu.memory_space<vmem>>, vector<16xf32>,
        %mul3A_654 = arith.mulf %gather3A_645, %get3A_61 : vector<16xf32>
        %swap3A_655 = arith.index_cast %add3A_649 : i32 to index
        %swap3A_656 = arith.constant 16 : index
        %swap3A_657 = tpu.vector_load %arg11[%swap3A_655, %swap3A_656] {strides = array<i32>} : memref<128x128xf32, #tpu.memory_space<vmem>>, vector<16xf32>,
        tpu.vector_store %arg11[%swap3A_655, %swap3A_656], %mul3A_654 {strides = array<i32>} : memref<128x128xf32, #tpu.memory_space<vmem>>, vector<16xf32>,
        %slice3A_658 = vector.extract_strided_slice %sub3A_421 {offsets = [12], sizes = [1], strides = [1]} : vector<16xi32> to vector<1xi32>
        %squeeze3A_659 = vector.extract %slice3A_658[0] : i32 from vector<1xi32>
        %broadcast_in_dim3A_660 = vector.broadcast %squeeze3A_659 : i32 to vector<16xi32>
        %gather3A_661 = tpu.vector_load_idx %arg7[%iota3A, %broadcast_in_dim3A_660] : memref<32x3200xf32, #tpu.memory_space<vmem>>[vector<16xi32>, vector<16xi32>], vector<16xf32>,
        %add3A_662 = arith.constant 16 : i32
        %add3A_663 = vector.broadcast %add3A_662 : i32 to vector<16xi32>
        %add3A_664 = arith.addi %iota3A, %add3A_663 : vector<16xi32>
        %gather3A_665 = tpu.vector_load_idx %arg7[%add3A_664, %broadcast_in_dim3A_660] : memref<32x3200xf32, #tpu.memory_space<vmem>>[vector<16xi32>, vector<16xi32>], vector<16xf32>,
        %mul3A_666 = arith.constant 16 : i32
        %mul3A_667 = arith.muli %scan3A_411, %mul3A_666 : i32
        %add3A_668 = arith.constant 12 : i32
        %add3A_669 = arith.addi %mul3A_667, %add3A_668 : i32
        %mul3A_670 = arith.mulf %gather3A_661, %get3A_59 : vector<16xf32>
        %swap3A_671 = arith.index_cast %add3A_669 : i32 to index
        %swap3A_672 = arith.constant 0 : index
        %swap3A_673 = tpu.vector_load %arg11[%swap3A_671, %swap3A_672] {strides = array<i32>} : memref<128x128xf32, #tpu.memory_space<vmem>>, vector<16xf32>,
        tpu.vector_store %arg11[%swap3A_671, %swap3A_672], %mul3A_670 {strides = array<i32>} : memref<128x128xf32, #tpu.memory_space<vmem>>, vector<16xf32>,
        %mul3A_674 = arith.mulf %gather3A_665, %get3A_61 : vector<16xf32>
        %swap3A_675 = arith.index_cast %add3A_669 : i32 to index
        %swap3A_676 = arith.constant 16 : index
        %swap3A_677 = tpu.vector_load %arg11[%swap3A_675, %swap3A_676] {strides = array<i32>} : memref<128x128xf32, #tpu.memory_space<vmem>>, vector<16xf32>,
        tpu.vector_store %arg11[%swap3A_675, %swap3A_676], %mul3A_674 {strides = array<i32>} : memref<128x128xf32, #tpu.memory_space<vmem>>, vector<16xf32>,
        %slice3A_678 = vector.extract_strided_slice %sub3A_421 {offsets = [13], sizes = [1], strides = [1]} : vector<16xi32> to vector<1xi32>
        %squeeze3A_679 = vector.extract %slice3A_678[0] : i32 from vector<1xi32>
        %broadcast_in_dim3A_680 = vector.broadcast %squeeze3A_679 : i32 to vector<16xi32>
        %gather3A_681 = tpu.vector_load_idx %arg7[%iota3A, %broadcast_in_dim3A_680] : memref<32x3200xf32, #tpu.memory_space<vmem>>[vector<16xi32>, vector<16xi32>], vector<16xf32>,
        %add3A_682 = arith.constant 16 : i32
        %add3A_683 = vector.broadcast %add3A_682 : i32 to vector<16xi32>
        %add3A_684 = arith.addi %iota3A, %add3A_683 : vector<16xi32>
        %gather3A_685 = tpu.vector_load_idx %arg7[%add3A_684, %broadcast_in_dim3A_680] : memref<32x3200xf32, #tpu.memory_space<vmem>>[vector<16xi32>, vector<16xi32>], vector<16xf32>,
        %mul3A_686 = arith.constant 16 : i32
        %mul3A_687 = arith.muli %scan3A_411, %mul3A_686 : i32
        %add3A_688 = arith.constant 13 : i32
        %add3A_689 = arith.addi %mul3A_687, %add3A_688 : i32
        %mul3A_690 = arith.mulf %gather3A_681, %get3A_59 : vector<16xf32>
        %swap3A_691 = arith.index_cast %add3A_689 : i32 to index
        %swap3A_692 = arith.constant 0 : index
        %swap3A_693 = tpu.vector_load %arg11[%swap3A_691, %swap3A_692] {strides = array<i32>} : memref<128x128xf32, #tpu.memory_space<vmem>>, vector<16xf32>,
        tpu.vector_store %arg11[%swap3A_691, %swap3A_692], %mul3A_690 {strides = array<i32>} : memref<128x128xf32, #tpu.memory_space<vmem>>, vector<16xf32>,
        %mul3A_694 = arith.mulf %gather3A_685, %get3A_61 : vector<16xf32>
        %swap3A_695 = arith.index_cast %add3A_689 : i32 to index
        %swap3A_696 = arith.constant 16 : index
        %swap3A_697 = tpu.vector_load %arg11[%swap3A_695, %swap3A_696] {strides = array<i32>} : memref<128x128xf32, #tpu.memory_space<vmem>>, vector<16xf32>,
        tpu.vector_store %arg11[%swap3A_695, %swap3A_696], %mul3A_694 {strides = array<i32>} : memref<128x128xf32, #tpu.memory_space<vmem>>, vector<16xf32>,
        %slice3A_698 = vector.extract_strided_slice %sub3A_421 {offsets = [14], sizes = [1], strides = [1]} : vector<16xi32> to vector<1xi32>
        %squeeze3A_699 = vector.extract %slice3A_698[0] : i32 from vector<1xi32>
        %broadcast_in_dim3A_700 = vector.broadcast %squeeze3A_699 : i32 to vector<16xi32>
        %gather3A_701 = tpu.vector_load_idx %arg7[%iota3A, %broadcast_in_dim3A_700] : memref<32x3200xf32, #tpu.memory_space<vmem>>[vector<16xi32>, vector<16xi32>], vector<16xf32>,
        %add3A_702 = arith.constant 16 : i32
        %add3A_703 = vector.broadcast %add3A_702 : i32 to vector<16xi32>
        %add3A_704 = arith.addi %iota3A, %add3A_703 : vector<16xi32>
        %gather3A_705 = tpu.vector_load_idx %arg7[%add3A_704, %broadcast_in_dim3A_700] : memref<32x3200xf32, #tpu.memory_space<vmem>>[vector<16xi32>, vector<16xi32>], vector<16xf32>,
        %mul3A_706 = arith.constant 16 : i32
        %mul3A_707 = arith.muli %scan3A_411, %mul3A_706 : i32
        %add3A_708 = arith.constant 14 : i32
        %add3A_709 = arith.addi %mul3A_707, %add3A_708 : i32
        %mul3A_710 = arith.mulf %gather3A_701, %get3A_59 : vector<16xf32>
        %swap3A_711 = arith.index_cast %add3A_709 : i32 to index
        %swap3A_712 = arith.constant 0 : index
        %swap3A_713 = tpu.vector_load %arg11[%swap3A_711, %swap3A_712] {strides = array<i32>} : memref<128x128xf32, #tpu.memory_space<vmem>>, vector<16xf32>,
        tpu.vector_store %arg11[%swap3A_711, %swap3A_712], %mul3A_710 {strides = array<i32>} : memref<128x128xf32, #tpu.memory_space<vmem>>, vector<16xf32>,
        %mul3A_714 = arith.mulf %gather3A_705, %get3A_61 : vector<16xf32>
        %swap3A_715 = arith.index_cast %add3A_709 : i32 to index
        %swap3A_716 = arith.constant 16 : index
        %swap3A_717 = tpu.vector_load %arg11[%swap3A_715, %swap3A_716] {strides = array<i32>} : memref<128x128xf32, #tpu.memory_space<vmem>>, vector<16xf32>,
        tpu.vector_store %arg11[%swap3A_715, %swap3A_716], %mul3A_714 {strides = array<i32>} : memref<128x128xf32, #tpu.memory_space<vmem>>, vector<16xf32>,
        %slice3A_718 = vector.extract_strided_slice %sub3A_421 {offsets = [15], sizes = [1], strides = [1]} : vector<16xi32> to vector<1xi32>
        %squeeze3A_719 = vector.extract %slice3A_718[0] : i32 from vector<1xi32>
        %broadcast_in_dim3A_720 = vector.broadcast %squeeze3A_719 : i32 to vector<16xi32>
        %gather3A_721 = tpu.vector_load_idx %arg7[%iota3A, %broadcast_in_dim3A_720] : memref<32x3200xf32, #tpu.memory_space<vmem>>[vector<16xi32>, vector<16xi32>], vector<16xf32>,
        %add3A_722 = arith.constant 16 : i32
        %add3A_723 = vector.broadcast %add3A_722 : i32 to vector<16xi32>
        %add3A_724 = arith.addi %iota3A, %add3A_723 : vector<16xi32>
        %gather3A_725 = tpu.vector_load_idx %arg7[%add3A_724, %broadcast_in_dim3A_720] : memref<32x3200xf32, #tpu.memory_space<vmem>>[vector<16xi32>, vector<16xi32>], vector<16xf32>,
        %mul3A_726 = arith.constant 16 : i32
        %mul3A_727 = arith.muli %scan3A_411, %mul3A_726 : i32
        %add3A_728 = arith.constant 15 : i32
        %add3A_729 = arith.addi %mul3A_727, %add3A_728 : i32
        %mul3A_730 = arith.mulf %gather3A_721, %get3A_59 : vector<16xf32>
        %swap3A_731 = arith.index_cast %add3A_729 : i32 to index
        %swap3A_732 = arith.constant 0 : index
        %swap3A_733 = tpu.vector_load %arg11[%swap3A_731, %swap3A_732] {strides = array<i32>} : memref<128x128xf32, #tpu.memory_space<vmem>>, vector<16xf32>,
        tpu.vector_store %arg11[%swap3A_731, %swap3A_732], %mul3A_730 {strides = array<i32>} : memref<128x128xf32, #tpu.memory_space<vmem>>, vector<16xf32>,
        %mul3A_734 = arith.mulf %gather3A_725, %get3A_61 : vector<16xf32>
        %swap3A_735 = arith.index_cast %add3A_729 : i32 to index
        %swap3A_736 = arith.constant 16 : index
        %swap3A_737 = tpu.vector_load %arg11[%swap3A_735, %swap3A_736] {strides = array<i32>} : memref<128x128xf32, #tpu.memory_space<vmem>>, vector<16xf32>,
        tpu.vector_store %arg11[%swap3A_735, %swap3A_736], %mul3A_734 {strides = array<i32>} : memref<128x128xf32, #tpu.memory_space<vmem>>, vector<16xf32>,
      }
      %scan3A_396 = arith.constant 8 : i32
      %dma_start3A_397 = arith.constant 1 : i32
      %dma_start3A_398 = arith.constant 0 : i32
      %dma_start3A_399 = tpu.memref_slice %arg10[%dma_start3A_397, %dma_start3A_398] : memref<6x128xi32, #tpu.memory_space<vmem>> -> memref<1x128xi32, #tpu.memory_space<vmem>>
      %dma_start3A_400 = tpu.memref_squeeze %dma_start3A_399 : memref<1x128xi32, #tpu.memory_space<vmem>> -> memref<128xi32, #tpu.memory_space<vmem>>
      %dma_start3A_401 = arith.constant 0 : i32
      %dma_start3A_402 = arith.constant 0 : i32
      %dma_start3A_403 = tpu.memref_slice %arg5[%dma_start3A_401, %dma_start3A_402] : memref<16640x128xf32, #tpu.memory_space<hbm>> -> memref<16640x128xf32, #tpu.memory_space<hbm>>
      tpu.enqueue_indirect_dma source(%arg11 : memref<128x128xf32, #tpu.memory_space<vmem>>) target(%dma_start3A_403 : memref<16640x128xf32, #tpu.memory_space<hbm>>) offsets(%dma_start3A_400 : memref<128xi32, #tpu.memory_space<vmem>>) semaphore(%arg13 : memref<!tpu.dma_semaphore, #tpu.memory_space<semaphore_mem>>)
      %dma_wait3A_404 = arith.constant 1 : i32
      %dma_wait3A_405 = arith.constant 0 : i32
      %dma_wait3A_406 = tpu.memref_slice %arg10[%dma_wait3A_404, %dma_wait3A_405] : memref<6x128xi32, #tpu.memory_space<vmem>> -> memref<1x128xi32, #tpu.memory_space<vmem>>
      %dma_wait3A_407 = tpu.memref_squeeze %dma_wait3A_406 : memref<1x128xi32, #tpu.memory_space<vmem>> -> memref<128xi32, #tpu.memory_space<vmem>>
      %dma_wait3A_408 = arith.constant 0 : i32
      %dma_wait3A_409 = arith.constant 0 : i32
      %dma_wait3A_410 = tpu.memref_slice %arg5[%dma_wait3A_408, %dma_wait3A_409] : memref<16640x128xf32, #tpu.memory_space<hbm>> -> memref<16640x128xf32, #tpu.memory_space<hbm>>
      tpu.wait_indirect_dma semaphore(%arg13 : memref<!tpu.dma_semaphore, #tpu.memory_space<semaphore_mem>>) src(%arg11 : memref<128x128xf32, #tpu.memory_space<vmem>>) dst(%dma_wait3A_410 : memref<16640x128xf32, #tpu.memory_space<hbm>>)
    } else {
    }
    %gt3A_371 = arith.constant 256 : i32
    %gt3A_372 = arith.cmpi sgt, %scan3A_72, %gt3A_371 : i32
    %convert_element_type3A_373 = arith.extui %gt3A_372 : i1 to i32
    %cond3A_374 = arith.constant 0 : i32
    %cond3A_375 = arith.cmpi ne, %convert_element_type3A_373, %cond3A_374 : i32
    scf.if %cond3A_375 {
      %scan3A_391 = arith.constant 0 : i32
      %scan3A_392 = arith.constant 0 : i32
      %scan3A_393 = arith.constant 8 : i32
      %scan3A_394 = arith.addi %scan3A_392, %scan3A_393 : i32
      %scan3A_395 = arith.constant 1 : i32
      scf.for %scan3A_411 = %scan3A_392 to %scan3A_394 step %scan3A_395  : i32 {
        %mul3A_412 = arith.constant 16 : i32
        %mul3A_413 = arith.muli %scan3A_411, %mul3A_412 : i32
        %add3A_414 = arith.constant 256 : i32
        %add3A_415 = arith.addi %add3A_414, %mul3A_413 : i32
        %get3A_416 = arith.index_cast %add3A_415 : i32 to index
        %get3A_417 = tpu.vector_load %arg8[%get3A_416] {strides = array<i32>} : memref<784xi32, #tpu.memory_space<vmem>>, vector<16xi32>,
        %mul3A_418 = arith.constant 128 : i32
        %mul3A_419 = arith.muli %min3A_53, %mul3A_418 : i32
        %sub3A_420 = vector.broadcast %mul3A_419 : i32 to vector<16xi32>
        %sub3A_421 = arith.subi %get3A_417, %sub3A_420 : vector<16xi32>
        %slice3A = vector.extract_strided_slice %sub3A_421 {offsets = [0], sizes = [1], strides = [1]} : vector<16xi32> to vector<1xi32>
        %squeeze3A = vector.extract %slice3A[0] : i32 from vector<1xi32>
        %broadcast_in_dim3A = vector.broadcast %squeeze3A : i32 to vector<16xi32>
        %gather3A = tpu.vector_load_idx %arg7[%iota3A, %broadcast_in_dim3A] : memref<32x3200xf32, #tpu.memory_space<vmem>>[vector<16xi32>, vector<16xi32>], vector<16xf32>,
        %add3A_422 = arith.constant 16 : i32
        %add3A_423 = vector.broadcast %add3A_422 : i32 to vector<16xi32>
        %add3A_424 = arith.addi %iota3A, %add3A_423 : vector<16xi32>
        %gather3A_425 = tpu.vector_load_idx %arg7[%add3A_424, %broadcast_in_dim3A] : memref<32x3200xf32, #tpu.memory_space<vmem>>[vector<16xi32>, vector<16xi32>], vector<16xf32>,
        %mul3A_426 = arith.constant 16 : i32
        %mul3A_427 = arith.muli %scan3A_411, %mul3A_426 : i32
        %add3A_428 = arith.constant 0 : i32
        %add3A_429 = arith.addi %mul3A_427, %add3A_428 : i32
        %mul3A_430 = arith.mulf %gather3A, %get3A_59 : vector<16xf32>
        %swap3A_431 = arith.index_cast %add3A_429 : i32 to index
        %swap3A_432 = arith.constant 0 : index
        %swap3A_433 = tpu.vector_load %arg11[%swap3A_431, %swap3A_432] {strides = array<i32>} : memref<128x128xf32, #tpu.memory_space<vmem>>, vector<16xf32>,
        tpu.vector_store %arg11[%swap3A_431, %swap3A_432], %mul3A_430 {strides = array<i32>} : memref<128x128xf32, #tpu.memory_space<vmem>>, vector<16xf32>,
        %mul3A_434 = arith.mulf %gather3A_425, %get3A_61 : vector<16xf32>
        %swap3A_435 = arith.index_cast %add3A_429 : i32 to index
        %swap3A_436 = arith.constant 16 : index
        %swap3A_437 = tpu.vector_load %arg11[%swap3A_435, %swap3A_436] {strides = array<i32>} : memref<128x128xf32, #tpu.memory_space<vmem>>, vector<16xf32>,
        tpu.vector_store %arg11[%swap3A_435, %swap3A_436], %mul3A_434 {strides = array<i32>} : memref<128x128xf32, #tpu.memory_space<vmem>>, vector<16xf32>,
        %slice3A_438 = vector.extract_strided_slice %sub3A_421 {offsets = [1], sizes = [1], strides = [1]} : vector<16xi32> to vector<1xi32>
        %squeeze3A_439 = vector.extract %slice3A_438[0] : i32 from vector<1xi32>
        %broadcast_in_dim3A_440 = vector.broadcast %squeeze3A_439 : i32 to vector<16xi32>
        %gather3A_441 = tpu.vector_load_idx %arg7[%iota3A, %broadcast_in_dim3A_440] : memref<32x3200xf32, #tpu.memory_space<vmem>>[vector<16xi32>, vector<16xi32>], vector<16xf32>,
        %add3A_442 = arith.constant 16 : i32
        %add3A_443 = vector.broadcast %add3A_442 : i32 to vector<16xi32>
        %add3A_444 = arith.addi %iota3A, %add3A_443 : vector<16xi32>
        %gather3A_445 = tpu.vector_load_idx %arg7[%add3A_444, %broadcast_in_dim3A_440] : memref<32x3200xf32, #tpu.memory_space<vmem>>[vector<16xi32>, vector<16xi32>], vector<16xf32>,
        %mul3A_446 = arith.constant 16 : i32
        %mul3A_447 = arith.muli %scan3A_411, %mul3A_446 : i32
        %add3A_448 = arith.constant 1 : i32
        %add3A_449 = arith.addi %mul3A_447, %add3A_448 : i32
        %mul3A_450 = arith.mulf %gather3A_441, %get3A_59 : vector<16xf32>
        %swap3A_451 = arith.index_cast %add3A_449 : i32 to index
        %swap3A_452 = arith.constant 0 : index
        %swap3A_453 = tpu.vector_load %arg11[%swap3A_451, %swap3A_452] {strides = array<i32>} : memref<128x128xf32, #tpu.memory_space<vmem>>, vector<16xf32>,
        tpu.vector_store %arg11[%swap3A_451, %swap3A_452], %mul3A_450 {strides = array<i32>} : memref<128x128xf32, #tpu.memory_space<vmem>>, vector<16xf32>,
        %mul3A_454 = arith.mulf %gather3A_445, %get3A_61 : vector<16xf32>
        %swap3A_455 = arith.index_cast %add3A_449 : i32 to index
        %swap3A_456 = arith.constant 16 : index
        %swap3A_457 = tpu.vector_load %arg11[%swap3A_455, %swap3A_456] {strides = array<i32>} : memref<128x128xf32, #tpu.memory_space<vmem>>, vector<16xf32>,
        tpu.vector_store %arg11[%swap3A_455, %swap3A_456], %mul3A_454 {strides = array<i32>} : memref<128x128xf32, #tpu.memory_space<vmem>>, vector<16xf32>,
        %slice3A_458 = vector.extract_strided_slice %sub3A_421 {offsets = [2], sizes = [1], strides = [1]} : vector<16xi32> to vector<1xi32>
        %squeeze3A_459 = vector.extract %slice3A_458[0] : i32 from vector<1xi32>
        %broadcast_in_dim3A_460 = vector.broadcast %squeeze3A_459 : i32 to vector<16xi32>
        %gather3A_461 = tpu.vector_load_idx %arg7[%iota3A, %broadcast_in_dim3A_460] : memref<32x3200xf32, #tpu.memory_space<vmem>>[vector<16xi32>, vector<16xi32>], vector<16xf32>,
        %add3A_462 = arith.constant 16 : i32
        %add3A_463 = vector.broadcast %add3A_462 : i32 to vector<16xi32>
        %add3A_464 = arith.addi %iota3A, %add3A_463 : vector<16xi32>
        %gather3A_465 = tpu.vector_load_idx %arg7[%add3A_464, %broadcast_in_dim3A_460] : memref<32x3200xf32, #tpu.memory_space<vmem>>[vector<16xi32>, vector<16xi32>], vector<16xf32>,
        %mul3A_466 = arith.constant 16 : i32
        %mul3A_467 = arith.muli %scan3A_411, %mul3A_466 : i32
        %add3A_468 = arith.constant 2 : i32
        %add3A_469 = arith.addi %mul3A_467, %add3A_468 : i32
        %mul3A_470 = arith.mulf %gather3A_461, %get3A_59 : vector<16xf32>
        %swap3A_471 = arith.index_cast %add3A_469 : i32 to index
        %swap3A_472 = arith.constant 0 : index
        %swap3A_473 = tpu.vector_load %arg11[%swap3A_471, %swap3A_472] {strides = array<i32>} : memref<128x128xf32, #tpu.memory_space<vmem>>, vector<16xf32>,
        tpu.vector_store %arg11[%swap3A_471, %swap3A_472], %mul3A_470 {strides = array<i32>} : memref<128x128xf32, #tpu.memory_space<vmem>>, vector<16xf32>,
        %mul3A_474 = arith.mulf %gather3A_465, %get3A_61 : vector<16xf32>
        %swap3A_475 = arith.index_cast %add3A_469 : i32 to index
        %swap3A_476 = arith.constant 16 : index
        %swap3A_477 = tpu.vector_load %arg11[%swap3A_475, %swap3A_476] {strides = array<i32>} : memref<128x128xf32, #tpu.memory_space<vmem>>, vector<16xf32>,
        tpu.vector_store %arg11[%swap3A_475, %swap3A_476], %mul3A_474 {strides = array<i32>} : memref<128x128xf32, #tpu.memory_space<vmem>>, vector<16xf32>,
        %slice3A_478 = vector.extract_strided_slice %sub3A_421 {offsets = [3], sizes = [1], strides = [1]} : vector<16xi32> to vector<1xi32>
        %squeeze3A_479 = vector.extract %slice3A_478[0] : i32 from vector<1xi32>
        %broadcast_in_dim3A_480 = vector.broadcast %squeeze3A_479 : i32 to vector<16xi32>
        %gather3A_481 = tpu.vector_load_idx %arg7[%iota3A, %broadcast_in_dim3A_480] : memref<32x3200xf32, #tpu.memory_space<vmem>>[vector<16xi32>, vector<16xi32>], vector<16xf32>,
        %add3A_482 = arith.constant 16 : i32
        %add3A_483 = vector.broadcast %add3A_482 : i32 to vector<16xi32>
        %add3A_484 = arith.addi %iota3A, %add3A_483 : vector<16xi32>
        %gather3A_485 = tpu.vector_load_idx %arg7[%add3A_484, %broadcast_in_dim3A_480] : memref<32x3200xf32, #tpu.memory_space<vmem>>[vector<16xi32>, vector<16xi32>], vector<16xf32>,
        %mul3A_486 = arith.constant 16 : i32
        %mul3A_487 = arith.muli %scan3A_411, %mul3A_486 : i32
        %add3A_488 = arith.constant 3 : i32
        %add3A_489 = arith.addi %mul3A_487, %add3A_488 : i32
        %mul3A_490 = arith.mulf %gather3A_481, %get3A_59 : vector<16xf32>
        %swap3A_491 = arith.index_cast %add3A_489 : i32 to index
        %swap3A_492 = arith.constant 0 : index
        %swap3A_493 = tpu.vector_load %arg11[%swap3A_491, %swap3A_492] {strides = array<i32>} : memref<128x128xf32, #tpu.memory_space<vmem>>, vector<16xf32>,
        tpu.vector_store %arg11[%swap3A_491, %swap3A_492], %mul3A_490 {strides = array<i32>} : memref<128x128xf32, #tpu.memory_space<vmem>>, vector<16xf32>,
        %mul3A_494 = arith.mulf %gather3A_485, %get3A_61 : vector<16xf32>
        %swap3A_495 = arith.index_cast %add3A_489 : i32 to index
        %swap3A_496 = arith.constant 16 : index
        %swap3A_497 = tpu.vector_load %arg11[%swap3A_495, %swap3A_496] {strides = array<i32>} : memref<128x128xf32, #tpu.memory_space<vmem>>, vector<16xf32>,
        tpu.vector_store %arg11[%swap3A_495, %swap3A_496], %mul3A_494 {strides = array<i32>} : memref<128x128xf32, #tpu.memory_space<vmem>>, vector<16xf32>,
        %slice3A_498 = vector.extract_strided_slice %sub3A_421 {offsets = [4], sizes = [1], strides = [1]} : vector<16xi32> to vector<1xi32>
        %squeeze3A_499 = vector.extract %slice3A_498[0] : i32 from vector<1xi32>
        %broadcast_in_dim3A_500 = vector.broadcast %squeeze3A_499 : i32 to vector<16xi32>
        %gather3A_501 = tpu.vector_load_idx %arg7[%iota3A, %broadcast_in_dim3A_500] : memref<32x3200xf32, #tpu.memory_space<vmem>>[vector<16xi32>, vector<16xi32>], vector<16xf32>,
        %add3A_502 = arith.constant 16 : i32
        %add3A_503 = vector.broadcast %add3A_502 : i32 to vector<16xi32>
        %add3A_504 = arith.addi %iota3A, %add3A_503 : vector<16xi32>
        %gather3A_505 = tpu.vector_load_idx %arg7[%add3A_504, %broadcast_in_dim3A_500] : memref<32x3200xf32, #tpu.memory_space<vmem>>[vector<16xi32>, vector<16xi32>], vector<16xf32>,
        %mul3A_506 = arith.constant 16 : i32
        %mul3A_507 = arith.muli %scan3A_411, %mul3A_506 : i32
        %add3A_508 = arith.constant 4 : i32
        %add3A_509 = arith.addi %mul3A_507, %add3A_508 : i32
        %mul3A_510 = arith.mulf %gather3A_501, %get3A_59 : vector<16xf32>
        %swap3A_511 = arith.index_cast %add3A_509 : i32 to index
        %swap3A_512 = arith.constant 0 : index
        %swap3A_513 = tpu.vector_load %arg11[%swap3A_511, %swap3A_512] {strides = array<i32>} : memref<128x128xf32, #tpu.memory_space<vmem>>, vector<16xf32>,
        tpu.vector_store %arg11[%swap3A_511, %swap3A_512], %mul3A_510 {strides = array<i32>} : memref<128x128xf32, #tpu.memory_space<vmem>>, vector<16xf32>,
        %mul3A_514 = arith.mulf %gather3A_505, %get3A_61 : vector<16xf32>
        %swap3A_515 = arith.index_cast %add3A_509 : i32 to index
        %swap3A_516 = arith.constant 16 : index
        %swap3A_517 = tpu.vector_load %arg11[%swap3A_515, %swap3A_516] {strides = array<i32>} : memref<128x128xf32, #tpu.memory_space<vmem>>, vector<16xf32>,
        tpu.vector_store %arg11[%swap3A_515, %swap3A_516], %mul3A_514 {strides = array<i32>} : memref<128x128xf32, #tpu.memory_space<vmem>>, vector<16xf32>,
        %slice3A_518 = vector.extract_strided_slice %sub3A_421 {offsets = [5], sizes = [1], strides = [1]} : vector<16xi32> to vector<1xi32>
        %squeeze3A_519 = vector.extract %slice3A_518[0] : i32 from vector<1xi32>
        %broadcast_in_dim3A_520 = vector.broadcast %squeeze3A_519 : i32 to vector<16xi32>
        %gather3A_521 = tpu.vector_load_idx %arg7[%iota3A, %broadcast_in_dim3A_520] : memref<32x3200xf32, #tpu.memory_space<vmem>>[vector<16xi32>, vector<16xi32>], vector<16xf32>,
        %add3A_522 = arith.constant 16 : i32
        %add3A_523 = vector.broadcast %add3A_522 : i32 to vector<16xi32>
        %add3A_524 = arith.addi %iota3A, %add3A_523 : vector<16xi32>
        %gather3A_525 = tpu.vector_load_idx %arg7[%add3A_524, %broadcast_in_dim3A_520] : memref<32x3200xf32, #tpu.memory_space<vmem>>[vector<16xi32>, vector<16xi32>], vector<16xf32>,
        %mul3A_526 = arith.constant 16 : i32
        %mul3A_527 = arith.muli %scan3A_411, %mul3A_526 : i32
        %add3A_528 = arith.constant 5 : i32
        %add3A_529 = arith.addi %mul3A_527, %add3A_528 : i32
        %mul3A_530 = arith.mulf %gather3A_521, %get3A_59 : vector<16xf32>
        %swap3A_531 = arith.index_cast %add3A_529 : i32 to index
        %swap3A_532 = arith.constant 0 : index
        %swap3A_533 = tpu.vector_load %arg11[%swap3A_531, %swap3A_532] {strides = array<i32>} : memref<128x128xf32, #tpu.memory_space<vmem>>, vector<16xf32>,
        tpu.vector_store %arg11[%swap3A_531, %swap3A_532], %mul3A_530 {strides = array<i32>} : memref<128x128xf32, #tpu.memory_space<vmem>>, vector<16xf32>,
        %mul3A_534 = arith.mulf %gather3A_525, %get3A_61 : vector<16xf32>
        %swap3A_535 = arith.index_cast %add3A_529 : i32 to index
        %swap3A_536 = arith.constant 16 : index
        %swap3A_537 = tpu.vector_load %arg11[%swap3A_535, %swap3A_536] {strides = array<i32>} : memref<128x128xf32, #tpu.memory_space<vmem>>, vector<16xf32>,
        tpu.vector_store %arg11[%swap3A_535, %swap3A_536], %mul3A_534 {strides = array<i32>} : memref<128x128xf32, #tpu.memory_space<vmem>>, vector<16xf32>,
        %slice3A_538 = vector.extract_strided_slice %sub3A_421 {offsets = [6], sizes = [1], strides = [1]} : vector<16xi32> to vector<1xi32>
        %squeeze3A_539 = vector.extract %slice3A_538[0] : i32 from vector<1xi32>
        %broadcast_in_dim3A_540 = vector.broadcast %squeeze3A_539 : i32 to vector<16xi32>
        %gather3A_541 = tpu.vector_load_idx %arg7[%iota3A, %broadcast_in_dim3A_540] : memref<32x3200xf32, #tpu.memory_space<vmem>>[vector<16xi32>, vector<16xi32>], vector<16xf32>,
        %add3A_542 = arith.constant 16 : i32
        %add3A_543 = vector.broadcast %add3A_542 : i32 to vector<16xi32>
        %add3A_544 = arith.addi %iota3A, %add3A_543 : vector<16xi32>
        %gather3A_545 = tpu.vector_load_idx %arg7[%add3A_544, %broadcast_in_dim3A_540] : memref<32x3200xf32, #tpu.memory_space<vmem>>[vector<16xi32>, vector<16xi32>], vector<16xf32>,
        %mul3A_546 = arith.constant 16 : i32
        %mul3A_547 = arith.muli %scan3A_411, %mul3A_546 : i32
        %add3A_548 = arith.constant 6 : i32
        %add3A_549 = arith.addi %mul3A_547, %add3A_548 : i32
        %mul3A_550 = arith.mulf %gather3A_541, %get3A_59 : vector<16xf32>
        %swap3A_551 = arith.index_cast %add3A_549 : i32 to index
        %swap3A_552 = arith.constant 0 : index
        %swap3A_553 = tpu.vector_load %arg11[%swap3A_551, %swap3A_552] {strides = array<i32>} : memref<128x128xf32, #tpu.memory_space<vmem>>, vector<16xf32>,
        tpu.vector_store %arg11[%swap3A_551, %swap3A_552], %mul3A_550 {strides = array<i32>} : memref<128x128xf32, #tpu.memory_space<vmem>>, vector<16xf32>,
        %mul3A_554 = arith.mulf %gather3A_545, %get3A_61 : vector<16xf32>
        %swap3A_555 = arith.index_cast %add3A_549 : i32 to index
        %swap3A_556 = arith.constant 16 : index
        %swap3A_557 = tpu.vector_load %arg11[%swap3A_555, %swap3A_556] {strides = array<i32>} : memref<128x128xf32, #tpu.memory_space<vmem>>, vector<16xf32>,
        tpu.vector_store %arg11[%swap3A_555, %swap3A_556], %mul3A_554 {strides = array<i32>} : memref<128x128xf32, #tpu.memory_space<vmem>>, vector<16xf32>,
        %slice3A_558 = vector.extract_strided_slice %sub3A_421 {offsets = [7], sizes = [1], strides = [1]} : vector<16xi32> to vector<1xi32>
        %squeeze3A_559 = vector.extract %slice3A_558[0] : i32 from vector<1xi32>
        %broadcast_in_dim3A_560 = vector.broadcast %squeeze3A_559 : i32 to vector<16xi32>
        %gather3A_561 = tpu.vector_load_idx %arg7[%iota3A, %broadcast_in_dim3A_560] : memref<32x3200xf32, #tpu.memory_space<vmem>>[vector<16xi32>, vector<16xi32>], vector<16xf32>,
        %add3A_562 = arith.constant 16 : i32
        %add3A_563 = vector.broadcast %add3A_562 : i32 to vector<16xi32>
        %add3A_564 = arith.addi %iota3A, %add3A_563 : vector<16xi32>
        %gather3A_565 = tpu.vector_load_idx %arg7[%add3A_564, %broadcast_in_dim3A_560] : memref<32x3200xf32, #tpu.memory_space<vmem>>[vector<16xi32>, vector<16xi32>], vector<16xf32>,
        %mul3A_566 = arith.constant 16 : i32
        %mul3A_567 = arith.muli %scan3A_411, %mul3A_566 : i32
        %add3A_568 = arith.constant 7 : i32
        %add3A_569 = arith.addi %mul3A_567, %add3A_568 : i32
        %mul3A_570 = arith.mulf %gather3A_561, %get3A_59 : vector<16xf32>
        %swap3A_571 = arith.index_cast %add3A_569 : i32 to index
        %swap3A_572 = arith.constant 0 : index
        %swap3A_573 = tpu.vector_load %arg11[%swap3A_571, %swap3A_572] {strides = array<i32>} : memref<128x128xf32, #tpu.memory_space<vmem>>, vector<16xf32>,
        tpu.vector_store %arg11[%swap3A_571, %swap3A_572], %mul3A_570 {strides = array<i32>} : memref<128x128xf32, #tpu.memory_space<vmem>>, vector<16xf32>,
        %mul3A_574 = arith.mulf %gather3A_565, %get3A_61 : vector<16xf32>
        %swap3A_575 = arith.index_cast %add3A_569 : i32 to index
        %swap3A_576 = arith.constant 16 : index
        %swap3A_577 = tpu.vector_load %arg11[%swap3A_575, %swap3A_576] {strides = array<i32>} : memref<128x128xf32, #tpu.memory_space<vmem>>, vector<16xf32>,
        tpu.vector_store %arg11[%swap3A_575, %swap3A_576], %mul3A_574 {strides = array<i32>} : memref<128x128xf32, #tpu.memory_space<vmem>>, vector<16xf32>,
        %slice3A_578 = vector.extract_strided_slice %sub3A_421 {offsets = [8], sizes = [1], strides = [1]} : vector<16xi32> to vector<1xi32>
        %squeeze3A_579 = vector.extract %slice3A_578[0] : i32 from vector<1xi32>
        %broadcast_in_dim3A_580 = vector.broadcast %squeeze3A_579 : i32 to vector<16xi32>
        %gather3A_581 = tpu.vector_load_idx %arg7[%iota3A, %broadcast_in_dim3A_580] : memref<32x3200xf32, #tpu.memory_space<vmem>>[vector<16xi32>, vector<16xi32>], vector<16xf32>,
        %add3A_582 = arith.constant 16 : i32
        %add3A_583 = vector.broadcast %add3A_582 : i32 to vector<16xi32>
        %add3A_584 = arith.addi %iota3A, %add3A_583 : vector<16xi32>
        %gather3A_585 = tpu.vector_load_idx %arg7[%add3A_584, %broadcast_in_dim3A_580] : memref<32x3200xf32, #tpu.memory_space<vmem>>[vector<16xi32>, vector<16xi32>], vector<16xf32>,
        %mul3A_586 = arith.constant 16 : i32
        %mul3A_587 = arith.muli %scan3A_411, %mul3A_586 : i32
        %add3A_588 = arith.constant 8 : i32
        %add3A_589 = arith.addi %mul3A_587, %add3A_588 : i32
        %mul3A_590 = arith.mulf %gather3A_581, %get3A_59 : vector<16xf32>
        %swap3A_591 = arith.index_cast %add3A_589 : i32 to index
        %swap3A_592 = arith.constant 0 : index
        %swap3A_593 = tpu.vector_load %arg11[%swap3A_591, %swap3A_592] {strides = array<i32>} : memref<128x128xf32, #tpu.memory_space<vmem>>, vector<16xf32>,
        tpu.vector_store %arg11[%swap3A_591, %swap3A_592], %mul3A_590 {strides = array<i32>} : memref<128x128xf32, #tpu.memory_space<vmem>>, vector<16xf32>,
        %mul3A_594 = arith.mulf %gather3A_585, %get3A_61 : vector<16xf32>
        %swap3A_595 = arith.index_cast %add3A_589 : i32 to index
        %swap3A_596 = arith.constant 16 : index
        %swap3A_597 = tpu.vector_load %arg11[%swap3A_595, %swap3A_596] {strides = array<i32>} : memref<128x128xf32, #tpu.memory_space<vmem>>, vector<16xf32>,
        tpu.vector_store %arg11[%swap3A_595, %swap3A_596], %mul3A_594 {strides = array<i32>} : memref<128x128xf32, #tpu.memory_space<vmem>>, vector<16xf32>,
        %slice3A_598 = vector.extract_strided_slice %sub3A_421 {offsets = [9], sizes = [1], strides = [1]} : vector<16xi32> to vector<1xi32>
        %squeeze3A_599 = vector.extract %slice3A_598[0] : i32 from vector<1xi32>
        %broadcast_in_dim3A_600 = vector.broadcast %squeeze3A_599 : i32 to vector<16xi32>
        %gather3A_601 = tpu.vector_load_idx %arg7[%iota3A, %broadcast_in_dim3A_600] : memref<32x3200xf32, #tpu.memory_space<vmem>>[vector<16xi32>, vector<16xi32>], vector<16xf32>,
        %add3A_602 = arith.constant 16 : i32
        %add3A_603 = vector.broadcast %add3A_602 : i32 to vector<16xi32>
        %add3A_604 = arith.addi %iota3A, %add3A_603 : vector<16xi32>
        %gather3A_605 = tpu.vector_load_idx %arg7[%add3A_604, %broadcast_in_dim3A_600] : memref<32x3200xf32, #tpu.memory_space<vmem>>[vector<16xi32>, vector<16xi32>], vector<16xf32>,
        %mul3A_606 = arith.constant 16 : i32
        %mul3A_607 = arith.muli %scan3A_411, %mul3A_606 : i32
        %add3A_608 = arith.constant 9 : i32
        %add3A_609 = arith.addi %mul3A_607, %add3A_608 : i32
        %mul3A_610 = arith.mulf %gather3A_601, %get3A_59 : vector<16xf32>
        %swap3A_611 = arith.index_cast %add3A_609 : i32 to index
        %swap3A_612 = arith.constant 0 : index
        %swap3A_613 = tpu.vector_load %arg11[%swap3A_611, %swap3A_612] {strides = array<i32>} : memref<128x128xf32, #tpu.memory_space<vmem>>, vector<16xf32>,
        tpu.vector_store %arg11[%swap3A_611, %swap3A_612], %mul3A_610 {strides = array<i32>} : memref<128x128xf32, #tpu.memory_space<vmem>>, vector<16xf32>,
        %mul3A_614 = arith.mulf %gather3A_605, %get3A_61 : vector<16xf32>
        %swap3A_615 = arith.index_cast %add3A_609 : i32 to index
        %swap3A_616 = arith.constant 16 : index
        %swap3A_617 = tpu.vector_load %arg11[%swap3A_615, %swap3A_616] {strides = array<i32>} : memref<128x128xf32, #tpu.memory_space<vmem>>, vector<16xf32>,
        tpu.vector_store %arg11[%swap3A_615, %swap3A_616], %mul3A_614 {strides = array<i32>} : memref<128x128xf32, #tpu.memory_space<vmem>>, vector<16xf32>,
        %slice3A_618 = vector.extract_strided_slice %sub3A_421 {offsets = [10], sizes = [1], strides = [1]} : vector<16xi32> to vector<1xi32>
        %squeeze3A_619 = vector.extract %slice3A_618[0] : i32 from vector<1xi32>
        %broadcast_in_dim3A_620 = vector.broadcast %squeeze3A_619 : i32 to vector<16xi32>
        %gather3A_621 = tpu.vector_load_idx %arg7[%iota3A, %broadcast_in_dim3A_620] : memref<32x3200xf32, #tpu.memory_space<vmem>>[vector<16xi32>, vector<16xi32>], vector<16xf32>,
        %add3A_622 = arith.constant 16 : i32
        %add3A_623 = vector.broadcast %add3A_622 : i32 to vector<16xi32>
        %add3A_624 = arith.addi %iota3A, %add3A_623 : vector<16xi32>
        %gather3A_625 = tpu.vector_load_idx %arg7[%add3A_624, %broadcast_in_dim3A_620] : memref<32x3200xf32, #tpu.memory_space<vmem>>[vector<16xi32>, vector<16xi32>], vector<16xf32>,
        %mul3A_626 = arith.constant 16 : i32
        %mul3A_627 = arith.muli %scan3A_411, %mul3A_626 : i32
        %add3A_628 = arith.constant 10 : i32
        %add3A_629 = arith.addi %mul3A_627, %add3A_628 : i32
        %mul3A_630 = arith.mulf %gather3A_621, %get3A_59 : vector<16xf32>
        %swap3A_631 = arith.index_cast %add3A_629 : i32 to index
        %swap3A_632 = arith.constant 0 : index
        %swap3A_633 = tpu.vector_load %arg11[%swap3A_631, %swap3A_632] {strides = array<i32>} : memref<128x128xf32, #tpu.memory_space<vmem>>, vector<16xf32>,
        tpu.vector_store %arg11[%swap3A_631, %swap3A_632], %mul3A_630 {strides = array<i32>} : memref<128x128xf32, #tpu.memory_space<vmem>>, vector<16xf32>,
        %mul3A_634 = arith.mulf %gather3A_625, %get3A_61 : vector<16xf32>
        %swap3A_635 = arith.index_cast %add3A_629 : i32 to index
        %swap3A_636 = arith.constant 16 : index
        %swap3A_637 = tpu.vector_load %arg11[%swap3A_635, %swap3A_636] {strides = array<i32>} : memref<128x128xf32, #tpu.memory_space<vmem>>, vector<16xf32>,
        tpu.vector_store %arg11[%swap3A_635, %swap3A_636], %mul3A_634 {strides = array<i32>} : memref<128x128xf32, #tpu.memory_space<vmem>>, vector<16xf32>,
        %slice3A_638 = vector.extract_strided_slice %sub3A_421 {offsets = [11], sizes = [1], strides = [1]} : vector<16xi32> to vector<1xi32>
        %squeeze3A_639 = vector.extract %slice3A_638[0] : i32 from vector<1xi32>
        %broadcast_in_dim3A_640 = vector.broadcast %squeeze3A_639 : i32 to vector<16xi32>
        %gather3A_641 = tpu.vector_load_idx %arg7[%iota3A, %broadcast_in_dim3A_640] : memref<32x3200xf32, #tpu.memory_space<vmem>>[vector<16xi32>, vector<16xi32>], vector<16xf32>,
        %add3A_642 = arith.constant 16 : i32
        %add3A_643 = vector.broadcast %add3A_642 : i32 to vector<16xi32>
        %add3A_644 = arith.addi %iota3A, %add3A_643 : vector<16xi32>
        %gather3A_645 = tpu.vector_load_idx %arg7[%add3A_644, %broadcast_in_dim3A_640] : memref<32x3200xf32, #tpu.memory_space<vmem>>[vector<16xi32>, vector<16xi32>], vector<16xf32>,
        %mul3A_646 = arith.constant 16 : i32
        %mul3A_647 = arith.muli %scan3A_411, %mul3A_646 : i32
        %add3A_648 = arith.constant 11 : i32
        %add3A_649 = arith.addi %mul3A_647, %add3A_648 : i32
        %mul3A_650 = arith.mulf %gather3A_641, %get3A_59 : vector<16xf32>
        %swap3A_651 = arith.index_cast %add3A_649 : i32 to index
        %swap3A_652 = arith.constant 0 : index
        %swap3A_653 = tpu.vector_load %arg11[%swap3A_651, %swap3A_652] {strides = array<i32>} : memref<128x128xf32, #tpu.memory_space<vmem>>, vector<16xf32>,
        tpu.vector_store %arg11[%swap3A_651, %swap3A_652], %mul3A_650 {strides = array<i32>} : memref<128x128xf32, #tpu.memory_space<vmem>>, vector<16xf32>,
        %mul3A_654 = arith.mulf %gather3A_645, %get3A_61 : vector<16xf32>
        %swap3A_655 = arith.index_cast %add3A_649 : i32 to index
        %swap3A_656 = arith.constant 16 : index
        %swap3A_657 = tpu.vector_load %arg11[%swap3A_655, %swap3A_656] {strides = array<i32>} : memref<128x128xf32, #tpu.memory_space<vmem>>, vector<16xf32>,
        tpu.vector_store %arg11[%swap3A_655, %swap3A_656], %mul3A_654 {strides = array<i32>} : memref<128x128xf32, #tpu.memory_space<vmem>>, vector<16xf32>,
        %slice3A_658 = vector.extract_strided_slice %sub3A_421 {offsets = [12], sizes = [1], strides = [1]} : vector<16xi32> to vector<1xi32>
        %squeeze3A_659 = vector.extract %slice3A_658[0] : i32 from vector<1xi32>
        %broadcast_in_dim3A_660 = vector.broadcast %squeeze3A_659 : i32 to vector<16xi32>
        %gather3A_661 = tpu.vector_load_idx %arg7[%iota3A, %broadcast_in_dim3A_660] : memref<32x3200xf32, #tpu.memory_space<vmem>>[vector<16xi32>, vector<16xi32>], vector<16xf32>,
        %add3A_662 = arith.constant 16 : i32
        %add3A_663 = vector.broadcast %add3A_662 : i32 to vector<16xi32>
        %add3A_664 = arith.addi %iota3A, %add3A_663 : vector<16xi32>
        %gather3A_665 = tpu.vector_load_idx %arg7[%add3A_664, %broadcast_in_dim3A_660] : memref<32x3200xf32, #tpu.memory_space<vmem>>[vector<16xi32>, vector<16xi32>], vector<16xf32>,
        %mul3A_666 = arith.constant 16 : i32
        %mul3A_667 = arith.muli %scan3A_411, %mul3A_666 : i32
        %add3A_668 = arith.constant 12 : i32
        %add3A_669 = arith.addi %mul3A_667, %add3A_668 : i32
        %mul3A_670 = arith.mulf %gather3A_661, %get3A_59 : vector<16xf32>
        %swap3A_671 = arith.index_cast %add3A_669 : i32 to index
        %swap3A_672 = arith.constant 0 : index
        %swap3A_673 = tpu.vector_load %arg11[%swap3A_671, %swap3A_672] {strides = array<i32>} : memref<128x128xf32, #tpu.memory_space<vmem>>, vector<16xf32>,
        tpu.vector_store %arg11[%swap3A_671, %swap3A_672], %mul3A_670 {strides = array<i32>} : memref<128x128xf32, #tpu.memory_space<vmem>>, vector<16xf32>,
        %mul3A_674 = arith.mulf %gather3A_665, %get3A_61 : vector<16xf32>
        %swap3A_675 = arith.index_cast %add3A_669 : i32 to index
        %swap3A_676 = arith.constant 16 : index
        %swap3A_677 = tpu.vector_load %arg11[%swap3A_675, %swap3A_676] {strides = array<i32>} : memref<128x128xf32, #tpu.memory_space<vmem>>, vector<16xf32>,
        tpu.vector_store %arg11[%swap3A_675, %swap3A_676], %mul3A_674 {strides = array<i32>} : memref<128x128xf32, #tpu.memory_space<vmem>>, vector<16xf32>,
        %slice3A_678 = vector.extract_strided_slice %sub3A_421 {offsets = [13], sizes = [1], strides = [1]} : vector<16xi32> to vector<1xi32>
        %squeeze3A_679 = vector.extract %slice3A_678[0] : i32 from vector<1xi32>
        %broadcast_in_dim3A_680 = vector.broadcast %squeeze3A_679 : i32 to vector<16xi32>
        %gather3A_681 = tpu.vector_load_idx %arg7[%iota3A, %broadcast_in_dim3A_680] : memref<32x3200xf32, #tpu.memory_space<vmem>>[vector<16xi32>, vector<16xi32>], vector<16xf32>,
        %add3A_682 = arith.constant 16 : i32
        %add3A_683 = vector.broadcast %add3A_682 : i32 to vector<16xi32>
        %add3A_684 = arith.addi %iota3A, %add3A_683 : vector<16xi32>
        %gather3A_685 = tpu.vector_load_idx %arg7[%add3A_684, %broadcast_in_dim3A_680] : memref<32x3200xf32, #tpu.memory_space<vmem>>[vector<16xi32>, vector<16xi32>], vector<16xf32>,
        %mul3A_686 = arith.constant 16 : i32
        %mul3A_687 = arith.muli %scan3A_411, %mul3A_686 : i32
        %add3A_688 = arith.constant 13 : i32
        %add3A_689 = arith.addi %mul3A_687, %add3A_688 : i32
        %mul3A_690 = arith.mulf %gather3A_681, %get3A_59 : vector<16xf32>
        %swap3A_691 = arith.index_cast %add3A_689 : i32 to index
        %swap3A_692 = arith.constant 0 : index
        %swap3A_693 = tpu.vector_load %arg11[%swap3A_691, %swap3A_692] {strides = array<i32>} : memref<128x128xf32, #tpu.memory_space<vmem>>, vector<16xf32>,
        tpu.vector_store %arg11[%swap3A_691, %swap3A_692], %mul3A_690 {strides = array<i32>} : memref<128x128xf32, #tpu.memory_space<vmem>>, vector<16xf32>,
        %mul3A_694 = arith.mulf %gather3A_685, %get3A_61 : vector<16xf32>
        %swap3A_695 = arith.index_cast %add3A_689 : i32 to index
        %swap3A_696 = arith.constant 16 : index
        %swap3A_697 = tpu.vector_load %arg11[%swap3A_695, %swap3A_696] {strides = array<i32>} : memref<128x128xf32, #tpu.memory_space<vmem>>, vector<16xf32>,
        tpu.vector_store %arg11[%swap3A_695, %swap3A_696], %mul3A_694 {strides = array<i32>} : memref<128x128xf32, #tpu.memory_space<vmem>>, vector<16xf32>,
        %slice3A_698 = vector.extract_strided_slice %sub3A_421 {offsets = [14], sizes = [1], strides = [1]} : vector<16xi32> to vector<1xi32>
        %squeeze3A_699 = vector.extract %slice3A_698[0] : i32 from vector<1xi32>
        %broadcast_in_dim3A_700 = vector.broadcast %squeeze3A_699 : i32 to vector<16xi32>
        %gather3A_701 = tpu.vector_load_idx %arg7[%iota3A, %broadcast_in_dim3A_700] : memref<32x3200xf32, #tpu.memory_space<vmem>>[vector<16xi32>, vector<16xi32>], vector<16xf32>,
        %add3A_702 = arith.constant 16 : i32
        %add3A_703 = vector.broadcast %add3A_702 : i32 to vector<16xi32>
        %add3A_704 = arith.addi %iota3A, %add3A_703 : vector<16xi32>
        %gather3A_705 = tpu.vector_load_idx %arg7[%add3A_704, %broadcast_in_dim3A_700] : memref<32x3200xf32, #tpu.memory_space<vmem>>[vector<16xi32>, vector<16xi32>], vector<16xf32>,
        %mul3A_706 = arith.constant 16 : i32
        %mul3A_707 = arith.muli %scan3A_411, %mul3A_706 : i32
        %add3A_708 = arith.constant 14 : i32
        %add3A_709 = arith.addi %mul3A_707, %add3A_708 : i32
        %mul3A_710 = arith.mulf %gather3A_701, %get3A_59 : vector<16xf32>
        %swap3A_711 = arith.index_cast %add3A_709 : i32 to index
        %swap3A_712 = arith.constant 0 : index
        %swap3A_713 = tpu.vector_load %arg11[%swap3A_711, %swap3A_712] {strides = array<i32>} : memref<128x128xf32, #tpu.memory_space<vmem>>, vector<16xf32>,
        tpu.vector_store %arg11[%swap3A_711, %swap3A_712], %mul3A_710 {strides = array<i32>} : memref<128x128xf32, #tpu.memory_space<vmem>>, vector<16xf32>,
        %mul3A_714 = arith.mulf %gather3A_705, %get3A_61 : vector<16xf32>
        %swap3A_715 = arith.index_cast %add3A_709 : i32 to index
        %swap3A_716 = arith.constant 16 : index
        %swap3A_717 = tpu.vector_load %arg11[%swap3A_715, %swap3A_716] {strides = array<i32>} : memref<128x128xf32, #tpu.memory_space<vmem>>, vector<16xf32>,
        tpu.vector_store %arg11[%swap3A_715, %swap3A_716], %mul3A_714 {strides = array<i32>} : memref<128x128xf32, #tpu.memory_space<vmem>>, vector<16xf32>,
        %slice3A_718 = vector.extract_strided_slice %sub3A_421 {offsets = [15], sizes = [1], strides = [1]} : vector<16xi32> to vector<1xi32>
        %squeeze3A_719 = vector.extract %slice3A_718[0] : i32 from vector<1xi32>
        %broadcast_in_dim3A_720 = vector.broadcast %squeeze3A_719 : i32 to vector<16xi32>
        %gather3A_721 = tpu.vector_load_idx %arg7[%iota3A, %broadcast_in_dim3A_720] : memref<32x3200xf32, #tpu.memory_space<vmem>>[vector<16xi32>, vector<16xi32>], vector<16xf32>,
        %add3A_722 = arith.constant 16 : i32
        %add3A_723 = vector.broadcast %add3A_722 : i32 to vector<16xi32>
        %add3A_724 = arith.addi %iota3A, %add3A_723 : vector<16xi32>
        %gather3A_725 = tpu.vector_load_idx %arg7[%add3A_724, %broadcast_in_dim3A_720] : memref<32x3200xf32, #tpu.memory_space<vmem>>[vector<16xi32>, vector<16xi32>], vector<16xf32>,
        %mul3A_726 = arith.constant 16 : i32
        %mul3A_727 = arith.muli %scan3A_411, %mul3A_726 : i32
        %add3A_728 = arith.constant 15 : i32
        %add3A_729 = arith.addi %mul3A_727, %add3A_728 : i32
        %mul3A_730 = arith.mulf %gather3A_721, %get3A_59 : vector<16xf32>
        %swap3A_731 = arith.index_cast %add3A_729 : i32 to index
        %swap3A_732 = arith.constant 0 : index
        %swap3A_733 = tpu.vector_load %arg11[%swap3A_731, %swap3A_732] {strides = array<i32>} : memref<128x128xf32, #tpu.memory_space<vmem>>, vector<16xf32>,
        tpu.vector_store %arg11[%swap3A_731, %swap3A_732], %mul3A_730 {strides = array<i32>} : memref<128x128xf32, #tpu.memory_space<vmem>>, vector<16xf32>,
        %mul3A_734 = arith.mulf %gather3A_725, %get3A_61 : vector<16xf32>
        %swap3A_735 = arith.index_cast %add3A_729 : i32 to index
        %swap3A_736 = arith.constant 16 : index
        %swap3A_737 = tpu.vector_load %arg11[%swap3A_735, %swap3A_736] {strides = array<i32>} : memref<128x128xf32, #tpu.memory_space<vmem>>, vector<16xf32>,
        tpu.vector_store %arg11[%swap3A_735, %swap3A_736], %mul3A_734 {strides = array<i32>} : memref<128x128xf32, #tpu.memory_space<vmem>>, vector<16xf32>,
      }
      %scan3A_396 = arith.constant 8 : i32
      %dma_start3A_397 = arith.constant 2 : i32
      %dma_start3A_398 = arith.constant 0 : i32
      %dma_start3A_399 = tpu.memref_slice %arg10[%dma_start3A_397, %dma_start3A_398] : memref<6x128xi32, #tpu.memory_space<vmem>> -> memref<1x128xi32, #tpu.memory_space<vmem>>
      %dma_start3A_400 = tpu.memref_squeeze %dma_start3A_399 : memref<1x128xi32, #tpu.memory_space<vmem>> -> memref<128xi32, #tpu.memory_space<vmem>>
      %dma_start3A_401 = arith.constant 0 : i32
      %dma_start3A_402 = arith.constant 0 : i32
      %dma_start3A_403 = tpu.memref_slice %arg5[%dma_start3A_401, %dma_start3A_402] : memref<16640x128xf32, #tpu.memory_space<hbm>> -> memref<16640x128xf32, #tpu.memory_space<hbm>>
      tpu.enqueue_indirect_dma source(%arg11 : memref<128x128xf32, #tpu.memory_space<vmem>>) target(%dma_start3A_403 : memref<16640x128xf32, #tpu.memory_space<hbm>>) offsets(%dma_start3A_400 : memref<128xi32, #tpu.memory_space<vmem>>) semaphore(%arg13 : memref<!tpu.dma_semaphore, #tpu.memory_space<semaphore_mem>>)
      %dma_wait3A_404 = arith.constant 2 : i32
      %dma_wait3A_405 = arith.constant 0 : i32
      %dma_wait3A_406 = tpu.memref_slice %arg10[%dma_wait3A_404, %dma_wait3A_405] : memref<6x128xi32, #tpu.memory_space<vmem>> -> memref<1x128xi32, #tpu.memory_space<vmem>>
      %dma_wait3A_407 = tpu.memref_squeeze %dma_wait3A_406 : memref<1x128xi32, #tpu.memory_space<vmem>> -> memref<128xi32, #tpu.memory_space<vmem>>
      %dma_wait3A_408 = arith.constant 0 : i32
      %dma_wait3A_409 = arith.constant 0 : i32
      %dma_wait3A_410 = tpu.memref_slice %arg5[%dma_wait3A_408, %dma_wait3A_409] : memref<16640x128xf32, #tpu.memory_space<hbm>> -> memref<16640x128xf32, #tpu.memory_space<hbm>>
      tpu.wait_indirect_dma semaphore(%arg13 : memref<!tpu.dma_semaphore, #tpu.memory_space<semaphore_mem>>) src(%arg11 : memref<128x128xf32, #tpu.memory_space<vmem>>) dst(%dma_wait3A_410 : memref<16640x128xf32, #tpu.memory_space<hbm>>)
    } else {
    }
    %gt3A_376 = arith.constant 384 : i32
    %gt3A_377 = arith.cmpi sgt, %scan3A_72, %gt3A_376 : i32
    %convert_element_type3A_378 = arith.extui %gt3A_377 : i1 to i32
    %cond3A_379 = arith.constant 0 : i32
    %cond3A_380 = arith.cmpi ne, %convert_element_type3A_378, %cond3A_379 : i32
    scf.if %cond3A_380 {
      %scan3A_391 = arith.constant 0 : i32
      %scan3A_392 = arith.constant 0 : i32
      %scan3A_393 = arith.constant 8 : i32
      %scan3A_394 = arith.addi %scan3A_392, %scan3A_393 : i32
      %scan3A_395 = arith.constant 1 : i32
      scf.for %scan3A_411 = %scan3A_392 to %scan3A_394 step %scan3A_395  : i32 {
        %mul3A_412 = arith.constant 16 : i32
        %mul3A_413 = arith.muli %scan3A_411, %mul3A_412 : i32
        %add3A_414 = arith.constant 384 : i32
        %add3A_415 = arith.addi %add3A_414, %mul3A_413 : i32
        %get3A_416 = arith.index_cast %add3A_415 : i32 to index
        %get3A_417 = tpu.vector_load %arg8[%get3A_416] {strides = array<i32>} : memref<784xi32, #tpu.memory_space<vmem>>, vector<16xi32>,
        %mul3A_418 = arith.constant 128 : i32
        %mul3A_419 = arith.muli %min3A_53, %mul3A_418 : i32
        %sub3A_420 = vector.broadcast %mul3A_419 : i32 to vector<16xi32>
        %sub3A_421 = arith.subi %get3A_417, %sub3A_420 : vector<16xi32>
        %slice3A = vector.extract_strided_slice %sub3A_421 {offsets = [0], sizes = [1], strides = [1]} : vector<16xi32> to vector<1xi32>
        %squeeze3A = vector.extract %slice3A[0] : i32 from vector<1xi32>
        %broadcast_in_dim3A = vector.broadcast %squeeze3A : i32 to vector<16xi32>
        %gather3A = tpu.vector_load_idx %arg7[%iota3A, %broadcast_in_dim3A] : memref<32x3200xf32, #tpu.memory_space<vmem>>[vector<16xi32>, vector<16xi32>], vector<16xf32>,
        %add3A_422 = arith.constant 16 : i32
        %add3A_423 = vector.broadcast %add3A_422 : i32 to vector<16xi32>
        %add3A_424 = arith.addi %iota3A, %add3A_423 : vector<16xi32>
        %gather3A_425 = tpu.vector_load_idx %arg7[%add3A_424, %broadcast_in_dim3A] : memref<32x3200xf32, #tpu.memory_space<vmem>>[vector<16xi32>, vector<16xi32>], vector<16xf32>,
        %mul3A_426 = arith.constant 16 : i32
        %mul3A_427 = arith.muli %scan3A_411, %mul3A_426 : i32
        %add3A_428 = arith.constant 0 : i32
        %add3A_429 = arith.addi %mul3A_427, %add3A_428 : i32
        %mul3A_430 = arith.mulf %gather3A, %get3A_59 : vector<16xf32>
        %swap3A_431 = arith.index_cast %add3A_429 : i32 to index
        %swap3A_432 = arith.constant 0 : index
        %swap3A_433 = tpu.vector_load %arg11[%swap3A_431, %swap3A_432] {strides = array<i32>} : memref<128x128xf32, #tpu.memory_space<vmem>>, vector<16xf32>,
        tpu.vector_store %arg11[%swap3A_431, %swap3A_432], %mul3A_430 {strides = array<i32>} : memref<128x128xf32, #tpu.memory_space<vmem>>, vector<16xf32>,
        %mul3A_434 = arith.mulf %gather3A_425, %get3A_61 : vector<16xf32>
        %swap3A_435 = arith.index_cast %add3A_429 : i32 to index
        %swap3A_436 = arith.constant 16 : index
        %swap3A_437 = tpu.vector_load %arg11[%swap3A_435, %swap3A_436] {strides = array<i32>} : memref<128x128xf32, #tpu.memory_space<vmem>>, vector<16xf32>,
        tpu.vector_store %arg11[%swap3A_435, %swap3A_436], %mul3A_434 {strides = array<i32>} : memref<128x128xf32, #tpu.memory_space<vmem>>, vector<16xf32>,
        %slice3A_438 = vector.extract_strided_slice %sub3A_421 {offsets = [1], sizes = [1], strides = [1]} : vector<16xi32> to vector<1xi32>
        %squeeze3A_439 = vector.extract %slice3A_438[0] : i32 from vector<1xi32>
        %broadcast_in_dim3A_440 = vector.broadcast %squeeze3A_439 : i32 to vector<16xi32>
        %gather3A_441 = tpu.vector_load_idx %arg7[%iota3A, %broadcast_in_dim3A_440] : memref<32x3200xf32, #tpu.memory_space<vmem>>[vector<16xi32>, vector<16xi32>], vector<16xf32>,
        %add3A_442 = arith.constant 16 : i32
        %add3A_443 = vector.broadcast %add3A_442 : i32 to vector<16xi32>
        %add3A_444 = arith.addi %iota3A, %add3A_443 : vector<16xi32>
        %gather3A_445 = tpu.vector_load_idx %arg7[%add3A_444, %broadcast_in_dim3A_440] : memref<32x3200xf32, #tpu.memory_space<vmem>>[vector<16xi32>, vector<16xi32>], vector<16xf32>,
        %mul3A_446 = arith.constant 16 : i32
        %mul3A_447 = arith.muli %scan3A_411, %mul3A_446 : i32
        %add3A_448 = arith.constant 1 : i32
        %add3A_449 = arith.addi %mul3A_447, %add3A_448 : i32
        %mul3A_450 = arith.mulf %gather3A_441, %get3A_59 : vector<16xf32>
        %swap3A_451 = arith.index_cast %add3A_449 : i32 to index
        %swap3A_452 = arith.constant 0 : index
        %swap3A_453 = tpu.vector_load %arg11[%swap3A_451, %swap3A_452] {strides = array<i32>} : memref<128x128xf32, #tpu.memory_space<vmem>>, vector<16xf32>,
        tpu.vector_store %arg11[%swap3A_451, %swap3A_452], %mul3A_450 {strides = array<i32>} : memref<128x128xf32, #tpu.memory_space<vmem>>, vector<16xf32>,
        %mul3A_454 = arith.mulf %gather3A_445, %get3A_61 : vector<16xf32>
        %swap3A_455 = arith.index_cast %add3A_449 : i32 to index
        %swap3A_456 = arith.constant 16 : index
        %swap3A_457 = tpu.vector_load %arg11[%swap3A_455, %swap3A_456] {strides = array<i32>} : memref<128x128xf32, #tpu.memory_space<vmem>>, vector<16xf32>,
        tpu.vector_store %arg11[%swap3A_455, %swap3A_456], %mul3A_454 {strides = array<i32>} : memref<128x128xf32, #tpu.memory_space<vmem>>, vector<16xf32>,
        %slice3A_458 = vector.extract_strided_slice %sub3A_421 {offsets = [2], sizes = [1], strides = [1]} : vector<16xi32> to vector<1xi32>
        %squeeze3A_459 = vector.extract %slice3A_458[0] : i32 from vector<1xi32>
        %broadcast_in_dim3A_460 = vector.broadcast %squeeze3A_459 : i32 to vector<16xi32>
        %gather3A_461 = tpu.vector_load_idx %arg7[%iota3A, %broadcast_in_dim3A_460] : memref<32x3200xf32, #tpu.memory_space<vmem>>[vector<16xi32>, vector<16xi32>], vector<16xf32>,
        %add3A_462 = arith.constant 16 : i32
        %add3A_463 = vector.broadcast %add3A_462 : i32 to vector<16xi32>
        %add3A_464 = arith.addi %iota3A, %add3A_463 : vector<16xi32>
        %gather3A_465 = tpu.vector_load_idx %arg7[%add3A_464, %broadcast_in_dim3A_460] : memref<32x3200xf32, #tpu.memory_space<vmem>>[vector<16xi32>, vector<16xi32>], vector<16xf32>,
        %mul3A_466 = arith.constant 16 : i32
        %mul3A_467 = arith.muli %scan3A_411, %mul3A_466 : i32
        %add3A_468 = arith.constant 2 : i32
        %add3A_469 = arith.addi %mul3A_467, %add3A_468 : i32
        %mul3A_470 = arith.mulf %gather3A_461, %get3A_59 : vector<16xf32>
        %swap3A_471 = arith.index_cast %add3A_469 : i32 to index
        %swap3A_472 = arith.constant 0 : index
        %swap3A_473 = tpu.vector_load %arg11[%swap3A_471, %swap3A_472] {strides = array<i32>} : memref<128x128xf32, #tpu.memory_space<vmem>>, vector<16xf32>,
        tpu.vector_store %arg11[%swap3A_471, %swap3A_472], %mul3A_470 {strides = array<i32>} : memref<128x128xf32, #tpu.memory_space<vmem>>, vector<16xf32>,
        %mul3A_474 = arith.mulf %gather3A_465, %get3A_61 : vector<16xf32>
        %swap3A_475 = arith.index_cast %add3A_469 : i32 to index
        %swap3A_476 = arith.constant 16 : index
        %swap3A_477 = tpu.vector_load %arg11[%swap3A_475, %swap3A_476] {strides = array<i32>} : memref<128x128xf32, #tpu.memory_space<vmem>>, vector<16xf32>,
        tpu.vector_store %arg11[%swap3A_475, %swap3A_476], %mul3A_474 {strides = array<i32>} : memref<128x128xf32, #tpu.memory_space<vmem>>, vector<16xf32>,
        %slice3A_478 = vector.extract_strided_slice %sub3A_421 {offsets = [3], sizes = [1], strides = [1]} : vector<16xi32> to vector<1xi32>
        %squeeze3A_479 = vector.extract %slice3A_478[0] : i32 from vector<1xi32>
        %broadcast_in_dim3A_480 = vector.broadcast %squeeze3A_479 : i32 to vector<16xi32>
        %gather3A_481 = tpu.vector_load_idx %arg7[%iota3A, %broadcast_in_dim3A_480] : memref<32x3200xf32, #tpu.memory_space<vmem>>[vector<16xi32>, vector<16xi32>], vector<16xf32>,
        %add3A_482 = arith.constant 16 : i32
        %add3A_483 = vector.broadcast %add3A_482 : i32 to vector<16xi32>
        %add3A_484 = arith.addi %iota3A, %add3A_483 : vector<16xi32>
        %gather3A_485 = tpu.vector_load_idx %arg7[%add3A_484, %broadcast_in_dim3A_480] : memref<32x3200xf32, #tpu.memory_space<vmem>>[vector<16xi32>, vector<16xi32>], vector<16xf32>,
        %mul3A_486 = arith.constant 16 : i32
        %mul3A_487 = arith.muli %scan3A_411, %mul3A_486 : i32
        %add3A_488 = arith.constant 3 : i32
        %add3A_489 = arith.addi %mul3A_487, %add3A_488 : i32
        %mul3A_490 = arith.mulf %gather3A_481, %get3A_59 : vector<16xf32>
        %swap3A_491 = arith.index_cast %add3A_489 : i32 to index
        %swap3A_492 = arith.constant 0 : index
        %swap3A_493 = tpu.vector_load %arg11[%swap3A_491, %swap3A_492] {strides = array<i32>} : memref<128x128xf32, #tpu.memory_space<vmem>>, vector<16xf32>,
        tpu.vector_store %arg11[%swap3A_491, %swap3A_492], %mul3A_490 {strides = array<i32>} : memref<128x128xf32, #tpu.memory_space<vmem>>, vector<16xf32>,
        %mul3A_494 = arith.mulf %gather3A_485, %get3A_61 : vector<16xf32>
        %swap3A_495 = arith.index_cast %add3A_489 : i32 to index
        %swap3A_496 = arith.constant 16 : index
        %swap3A_497 = tpu.vector_load %arg11[%swap3A_495, %swap3A_496] {strides = array<i32>} : memref<128x128xf32, #tpu.memory_space<vmem>>, vector<16xf32>,
        tpu.vector_store %arg11[%swap3A_495, %swap3A_496], %mul3A_494 {strides = array<i32>} : memref<128x128xf32, #tpu.memory_space<vmem>>, vector<16xf32>,
        %slice3A_498 = vector.extract_strided_slice %sub3A_421 {offsets = [4], sizes = [1], strides = [1]} : vector<16xi32> to vector<1xi32>
        %squeeze3A_499 = vector.extract %slice3A_498[0] : i32 from vector<1xi32>
        %broadcast_in_dim3A_500 = vector.broadcast %squeeze3A_499 : i32 to vector<16xi32>
        %gather3A_501 = tpu.vector_load_idx %arg7[%iota3A, %broadcast_in_dim3A_500] : memref<32x3200xf32, #tpu.memory_space<vmem>>[vector<16xi32>, vector<16xi32>], vector<16xf32>,
        %add3A_502 = arith.constant 16 : i32
        %add3A_503 = vector.broadcast %add3A_502 : i32 to vector<16xi32>
        %add3A_504 = arith.addi %iota3A, %add3A_503 : vector<16xi32>
        %gather3A_505 = tpu.vector_load_idx %arg7[%add3A_504, %broadcast_in_dim3A_500] : memref<32x3200xf32, #tpu.memory_space<vmem>>[vector<16xi32>, vector<16xi32>], vector<16xf32>,
        %mul3A_506 = arith.constant 16 : i32
        %mul3A_507 = arith.muli %scan3A_411, %mul3A_506 : i32
        %add3A_508 = arith.constant 4 : i32
        %add3A_509 = arith.addi %mul3A_507, %add3A_508 : i32
        %mul3A_510 = arith.mulf %gather3A_501, %get3A_59 : vector<16xf32>
        %swap3A_511 = arith.index_cast %add3A_509 : i32 to index
        %swap3A_512 = arith.constant 0 : index
        %swap3A_513 = tpu.vector_load %arg11[%swap3A_511, %swap3A_512] {strides = array<i32>} : memref<128x128xf32, #tpu.memory_space<vmem>>, vector<16xf32>,
        tpu.vector_store %arg11[%swap3A_511, %swap3A_512], %mul3A_510 {strides = array<i32>} : memref<128x128xf32, #tpu.memory_space<vmem>>, vector<16xf32>,
        %mul3A_514 = arith.mulf %gather3A_505, %get3A_61 : vector<16xf32>
        %swap3A_515 = arith.index_cast %add3A_509 : i32 to index
        %swap3A_516 = arith.constant 16 : index
        %swap3A_517 = tpu.vector_load %arg11[%swap3A_515, %swap3A_516] {strides = array<i32>} : memref<128x128xf32, #tpu.memory_space<vmem>>, vector<16xf32>,
        tpu.vector_store %arg11[%swap3A_515, %swap3A_516], %mul3A_514 {strides = array<i32>} : memref<128x128xf32, #tpu.memory_space<vmem>>, vector<16xf32>,
        %slice3A_518 = vector.extract_strided_slice %sub3A_421 {offsets = [5], sizes = [1], strides = [1]} : vector<16xi32> to vector<1xi32>
        %squeeze3A_519 = vector.extract %slice3A_518[0] : i32 from vector<1xi32>
        %broadcast_in_dim3A_520 = vector.broadcast %squeeze3A_519 : i32 to vector<16xi32>
        %gather3A_521 = tpu.vector_load_idx %arg7[%iota3A, %broadcast_in_dim3A_520] : memref<32x3200xf32, #tpu.memory_space<vmem>>[vector<16xi32>, vector<16xi32>], vector<16xf32>,
        %add3A_522 = arith.constant 16 : i32
        %add3A_523 = vector.broadcast %add3A_522 : i32 to vector<16xi32>
        %add3A_524 = arith.addi %iota3A, %add3A_523 : vector<16xi32>
        %gather3A_525 = tpu.vector_load_idx %arg7[%add3A_524, %broadcast_in_dim3A_520] : memref<32x3200xf32, #tpu.memory_space<vmem>>[vector<16xi32>, vector<16xi32>], vector<16xf32>,
        %mul3A_526 = arith.constant 16 : i32
        %mul3A_527 = arith.muli %scan3A_411, %mul3A_526 : i32
        %add3A_528 = arith.constant 5 : i32
        %add3A_529 = arith.addi %mul3A_527, %add3A_528 : i32
        %mul3A_530 = arith.mulf %gather3A_521, %get3A_59 : vector<16xf32>
        %swap3A_531 = arith.index_cast %add3A_529 : i32 to index
        %swap3A_532 = arith.constant 0 : index
        %swap3A_533 = tpu.vector_load %arg11[%swap3A_531, %swap3A_532] {strides = array<i32>} : memref<128x128xf32, #tpu.memory_space<vmem>>, vector<16xf32>,
        tpu.vector_store %arg11[%swap3A_531, %swap3A_532], %mul3A_530 {strides = array<i32>} : memref<128x128xf32, #tpu.memory_space<vmem>>, vector<16xf32>,
        %mul3A_534 = arith.mulf %gather3A_525, %get3A_61 : vector<16xf32>
        %swap3A_535 = arith.index_cast %add3A_529 : i32 to index
        %swap3A_536 = arith.constant 16 : index
        %swap3A_537 = tpu.vector_load %arg11[%swap3A_535, %swap3A_536] {strides = array<i32>} : memref<128x128xf32, #tpu.memory_space<vmem>>, vector<16xf32>,
        tpu.vector_store %arg11[%swap3A_535, %swap3A_536], %mul3A_534 {strides = array<i32>} : memref<128x128xf32, #tpu.memory_space<vmem>>, vector<16xf32>,
        %slice3A_538 = vector.extract_strided_slice %sub3A_421 {offsets = [6], sizes = [1], strides = [1]} : vector<16xi32> to vector<1xi32>
        %squeeze3A_539 = vector.extract %slice3A_538[0] : i32 from vector<1xi32>
        %broadcast_in_dim3A_540 = vector.broadcast %squeeze3A_539 : i32 to vector<16xi32>
        %gather3A_541 = tpu.vector_load_idx %arg7[%iota3A, %broadcast_in_dim3A_540] : memref<32x3200xf32, #tpu.memory_space<vmem>>[vector<16xi32>, vector<16xi32>], vector<16xf32>,
        %add3A_542 = arith.constant 16 : i32
        %add3A_543 = vector.broadcast %add3A_542 : i32 to vector<16xi32>
        %add3A_544 = arith.addi %iota3A, %add3A_543 : vector<16xi32>
        %gather3A_545 = tpu.vector_load_idx %arg7[%add3A_544, %broadcast_in_dim3A_540] : memref<32x3200xf32, #tpu.memory_space<vmem>>[vector<16xi32>, vector<16xi32>], vector<16xf32>,
        %mul3A_546 = arith.constant 16 : i32
        %mul3A_547 = arith.muli %scan3A_411, %mul3A_546 : i32
        %add3A_548 = arith.constant 6 : i32
        %add3A_549 = arith.addi %mul3A_547, %add3A_548 : i32
        %mul3A_550 = arith.mulf %gather3A_541, %get3A_59 : vector<16xf32>
        %swap3A_551 = arith.index_cast %add3A_549 : i32 to index
        %swap3A_552 = arith.constant 0 : index
        %swap3A_553 = tpu.vector_load %arg11[%swap3A_551, %swap3A_552] {strides = array<i32>} : memref<128x128xf32, #tpu.memory_space<vmem>>, vector<16xf32>,
        tpu.vector_store %arg11[%swap3A_551, %swap3A_552], %mul3A_550 {strides = array<i32>} : memref<128x128xf32, #tpu.memory_space<vmem>>, vector<16xf32>,
        %mul3A_554 = arith.mulf %gather3A_545, %get3A_61 : vector<16xf32>
        %swap3A_555 = arith.index_cast %add3A_549 : i32 to index
        %swap3A_556 = arith.constant 16 : index
        %swap3A_557 = tpu.vector_load %arg11[%swap3A_555, %swap3A_556] {strides = array<i32>} : memref<128x128xf32, #tpu.memory_space<vmem>>, vector<16xf32>,
        tpu.vector_store %arg11[%swap3A_555, %swap3A_556], %mul3A_554 {strides = array<i32>} : memref<128x128xf32, #tpu.memory_space<vmem>>, vector<16xf32>,
        %slice3A_558 = vector.extract_strided_slice %sub3A_421 {offsets = [7], sizes = [1], strides = [1]} : vector<16xi32> to vector<1xi32>
        %squeeze3A_559 = vector.extract %slice3A_558[0] : i32 from vector<1xi32>
        %broadcast_in_dim3A_560 = vector.broadcast %squeeze3A_559 : i32 to vector<16xi32>
        %gather3A_561 = tpu.vector_load_idx %arg7[%iota3A, %broadcast_in_dim3A_560] : memref<32x3200xf32, #tpu.memory_space<vmem>>[vector<16xi32>, vector<16xi32>], vector<16xf32>,
        %add3A_562 = arith.constant 16 : i32
        %add3A_563 = vector.broadcast %add3A_562 : i32 to vector<16xi32>
        %add3A_564 = arith.addi %iota3A, %add3A_563 : vector<16xi32>
        %gather3A_565 = tpu.vector_load_idx %arg7[%add3A_564, %broadcast_in_dim3A_560] : memref<32x3200xf32, #tpu.memory_space<vmem>>[vector<16xi32>, vector<16xi32>], vector<16xf32>,
        %mul3A_566 = arith.constant 16 : i32
        %mul3A_567 = arith.muli %scan3A_411, %mul3A_566 : i32
        %add3A_568 = arith.constant 7 : i32
        %add3A_569 = arith.addi %mul3A_567, %add3A_568 : i32
        %mul3A_570 = arith.mulf %gather3A_561, %get3A_59 : vector<16xf32>
        %swap3A_571 = arith.index_cast %add3A_569 : i32 to index
        %swap3A_572 = arith.constant 0 : index
        %swap3A_573 = tpu.vector_load %arg11[%swap3A_571, %swap3A_572] {strides = array<i32>} : memref<128x128xf32, #tpu.memory_space<vmem>>, vector<16xf32>,
        tpu.vector_store %arg11[%swap3A_571, %swap3A_572], %mul3A_570 {strides = array<i32>} : memref<128x128xf32, #tpu.memory_space<vmem>>, vector<16xf32>,
        %mul3A_574 = arith.mulf %gather3A_565, %get3A_61 : vector<16xf32>
        %swap3A_575 = arith.index_cast %add3A_569 : i32 to index
        %swap3A_576 = arith.constant 16 : index
        %swap3A_577 = tpu.vector_load %arg11[%swap3A_575, %swap3A_576] {strides = array<i32>} : memref<128x128xf32, #tpu.memory_space<vmem>>, vector<16xf32>,
        tpu.vector_store %arg11[%swap3A_575, %swap3A_576], %mul3A_574 {strides = array<i32>} : memref<128x128xf32, #tpu.memory_space<vmem>>, vector<16xf32>,
        %slice3A_578 = vector.extract_strided_slice %sub3A_421 {offsets = [8], sizes = [1], strides = [1]} : vector<16xi32> to vector<1xi32>
        %squeeze3A_579 = vector.extract %slice3A_578[0] : i32 from vector<1xi32>
        %broadcast_in_dim3A_580 = vector.broadcast %squeeze3A_579 : i32 to vector<16xi32>
        %gather3A_581 = tpu.vector_load_idx %arg7[%iota3A, %broadcast_in_dim3A_580] : memref<32x3200xf32, #tpu.memory_space<vmem>>[vector<16xi32>, vector<16xi32>], vector<16xf32>,
        %add3A_582 = arith.constant 16 : i32
        %add3A_583 = vector.broadcast %add3A_582 : i32 to vector<16xi32>
        %add3A_584 = arith.addi %iota3A, %add3A_583 : vector<16xi32>
        %gather3A_585 = tpu.vector_load_idx %arg7[%add3A_584, %broadcast_in_dim3A_580] : memref<32x3200xf32, #tpu.memory_space<vmem>>[vector<16xi32>, vector<16xi32>], vector<16xf32>,
        %mul3A_586 = arith.constant 16 : i32
        %mul3A_587 = arith.muli %scan3A_411, %mul3A_586 : i32
        %add3A_588 = arith.constant 8 : i32
        %add3A_589 = arith.addi %mul3A_587, %add3A_588 : i32
        %mul3A_590 = arith.mulf %gather3A_581, %get3A_59 : vector<16xf32>
        %swap3A_591 = arith.index_cast %add3A_589 : i32 to index
        %swap3A_592 = arith.constant 0 : index
        %swap3A_593 = tpu.vector_load %arg11[%swap3A_591, %swap3A_592] {strides = array<i32>} : memref<128x128xf32, #tpu.memory_space<vmem>>, vector<16xf32>,
        tpu.vector_store %arg11[%swap3A_591, %swap3A_592], %mul3A_590 {strides = array<i32>} : memref<128x128xf32, #tpu.memory_space<vmem>>, vector<16xf32>,
        %mul3A_594 = arith.mulf %gather3A_585, %get3A_61 : vector<16xf32>
        %swap3A_595 = arith.index_cast %add3A_589 : i32 to index
        %swap3A_596 = arith.constant 16 : index
        %swap3A_597 = tpu.vector_load %arg11[%swap3A_595, %swap3A_596] {strides = array<i32>} : memref<128x128xf32, #tpu.memory_space<vmem>>, vector<16xf32>,
        tpu.vector_store %arg11[%swap3A_595, %swap3A_596], %mul3A_594 {strides = array<i32>} : memref<128x128xf32, #tpu.memory_space<vmem>>, vector<16xf32>,
        %slice3A_598 = vector.extract_strided_slice %sub3A_421 {offsets = [9], sizes = [1], strides = [1]} : vector<16xi32> to vector<1xi32>
        %squeeze3A_599 = vector.extract %slice3A_598[0] : i32 from vector<1xi32>
        %broadcast_in_dim3A_600 = vector.broadcast %squeeze3A_599 : i32 to vector<16xi32>
        %gather3A_601 = tpu.vector_load_idx %arg7[%iota3A, %broadcast_in_dim3A_600] : memref<32x3200xf32, #tpu.memory_space<vmem>>[vector<16xi32>, vector<16xi32>], vector<16xf32>,
        %add3A_602 = arith.constant 16 : i32
        %add3A_603 = vector.broadcast %add3A_602 : i32 to vector<16xi32>
        %add3A_604 = arith.addi %iota3A, %add3A_603 : vector<16xi32>
        %gather3A_605 = tpu.vector_load_idx %arg7[%add3A_604, %broadcast_in_dim3A_600] : memref<32x3200xf32, #tpu.memory_space<vmem>>[vector<16xi32>, vector<16xi32>], vector<16xf32>,
        %mul3A_606 = arith.constant 16 : i32
        %mul3A_607 = arith.muli %scan3A_411, %mul3A_606 : i32
        %add3A_608 = arith.constant 9 : i32
        %add3A_609 = arith.addi %mul3A_607, %add3A_608 : i32
        %mul3A_610 = arith.mulf %gather3A_601, %get3A_59 : vector<16xf32>
        %swap3A_611 = arith.index_cast %add3A_609 : i32 to index
        %swap3A_612 = arith.constant 0 : index
        %swap3A_613 = tpu.vector_load %arg11[%swap3A_611, %swap3A_612] {strides = array<i32>} : memref<128x128xf32, #tpu.memory_space<vmem>>, vector<16xf32>,
        tpu.vector_store %arg11[%swap3A_611, %swap3A_612], %mul3A_610 {strides = array<i32>} : memref<128x128xf32, #tpu.memory_space<vmem>>, vector<16xf32>,
        %mul3A_614 = arith.mulf %gather3A_605, %get3A_61 : vector<16xf32>
        %swap3A_615 = arith.index_cast %add3A_609 : i32 to index
        %swap3A_616 = arith.constant 16 : index
        %swap3A_617 = tpu.vector_load %arg11[%swap3A_615, %swap3A_616] {strides = array<i32>} : memref<128x128xf32, #tpu.memory_space<vmem>>, vector<16xf32>,
        tpu.vector_store %arg11[%swap3A_615, %swap3A_616], %mul3A_614 {strides = array<i32>} : memref<128x128xf32, #tpu.memory_space<vmem>>, vector<16xf32>,
        %slice3A_618 = vector.extract_strided_slice %sub3A_421 {offsets = [10], sizes = [1], strides = [1]} : vector<16xi32> to vector<1xi32>
        %squeeze3A_619 = vector.extract %slice3A_618[0] : i32 from vector<1xi32>
        %broadcast_in_dim3A_620 = vector.broadcast %squeeze3A_619 : i32 to vector<16xi32>
        %gather3A_621 = tpu.vector_load_idx %arg7[%iota3A, %broadcast_in_dim3A_620] : memref<32x3200xf32, #tpu.memory_space<vmem>>[vector<16xi32>, vector<16xi32>], vector<16xf32>,
        %add3A_622 = arith.constant 16 : i32
        %add3A_623 = vector.broadcast %add3A_622 : i32 to vector<16xi32>
        %add3A_624 = arith.addi %iota3A, %add3A_623 : vector<16xi32>
        %gather3A_625 = tpu.vector_load_idx %arg7[%add3A_624, %broadcast_in_dim3A_620] : memref<32x3200xf32, #tpu.memory_space<vmem>>[vector<16xi32>, vector<16xi32>], vector<16xf32>,
        %mul3A_626 = arith.constant 16 : i32
        %mul3A_627 = arith.muli %scan3A_411, %mul3A_626 : i32
        %add3A_628 = arith.constant 10 : i32
        %add3A_629 = arith.addi %mul3A_627, %add3A_628 : i32
        %mul3A_630 = arith.mulf %gather3A_621, %get3A_59 : vector<16xf32>
        %swap3A_631 = arith.index_cast %add3A_629 : i32 to index
        %swap3A_632 = arith.constant 0 : index
        %swap3A_633 = tpu.vector_load %arg11[%swap3A_631, %swap3A_632] {strides = array<i32>} : memref<128x128xf32, #tpu.memory_space<vmem>>, vector<16xf32>,
        tpu.vector_store %arg11[%swap3A_631, %swap3A_632], %mul3A_630 {strides = array<i32>} : memref<128x128xf32, #tpu.memory_space<vmem>>, vector<16xf32>,
        %mul3A_634 = arith.mulf %gather3A_625, %get3A_61 : vector<16xf32>
        %swap3A_635 = arith.index_cast %add3A_629 : i32 to index
        %swap3A_636 = arith.constant 16 : index
        %swap3A_637 = tpu.vector_load %arg11[%swap3A_635, %swap3A_636] {strides = array<i32>} : memref<128x128xf32, #tpu.memory_space<vmem>>, vector<16xf32>,
        tpu.vector_store %arg11[%swap3A_635, %swap3A_636], %mul3A_634 {strides = array<i32>} : memref<128x128xf32, #tpu.memory_space<vmem>>, vector<16xf32>,
        %slice3A_638 = vector.extract_strided_slice %sub3A_421 {offsets = [11], sizes = [1], strides = [1]} : vector<16xi32> to vector<1xi32>
        %squeeze3A_639 = vector.extract %slice3A_638[0] : i32 from vector<1xi32>
        %broadcast_in_dim3A_640 = vector.broadcast %squeeze3A_639 : i32 to vector<16xi32>
        %gather3A_641 = tpu.vector_load_idx %arg7[%iota3A, %broadcast_in_dim3A_640] : memref<32x3200xf32, #tpu.memory_space<vmem>>[vector<16xi32>, vector<16xi32>], vector<16xf32>,
        %add3A_642 = arith.constant 16 : i32
        %add3A_643 = vector.broadcast %add3A_642 : i32 to vector<16xi32>
        %add3A_644 = arith.addi %iota3A, %add3A_643 : vector<16xi32>
        %gather3A_645 = tpu.vector_load_idx %arg7[%add3A_644, %broadcast_in_dim3A_640] : memref<32x3200xf32, #tpu.memory_space<vmem>>[vector<16xi32>, vector<16xi32>], vector<16xf32>,
        %mul3A_646 = arith.constant 16 : i32
        %mul3A_647 = arith.muli %scan3A_411, %mul3A_646 : i32
        %add3A_648 = arith.constant 11 : i32
        %add3A_649 = arith.addi %mul3A_647, %add3A_648 : i32
        %mul3A_650 = arith.mulf %gather3A_641, %get3A_59 : vector<16xf32>
        %swap3A_651 = arith.index_cast %add3A_649 : i32 to index
        %swap3A_652 = arith.constant 0 : index
        %swap3A_653 = tpu.vector_load %arg11[%swap3A_651, %swap3A_652] {strides = array<i32>} : memref<128x128xf32, #tpu.memory_space<vmem>>, vector<16xf32>,
        tpu.vector_store %arg11[%swap3A_651, %swap3A_652], %mul3A_650 {strides = array<i32>} : memref<128x128xf32, #tpu.memory_space<vmem>>, vector<16xf32>,
        %mul3A_654 = arith.mulf %gather3A_645, %get3A_61 : vector<16xf32>
        %swap3A_655 = arith.index_cast %add3A_649 : i32 to index
        %swap3A_656 = arith.constant 16 : index
        %swap3A_657 = tpu.vector_load %arg11[%swap3A_655, %swap3A_656] {strides = array<i32>} : memref<128x128xf32, #tpu.memory_space<vmem>>, vector<16xf32>,
        tpu.vector_store %arg11[%swap3A_655, %swap3A_656], %mul3A_654 {strides = array<i32>} : memref<128x128xf32, #tpu.memory_space<vmem>>, vector<16xf32>,
        %slice3A_658 = vector.extract_strided_slice %sub3A_421 {offsets = [12], sizes = [1], strides = [1]} : vector<16xi32> to vector<1xi32>
        %squeeze3A_659 = vector.extract %slice3A_658[0] : i32 from vector<1xi32>
        %broadcast_in_dim3A_660 = vector.broadcast %squeeze3A_659 : i32 to vector<16xi32>
        %gather3A_661 = tpu.vector_load_idx %arg7[%iota3A, %broadcast_in_dim3A_660] : memref<32x3200xf32, #tpu.memory_space<vmem>>[vector<16xi32>, vector<16xi32>], vector<16xf32>,
        %add3A_662 = arith.constant 16 : i32
        %add3A_663 = vector.broadcast %add3A_662 : i32 to vector<16xi32>
        %add3A_664 = arith.addi %iota3A, %add3A_663 : vector<16xi32>
        %gather3A_665 = tpu.vector_load_idx %arg7[%add3A_664, %broadcast_in_dim3A_660] : memref<32x3200xf32, #tpu.memory_space<vmem>>[vector<16xi32>, vector<16xi32>], vector<16xf32>,
        %mul3A_666 = arith.constant 16 : i32
        %mul3A_667 = arith.muli %scan3A_411, %mul3A_666 : i32
        %add3A_668 = arith.constant 12 : i32
        %add3A_669 = arith.addi %mul3A_667, %add3A_668 : i32
        %mul3A_670 = arith.mulf %gather3A_661, %get3A_59 : vector<16xf32>
        %swap3A_671 = arith.index_cast %add3A_669 : i32 to index
        %swap3A_672 = arith.constant 0 : index
        %swap3A_673 = tpu.vector_load %arg11[%swap3A_671, %swap3A_672] {strides = array<i32>} : memref<128x128xf32, #tpu.memory_space<vmem>>, vector<16xf32>,
        tpu.vector_store %arg11[%swap3A_671, %swap3A_672], %mul3A_670 {strides = array<i32>} : memref<128x128xf32, #tpu.memory_space<vmem>>, vector<16xf32>,
        %mul3A_674 = arith.mulf %gather3A_665, %get3A_61 : vector<16xf32>
        %swap3A_675 = arith.index_cast %add3A_669 : i32 to index
        %swap3A_676 = arith.constant 16 : index
        %swap3A_677 = tpu.vector_load %arg11[%swap3A_675, %swap3A_676] {strides = array<i32>} : memref<128x128xf32, #tpu.memory_space<vmem>>, vector<16xf32>,
        tpu.vector_store %arg11[%swap3A_675, %swap3A_676], %mul3A_674 {strides = array<i32>} : memref<128x128xf32, #tpu.memory_space<vmem>>, vector<16xf32>,
        %slice3A_678 = vector.extract_strided_slice %sub3A_421 {offsets = [13], sizes = [1], strides = [1]} : vector<16xi32> to vector<1xi32>
        %squeeze3A_679 = vector.extract %slice3A_678[0] : i32 from vector<1xi32>
        %broadcast_in_dim3A_680 = vector.broadcast %squeeze3A_679 : i32 to vector<16xi32>
        %gather3A_681 = tpu.vector_load_idx %arg7[%iota3A, %broadcast_in_dim3A_680] : memref<32x3200xf32, #tpu.memory_space<vmem>>[vector<16xi32>, vector<16xi32>], vector<16xf32>,
        %add3A_682 = arith.constant 16 : i32
        %add3A_683 = vector.broadcast %add3A_682 : i32 to vector<16xi32>
        %add3A_684 = arith.addi %iota3A, %add3A_683 : vector<16xi32>
        %gather3A_685 = tpu.vector_load_idx %arg7[%add3A_684, %broadcast_in_dim3A_680] : memref<32x3200xf32, #tpu.memory_space<vmem>>[vector<16xi32>, vector<16xi32>], vector<16xf32>,
        %mul3A_686 = arith.constant 16 : i32
        %mul3A_687 = arith.muli %scan3A_411, %mul3A_686 : i32
        %add3A_688 = arith.constant 13 : i32
        %add3A_689 = arith.addi %mul3A_687, %add3A_688 : i32
        %mul3A_690 = arith.mulf %gather3A_681, %get3A_59 : vector<16xf32>
        %swap3A_691 = arith.index_cast %add3A_689 : i32 to index
        %swap3A_692 = arith.constant 0 : index
        %swap3A_693 = tpu.vector_load %arg11[%swap3A_691, %swap3A_692] {strides = array<i32>} : memref<128x128xf32, #tpu.memory_space<vmem>>, vector<16xf32>,
        tpu.vector_store %arg11[%swap3A_691, %swap3A_692], %mul3A_690 {strides = array<i32>} : memref<128x128xf32, #tpu.memory_space<vmem>>, vector<16xf32>,
        %mul3A_694 = arith.mulf %gather3A_685, %get3A_61 : vector<16xf32>
        %swap3A_695 = arith.index_cast %add3A_689 : i32 to index
        %swap3A_696 = arith.constant 16 : index
        %swap3A_697 = tpu.vector_load %arg11[%swap3A_695, %swap3A_696] {strides = array<i32>} : memref<128x128xf32, #tpu.memory_space<vmem>>, vector<16xf32>,
        tpu.vector_store %arg11[%swap3A_695, %swap3A_696], %mul3A_694 {strides = array<i32>} : memref<128x128xf32, #tpu.memory_space<vmem>>, vector<16xf32>,
        %slice3A_698 = vector.extract_strided_slice %sub3A_421 {offsets = [14], sizes = [1], strides = [1]} : vector<16xi32> to vector<1xi32>
        %squeeze3A_699 = vector.extract %slice3A_698[0] : i32 from vector<1xi32>
        %broadcast_in_dim3A_700 = vector.broadcast %squeeze3A_699 : i32 to vector<16xi32>
        %gather3A_701 = tpu.vector_load_idx %arg7[%iota3A, %broadcast_in_dim3A_700] : memref<32x3200xf32, #tpu.memory_space<vmem>>[vector<16xi32>, vector<16xi32>], vector<16xf32>,
        %add3A_702 = arith.constant 16 : i32
        %add3A_703 = vector.broadcast %add3A_702 : i32 to vector<16xi32>
        %add3A_704 = arith.addi %iota3A, %add3A_703 : vector<16xi32>
        %gather3A_705 = tpu.vector_load_idx %arg7[%add3A_704, %broadcast_in_dim3A_700] : memref<32x3200xf32, #tpu.memory_space<vmem>>[vector<16xi32>, vector<16xi32>], vector<16xf32>,
        %mul3A_706 = arith.constant 16 : i32
        %mul3A_707 = arith.muli %scan3A_411, %mul3A_706 : i32
        %add3A_708 = arith.constant 14 : i32
        %add3A_709 = arith.addi %mul3A_707, %add3A_708 : i32
        %mul3A_710 = arith.mulf %gather3A_701, %get3A_59 : vector<16xf32>
        %swap3A_711 = arith.index_cast %add3A_709 : i32 to index
        %swap3A_712 = arith.constant 0 : index
        %swap3A_713 = tpu.vector_load %arg11[%swap3A_711, %swap3A_712] {strides = array<i32>} : memref<128x128xf32, #tpu.memory_space<vmem>>, vector<16xf32>,
        tpu.vector_store %arg11[%swap3A_711, %swap3A_712], %mul3A_710 {strides = array<i32>} : memref<128x128xf32, #tpu.memory_space<vmem>>, vector<16xf32>,
        %mul3A_714 = arith.mulf %gather3A_705, %get3A_61 : vector<16xf32>
        %swap3A_715 = arith.index_cast %add3A_709 : i32 to index
        %swap3A_716 = arith.constant 16 : index
        %swap3A_717 = tpu.vector_load %arg11[%swap3A_715, %swap3A_716] {strides = array<i32>} : memref<128x128xf32, #tpu.memory_space<vmem>>, vector<16xf32>,
        tpu.vector_store %arg11[%swap3A_715, %swap3A_716], %mul3A_714 {strides = array<i32>} : memref<128x128xf32, #tpu.memory_space<vmem>>, vector<16xf32>,
        %slice3A_718 = vector.extract_strided_slice %sub3A_421 {offsets = [15], sizes = [1], strides = [1]} : vector<16xi32> to vector<1xi32>
        %squeeze3A_719 = vector.extract %slice3A_718[0] : i32 from vector<1xi32>
        %broadcast_in_dim3A_720 = vector.broadcast %squeeze3A_719 : i32 to vector<16xi32>
        %gather3A_721 = tpu.vector_load_idx %arg7[%iota3A, %broadcast_in_dim3A_720] : memref<32x3200xf32, #tpu.memory_space<vmem>>[vector<16xi32>, vector<16xi32>], vector<16xf32>,
        %add3A_722 = arith.constant 16 : i32
        %add3A_723 = vector.broadcast %add3A_722 : i32 to vector<16xi32>
        %add3A_724 = arith.addi %iota3A, %add3A_723 : vector<16xi32>
        %gather3A_725 = tpu.vector_load_idx %arg7[%add3A_724, %broadcast_in_dim3A_720] : memref<32x3200xf32, #tpu.memory_space<vmem>>[vector<16xi32>, vector<16xi32>], vector<16xf32>,
        %mul3A_726 = arith.constant 16 : i32
        %mul3A_727 = arith.muli %scan3A_411, %mul3A_726 : i32
        %add3A_728 = arith.constant 15 : i32
        %add3A_729 = arith.addi %mul3A_727, %add3A_728 : i32
        %mul3A_730 = arith.mulf %gather3A_721, %get3A_59 : vector<16xf32>
        %swap3A_731 = arith.index_cast %add3A_729 : i32 to index
        %swap3A_732 = arith.constant 0 : index
        %swap3A_733 = tpu.vector_load %arg11[%swap3A_731, %swap3A_732] {strides = array<i32>} : memref<128x128xf32, #tpu.memory_space<vmem>>, vector<16xf32>,
        tpu.vector_store %arg11[%swap3A_731, %swap3A_732], %mul3A_730 {strides = array<i32>} : memref<128x128xf32, #tpu.memory_space<vmem>>, vector<16xf32>,
        %mul3A_734 = arith.mulf %gather3A_725, %get3A_61 : vector<16xf32>
        %swap3A_735 = arith.index_cast %add3A_729 : i32 to index
        %swap3A_736 = arith.constant 16 : index
        %swap3A_737 = tpu.vector_load %arg11[%swap3A_735, %swap3A_736] {strides = array<i32>} : memref<128x128xf32, #tpu.memory_space<vmem>>, vector<16xf32>,
        tpu.vector_store %arg11[%swap3A_735, %swap3A_736], %mul3A_734 {strides = array<i32>} : memref<128x128xf32, #tpu.memory_space<vmem>>, vector<16xf32>,
      }
      %scan3A_396 = arith.constant 8 : i32
      %dma_start3A_397 = arith.constant 3 : i32
      %dma_start3A_398 = arith.constant 0 : i32
      %dma_start3A_399 = tpu.memref_slice %arg10[%dma_start3A_397, %dma_start3A_398] : memref<6x128xi32, #tpu.memory_space<vmem>> -> memref<1x128xi32, #tpu.memory_space<vmem>>
      %dma_start3A_400 = tpu.memref_squeeze %dma_start3A_399 : memref<1x128xi32, #tpu.memory_space<vmem>> -> memref<128xi32, #tpu.memory_space<vmem>>
      %dma_start3A_401 = arith.constant 0 : i32
      %dma_start3A_402 = arith.constant 0 : i32
      %dma_start3A_403 = tpu.memref_slice %arg5[%dma_start3A_401, %dma_start3A_402] : memref<16640x128xf32, #tpu.memory_space<hbm>> -> memref<16640x128xf32, #tpu.memory_space<hbm>>
      tpu.enqueue_indirect_dma source(%arg11 : memref<128x128xf32, #tpu.memory_space<vmem>>) target(%dma_start3A_403 : memref<16640x128xf32, #tpu.memory_space<hbm>>) offsets(%dma_start3A_400 : memref<128xi32, #tpu.memory_space<vmem>>) semaphore(%arg13 : memref<!tpu.dma_semaphore, #tpu.memory_space<semaphore_mem>>)
      %dma_wait3A_404 = arith.constant 3 : i32
      %dma_wait3A_405 = arith.constant 0 : i32
      %dma_wait3A_406 = tpu.memref_slice %arg10[%dma_wait3A_404, %dma_wait3A_405] : memref<6x128xi32, #tpu.memory_space<vmem>> -> memref<1x128xi32, #tpu.memory_space<vmem>>
      %dma_wait3A_407 = tpu.memref_squeeze %dma_wait3A_406 : memref<1x128xi32, #tpu.memory_space<vmem>> -> memref<128xi32, #tpu.memory_space<vmem>>
      %dma_wait3A_408 = arith.constant 0 : i32
      %dma_wait3A_409 = arith.constant 0 : i32
      %dma_wait3A_410 = tpu.memref_slice %arg5[%dma_wait3A_408, %dma_wait3A_409] : memref<16640x128xf32, #tpu.memory_space<hbm>> -> memref<16640x128xf32, #tpu.memory_space<hbm>>
      tpu.wait_indirect_dma semaphore(%arg13 : memref<!tpu.dma_semaphore, #tpu.memory_space<semaphore_mem>>) src(%arg11 : memref<128x128xf32, #tpu.memory_space<vmem>>) dst(%dma_wait3A_410 : memref<16640x128xf32, #tpu.memory_space<hbm>>)
    } else {
    }
    %gt3A_381 = arith.constant 512 : i32
    %gt3A_382 = arith.cmpi sgt, %scan3A_72, %gt3A_381 : i32
    %convert_element_type3A_383 = arith.extui %gt3A_382 : i1 to i32
    %cond3A_384 = arith.constant 0 : i32
    %cond3A_385 = arith.cmpi ne, %convert_element_type3A_383, %cond3A_384 : i32
    scf.if %cond3A_385 {
      %scan3A_391 = arith.constant 0 : i32
      %scan3A_392 = arith.constant 0 : i32
      %scan3A_393 = arith.constant 8 : i32
      %scan3A_394 = arith.addi %scan3A_392, %scan3A_393 : i32
      %scan3A_395 = arith.constant 1 : i32
      scf.for %scan3A_411 = %scan3A_392 to %scan3A_394 step %scan3A_395  : i32 {
        %mul3A_412 = arith.constant 16 : i32
        %mul3A_413 = arith.muli %scan3A_411, %mul3A_412 : i32
        %add3A_414 = arith.constant 512 : i32
        %add3A_415 = arith.addi %add3A_414, %mul3A_413 : i32
        %get3A_416 = arith.index_cast %add3A_415 : i32 to index
        %get3A_417 = tpu.vector_load %arg8[%get3A_416] {strides = array<i32>} : memref<784xi32, #tpu.memory_space<vmem>>, vector<16xi32>,
        %mul3A_418 = arith.constant 128 : i32
        %mul3A_419 = arith.muli %min3A_53, %mul3A_418 : i32
        %sub3A_420 = vector.broadcast %mul3A_419 : i32 to vector<16xi32>
        %sub3A_421 = arith.subi %get3A_417, %sub3A_420 : vector<16xi32>
        %slice3A = vector.extract_strided_slice %sub3A_421 {offsets = [0], sizes = [1], strides = [1]} : vector<16xi32> to vector<1xi32>
        %squeeze3A = vector.extract %slice3A[0] : i32 from vector<1xi32>
        %broadcast_in_dim3A = vector.broadcast %squeeze3A : i32 to vector<16xi32>
        %gather3A = tpu.vector_load_idx %arg7[%iota3A, %broadcast_in_dim3A] : memref<32x3200xf32, #tpu.memory_space<vmem>>[vector<16xi32>, vector<16xi32>], vector<16xf32>,
        %add3A_422 = arith.constant 16 : i32
        %add3A_423 = vector.broadcast %add3A_422 : i32 to vector<16xi32>
        %add3A_424 = arith.addi %iota3A, %add3A_423 : vector<16xi32>
        %gather3A_425 = tpu.vector_load_idx %arg7[%add3A_424, %broadcast_in_dim3A] : memref<32x3200xf32, #tpu.memory_space<vmem>>[vector<16xi32>, vector<16xi32>], vector<16xf32>,
        %mul3A_426 = arith.constant 16 : i32
        %mul3A_427 = arith.muli %scan3A_411, %mul3A_426 : i32
        %add3A_428 = arith.constant 0 : i32
        %add3A_429 = arith.addi %mul3A_427, %add3A_428 : i32
        %mul3A_430 = arith.mulf %gather3A, %get3A_59 : vector<16xf32>
        %swap3A_431 = arith.index_cast %add3A_429 : i32 to index
        %swap3A_432 = arith.constant 0 : index
        %swap3A_433 = tpu.vector_load %arg11[%swap3A_431, %swap3A_432] {strides = array<i32>} : memref<128x128xf32, #tpu.memory_space<vmem>>, vector<16xf32>,
        tpu.vector_store %arg11[%swap3A_431, %swap3A_432], %mul3A_430 {strides = array<i32>} : memref<128x128xf32, #tpu.memory_space<vmem>>, vector<16xf32>,
        %mul3A_434 = arith.mulf %gather3A_425, %get3A_61 : vector<16xf32>
        %swap3A_435 = arith.index_cast %add3A_429 : i32 to index
        %swap3A_436 = arith.constant 16 : index
        %swap3A_437 = tpu.vector_load %arg11[%swap3A_435, %swap3A_436] {strides = array<i32>} : memref<128x128xf32, #tpu.memory_space<vmem>>, vector<16xf32>,
        tpu.vector_store %arg11[%swap3A_435, %swap3A_436], %mul3A_434 {strides = array<i32>} : memref<128x128xf32, #tpu.memory_space<vmem>>, vector<16xf32>,
        %slice3A_438 = vector.extract_strided_slice %sub3A_421 {offsets = [1], sizes = [1], strides = [1]} : vector<16xi32> to vector<1xi32>
        %squeeze3A_439 = vector.extract %slice3A_438[0] : i32 from vector<1xi32>
        %broadcast_in_dim3A_440 = vector.broadcast %squeeze3A_439 : i32 to vector<16xi32>
        %gather3A_441 = tpu.vector_load_idx %arg7[%iota3A, %broadcast_in_dim3A_440] : memref<32x3200xf32, #tpu.memory_space<vmem>>[vector<16xi32>, vector<16xi32>], vector<16xf32>,
        %add3A_442 = arith.constant 16 : i32
        %add3A_443 = vector.broadcast %add3A_442 : i32 to vector<16xi32>
        %add3A_444 = arith.addi %iota3A, %add3A_443 : vector<16xi32>
        %gather3A_445 = tpu.vector_load_idx %arg7[%add3A_444, %broadcast_in_dim3A_440] : memref<32x3200xf32, #tpu.memory_space<vmem>>[vector<16xi32>, vector<16xi32>], vector<16xf32>,
        %mul3A_446 = arith.constant 16 : i32
        %mul3A_447 = arith.muli %scan3A_411, %mul3A_446 : i32
        %add3A_448 = arith.constant 1 : i32
        %add3A_449 = arith.addi %mul3A_447, %add3A_448 : i32
        %mul3A_450 = arith.mulf %gather3A_441, %get3A_59 : vector<16xf32>
        %swap3A_451 = arith.index_cast %add3A_449 : i32 to index
        %swap3A_452 = arith.constant 0 : index
        %swap3A_453 = tpu.vector_load %arg11[%swap3A_451, %swap3A_452] {strides = array<i32>} : memref<128x128xf32, #tpu.memory_space<vmem>>, vector<16xf32>,
        tpu.vector_store %arg11[%swap3A_451, %swap3A_452], %mul3A_450 {strides = array<i32>} : memref<128x128xf32, #tpu.memory_space<vmem>>, vector<16xf32>,
        %mul3A_454 = arith.mulf %gather3A_445, %get3A_61 : vector<16xf32>
        %swap3A_455 = arith.index_cast %add3A_449 : i32 to index
        %swap3A_456 = arith.constant 16 : index
        %swap3A_457 = tpu.vector_load %arg11[%swap3A_455, %swap3A_456] {strides = array<i32>} : memref<128x128xf32, #tpu.memory_space<vmem>>, vector<16xf32>,
        tpu.vector_store %arg11[%swap3A_455, %swap3A_456], %mul3A_454 {strides = array<i32>} : memref<128x128xf32, #tpu.memory_space<vmem>>, vector<16xf32>,
        %slice3A_458 = vector.extract_strided_slice %sub3A_421 {offsets = [2], sizes = [1], strides = [1]} : vector<16xi32> to vector<1xi32>
        %squeeze3A_459 = vector.extract %slice3A_458[0] : i32 from vector<1xi32>
        %broadcast_in_dim3A_460 = vector.broadcast %squeeze3A_459 : i32 to vector<16xi32>
        %gather3A_461 = tpu.vector_load_idx %arg7[%iota3A, %broadcast_in_dim3A_460] : memref<32x3200xf32, #tpu.memory_space<vmem>>[vector<16xi32>, vector<16xi32>], vector<16xf32>,
        %add3A_462 = arith.constant 16 : i32
        %add3A_463 = vector.broadcast %add3A_462 : i32 to vector<16xi32>
        %add3A_464 = arith.addi %iota3A, %add3A_463 : vector<16xi32>
        %gather3A_465 = tpu.vector_load_idx %arg7[%add3A_464, %broadcast_in_dim3A_460] : memref<32x3200xf32, #tpu.memory_space<vmem>>[vector<16xi32>, vector<16xi32>], vector<16xf32>,
        %mul3A_466 = arith.constant 16 : i32
        %mul3A_467 = arith.muli %scan3A_411, %mul3A_466 : i32
        %add3A_468 = arith.constant 2 : i32
        %add3A_469 = arith.addi %mul3A_467, %add3A_468 : i32
        %mul3A_470 = arith.mulf %gather3A_461, %get3A_59 : vector<16xf32>
        %swap3A_471 = arith.index_cast %add3A_469 : i32 to index
        %swap3A_472 = arith.constant 0 : index
        %swap3A_473 = tpu.vector_load %arg11[%swap3A_471, %swap3A_472] {strides = array<i32>} : memref<128x128xf32, #tpu.memory_space<vmem>>, vector<16xf32>,
        tpu.vector_store %arg11[%swap3A_471, %swap3A_472], %mul3A_470 {strides = array<i32>} : memref<128x128xf32, #tpu.memory_space<vmem>>, vector<16xf32>,
        %mul3A_474 = arith.mulf %gather3A_465, %get3A_61 : vector<16xf32>
        %swap3A_475 = arith.index_cast %add3A_469 : i32 to index
        %swap3A_476 = arith.constant 16 : index
        %swap3A_477 = tpu.vector_load %arg11[%swap3A_475, %swap3A_476] {strides = array<i32>} : memref<128x128xf32, #tpu.memory_space<vmem>>, vector<16xf32>,
        tpu.vector_store %arg11[%swap3A_475, %swap3A_476], %mul3A_474 {strides = array<i32>} : memref<128x128xf32, #tpu.memory_space<vmem>>, vector<16xf32>,
        %slice3A_478 = vector.extract_strided_slice %sub3A_421 {offsets = [3], sizes = [1], strides = [1]} : vector<16xi32> to vector<1xi32>
        %squeeze3A_479 = vector.extract %slice3A_478[0] : i32 from vector<1xi32>
        %broadcast_in_dim3A_480 = vector.broadcast %squeeze3A_479 : i32 to vector<16xi32>
        %gather3A_481 = tpu.vector_load_idx %arg7[%iota3A, %broadcast_in_dim3A_480] : memref<32x3200xf32, #tpu.memory_space<vmem>>[vector<16xi32>, vector<16xi32>], vector<16xf32>,
        %add3A_482 = arith.constant 16 : i32
        %add3A_483 = vector.broadcast %add3A_482 : i32 to vector<16xi32>
        %add3A_484 = arith.addi %iota3A, %add3A_483 : vector<16xi32>
        %gather3A_485 = tpu.vector_load_idx %arg7[%add3A_484, %broadcast_in_dim3A_480] : memref<32x3200xf32, #tpu.memory_space<vmem>>[vector<16xi32>, vector<16xi32>], vector<16xf32>,
        %mul3A_486 = arith.constant 16 : i32
        %mul3A_487 = arith.muli %scan3A_411, %mul3A_486 : i32
        %add3A_488 = arith.constant 3 : i32
        %add3A_489 = arith.addi %mul3A_487, %add3A_488 : i32
        %mul3A_490 = arith.mulf %gather3A_481, %get3A_59 : vector<16xf32>
        %swap3A_491 = arith.index_cast %add3A_489 : i32 to index
        %swap3A_492 = arith.constant 0 : index
        %swap3A_493 = tpu.vector_load %arg11[%swap3A_491, %swap3A_492] {strides = array<i32>} : memref<128x128xf32, #tpu.memory_space<vmem>>, vector<16xf32>,
        tpu.vector_store %arg11[%swap3A_491, %swap3A_492], %mul3A_490 {strides = array<i32>} : memref<128x128xf32, #tpu.memory_space<vmem>>, vector<16xf32>,
        %mul3A_494 = arith.mulf %gather3A_485, %get3A_61 : vector<16xf32>
        %swap3A_495 = arith.index_cast %add3A_489 : i32 to index
        %swap3A_496 = arith.constant 16 : index
        %swap3A_497 = tpu.vector_load %arg11[%swap3A_495, %swap3A_496] {strides = array<i32>} : memref<128x128xf32, #tpu.memory_space<vmem>>, vector<16xf32>,
        tpu.vector_store %arg11[%swap3A_495, %swap3A_496], %mul3A_494 {strides = array<i32>} : memref<128x128xf32, #tpu.memory_space<vmem>>, vector<16xf32>,
        %slice3A_498 = vector.extract_strided_slice %sub3A_421 {offsets = [4], sizes = [1], strides = [1]} : vector<16xi32> to vector<1xi32>
        %squeeze3A_499 = vector.extract %slice3A_498[0] : i32 from vector<1xi32>
        %broadcast_in_dim3A_500 = vector.broadcast %squeeze3A_499 : i32 to vector<16xi32>
        %gather3A_501 = tpu.vector_load_idx %arg7[%iota3A, %broadcast_in_dim3A_500] : memref<32x3200xf32, #tpu.memory_space<vmem>>[vector<16xi32>, vector<16xi32>], vector<16xf32>,
        %add3A_502 = arith.constant 16 : i32
        %add3A_503 = vector.broadcast %add3A_502 : i32 to vector<16xi32>
        %add3A_504 = arith.addi %iota3A, %add3A_503 : vector<16xi32>
        %gather3A_505 = tpu.vector_load_idx %arg7[%add3A_504, %broadcast_in_dim3A_500] : memref<32x3200xf32, #tpu.memory_space<vmem>>[vector<16xi32>, vector<16xi32>], vector<16xf32>,
        %mul3A_506 = arith.constant 16 : i32
        %mul3A_507 = arith.muli %scan3A_411, %mul3A_506 : i32
        %add3A_508 = arith.constant 4 : i32
        %add3A_509 = arith.addi %mul3A_507, %add3A_508 : i32
        %mul3A_510 = arith.mulf %gather3A_501, %get3A_59 : vector<16xf32>
        %swap3A_511 = arith.index_cast %add3A_509 : i32 to index
        %swap3A_512 = arith.constant 0 : index
        %swap3A_513 = tpu.vector_load %arg11[%swap3A_511, %swap3A_512] {strides = array<i32>} : memref<128x128xf32, #tpu.memory_space<vmem>>, vector<16xf32>,
        tpu.vector_store %arg11[%swap3A_511, %swap3A_512], %mul3A_510 {strides = array<i32>} : memref<128x128xf32, #tpu.memory_space<vmem>>, vector<16xf32>,
        %mul3A_514 = arith.mulf %gather3A_505, %get3A_61 : vector<16xf32>
        %swap3A_515 = arith.index_cast %add3A_509 : i32 to index
        %swap3A_516 = arith.constant 16 : index
        %swap3A_517 = tpu.vector_load %arg11[%swap3A_515, %swap3A_516] {strides = array<i32>} : memref<128x128xf32, #tpu.memory_space<vmem>>, vector<16xf32>,
        tpu.vector_store %arg11[%swap3A_515, %swap3A_516], %mul3A_514 {strides = array<i32>} : memref<128x128xf32, #tpu.memory_space<vmem>>, vector<16xf32>,
        %slice3A_518 = vector.extract_strided_slice %sub3A_421 {offsets = [5], sizes = [1], strides = [1]} : vector<16xi32> to vector<1xi32>
        %squeeze3A_519 = vector.extract %slice3A_518[0] : i32 from vector<1xi32>
        %broadcast_in_dim3A_520 = vector.broadcast %squeeze3A_519 : i32 to vector<16xi32>
        %gather3A_521 = tpu.vector_load_idx %arg7[%iota3A, %broadcast_in_dim3A_520] : memref<32x3200xf32, #tpu.memory_space<vmem>>[vector<16xi32>, vector<16xi32>], vector<16xf32>,
        %add3A_522 = arith.constant 16 : i32
        %add3A_523 = vector.broadcast %add3A_522 : i32 to vector<16xi32>
        %add3A_524 = arith.addi %iota3A, %add3A_523 : vector<16xi32>
        %gather3A_525 = tpu.vector_load_idx %arg7[%add3A_524, %broadcast_in_dim3A_520] : memref<32x3200xf32, #tpu.memory_space<vmem>>[vector<16xi32>, vector<16xi32>], vector<16xf32>,
        %mul3A_526 = arith.constant 16 : i32
        %mul3A_527 = arith.muli %scan3A_411, %mul3A_526 : i32
        %add3A_528 = arith.constant 5 : i32
        %add3A_529 = arith.addi %mul3A_527, %add3A_528 : i32
        %mul3A_530 = arith.mulf %gather3A_521, %get3A_59 : vector<16xf32>
        %swap3A_531 = arith.index_cast %add3A_529 : i32 to index
        %swap3A_532 = arith.constant 0 : index
        %swap3A_533 = tpu.vector_load %arg11[%swap3A_531, %swap3A_532] {strides = array<i32>} : memref<128x128xf32, #tpu.memory_space<vmem>>, vector<16xf32>,
        tpu.vector_store %arg11[%swap3A_531, %swap3A_532], %mul3A_530 {strides = array<i32>} : memref<128x128xf32, #tpu.memory_space<vmem>>, vector<16xf32>,
        %mul3A_534 = arith.mulf %gather3A_525, %get3A_61 : vector<16xf32>
        %swap3A_535 = arith.index_cast %add3A_529 : i32 to index
        %swap3A_536 = arith.constant 16 : index
        %swap3A_537 = tpu.vector_load %arg11[%swap3A_535, %swap3A_536] {strides = array<i32>} : memref<128x128xf32, #tpu.memory_space<vmem>>, vector<16xf32>,
        tpu.vector_store %arg11[%swap3A_535, %swap3A_536], %mul3A_534 {strides = array<i32>} : memref<128x128xf32, #tpu.memory_space<vmem>>, vector<16xf32>,
        %slice3A_538 = vector.extract_strided_slice %sub3A_421 {offsets = [6], sizes = [1], strides = [1]} : vector<16xi32> to vector<1xi32>
        %squeeze3A_539 = vector.extract %slice3A_538[0] : i32 from vector<1xi32>
        %broadcast_in_dim3A_540 = vector.broadcast %squeeze3A_539 : i32 to vector<16xi32>
        %gather3A_541 = tpu.vector_load_idx %arg7[%iota3A, %broadcast_in_dim3A_540] : memref<32x3200xf32, #tpu.memory_space<vmem>>[vector<16xi32>, vector<16xi32>], vector<16xf32>,
        %add3A_542 = arith.constant 16 : i32
        %add3A_543 = vector.broadcast %add3A_542 : i32 to vector<16xi32>
        %add3A_544 = arith.addi %iota3A, %add3A_543 : vector<16xi32>
        %gather3A_545 = tpu.vector_load_idx %arg7[%add3A_544, %broadcast_in_dim3A_540] : memref<32x3200xf32, #tpu.memory_space<vmem>>[vector<16xi32>, vector<16xi32>], vector<16xf32>,
        %mul3A_546 = arith.constant 16 : i32
        %mul3A_547 = arith.muli %scan3A_411, %mul3A_546 : i32
        %add3A_548 = arith.constant 6 : i32
        %add3A_549 = arith.addi %mul3A_547, %add3A_548 : i32
        %mul3A_550 = arith.mulf %gather3A_541, %get3A_59 : vector<16xf32>
        %swap3A_551 = arith.index_cast %add3A_549 : i32 to index
        %swap3A_552 = arith.constant 0 : index
        %swap3A_553 = tpu.vector_load %arg11[%swap3A_551, %swap3A_552] {strides = array<i32>} : memref<128x128xf32, #tpu.memory_space<vmem>>, vector<16xf32>,
        tpu.vector_store %arg11[%swap3A_551, %swap3A_552], %mul3A_550 {strides = array<i32>} : memref<128x128xf32, #tpu.memory_space<vmem>>, vector<16xf32>,
        %mul3A_554 = arith.mulf %gather3A_545, %get3A_61 : vector<16xf32>
        %swap3A_555 = arith.index_cast %add3A_549 : i32 to index
        %swap3A_556 = arith.constant 16 : index
        %swap3A_557 = tpu.vector_load %arg11[%swap3A_555, %swap3A_556] {strides = array<i32>} : memref<128x128xf32, #tpu.memory_space<vmem>>, vector<16xf32>,
        tpu.vector_store %arg11[%swap3A_555, %swap3A_556], %mul3A_554 {strides = array<i32>} : memref<128x128xf32, #tpu.memory_space<vmem>>, vector<16xf32>,
        %slice3A_558 = vector.extract_strided_slice %sub3A_421 {offsets = [7], sizes = [1], strides = [1]} : vector<16xi32> to vector<1xi32>
        %squeeze3A_559 = vector.extract %slice3A_558[0] : i32 from vector<1xi32>
        %broadcast_in_dim3A_560 = vector.broadcast %squeeze3A_559 : i32 to vector<16xi32>
        %gather3A_561 = tpu.vector_load_idx %arg7[%iota3A, %broadcast_in_dim3A_560] : memref<32x3200xf32, #tpu.memory_space<vmem>>[vector<16xi32>, vector<16xi32>], vector<16xf32>,
        %add3A_562 = arith.constant 16 : i32
        %add3A_563 = vector.broadcast %add3A_562 : i32 to vector<16xi32>
        %add3A_564 = arith.addi %iota3A, %add3A_563 : vector<16xi32>
        %gather3A_565 = tpu.vector_load_idx %arg7[%add3A_564, %broadcast_in_dim3A_560] : memref<32x3200xf32, #tpu.memory_space<vmem>>[vector<16xi32>, vector<16xi32>], vector<16xf32>,
        %mul3A_566 = arith.constant 16 : i32
        %mul3A_567 = arith.muli %scan3A_411, %mul3A_566 : i32
        %add3A_568 = arith.constant 7 : i32
        %add3A_569 = arith.addi %mul3A_567, %add3A_568 : i32
        %mul3A_570 = arith.mulf %gather3A_561, %get3A_59 : vector<16xf32>
        %swap3A_571 = arith.index_cast %add3A_569 : i32 to index
        %swap3A_572 = arith.constant 0 : index
        %swap3A_573 = tpu.vector_load %arg11[%swap3A_571, %swap3A_572] {strides = array<i32>} : memref<128x128xf32, #tpu.memory_space<vmem>>, vector<16xf32>,
        tpu.vector_store %arg11[%swap3A_571, %swap3A_572], %mul3A_570 {strides = array<i32>} : memref<128x128xf32, #tpu.memory_space<vmem>>, vector<16xf32>,
        %mul3A_574 = arith.mulf %gather3A_565, %get3A_61 : vector<16xf32>
        %swap3A_575 = arith.index_cast %add3A_569 : i32 to index
        %swap3A_576 = arith.constant 16 : index
        %swap3A_577 = tpu.vector_load %arg11[%swap3A_575, %swap3A_576] {strides = array<i32>} : memref<128x128xf32, #tpu.memory_space<vmem>>, vector<16xf32>,
        tpu.vector_store %arg11[%swap3A_575, %swap3A_576], %mul3A_574 {strides = array<i32>} : memref<128x128xf32, #tpu.memory_space<vmem>>, vector<16xf32>,
        %slice3A_578 = vector.extract_strided_slice %sub3A_421 {offsets = [8], sizes = [1], strides = [1]} : vector<16xi32> to vector<1xi32>
        %squeeze3A_579 = vector.extract %slice3A_578[0] : i32 from vector<1xi32>
        %broadcast_in_dim3A_580 = vector.broadcast %squeeze3A_579 : i32 to vector<16xi32>
        %gather3A_581 = tpu.vector_load_idx %arg7[%iota3A, %broadcast_in_dim3A_580] : memref<32x3200xf32, #tpu.memory_space<vmem>>[vector<16xi32>, vector<16xi32>], vector<16xf32>,
        %add3A_582 = arith.constant 16 : i32
        %add3A_583 = vector.broadcast %add3A_582 : i32 to vector<16xi32>
        %add3A_584 = arith.addi %iota3A, %add3A_583 : vector<16xi32>
        %gather3A_585 = tpu.vector_load_idx %arg7[%add3A_584, %broadcast_in_dim3A_580] : memref<32x3200xf32, #tpu.memory_space<vmem>>[vector<16xi32>, vector<16xi32>], vector<16xf32>,
        %mul3A_586 = arith.constant 16 : i32
        %mul3A_587 = arith.muli %scan3A_411, %mul3A_586 : i32
        %add3A_588 = arith.constant 8 : i32
        %add3A_589 = arith.addi %mul3A_587, %add3A_588 : i32
        %mul3A_590 = arith.mulf %gather3A_581, %get3A_59 : vector<16xf32>
        %swap3A_591 = arith.index_cast %add3A_589 : i32 to index
        %swap3A_592 = arith.constant 0 : index
        %swap3A_593 = tpu.vector_load %arg11[%swap3A_591, %swap3A_592] {strides = array<i32>} : memref<128x128xf32, #tpu.memory_space<vmem>>, vector<16xf32>,
        tpu.vector_store %arg11[%swap3A_591, %swap3A_592], %mul3A_590 {strides = array<i32>} : memref<128x128xf32, #tpu.memory_space<vmem>>, vector<16xf32>,
        %mul3A_594 = arith.mulf %gather3A_585, %get3A_61 : vector<16xf32>
        %swap3A_595 = arith.index_cast %add3A_589 : i32 to index
        %swap3A_596 = arith.constant 16 : index
        %swap3A_597 = tpu.vector_load %arg11[%swap3A_595, %swap3A_596] {strides = array<i32>} : memref<128x128xf32, #tpu.memory_space<vmem>>, vector<16xf32>,
        tpu.vector_store %arg11[%swap3A_595, %swap3A_596], %mul3A_594 {strides = array<i32>} : memref<128x128xf32, #tpu.memory_space<vmem>>, vector<16xf32>,
        %slice3A_598 = vector.extract_strided_slice %sub3A_421 {offsets = [9], sizes = [1], strides = [1]} : vector<16xi32> to vector<1xi32>
        %squeeze3A_599 = vector.extract %slice3A_598[0] : i32 from vector<1xi32>
        %broadcast_in_dim3A_600 = vector.broadcast %squeeze3A_599 : i32 to vector<16xi32>
        %gather3A_601 = tpu.vector_load_idx %arg7[%iota3A, %broadcast_in_dim3A_600] : memref<32x3200xf32, #tpu.memory_space<vmem>>[vector<16xi32>, vector<16xi32>], vector<16xf32>,
        %add3A_602 = arith.constant 16 : i32
        %add3A_603 = vector.broadcast %add3A_602 : i32 to vector<16xi32>
        %add3A_604 = arith.addi %iota3A, %add3A_603 : vector<16xi32>
        %gather3A_605 = tpu.vector_load_idx %arg7[%add3A_604, %broadcast_in_dim3A_600] : memref<32x3200xf32, #tpu.memory_space<vmem>>[vector<16xi32>, vector<16xi32>], vector<16xf32>,
        %mul3A_606 = arith.constant 16 : i32
        %mul3A_607 = arith.muli %scan3A_411, %mul3A_606 : i32
        %add3A_608 = arith.constant 9 : i32
        %add3A_609 = arith.addi %mul3A_607, %add3A_608 : i32
        %mul3A_610 = arith.mulf %gather3A_601, %get3A_59 : vector<16xf32>
        %swap3A_611 = arith.index_cast %add3A_609 : i32 to index
        %swap3A_612 = arith.constant 0 : index
        %swap3A_613 = tpu.vector_load %arg11[%swap3A_611, %swap3A_612] {strides = array<i32>} : memref<128x128xf32, #tpu.memory_space<vmem>>, vector<16xf32>,
        tpu.vector_store %arg11[%swap3A_611, %swap3A_612], %mul3A_610 {strides = array<i32>} : memref<128x128xf32, #tpu.memory_space<vmem>>, vector<16xf32>,
        %mul3A_614 = arith.mulf %gather3A_605, %get3A_61 : vector<16xf32>
        %swap3A_615 = arith.index_cast %add3A_609 : i32 to index
        %swap3A_616 = arith.constant 16 : index
        %swap3A_617 = tpu.vector_load %arg11[%swap3A_615, %swap3A_616] {strides = array<i32>} : memref<128x128xf32, #tpu.memory_space<vmem>>, vector<16xf32>,
        tpu.vector_store %arg11[%swap3A_615, %swap3A_616], %mul3A_614 {strides = array<i32>} : memref<128x128xf32, #tpu.memory_space<vmem>>, vector<16xf32>,
        %slice3A_618 = vector.extract_strided_slice %sub3A_421 {offsets = [10], sizes = [1], strides = [1]} : vector<16xi32> to vector<1xi32>
        %squeeze3A_619 = vector.extract %slice3A_618[0] : i32 from vector<1xi32>
        %broadcast_in_dim3A_620 = vector.broadcast %squeeze3A_619 : i32 to vector<16xi32>
        %gather3A_621 = tpu.vector_load_idx %arg7[%iota3A, %broadcast_in_dim3A_620] : memref<32x3200xf32, #tpu.memory_space<vmem>>[vector<16xi32>, vector<16xi32>], vector<16xf32>,
        %add3A_622 = arith.constant 16 : i32
        %add3A_623 = vector.broadcast %add3A_622 : i32 to vector<16xi32>
        %add3A_624 = arith.addi %iota3A, %add3A_623 : vector<16xi32>
        %gather3A_625 = tpu.vector_load_idx %arg7[%add3A_624, %broadcast_in_dim3A_620] : memref<32x3200xf32, #tpu.memory_space<vmem>>[vector<16xi32>, vector<16xi32>], vector<16xf32>,
        %mul3A_626 = arith.constant 16 : i32
        %mul3A_627 = arith.muli %scan3A_411, %mul3A_626 : i32
        %add3A_628 = arith.constant 10 : i32
        %add3A_629 = arith.addi %mul3A_627, %add3A_628 : i32
        %mul3A_630 = arith.mulf %gather3A_621, %get3A_59 : vector<16xf32>
        %swap3A_631 = arith.index_cast %add3A_629 : i32 to index
        %swap3A_632 = arith.constant 0 : index
        %swap3A_633 = tpu.vector_load %arg11[%swap3A_631, %swap3A_632] {strides = array<i32>} : memref<128x128xf32, #tpu.memory_space<vmem>>, vector<16xf32>,
        tpu.vector_store %arg11[%swap3A_631, %swap3A_632], %mul3A_630 {strides = array<i32>} : memref<128x128xf32, #tpu.memory_space<vmem>>, vector<16xf32>,
        %mul3A_634 = arith.mulf %gather3A_625, %get3A_61 : vector<16xf32>
        %swap3A_635 = arith.index_cast %add3A_629 : i32 to index
        %swap3A_636 = arith.constant 16 : index
        %swap3A_637 = tpu.vector_load %arg11[%swap3A_635, %swap3A_636] {strides = array<i32>} : memref<128x128xf32, #tpu.memory_space<vmem>>, vector<16xf32>,
        tpu.vector_store %arg11[%swap3A_635, %swap3A_636], %mul3A_634 {strides = array<i32>} : memref<128x128xf32, #tpu.memory_space<vmem>>, vector<16xf32>,
        %slice3A_638 = vector.extract_strided_slice %sub3A_421 {offsets = [11], sizes = [1], strides = [1]} : vector<16xi32> to vector<1xi32>
        %squeeze3A_639 = vector.extract %slice3A_638[0] : i32 from vector<1xi32>
        %broadcast_in_dim3A_640 = vector.broadcast %squeeze3A_639 : i32 to vector<16xi32>
        %gather3A_641 = tpu.vector_load_idx %arg7[%iota3A, %broadcast_in_dim3A_640] : memref<32x3200xf32, #tpu.memory_space<vmem>>[vector<16xi32>, vector<16xi32>], vector<16xf32>,
        %add3A_642 = arith.constant 16 : i32
        %add3A_643 = vector.broadcast %add3A_642 : i32 to vector<16xi32>
        %add3A_644 = arith.addi %iota3A, %add3A_643 : vector<16xi32>
        %gather3A_645 = tpu.vector_load_idx %arg7[%add3A_644, %broadcast_in_dim3A_640] : memref<32x3200xf32, #tpu.memory_space<vmem>>[vector<16xi32>, vector<16xi32>], vector<16xf32>,
        %mul3A_646 = arith.constant 16 : i32
        %mul3A_647 = arith.muli %scan3A_411, %mul3A_646 : i32
        %add3A_648 = arith.constant 11 : i32
        %add3A_649 = arith.addi %mul3A_647, %add3A_648 : i32
        %mul3A_650 = arith.mulf %gather3A_641, %get3A_59 : vector<16xf32>
        %swap3A_651 = arith.index_cast %add3A_649 : i32 to index
        %swap3A_652 = arith.constant 0 : index
        %swap3A_653 = tpu.vector_load %arg11[%swap3A_651, %swap3A_652] {strides = array<i32>} : memref<128x128xf32, #tpu.memory_space<vmem>>, vector<16xf32>,
        tpu.vector_store %arg11[%swap3A_651, %swap3A_652], %mul3A_650 {strides = array<i32>} : memref<128x128xf32, #tpu.memory_space<vmem>>, vector<16xf32>,
        %mul3A_654 = arith.mulf %gather3A_645, %get3A_61 : vector<16xf32>
        %swap3A_655 = arith.index_cast %add3A_649 : i32 to index
        %swap3A_656 = arith.constant 16 : index
        %swap3A_657 = tpu.vector_load %arg11[%swap3A_655, %swap3A_656] {strides = array<i32>} : memref<128x128xf32, #tpu.memory_space<vmem>>, vector<16xf32>,
        tpu.vector_store %arg11[%swap3A_655, %swap3A_656], %mul3A_654 {strides = array<i32>} : memref<128x128xf32, #tpu.memory_space<vmem>>, vector<16xf32>,
        %slice3A_658 = vector.extract_strided_slice %sub3A_421 {offsets = [12], sizes = [1], strides = [1]} : vector<16xi32> to vector<1xi32>
        %squeeze3A_659 = vector.extract %slice3A_658[0] : i32 from vector<1xi32>
        %broadcast_in_dim3A_660 = vector.broadcast %squeeze3A_659 : i32 to vector<16xi32>
        %gather3A_661 = tpu.vector_load_idx %arg7[%iota3A, %broadcast_in_dim3A_660] : memref<32x3200xf32, #tpu.memory_space<vmem>>[vector<16xi32>, vector<16xi32>], vector<16xf32>,
        %add3A_662 = arith.constant 16 : i32
        %add3A_663 = vector.broadcast %add3A_662 : i32 to vector<16xi32>
        %add3A_664 = arith.addi %iota3A, %add3A_663 : vector<16xi32>
        %gather3A_665 = tpu.vector_load_idx %arg7[%add3A_664, %broadcast_in_dim3A_660] : memref<32x3200xf32, #tpu.memory_space<vmem>>[vector<16xi32>, vector<16xi32>], vector<16xf32>,
        %mul3A_666 = arith.constant 16 : i32
        %mul3A_667 = arith.muli %scan3A_411, %mul3A_666 : i32
        %add3A_668 = arith.constant 12 : i32
        %add3A_669 = arith.addi %mul3A_667, %add3A_668 : i32
        %mul3A_670 = arith.mulf %gather3A_661, %get3A_59 : vector<16xf32>
        %swap3A_671 = arith.index_cast %add3A_669 : i32 to index
        %swap3A_672 = arith.constant 0 : index
        %swap3A_673 = tpu.vector_load %arg11[%swap3A_671, %swap3A_672] {strides = array<i32>} : memref<128x128xf32, #tpu.memory_space<vmem>>, vector<16xf32>,
        tpu.vector_store %arg11[%swap3A_671, %swap3A_672], %mul3A_670 {strides = array<i32>} : memref<128x128xf32, #tpu.memory_space<vmem>>, vector<16xf32>,
        %mul3A_674 = arith.mulf %gather3A_665, %get3A_61 : vector<16xf32>
        %swap3A_675 = arith.index_cast %add3A_669 : i32 to index
        %swap3A_676 = arith.constant 16 : index
        %swap3A_677 = tpu.vector_load %arg11[%swap3A_675, %swap3A_676] {strides = array<i32>} : memref<128x128xf32, #tpu.memory_space<vmem>>, vector<16xf32>,
        tpu.vector_store %arg11[%swap3A_675, %swap3A_676], %mul3A_674 {strides = array<i32>} : memref<128x128xf32, #tpu.memory_space<vmem>>, vector<16xf32>,
        %slice3A_678 = vector.extract_strided_slice %sub3A_421 {offsets = [13], sizes = [1], strides = [1]} : vector<16xi32> to vector<1xi32>
        %squeeze3A_679 = vector.extract %slice3A_678[0] : i32 from vector<1xi32>
        %broadcast_in_dim3A_680 = vector.broadcast %squeeze3A_679 : i32 to vector<16xi32>
        %gather3A_681 = tpu.vector_load_idx %arg7[%iota3A, %broadcast_in_dim3A_680] : memref<32x3200xf32, #tpu.memory_space<vmem>>[vector<16xi32>, vector<16xi32>], vector<16xf32>,
        %add3A_682 = arith.constant 16 : i32
        %add3A_683 = vector.broadcast %add3A_682 : i32 to vector<16xi32>
        %add3A_684 = arith.addi %iota3A, %add3A_683 : vector<16xi32>
        %gather3A_685 = tpu.vector_load_idx %arg7[%add3A_684, %broadcast_in_dim3A_680] : memref<32x3200xf32, #tpu.memory_space<vmem>>[vector<16xi32>, vector<16xi32>], vector<16xf32>,
        %mul3A_686 = arith.constant 16 : i32
        %mul3A_687 = arith.muli %scan3A_411, %mul3A_686 : i32
        %add3A_688 = arith.constant 13 : i32
        %add3A_689 = arith.addi %mul3A_687, %add3A_688 : i32
        %mul3A_690 = arith.mulf %gather3A_681, %get3A_59 : vector<16xf32>
        %swap3A_691 = arith.index_cast %add3A_689 : i32 to index
        %swap3A_692 = arith.constant 0 : index
        %swap3A_693 = tpu.vector_load %arg11[%swap3A_691, %swap3A_692] {strides = array<i32>} : memref<128x128xf32, #tpu.memory_space<vmem>>, vector<16xf32>,
        tpu.vector_store %arg11[%swap3A_691, %swap3A_692], %mul3A_690 {strides = array<i32>} : memref<128x128xf32, #tpu.memory_space<vmem>>, vector<16xf32>,
        %mul3A_694 = arith.mulf %gather3A_685, %get3A_61 : vector<16xf32>
        %swap3A_695 = arith.index_cast %add3A_689 : i32 to index
        %swap3A_696 = arith.constant 16 : index
        %swap3A_697 = tpu.vector_load %arg11[%swap3A_695, %swap3A_696] {strides = array<i32>} : memref<128x128xf32, #tpu.memory_space<vmem>>, vector<16xf32>,
        tpu.vector_store %arg11[%swap3A_695, %swap3A_696], %mul3A_694 {strides = array<i32>} : memref<128x128xf32, #tpu.memory_space<vmem>>, vector<16xf32>,
        %slice3A_698 = vector.extract_strided_slice %sub3A_421 {offsets = [14], sizes = [1], strides = [1]} : vector<16xi32> to vector<1xi32>
        %squeeze3A_699 = vector.extract %slice3A_698[0] : i32 from vector<1xi32>
        %broadcast_in_dim3A_700 = vector.broadcast %squeeze3A_699 : i32 to vector<16xi32>
        %gather3A_701 = tpu.vector_load_idx %arg7[%iota3A, %broadcast_in_dim3A_700] : memref<32x3200xf32, #tpu.memory_space<vmem>>[vector<16xi32>, vector<16xi32>], vector<16xf32>,
        %add3A_702 = arith.constant 16 : i32
        %add3A_703 = vector.broadcast %add3A_702 : i32 to vector<16xi32>
        %add3A_704 = arith.addi %iota3A, %add3A_703 : vector<16xi32>
        %gather3A_705 = tpu.vector_load_idx %arg7[%add3A_704, %broadcast_in_dim3A_700] : memref<32x3200xf32, #tpu.memory_space<vmem>>[vector<16xi32>, vector<16xi32>], vector<16xf32>,
        %mul3A_706 = arith.constant 16 : i32
        %mul3A_707 = arith.muli %scan3A_411, %mul3A_706 : i32
        %add3A_708 = arith.constant 14 : i32
        %add3A_709 = arith.addi %mul3A_707, %add3A_708 : i32
        %mul3A_710 = arith.mulf %gather3A_701, %get3A_59 : vector<16xf32>
        %swap3A_711 = arith.index_cast %add3A_709 : i32 to index
        %swap3A_712 = arith.constant 0 : index
        %swap3A_713 = tpu.vector_load %arg11[%swap3A_711, %swap3A_712] {strides = array<i32>} : memref<128x128xf32, #tpu.memory_space<vmem>>, vector<16xf32>,
        tpu.vector_store %arg11[%swap3A_711, %swap3A_712], %mul3A_710 {strides = array<i32>} : memref<128x128xf32, #tpu.memory_space<vmem>>, vector<16xf32>,
        %mul3A_714 = arith.mulf %gather3A_705, %get3A_61 : vector<16xf32>
        %swap3A_715 = arith.index_cast %add3A_709 : i32 to index
        %swap3A_716 = arith.constant 16 : index
        %swap3A_717 = tpu.vector_load %arg11[%swap3A_715, %swap3A_716] {strides = array<i32>} : memref<128x128xf32, #tpu.memory_space<vmem>>, vector<16xf32>,
        tpu.vector_store %arg11[%swap3A_715, %swap3A_716], %mul3A_714 {strides = array<i32>} : memref<128x128xf32, #tpu.memory_space<vmem>>, vector<16xf32>,
        %slice3A_718 = vector.extract_strided_slice %sub3A_421 {offsets = [15], sizes = [1], strides = [1]} : vector<16xi32> to vector<1xi32>
        %squeeze3A_719 = vector.extract %slice3A_718[0] : i32 from vector<1xi32>
        %broadcast_in_dim3A_720 = vector.broadcast %squeeze3A_719 : i32 to vector<16xi32>
        %gather3A_721 = tpu.vector_load_idx %arg7[%iota3A, %broadcast_in_dim3A_720] : memref<32x3200xf32, #tpu.memory_space<vmem>>[vector<16xi32>, vector<16xi32>], vector<16xf32>,
        %add3A_722 = arith.constant 16 : i32
        %add3A_723 = vector.broadcast %add3A_722 : i32 to vector<16xi32>
        %add3A_724 = arith.addi %iota3A, %add3A_723 : vector<16xi32>
        %gather3A_725 = tpu.vector_load_idx %arg7[%add3A_724, %broadcast_in_dim3A_720] : memref<32x3200xf32, #tpu.memory_space<vmem>>[vector<16xi32>, vector<16xi32>], vector<16xf32>,
        %mul3A_726 = arith.constant 16 : i32
        %mul3A_727 = arith.muli %scan3A_411, %mul3A_726 : i32
        %add3A_728 = arith.constant 15 : i32
        %add3A_729 = arith.addi %mul3A_727, %add3A_728 : i32
        %mul3A_730 = arith.mulf %gather3A_721, %get3A_59 : vector<16xf32>
        %swap3A_731 = arith.index_cast %add3A_729 : i32 to index
        %swap3A_732 = arith.constant 0 : index
        %swap3A_733 = tpu.vector_load %arg11[%swap3A_731, %swap3A_732] {strides = array<i32>} : memref<128x128xf32, #tpu.memory_space<vmem>>, vector<16xf32>,
        tpu.vector_store %arg11[%swap3A_731, %swap3A_732], %mul3A_730 {strides = array<i32>} : memref<128x128xf32, #tpu.memory_space<vmem>>, vector<16xf32>,
        %mul3A_734 = arith.mulf %gather3A_725, %get3A_61 : vector<16xf32>
        %swap3A_735 = arith.index_cast %add3A_729 : i32 to index
        %swap3A_736 = arith.constant 16 : index
        %swap3A_737 = tpu.vector_load %arg11[%swap3A_735, %swap3A_736] {strides = array<i32>} : memref<128x128xf32, #tpu.memory_space<vmem>>, vector<16xf32>,
        tpu.vector_store %arg11[%swap3A_735, %swap3A_736], %mul3A_734 {strides = array<i32>} : memref<128x128xf32, #tpu.memory_space<vmem>>, vector<16xf32>,
      }
      %scan3A_396 = arith.constant 8 : i32
      %dma_start3A_397 = arith.constant 4 : i32
      %dma_start3A_398 = arith.constant 0 : i32
      %dma_start3A_399 = tpu.memref_slice %arg10[%dma_start3A_397, %dma_start3A_398] : memref<6x128xi32, #tpu.memory_space<vmem>> -> memref<1x128xi32, #tpu.memory_space<vmem>>
      %dma_start3A_400 = tpu.memref_squeeze %dma_start3A_399 : memref<1x128xi32, #tpu.memory_space<vmem>> -> memref<128xi32, #tpu.memory_space<vmem>>
      %dma_start3A_401 = arith.constant 0 : i32
      %dma_start3A_402 = arith.constant 0 : i32
      %dma_start3A_403 = tpu.memref_slice %arg5[%dma_start3A_401, %dma_start3A_402] : memref<16640x128xf32, #tpu.memory_space<hbm>> -> memref<16640x128xf32, #tpu.memory_space<hbm>>
      tpu.enqueue_indirect_dma source(%arg11 : memref<128x128xf32, #tpu.memory_space<vmem>>) target(%dma_start3A_403 : memref<16640x128xf32, #tpu.memory_space<hbm>>) offsets(%dma_start3A_400 : memref<128xi32, #tpu.memory_space<vmem>>) semaphore(%arg13 : memref<!tpu.dma_semaphore, #tpu.memory_space<semaphore_mem>>)
      %dma_wait3A_404 = arith.constant 4 : i32
      %dma_wait3A_405 = arith.constant 0 : i32
      %dma_wait3A_406 = tpu.memref_slice %arg10[%dma_wait3A_404, %dma_wait3A_405] : memref<6x128xi32, #tpu.memory_space<vmem>> -> memref<1x128xi32, #tpu.memory_space<vmem>>
      %dma_wait3A_407 = tpu.memref_squeeze %dma_wait3A_406 : memref<1x128xi32, #tpu.memory_space<vmem>> -> memref<128xi32, #tpu.memory_space<vmem>>
      %dma_wait3A_408 = arith.constant 0 : i32
      %dma_wait3A_409 = arith.constant 0 : i32
      %dma_wait3A_410 = tpu.memref_slice %arg5[%dma_wait3A_408, %dma_wait3A_409] : memref<16640x128xf32, #tpu.memory_space<hbm>> -> memref<16640x128xf32, #tpu.memory_space<hbm>>
      tpu.wait_indirect_dma semaphore(%arg13 : memref<!tpu.dma_semaphore, #tpu.memory_space<semaphore_mem>>) src(%arg11 : memref<128x128xf32, #tpu.memory_space<vmem>>) dst(%dma_wait3A_410 : memref<16640x128xf32, #tpu.memory_space<hbm>>)
    } else {
    }
    %gt3A_386 = arith.constant 640 : i32
    %gt3A_387 = arith.cmpi sgt, %scan3A_72, %gt3A_386 : i32
    %convert_element_type3A_388 = arith.extui %gt3A_387 : i1 to i32
    %cond3A_389 = arith.constant 0 : i32
    %cond3A_390 = arith.cmpi ne, %convert_element_type3A_388, %cond3A_389 : i32
    scf.if %cond3A_390 {
      %scan3A_391 = arith.constant 0 : i32
      %scan3A_392 = arith.constant 0 : i32
      %scan3A_393 = arith.constant 8 : i32
      %scan3A_394 = arith.addi %scan3A_392, %scan3A_393 : i32
      %scan3A_395 = arith.constant 1 : i32
      scf.for %scan3A_411 = %scan3A_392 to %scan3A_394 step %scan3A_395  : i32 {
        %mul3A_412 = arith.constant 16 : i32
        %mul3A_413 = arith.muli %scan3A_411, %mul3A_412 : i32
        %add3A_414 = arith.constant 640 : i32
        %add3A_415 = arith.addi %add3A_414, %mul3A_413 : i32
        %get3A_416 = arith.index_cast %add3A_415 : i32 to index
        %get3A_417 = tpu.vector_load %arg8[%get3A_416] {strides = array<i32>} : memref<784xi32, #tpu.memory_space<vmem>>, vector<16xi32>,
        %mul3A_418 = arith.constant 128 : i32
        %mul3A_419 = arith.muli %min3A_53, %mul3A_418 : i32
        %sub3A_420 = vector.broadcast %mul3A_419 : i32 to vector<16xi32>
        %sub3A_421 = arith.subi %get3A_417, %sub3A_420 : vector<16xi32>
        %slice3A = vector.extract_strided_slice %sub3A_421 {offsets = [0], sizes = [1], strides = [1]} : vector<16xi32> to vector<1xi32>
        %squeeze3A = vector.extract %slice3A[0] : i32 from vector<1xi32>
        %broadcast_in_dim3A = vector.broadcast %squeeze3A : i32 to vector<16xi32>
        %gather3A = tpu.vector_load_idx %arg7[%iota3A, %broadcast_in_dim3A] : memref<32x3200xf32, #tpu.memory_space<vmem>>[vector<16xi32>, vector<16xi32>], vector<16xf32>,
        %add3A_422 = arith.constant 16 : i32
        %add3A_423 = vector.broadcast %add3A_422 : i32 to vector<16xi32>
        %add3A_424 = arith.addi %iota3A, %add3A_423 : vector<16xi32>
        %gather3A_425 = tpu.vector_load_idx %arg7[%add3A_424, %broadcast_in_dim3A] : memref<32x3200xf32, #tpu.memory_space<vmem>>[vector<16xi32>, vector<16xi32>], vector<16xf32>,
        %mul3A_426 = arith.constant 16 : i32
        %mul3A_427 = arith.muli %scan3A_411, %mul3A_426 : i32
        %add3A_428 = arith.constant 0 : i32
        %add3A_429 = arith.addi %mul3A_427, %add3A_428 : i32
        %mul3A_430 = arith.mulf %gather3A, %get3A_59 : vector<16xf32>
        %swap3A_431 = arith.index_cast %add3A_429 : i32 to index
        %swap3A_432 = arith.constant 0 : index
        %swap3A_433 = tpu.vector_load %arg11[%swap3A_431, %swap3A_432] {strides = array<i32>} : memref<128x128xf32, #tpu.memory_space<vmem>>, vector<16xf32>,
        tpu.vector_store %arg11[%swap3A_431, %swap3A_432], %mul3A_430 {strides = array<i32>} : memref<128x128xf32, #tpu.memory_space<vmem>>, vector<16xf32>,
        %mul3A_434 = arith.mulf %gather3A_425, %get3A_61 : vector<16xf32>
        %swap3A_435 = arith.index_cast %add3A_429 : i32 to index
        %swap3A_436 = arith.constant 16 : index
        %swap3A_437 = tpu.vector_load %arg11[%swap3A_435, %swap3A_436] {strides = array<i32>} : memref<128x128xf32, #tpu.memory_space<vmem>>, vector<16xf32>,
        tpu.vector_store %arg11[%swap3A_435, %swap3A_436], %mul3A_434 {strides = array<i32>} : memref<128x128xf32, #tpu.memory_space<vmem>>, vector<16xf32>,
        %slice3A_438 = vector.extract_strided_slice %sub3A_421 {offsets = [1], sizes = [1], strides = [1]} : vector<16xi32> to vector<1xi32>
        %squeeze3A_439 = vector.extract %slice3A_438[0] : i32 from vector<1xi32>
        %broadcast_in_dim3A_440 = vector.broadcast %squeeze3A_439 : i32 to vector<16xi32>
        %gather3A_441 = tpu.vector_load_idx %arg7[%iota3A, %broadcast_in_dim3A_440] : memref<32x3200xf32, #tpu.memory_space<vmem>>[vector<16xi32>, vector<16xi32>], vector<16xf32>,
        %add3A_442 = arith.constant 16 : i32
        %add3A_443 = vector.broadcast %add3A_442 : i32 to vector<16xi32>
        %add3A_444 = arith.addi %iota3A, %add3A_443 : vector<16xi32>
        %gather3A_445 = tpu.vector_load_idx %arg7[%add3A_444, %broadcast_in_dim3A_440] : memref<32x3200xf32, #tpu.memory_space<vmem>>[vector<16xi32>, vector<16xi32>], vector<16xf32>,
        %mul3A_446 = arith.constant 16 : i32
        %mul3A_447 = arith.muli %scan3A_411, %mul3A_446 : i32
        %add3A_448 = arith.constant 1 : i32
        %add3A_449 = arith.addi %mul3A_447, %add3A_448 : i32
        %mul3A_450 = arith.mulf %gather3A_441, %get3A_59 : vector<16xf32>
        %swap3A_451 = arith.index_cast %add3A_449 : i32 to index
        %swap3A_452 = arith.constant 0 : index
        %swap3A_453 = tpu.vector_load %arg11[%swap3A_451, %swap3A_452] {strides = array<i32>} : memref<128x128xf32, #tpu.memory_space<vmem>>, vector<16xf32>,
        tpu.vector_store %arg11[%swap3A_451, %swap3A_452], %mul3A_450 {strides = array<i32>} : memref<128x128xf32, #tpu.memory_space<vmem>>, vector<16xf32>,
        %mul3A_454 = arith.mulf %gather3A_445, %get3A_61 : vector<16xf32>
        %swap3A_455 = arith.index_cast %add3A_449 : i32 to index
        %swap3A_456 = arith.constant 16 : index
        %swap3A_457 = tpu.vector_load %arg11[%swap3A_455, %swap3A_456] {strides = array<i32>} : memref<128x128xf32, #tpu.memory_space<vmem>>, vector<16xf32>,
        tpu.vector_store %arg11[%swap3A_455, %swap3A_456], %mul3A_454 {strides = array<i32>} : memref<128x128xf32, #tpu.memory_space<vmem>>, vector<16xf32>,
        %slice3A_458 = vector.extract_strided_slice %sub3A_421 {offsets = [2], sizes = [1], strides = [1]} : vector<16xi32> to vector<1xi32>
        %squeeze3A_459 = vector.extract %slice3A_458[0] : i32 from vector<1xi32>
        %broadcast_in_dim3A_460 = vector.broadcast %squeeze3A_459 : i32 to vector<16xi32>
        %gather3A_461 = tpu.vector_load_idx %arg7[%iota3A, %broadcast_in_dim3A_460] : memref<32x3200xf32, #tpu.memory_space<vmem>>[vector<16xi32>, vector<16xi32>], vector<16xf32>,
        %add3A_462 = arith.constant 16 : i32
        %add3A_463 = vector.broadcast %add3A_462 : i32 to vector<16xi32>
        %add3A_464 = arith.addi %iota3A, %add3A_463 : vector<16xi32>
        %gather3A_465 = tpu.vector_load_idx %arg7[%add3A_464, %broadcast_in_dim3A_460] : memref<32x3200xf32, #tpu.memory_space<vmem>>[vector<16xi32>, vector<16xi32>], vector<16xf32>,
        %mul3A_466 = arith.constant 16 : i32
        %mul3A_467 = arith.muli %scan3A_411, %mul3A_466 : i32
        %add3A_468 = arith.constant 2 : i32
        %add3A_469 = arith.addi %mul3A_467, %add3A_468 : i32
        %mul3A_470 = arith.mulf %gather3A_461, %get3A_59 : vector<16xf32>
        %swap3A_471 = arith.index_cast %add3A_469 : i32 to index
        %swap3A_472 = arith.constant 0 : index
        %swap3A_473 = tpu.vector_load %arg11[%swap3A_471, %swap3A_472] {strides = array<i32>} : memref<128x128xf32, #tpu.memory_space<vmem>>, vector<16xf32>,
        tpu.vector_store %arg11[%swap3A_471, %swap3A_472], %mul3A_470 {strides = array<i32>} : memref<128x128xf32, #tpu.memory_space<vmem>>, vector<16xf32>,
        %mul3A_474 = arith.mulf %gather3A_465, %get3A_61 : vector<16xf32>
        %swap3A_475 = arith.index_cast %add3A_469 : i32 to index
        %swap3A_476 = arith.constant 16 : index
        %swap3A_477 = tpu.vector_load %arg11[%swap3A_475, %swap3A_476] {strides = array<i32>} : memref<128x128xf32, #tpu.memory_space<vmem>>, vector<16xf32>,
        tpu.vector_store %arg11[%swap3A_475, %swap3A_476], %mul3A_474 {strides = array<i32>} : memref<128x128xf32, #tpu.memory_space<vmem>>, vector<16xf32>,
        %slice3A_478 = vector.extract_strided_slice %sub3A_421 {offsets = [3], sizes = [1], strides = [1]} : vector<16xi32> to vector<1xi32>
        %squeeze3A_479 = vector.extract %slice3A_478[0] : i32 from vector<1xi32>
        %broadcast_in_dim3A_480 = vector.broadcast %squeeze3A_479 : i32 to vector<16xi32>
        %gather3A_481 = tpu.vector_load_idx %arg7[%iota3A, %broadcast_in_dim3A_480] : memref<32x3200xf32, #tpu.memory_space<vmem>>[vector<16xi32>, vector<16xi32>], vector<16xf32>,
        %add3A_482 = arith.constant 16 : i32
        %add3A_483 = vector.broadcast %add3A_482 : i32 to vector<16xi32>
        %add3A_484 = arith.addi %iota3A, %add3A_483 : vector<16xi32>
        %gather3A_485 = tpu.vector_load_idx %arg7[%add3A_484, %broadcast_in_dim3A_480] : memref<32x3200xf32, #tpu.memory_space<vmem>>[vector<16xi32>, vector<16xi32>], vector<16xf32>,
        %mul3A_486 = arith.constant 16 : i32
        %mul3A_487 = arith.muli %scan3A_411, %mul3A_486 : i32
        %add3A_488 = arith.constant 3 : i32
        %add3A_489 = arith.addi %mul3A_487, %add3A_488 : i32
        %mul3A_490 = arith.mulf %gather3A_481, %get3A_59 : vector<16xf32>
        %swap3A_491 = arith.index_cast %add3A_489 : i32 to index
        %swap3A_492 = arith.constant 0 : index
        %swap3A_493 = tpu.vector_load %arg11[%swap3A_491, %swap3A_492] {strides = array<i32>} : memref<128x128xf32, #tpu.memory_space<vmem>>, vector<16xf32>,
        tpu.vector_store %arg11[%swap3A_491, %swap3A_492], %mul3A_490 {strides = array<i32>} : memref<128x128xf32, #tpu.memory_space<vmem>>, vector<16xf32>,
        %mul3A_494 = arith.mulf %gather3A_485, %get3A_61 : vector<16xf32>
        %swap3A_495 = arith.index_cast %add3A_489 : i32 to index
        %swap3A_496 = arith.constant 16 : index
        %swap3A_497 = tpu.vector_load %arg11[%swap3A_495, %swap3A_496] {strides = array<i32>} : memref<128x128xf32, #tpu.memory_space<vmem>>, vector<16xf32>,
        tpu.vector_store %arg11[%swap3A_495, %swap3A_496], %mul3A_494 {strides = array<i32>} : memref<128x128xf32, #tpu.memory_space<vmem>>, vector<16xf32>,
        %slice3A_498 = vector.extract_strided_slice %sub3A_421 {offsets = [4], sizes = [1], strides = [1]} : vector<16xi32> to vector<1xi32>
        %squeeze3A_499 = vector.extract %slice3A_498[0] : i32 from vector<1xi32>
        %broadcast_in_dim3A_500 = vector.broadcast %squeeze3A_499 : i32 to vector<16xi32>
        %gather3A_501 = tpu.vector_load_idx %arg7[%iota3A, %broadcast_in_dim3A_500] : memref<32x3200xf32, #tpu.memory_space<vmem>>[vector<16xi32>, vector<16xi32>], vector<16xf32>,
        %add3A_502 = arith.constant 16 : i32
        %add3A_503 = vector.broadcast %add3A_502 : i32 to vector<16xi32>
        %add3A_504 = arith.addi %iota3A, %add3A_503 : vector<16xi32>
        %gather3A_505 = tpu.vector_load_idx %arg7[%add3A_504, %broadcast_in_dim3A_500] : memref<32x3200xf32, #tpu.memory_space<vmem>>[vector<16xi32>, vector<16xi32>], vector<16xf32>,
        %mul3A_506 = arith.constant 16 : i32
        %mul3A_507 = arith.muli %scan3A_411, %mul3A_506 : i32
        %add3A_508 = arith.constant 4 : i32
        %add3A_509 = arith.addi %mul3A_507, %add3A_508 : i32
        %mul3A_510 = arith.mulf %gather3A_501, %get3A_59 : vector<16xf32>
        %swap3A_511 = arith.index_cast %add3A_509 : i32 to index
        %swap3A_512 = arith.constant 0 : index
        %swap3A_513 = tpu.vector_load %arg11[%swap3A_511, %swap3A_512] {strides = array<i32>} : memref<128x128xf32, #tpu.memory_space<vmem>>, vector<16xf32>,
        tpu.vector_store %arg11[%swap3A_511, %swap3A_512], %mul3A_510 {strides = array<i32>} : memref<128x128xf32, #tpu.memory_space<vmem>>, vector<16xf32>,
        %mul3A_514 = arith.mulf %gather3A_505, %get3A_61 : vector<16xf32>
        %swap3A_515 = arith.index_cast %add3A_509 : i32 to index
        %swap3A_516 = arith.constant 16 : index
        %swap3A_517 = tpu.vector_load %arg11[%swap3A_515, %swap3A_516] {strides = array<i32>} : memref<128x128xf32, #tpu.memory_space<vmem>>, vector<16xf32>,
        tpu.vector_store %arg11[%swap3A_515, %swap3A_516], %mul3A_514 {strides = array<i32>} : memref<128x128xf32, #tpu.memory_space<vmem>>, vector<16xf32>,
        %slice3A_518 = vector.extract_strided_slice %sub3A_421 {offsets = [5], sizes = [1], strides = [1]} : vector<16xi32> to vector<1xi32>
        %squeeze3A_519 = vector.extract %slice3A_518[0] : i32 from vector<1xi32>
        %broadcast_in_dim3A_520 = vector.broadcast %squeeze3A_519 : i32 to vector<16xi32>
        %gather3A_521 = tpu.vector_load_idx %arg7[%iota3A, %broadcast_in_dim3A_520] : memref<32x3200xf32, #tpu.memory_space<vmem>>[vector<16xi32>, vector<16xi32>], vector<16xf32>,
        %add3A_522 = arith.constant 16 : i32
        %add3A_523 = vector.broadcast %add3A_522 : i32 to vector<16xi32>
        %add3A_524 = arith.addi %iota3A, %add3A_523 : vector<16xi32>
        %gather3A_525 = tpu.vector_load_idx %arg7[%add3A_524, %broadcast_in_dim3A_520] : memref<32x3200xf32, #tpu.memory_space<vmem>>[vector<16xi32>, vector<16xi32>], vector<16xf32>,
        %mul3A_526 = arith.constant 16 : i32
        %mul3A_527 = arith.muli %scan3A_411, %mul3A_526 : i32
        %add3A_528 = arith.constant 5 : i32
        %add3A_529 = arith.addi %mul3A_527, %add3A_528 : i32
        %mul3A_530 = arith.mulf %gather3A_521, %get3A_59 : vector<16xf32>
        %swap3A_531 = arith.index_cast %add3A_529 : i32 to index
        %swap3A_532 = arith.constant 0 : index
        %swap3A_533 = tpu.vector_load %arg11[%swap3A_531, %swap3A_532] {strides = array<i32>} : memref<128x128xf32, #tpu.memory_space<vmem>>, vector<16xf32>,
        tpu.vector_store %arg11[%swap3A_531, %swap3A_532], %mul3A_530 {strides = array<i32>} : memref<128x128xf32, #tpu.memory_space<vmem>>, vector<16xf32>,
        %mul3A_534 = arith.mulf %gather3A_525, %get3A_61 : vector<16xf32>
        %swap3A_535 = arith.index_cast %add3A_529 : i32 to index
        %swap3A_536 = arith.constant 16 : index
        %swap3A_537 = tpu.vector_load %arg11[%swap3A_535, %swap3A_536] {strides = array<i32>} : memref<128x128xf32, #tpu.memory_space<vmem>>, vector<16xf32>,
        tpu.vector_store %arg11[%swap3A_535, %swap3A_536], %mul3A_534 {strides = array<i32>} : memref<128x128xf32, #tpu.memory_space<vmem>>, vector<16xf32>,
        %slice3A_538 = vector.extract_strided_slice %sub3A_421 {offsets = [6], sizes = [1], strides = [1]} : vector<16xi32> to vector<1xi32>
        %squeeze3A_539 = vector.extract %slice3A_538[0] : i32 from vector<1xi32>
        %broadcast_in_dim3A_540 = vector.broadcast %squeeze3A_539 : i32 to vector<16xi32>
        %gather3A_541 = tpu.vector_load_idx %arg7[%iota3A, %broadcast_in_dim3A_540] : memref<32x3200xf32, #tpu.memory_space<vmem>>[vector<16xi32>, vector<16xi32>], vector<16xf32>,
        %add3A_542 = arith.constant 16 : i32
        %add3A_543 = vector.broadcast %add3A_542 : i32 to vector<16xi32>
        %add3A_544 = arith.addi %iota3A, %add3A_543 : vector<16xi32>
        %gather3A_545 = tpu.vector_load_idx %arg7[%add3A_544, %broadcast_in_dim3A_540] : memref<32x3200xf32, #tpu.memory_space<vmem>>[vector<16xi32>, vector<16xi32>], vector<16xf32>,
        %mul3A_546 = arith.constant 16 : i32
        %mul3A_547 = arith.muli %scan3A_411, %mul3A_546 : i32
        %add3A_548 = arith.constant 6 : i32
        %add3A_549 = arith.addi %mul3A_547, %add3A_548 : i32
        %mul3A_550 = arith.mulf %gather3A_541, %get3A_59 : vector<16xf32>
        %swap3A_551 = arith.index_cast %add3A_549 : i32 to index
        %swap3A_552 = arith.constant 0 : index
        %swap3A_553 = tpu.vector_load %arg11[%swap3A_551, %swap3A_552] {strides = array<i32>} : memref<128x128xf32, #tpu.memory_space<vmem>>, vector<16xf32>,
        tpu.vector_store %arg11[%swap3A_551, %swap3A_552], %mul3A_550 {strides = array<i32>} : memref<128x128xf32, #tpu.memory_space<vmem>>, vector<16xf32>,
        %mul3A_554 = arith.mulf %gather3A_545, %get3A_61 : vector<16xf32>
        %swap3A_555 = arith.index_cast %add3A_549 : i32 to index
        %swap3A_556 = arith.constant 16 : index
        %swap3A_557 = tpu.vector_load %arg11[%swap3A_555, %swap3A_556] {strides = array<i32>} : memref<128x128xf32, #tpu.memory_space<vmem>>, vector<16xf32>,
        tpu.vector_store %arg11[%swap3A_555, %swap3A_556], %mul3A_554 {strides = array<i32>} : memref<128x128xf32, #tpu.memory_space<vmem>>, vector<16xf32>,
        %slice3A_558 = vector.extract_strided_slice %sub3A_421 {offsets = [7], sizes = [1], strides = [1]} : vector<16xi32> to vector<1xi32>
        %squeeze3A_559 = vector.extract %slice3A_558[0] : i32 from vector<1xi32>
        %broadcast_in_dim3A_560 = vector.broadcast %squeeze3A_559 : i32 to vector<16xi32>
        %gather3A_561 = tpu.vector_load_idx %arg7[%iota3A, %broadcast_in_dim3A_560] : memref<32x3200xf32, #tpu.memory_space<vmem>>[vector<16xi32>, vector<16xi32>], vector<16xf32>,
        %add3A_562 = arith.constant 16 : i32
        %add3A_563 = vector.broadcast %add3A_562 : i32 to vector<16xi32>
        %add3A_564 = arith.addi %iota3A, %add3A_563 : vector<16xi32>
        %gather3A_565 = tpu.vector_load_idx %arg7[%add3A_564, %broadcast_in_dim3A_560] : memref<32x3200xf32, #tpu.memory_space<vmem>>[vector<16xi32>, vector<16xi32>], vector<16xf32>,
        %mul3A_566 = arith.constant 16 : i32
        %mul3A_567 = arith.muli %scan3A_411, %mul3A_566 : i32
        %add3A_568 = arith.constant 7 : i32
        %add3A_569 = arith.addi %mul3A_567, %add3A_568 : i32
        %mul3A_570 = arith.mulf %gather3A_561, %get3A_59 : vector<16xf32>
        %swap3A_571 = arith.index_cast %add3A_569 : i32 to index
        %swap3A_572 = arith.constant 0 : index
        %swap3A_573 = tpu.vector_load %arg11[%swap3A_571, %swap3A_572] {strides = array<i32>} : memref<128x128xf32, #tpu.memory_space<vmem>>, vector<16xf32>,
        tpu.vector_store %arg11[%swap3A_571, %swap3A_572], %mul3A_570 {strides = array<i32>} : memref<128x128xf32, #tpu.memory_space<vmem>>, vector<16xf32>,
        %mul3A_574 = arith.mulf %gather3A_565, %get3A_61 : vector<16xf32>
        %swap3A_575 = arith.index_cast %add3A_569 : i32 to index
        %swap3A_576 = arith.constant 16 : index
        %swap3A_577 = tpu.vector_load %arg11[%swap3A_575, %swap3A_576] {strides = array<i32>} : memref<128x128xf32, #tpu.memory_space<vmem>>, vector<16xf32>,
        tpu.vector_store %arg11[%swap3A_575, %swap3A_576], %mul3A_574 {strides = array<i32>} : memref<128x128xf32, #tpu.memory_space<vmem>>, vector<16xf32>,
        %slice3A_578 = vector.extract_strided_slice %sub3A_421 {offsets = [8], sizes = [1], strides = [1]} : vector<16xi32> to vector<1xi32>
        %squeeze3A_579 = vector.extract %slice3A_578[0] : i32 from vector<1xi32>
        %broadcast_in_dim3A_580 = vector.broadcast %squeeze3A_579 : i32 to vector<16xi32>
        %gather3A_581 = tpu.vector_load_idx %arg7[%iota3A, %broadcast_in_dim3A_580] : memref<32x3200xf32, #tpu.memory_space<vmem>>[vector<16xi32>, vector<16xi32>], vector<16xf32>,
        %add3A_582 = arith.constant 16 : i32
        %add3A_583 = vector.broadcast %add3A_582 : i32 to vector<16xi32>
        %add3A_584 = arith.addi %iota3A, %add3A_583 : vector<16xi32>
        %gather3A_585 = tpu.vector_load_idx %arg7[%add3A_584, %broadcast_in_dim3A_580] : memref<32x3200xf32, #tpu.memory_space<vmem>>[vector<16xi32>, vector<16xi32>], vector<16xf32>,
        %mul3A_586 = arith.constant 16 : i32
        %mul3A_587 = arith.muli %scan3A_411, %mul3A_586 : i32
        %add3A_588 = arith.constant 8 : i32
        %add3A_589 = arith.addi %mul3A_587, %add3A_588 : i32
        %mul3A_590 = arith.mulf %gather3A_581, %get3A_59 : vector<16xf32>
        %swap3A_591 = arith.index_cast %add3A_589 : i32 to index
        %swap3A_592 = arith.constant 0 : index
        %swap3A_593 = tpu.vector_load %arg11[%swap3A_591, %swap3A_592] {strides = array<i32>} : memref<128x128xf32, #tpu.memory_space<vmem>>, vector<16xf32>,
        tpu.vector_store %arg11[%swap3A_591, %swap3A_592], %mul3A_590 {strides = array<i32>} : memref<128x128xf32, #tpu.memory_space<vmem>>, vector<16xf32>,
        %mul3A_594 = arith.mulf %gather3A_585, %get3A_61 : vector<16xf32>
        %swap3A_595 = arith.index_cast %add3A_589 : i32 to index
        %swap3A_596 = arith.constant 16 : index
        %swap3A_597 = tpu.vector_load %arg11[%swap3A_595, %swap3A_596] {strides = array<i32>} : memref<128x128xf32, #tpu.memory_space<vmem>>, vector<16xf32>,
        tpu.vector_store %arg11[%swap3A_595, %swap3A_596], %mul3A_594 {strides = array<i32>} : memref<128x128xf32, #tpu.memory_space<vmem>>, vector<16xf32>,
        %slice3A_598 = vector.extract_strided_slice %sub3A_421 {offsets = [9], sizes = [1], strides = [1]} : vector<16xi32> to vector<1xi32>
        %squeeze3A_599 = vector.extract %slice3A_598[0] : i32 from vector<1xi32>
        %broadcast_in_dim3A_600 = vector.broadcast %squeeze3A_599 : i32 to vector<16xi32>
        %gather3A_601 = tpu.vector_load_idx %arg7[%iota3A, %broadcast_in_dim3A_600] : memref<32x3200xf32, #tpu.memory_space<vmem>>[vector<16xi32>, vector<16xi32>], vector<16xf32>,
        %add3A_602 = arith.constant 16 : i32
        %add3A_603 = vector.broadcast %add3A_602 : i32 to vector<16xi32>
        %add3A_604 = arith.addi %iota3A, %add3A_603 : vector<16xi32>
        %gather3A_605 = tpu.vector_load_idx %arg7[%add3A_604, %broadcast_in_dim3A_600] : memref<32x3200xf32, #tpu.memory_space<vmem>>[vector<16xi32>, vector<16xi32>], vector<16xf32>,
        %mul3A_606 = arith.constant 16 : i32
        %mul3A_607 = arith.muli %scan3A_411, %mul3A_606 : i32
        %add3A_608 = arith.constant 9 : i32
        %add3A_609 = arith.addi %mul3A_607, %add3A_608 : i32
        %mul3A_610 = arith.mulf %gather3A_601, %get3A_59 : vector<16xf32>
        %swap3A_611 = arith.index_cast %add3A_609 : i32 to index
        %swap3A_612 = arith.constant 0 : index
        %swap3A_613 = tpu.vector_load %arg11[%swap3A_611, %swap3A_612] {strides = array<i32>} : memref<128x128xf32, #tpu.memory_space<vmem>>, vector<16xf32>,
        tpu.vector_store %arg11[%swap3A_611, %swap3A_612], %mul3A_610 {strides = array<i32>} : memref<128x128xf32, #tpu.memory_space<vmem>>, vector<16xf32>,
        %mul3A_614 = arith.mulf %gather3A_605, %get3A_61 : vector<16xf32>
        %swap3A_615 = arith.index_cast %add3A_609 : i32 to index
        %swap3A_616 = arith.constant 16 : index
        %swap3A_617 = tpu.vector_load %arg11[%swap3A_615, %swap3A_616] {strides = array<i32>} : memref<128x128xf32, #tpu.memory_space<vmem>>, vector<16xf32>,
        tpu.vector_store %arg11[%swap3A_615, %swap3A_616], %mul3A_614 {strides = array<i32>} : memref<128x128xf32, #tpu.memory_space<vmem>>, vector<16xf32>,
        %slice3A_618 = vector.extract_strided_slice %sub3A_421 {offsets = [10], sizes = [1], strides = [1]} : vector<16xi32> to vector<1xi32>
        %squeeze3A_619 = vector.extract %slice3A_618[0] : i32 from vector<1xi32>
        %broadcast_in_dim3A_620 = vector.broadcast %squeeze3A_619 : i32 to vector<16xi32>
        %gather3A_621 = tpu.vector_load_idx %arg7[%iota3A, %broadcast_in_dim3A_620] : memref<32x3200xf32, #tpu.memory_space<vmem>>[vector<16xi32>, vector<16xi32>], vector<16xf32>,
        %add3A_622 = arith.constant 16 : i32
        %add3A_623 = vector.broadcast %add3A_622 : i32 to vector<16xi32>
        %add3A_624 = arith.addi %iota3A, %add3A_623 : vector<16xi32>
        %gather3A_625 = tpu.vector_load_idx %arg7[%add3A_624, %broadcast_in_dim3A_620] : memref<32x3200xf32, #tpu.memory_space<vmem>>[vector<16xi32>, vector<16xi32>], vector<16xf32>,
        %mul3A_626 = arith.constant 16 : i32
        %mul3A_627 = arith.muli %scan3A_411, %mul3A_626 : i32
        %add3A_628 = arith.constant 10 : i32
        %add3A_629 = arith.addi %mul3A_627, %add3A_628 : i32
        %mul3A_630 = arith.mulf %gather3A_621, %get3A_59 : vector<16xf32>
        %swap3A_631 = arith.index_cast %add3A_629 : i32 to index
        %swap3A_632 = arith.constant 0 : index
        %swap3A_633 = tpu.vector_load %arg11[%swap3A_631, %swap3A_632] {strides = array<i32>} : memref<128x128xf32, #tpu.memory_space<vmem>>, vector<16xf32>,
        tpu.vector_store %arg11[%swap3A_631, %swap3A_632], %mul3A_630 {strides = array<i32>} : memref<128x128xf32, #tpu.memory_space<vmem>>, vector<16xf32>,
        %mul3A_634 = arith.mulf %gather3A_625, %get3A_61 : vector<16xf32>
        %swap3A_635 = arith.index_cast %add3A_629 : i32 to index
        %swap3A_636 = arith.constant 16 : index
        %swap3A_637 = tpu.vector_load %arg11[%swap3A_635, %swap3A_636] {strides = array<i32>} : memref<128x128xf32, #tpu.memory_space<vmem>>, vector<16xf32>,
        tpu.vector_store %arg11[%swap3A_635, %swap3A_636], %mul3A_634 {strides = array<i32>} : memref<128x128xf32, #tpu.memory_space<vmem>>, vector<16xf32>,
        %slice3A_638 = vector.extract_strided_slice %sub3A_421 {offsets = [11], sizes = [1], strides = [1]} : vector<16xi32> to vector<1xi32>
        %squeeze3A_639 = vector.extract %slice3A_638[0] : i32 from vector<1xi32>
        %broadcast_in_dim3A_640 = vector.broadcast %squeeze3A_639 : i32 to vector<16xi32>
        %gather3A_641 = tpu.vector_load_idx %arg7[%iota3A, %broadcast_in_dim3A_640] : memref<32x3200xf32, #tpu.memory_space<vmem>>[vector<16xi32>, vector<16xi32>], vector<16xf32>,
        %add3A_642 = arith.constant 16 : i32
        %add3A_643 = vector.broadcast %add3A_642 : i32 to vector<16xi32>
        %add3A_644 = arith.addi %iota3A, %add3A_643 : vector<16xi32>
        %gather3A_645 = tpu.vector_load_idx %arg7[%add3A_644, %broadcast_in_dim3A_640] : memref<32x3200xf32, #tpu.memory_space<vmem>>[vector<16xi32>, vector<16xi32>], vector<16xf32>,
        %mul3A_646 = arith.constant 16 : i32
        %mul3A_647 = arith.muli %scan3A_411, %mul3A_646 : i32
        %add3A_648 = arith.constant 11 : i32
        %add3A_649 = arith.addi %mul3A_647, %add3A_648 : i32
        %mul3A_650 = arith.mulf %gather3A_641, %get3A_59 : vector<16xf32>
        %swap3A_651 = arith.index_cast %add3A_649 : i32 to index
        %swap3A_652 = arith.constant 0 : index
        %swap3A_653 = tpu.vector_load %arg11[%swap3A_651, %swap3A_652] {strides = array<i32>} : memref<128x128xf32, #tpu.memory_space<vmem>>, vector<16xf32>,
        tpu.vector_store %arg11[%swap3A_651, %swap3A_652], %mul3A_650 {strides = array<i32>} : memref<128x128xf32, #tpu.memory_space<vmem>>, vector<16xf32>,
        %mul3A_654 = arith.mulf %gather3A_645, %get3A_61 : vector<16xf32>
        %swap3A_655 = arith.index_cast %add3A_649 : i32 to index
        %swap3A_656 = arith.constant 16 : index
        %swap3A_657 = tpu.vector_load %arg11[%swap3A_655, %swap3A_656] {strides = array<i32>} : memref<128x128xf32, #tpu.memory_space<vmem>>, vector<16xf32>,
        tpu.vector_store %arg11[%swap3A_655, %swap3A_656], %mul3A_654 {strides = array<i32>} : memref<128x128xf32, #tpu.memory_space<vmem>>, vector<16xf32>,
        %slice3A_658 = vector.extract_strided_slice %sub3A_421 {offsets = [12], sizes = [1], strides = [1]} : vector<16xi32> to vector<1xi32>
        %squeeze3A_659 = vector.extract %slice3A_658[0] : i32 from vector<1xi32>
        %broadcast_in_dim3A_660 = vector.broadcast %squeeze3A_659 : i32 to vector<16xi32>
        %gather3A_661 = tpu.vector_load_idx %arg7[%iota3A, %broadcast_in_dim3A_660] : memref<32x3200xf32, #tpu.memory_space<vmem>>[vector<16xi32>, vector<16xi32>], vector<16xf32>,
        %add3A_662 = arith.constant 16 : i32
        %add3A_663 = vector.broadcast %add3A_662 : i32 to vector<16xi32>
        %add3A_664 = arith.addi %iota3A, %add3A_663 : vector<16xi32>
        %gather3A_665 = tpu.vector_load_idx %arg7[%add3A_664, %broadcast_in_dim3A_660] : memref<32x3200xf32, #tpu.memory_space<vmem>>[vector<16xi32>, vector<16xi32>], vector<16xf32>,
        %mul3A_666 = arith.constant 16 : i32
        %mul3A_667 = arith.muli %scan3A_411, %mul3A_666 : i32
        %add3A_668 = arith.constant 12 : i32
        %add3A_669 = arith.addi %mul3A_667, %add3A_668 : i32
        %mul3A_670 = arith.mulf %gather3A_661, %get3A_59 : vector<16xf32>
        %swap3A_671 = arith.index_cast %add3A_669 : i32 to index
        %swap3A_672 = arith.constant 0 : index
        %swap3A_673 = tpu.vector_load %arg11[%swap3A_671, %swap3A_672] {strides = array<i32>} : memref<128x128xf32, #tpu.memory_space<vmem>>, vector<16xf32>,
        tpu.vector_store %arg11[%swap3A_671, %swap3A_672], %mul3A_670 {strides = array<i32>} : memref<128x128xf32, #tpu.memory_space<vmem>>, vector<16xf32>,
        %mul3A_674 = arith.mulf %gather3A_665, %get3A_61 : vector<16xf32>
        %swap3A_675 = arith.index_cast %add3A_669 : i32 to index
        %swap3A_676 = arith.constant 16 : index
        %swap3A_677 = tpu.vector_load %arg11[%swap3A_675, %swap3A_676] {strides = array<i32>} : memref<128x128xf32, #tpu.memory_space<vmem>>, vector<16xf32>,
        tpu.vector_store %arg11[%swap3A_675, %swap3A_676], %mul3A_674 {strides = array<i32>} : memref<128x128xf32, #tpu.memory_space<vmem>>, vector<16xf32>,
        %slice3A_678 = vector.extract_strided_slice %sub3A_421 {offsets = [13], sizes = [1], strides = [1]} : vector<16xi32> to vector<1xi32>
        %squeeze3A_679 = vector.extract %slice3A_678[0] : i32 from vector<1xi32>
        %broadcast_in_dim3A_680 = vector.broadcast %squeeze3A_679 : i32 to vector<16xi32>
        %gather3A_681 = tpu.vector_load_idx %arg7[%iota3A, %broadcast_in_dim3A_680] : memref<32x3200xf32, #tpu.memory_space<vmem>>[vector<16xi32>, vector<16xi32>], vector<16xf32>,
        %add3A_682 = arith.constant 16 : i32
        %add3A_683 = vector.broadcast %add3A_682 : i32 to vector<16xi32>
        %add3A_684 = arith.addi %iota3A, %add3A_683 : vector<16xi32>
        %gather3A_685 = tpu.vector_load_idx %arg7[%add3A_684, %broadcast_in_dim3A_680] : memref<32x3200xf32, #tpu.memory_space<vmem>>[vector<16xi32>, vector<16xi32>], vector<16xf32>,
        %mul3A_686 = arith.constant 16 : i32
        %mul3A_687 = arith.muli %scan3A_411, %mul3A_686 : i32
        %add3A_688 = arith.constant 13 : i32
        %add3A_689 = arith.addi %mul3A_687, %add3A_688 : i32
        %mul3A_690 = arith.mulf %gather3A_681, %get3A_59 : vector<16xf32>
        %swap3A_691 = arith.index_cast %add3A_689 : i32 to index
        %swap3A_692 = arith.constant 0 : index
        %swap3A_693 = tpu.vector_load %arg11[%swap3A_691, %swap3A_692] {strides = array<i32>} : memref<128x128xf32, #tpu.memory_space<vmem>>, vector<16xf32>,
        tpu.vector_store %arg11[%swap3A_691, %swap3A_692], %mul3A_690 {strides = array<i32>} : memref<128x128xf32, #tpu.memory_space<vmem>>, vector<16xf32>,
        %mul3A_694 = arith.mulf %gather3A_685, %get3A_61 : vector<16xf32>
        %swap3A_695 = arith.index_cast %add3A_689 : i32 to index
        %swap3A_696 = arith.constant 16 : index
        %swap3A_697 = tpu.vector_load %arg11[%swap3A_695, %swap3A_696] {strides = array<i32>} : memref<128x128xf32, #tpu.memory_space<vmem>>, vector<16xf32>,
        tpu.vector_store %arg11[%swap3A_695, %swap3A_696], %mul3A_694 {strides = array<i32>} : memref<128x128xf32, #tpu.memory_space<vmem>>, vector<16xf32>,
        %slice3A_698 = vector.extract_strided_slice %sub3A_421 {offsets = [14], sizes = [1], strides = [1]} : vector<16xi32> to vector<1xi32>
        %squeeze3A_699 = vector.extract %slice3A_698[0] : i32 from vector<1xi32>
        %broadcast_in_dim3A_700 = vector.broadcast %squeeze3A_699 : i32 to vector<16xi32>
        %gather3A_701 = tpu.vector_load_idx %arg7[%iota3A, %broadcast_in_dim3A_700] : memref<32x3200xf32, #tpu.memory_space<vmem>>[vector<16xi32>, vector<16xi32>], vector<16xf32>,
        %add3A_702 = arith.constant 16 : i32
        %add3A_703 = vector.broadcast %add3A_702 : i32 to vector<16xi32>
        %add3A_704 = arith.addi %iota3A, %add3A_703 : vector<16xi32>
        %gather3A_705 = tpu.vector_load_idx %arg7[%add3A_704, %broadcast_in_dim3A_700] : memref<32x3200xf32, #tpu.memory_space<vmem>>[vector<16xi32>, vector<16xi32>], vector<16xf32>,
        %mul3A_706 = arith.constant 16 : i32
        %mul3A_707 = arith.muli %scan3A_411, %mul3A_706 : i32
        %add3A_708 = arith.constant 14 : i32
        %add3A_709 = arith.addi %mul3A_707, %add3A_708 : i32
        %mul3A_710 = arith.mulf %gather3A_701, %get3A_59 : vector<16xf32>
        %swap3A_711 = arith.index_cast %add3A_709 : i32 to index
        %swap3A_712 = arith.constant 0 : index
        %swap3A_713 = tpu.vector_load %arg11[%swap3A_711, %swap3A_712] {strides = array<i32>} : memref<128x128xf32, #tpu.memory_space<vmem>>, vector<16xf32>,
        tpu.vector_store %arg11[%swap3A_711, %swap3A_712], %mul3A_710 {strides = array<i32>} : memref<128x128xf32, #tpu.memory_space<vmem>>, vector<16xf32>,
        %mul3A_714 = arith.mulf %gather3A_705, %get3A_61 : vector<16xf32>
        %swap3A_715 = arith.index_cast %add3A_709 : i32 to index
        %swap3A_716 = arith.constant 16 : index
        %swap3A_717 = tpu.vector_load %arg11[%swap3A_715, %swap3A_716] {strides = array<i32>} : memref<128x128xf32, #tpu.memory_space<vmem>>, vector<16xf32>,
        tpu.vector_store %arg11[%swap3A_715, %swap3A_716], %mul3A_714 {strides = array<i32>} : memref<128x128xf32, #tpu.memory_space<vmem>>, vector<16xf32>,
        %slice3A_718 = vector.extract_strided_slice %sub3A_421 {offsets = [15], sizes = [1], strides = [1]} : vector<16xi32> to vector<1xi32>
        %squeeze3A_719 = vector.extract %slice3A_718[0] : i32 from vector<1xi32>
        %broadcast_in_dim3A_720 = vector.broadcast %squeeze3A_719 : i32 to vector<16xi32>
        %gather3A_721 = tpu.vector_load_idx %arg7[%iota3A, %broadcast_in_dim3A_720] : memref<32x3200xf32, #tpu.memory_space<vmem>>[vector<16xi32>, vector<16xi32>], vector<16xf32>,
        %add3A_722 = arith.constant 16 : i32
        %add3A_723 = vector.broadcast %add3A_722 : i32 to vector<16xi32>
        %add3A_724 = arith.addi %iota3A, %add3A_723 : vector<16xi32>
        %gather3A_725 = tpu.vector_load_idx %arg7[%add3A_724, %broadcast_in_dim3A_720] : memref<32x3200xf32, #tpu.memory_space<vmem>>[vector<16xi32>, vector<16xi32>], vector<16xf32>,
        %mul3A_726 = arith.constant 16 : i32
        %mul3A_727 = arith.muli %scan3A_411, %mul3A_726 : i32
        %add3A_728 = arith.constant 15 : i32
        %add3A_729 = arith.addi %mul3A_727, %add3A_728 : i32
        %mul3A_730 = arith.mulf %gather3A_721, %get3A_59 : vector<16xf32>
        %swap3A_731 = arith.index_cast %add3A_729 : i32 to index
        %swap3A_732 = arith.constant 0 : index
        %swap3A_733 = tpu.vector_load %arg11[%swap3A_731, %swap3A_732] {strides = array<i32>} : memref<128x128xf32, #tpu.memory_space<vmem>>, vector<16xf32>,
        tpu.vector_store %arg11[%swap3A_731, %swap3A_732], %mul3A_730 {strides = array<i32>} : memref<128x128xf32, #tpu.memory_space<vmem>>, vector<16xf32>,
        %mul3A_734 = arith.mulf %gather3A_725, %get3A_61 : vector<16xf32>
        %swap3A_735 = arith.index_cast %add3A_729 : i32 to index
        %swap3A_736 = arith.constant 16 : index
        %swap3A_737 = tpu.vector_load %arg11[%swap3A_735, %swap3A_736] {strides = array<i32>} : memref<128x128xf32, #tpu.memory_space<vmem>>, vector<16xf32>,
        tpu.vector_store %arg11[%swap3A_735, %swap3A_736], %mul3A_734 {strides = array<i32>} : memref<128x128xf32, #tpu.memory_space<vmem>>, vector<16xf32>,
      }
      %scan3A_396 = arith.constant 8 : i32
      %dma_start3A_397 = arith.constant 5 : i32
      %dma_start3A_398 = arith.constant 0 : i32
      %dma_start3A_399 = tpu.memref_slice %arg10[%dma_start3A_397, %dma_start3A_398] : memref<6x128xi32, #tpu.memory_space<vmem>> -> memref<1x128xi32, #tpu.memory_space<vmem>>
      %dma_start3A_400 = tpu.memref_squeeze %dma_start3A_399 : memref<1x128xi32, #tpu.memory_space<vmem>> -> memref<128xi32, #tpu.memory_space<vmem>>
      %dma_start3A_401 = arith.constant 0 : i32
      %dma_start3A_402 = arith.constant 0 : i32
      %dma_start3A_403 = tpu.memref_slice %arg5[%dma_start3A_401, %dma_start3A_402] : memref<16640x128xf32, #tpu.memory_space<hbm>> -> memref<16640x128xf32, #tpu.memory_space<hbm>>
      tpu.enqueue_indirect_dma source(%arg11 : memref<128x128xf32, #tpu.memory_space<vmem>>) target(%dma_start3A_403 : memref<16640x128xf32, #tpu.memory_space<hbm>>) offsets(%dma_start3A_400 : memref<128xi32, #tpu.memory_space<vmem>>) semaphore(%arg13 : memref<!tpu.dma_semaphore, #tpu.memory_space<semaphore_mem>>)
      %dma_wait3A_404 = arith.constant 5 : i32
      %dma_wait3A_405 = arith.constant 0 : i32
      %dma_wait3A_406 = tpu.memref_slice %arg10[%dma_wait3A_404, %dma_wait3A_405] : memref<6x128xi32, #tpu.memory_space<vmem>> -> memref<1x128xi32, #tpu.memory_space<vmem>>
      %dma_wait3A_407 = tpu.memref_squeeze %dma_wait3A_406 : memref<1x128xi32, #tpu.memory_space<vmem>> -> memref<128xi32, #tpu.memory_space<vmem>>
      %dma_wait3A_408 = arith.constant 0 : i32
      %dma_wait3A_409 = arith.constant 0 : i32
      %dma_wait3A_410 = tpu.memref_slice %arg5[%dma_wait3A_408, %dma_wait3A_409] : memref<16640x128xf32, #tpu.memory_space<hbm>> -> memref<16640x128xf32, #tpu.memory_space<hbm>>
      tpu.wait_indirect_dma semaphore(%arg13 : memref<!tpu.dma_semaphore, #tpu.memory_space<semaphore_mem>>) src(%arg11 : memref<128x128xf32, #tpu.memory_space<vmem>>) dst(%dma_wait3A_410 : memref<16640x128xf32, #tpu.memory_space<hbm>>)
    } else {
    }
    return
  }
}

</mosaic_0001>

<sc_bundles>
// kernel: _gmf.4.cloned.1.call-start
scs
__scs_entry_jumppad:
0x0: {  	(pc) =	sbr.rel $0x88, $3  }
0x1: {  	(tag) =	ssettag $0x0;
	lr =	simm.s32 $0x1  }
0x2: {  	[smem:$0x3F9B] =	sst lr;
	_ =	strace $0xD0000000  }
0x3: {  	_ = 	snop  }
0x4: {  	_ = 	snop  }
0x5: {  	_ = 	snop  }
0x6: {  	_ = 	snop  }
0x7: {  	_ = 	snop  }
__scs_overlays_trampoline_lowered:
0x8: {  	[smem:$0x3FAA] =	sst s0  }
0x9: {  	[smem:$0x3FAB] =	sst s1  }
0xa: {  	[smem:$0x3FAC] =	sst s2  }
0xb: {  	[smem:$0x3FAD] =	sst s3  }
0xc: {  	[smem:$0x3FAE] =	sst s4  }
0xd: {  	[smem:$0x3FAF] =	sst s5  }
0xe: {  	[smem:$0x3FB0] =	sst s6  }
0xf: {  	[smem:$0x3FB1] =	sst s7  }
0x10: {  	[smem:$0x3FB2] =	sst s8  }
0x11: {  	[smem:$0x3FB3] =	sst s9;
	s0 =	simm.s32 @!p0 $0x0  }
0x12: {  	s1 =	sld [smem:$0x3F99];
	s0 =	simm.s32 @p0 $0x1  }
0x13: {  	[smem:$0x3FB4] =	sst s0;
	s0 =	simm.s32 @!p1 $0x0  }
0x14: {  	s2 =	sld [smem:$0x3F98];
	s0 =	simm.s32 @p1 $0x1  }
0x15: {  	[smem:$0x3FB5] =	sst s0;
	s0 =	simm.s32 @!p2 $0x0  }
0x16: {  	s3 =	sld [smem:$0x3FDB];
	s0 =	simm.s32 @p2 $0x1  }
0x17: {  	s4 =	simm.s32 $0x1BF5;
	[smem:$0x3FB7] =	sst s0  }
0x18: {  	s0 =	sld [smem:$0x3F9A];
	_ =	swait.ge [sflag:s4], $0x0  }
0x19: {  	s7 =	sld [smem:$0x3F9B]  }
0x1a: {  	s8 =	sadd.s32 $0xFFFFE003, lr  }
0x1b: {  	s9 =	sadd.s32 $0xFFFFFEF7, lr;
	s5 =	simm.s32 $0xFFFFFFFF;
	p2 =	slt.u32 s8, $0xFFFFF086  }
0x1c: {  	p1 =	slt.u32 s9, $0xF7A;
	s5 =	simm.s32 @!p2 $0x0  }
0x1d: {  	s5 =	simm.s32 @p1 $0x1;
	p0 =	seq.s32 s7, s2  }
0x1e: {  	s7 =	smul.u32 @!p0 $0xF7A, s2;
	p2 =	seq.s32 @!p0 s5, $0x0  }
0x1f: {  	s9 =	smul.u32 $0xF7A, s1;
	s8 =	simm.s32 @!p0 $0x1BF5;
	p2 =	por !p2, p0  }
0x20: {  	[sflag:s8] =	ssyncset.s32 @!p0 $0xFFFFF086;
	s6 =	sadd.s32 @!p0 s3, s7;
	s7 =	simm.s32 @!p0 $0x108  }
0x21: {  	s3 =	sadd.s32 s3, s9;
	s6 =	sadd.s32 @!p0 $0x88, s6;
	s7 =	simm.s32 @p2 $0x1082  }
0x22: {  	[simem:s7], [sflag:s8] =	dma.local @!p0 [hbm:s6], $0xF7A  }
0x23: {  	s9 =	sor.u32 $0xD0000000, s2;
	s6 =	simm.s32 $0x108;
	_ =	swait.ge @!p0 [sflag:s8], $0x0  }
0x24: {  	s3 =	sadd.s32 $0x88, s3;
	s6 =	simm.s32 @!p1 $0x1082;
	[sflag:s4] =	ssyncset.s32 $0xFFFFF086  }
0x25: {  	[simem:s6], [sflag:s4] =	dma.local [hbm:s3], $0xF7A  }
0x26: {  	[smem:$0x3F9B] =	sst s1;
	(tag) =	ssettag s2;
	_ =	strace s9  }
0x27: {  	s1 =	sld [smem:$0x3FAB]  }
0x28: {  	s2 =	sld [smem:$0x3FAC]  }
0x29: {  	s4 =	sld [smem:$0x3FAE]  }
0x2a: {  	p0 =	seq.s32 s5, $0x0;
	s5 =	sld [smem:$0x3FAF]  }
0x2b: {  	s6 =	sld [smem:$0x3FB0]  }
0x2c: {  	s7 =	sld [smem:$0x3FB1]  }
0x2d: {  	s3 =	simm.s32 $0x108;
	s8 =	sld [smem:$0x3FB2]  }
0x2e: {  	s3 =	simm.s32 @!p0 $0x1082;
	s9 =	sld [smem:$0x3FB3]  }
0x2f: {  	lr =	sadd.s32 s0, s3;
	s0 =	sld [smem:$0x3FAA]  }
0x30: {  	s3 =	sld [smem:$0x3FAD]  }
0x31: {  	[smem:$0x3FB6] =	sst s10  }
0x32: {  	s10 =	sld [smem:$0x3FB4];
	_ =	sdelay $0x3  }
0x33: {  	p0 =	seq.s32 s10, $0x1;
	s10 =	sld [smem:$0x3FB6];
	_ =	sdelay $0x3  }
0x34: {  	[smem:$0x3FB6] =	sst s10  }
0x35: {  	s10 =	sld [smem:$0x3FB5];
	_ =	sdelay $0x3  }
0x36: {  	p1 =	seq.s32 s10, $0x1;
	s10 =	sld [smem:$0x3FB6];
	_ =	sdelay $0x3  }
0x37: {  	[smem:$0x3FB6] =	sst s10  }
0x38: {  	s10 =	sld [smem:$0x3FB7]  }
0x39: {  	_ = 	snop;
	(pc) =	sbr.ind lr, $3  }
0x3a: {  	_ = 	snop  }
0x3b: {  	_ = 	snop  }
0x3c: {  	p2 =	seq.s32 s10, $0x1;
	s10 =	sld [smem:$0x3FB6]  }
0x3d: {  	_ =	shalt  }
0x3e: {  	_ =	shalt  }
0x3f: {  	_ =	shalt  }
0x40: {  	_ =	shalt  }
0x41: {  	_ =	shalt  }
0x42: {  	_ =	shalt  }
0x43: {  	_ =	shalt  }
0x44: {  	_ =	shalt  }
0x45: {  	_ =	shalt  }
0x46: {  	_ =	shalt  }
0x47: {  	_ =	shalt  }
0x48: {  	_ =	shalt  }
0x49: {  	_ =	shalt  }
0x4a: {  	_ =	shalt  }
0x4b: {  	_ =	shalt  }
0x4c: {  	_ =	shalt  }
0x4d: {  	_ =	shalt  }
0x4e: {  	_ =	shalt  }
0x4f: {  	_ =	shalt  }
0x50: {  	_ =	shalt  }
0x51: {  	_ =	shalt  }
0x52: {  	_ =	shalt  }
0x53: {  	_ =	shalt  }
0x54: {  	_ =	shalt  }
0x55: {  	_ =	shalt  }
0x56: {  	_ =	shalt  }
0x57: {  	_ =	shalt  }
0x58: {  	_ =	shalt  }
0x59: {  	_ =	shalt  }
0x5a: {  	_ =	shalt  }
0x5b: {  	_ =	shalt  }
0x5c: {  	_ =	shalt  }
0x5d: {  	_ =	shalt  }
0x5e: {  	_ =	shalt  }
0x5f: {  	_ =	shalt  }
0x60: {  	_ =	shalt  }
0x61: {  	_ =	shalt  }
0x62: {  	_ =	shalt  }
0x63: {  	_ =	shalt  }
0x64: {  	_ =	shalt  }
0x65: {  	_ =	shalt  }
0x66: {  	_ =	shalt  }
0x67: {  	_ =	shalt  }
0x68: {  	_ =	shalt  }
0x69: {  	_ =	shalt  }
0x6a: {  	_ =	shalt  }
0x6b: {  	_ =	shalt  }
0x6c: {  	_ =	shalt  }
0x6d: {  	_ =	shalt  }
0x6e: {  	_ =	shalt  }
0x6f: {  	_ =	shalt  }
0x70: {  	_ =	shalt  }
0x71: {  	_ =	shalt  }
0x72: {  	_ =	shalt  }
0x73: {  	_ =	shalt  }
0x74: {  	_ =	shalt  }
0x75: {  	_ =	shalt  }
0x76: {  	_ =	shalt  }
0x77: {  	_ =	shalt  }
0x78: {  	_ =	shalt  }
0x79: {  	_ =	shalt  }
0x7a: {  	_ =	shalt  }
0x7b: {  	_ =	shalt  }
0x7c: {  	_ =	shalt  }
0x7d: {  	_ =	shalt  }
0x7e: {  	_ =	shalt  }
0x7f: {  	_ =	shalt  }
0x80: {  	_ =	shalt  }
0x81: {  	_ =	shalt  }
0x82: {  	_ =	shalt  }
0x83: {  	_ =	shalt  }
0x84: {  	_ =	shalt  }
0x85: {  	_ =	shalt  }
0x86: {  	_ =	shalt  }
0x87: {  	_ =	shalt  }
.Lfunc_end0:
.L_simem_size_0:
called_computation_lowered:
.L_overlay_start_0:
0x88: {  	s2 =	sld [smem:$0x3FD9]  }
0x89: {  	s3 =	sld [smem:$0x3FFE];
	_ =	sdelay $0x1  }
0x8a: {  	s1 =	srdreg.scid  }
0x8b: {  	s0 =	sand.u32 $0x1, s1  }
0x8c: {  	s17 =	sshll.u32 s0, $0xA;
	s2 =	sadd.s32 s3, s2  }
0x8d: {  	s2 =	sadd.s32 s2, s17  }
0x8e: {  	[smem:$0x3FC2] =	sst s2  }
0x8f: {  	_ = 	snop  }
0x90: {  	s2 =	sld [smem:$0x3FC8]  }
0x91: {  	s18 =	sld [smem:$0x3FC6]  }
0x92: {  	s4 =	sld [smem:$0x3FC5];
	(tm) =	ssettm $0x1  }
0x93: {  	s5 =	sld [smem:$0x3FFB];
	_ =	sdelay $0x3  }
0x94: {  	_ =	strace s5  }
0x95: {  	s5 =	sld [smem:$0x3FFC];
	_ =	sdelay $0x3  }
0x96: {  	_ =	strace s5  }
0x97: {  	s5 =	sld [smem:$0x3FFD];
	_ =	sdelay $0x3  }
0x98: {  	_ =	strace s5  }
0x99: {  	_ =	strace $0x8FFFFFFF  }
0x9a: {  	s19 =	sld [smem:$0x3FDB];
	_ =	sdelay $0x1  }
0x9b: {  	s6 =	simm.s32 $_scs_section_size  }
0x9c: {  	s7 =	simm.s32 $_size__tile_overlayer_lowered;
	s8 =	simm.s32 $_tile_overlayer_lowered  }
0x9d: {  	s22 =	simm.s32 $0x1BFF;
	s21 =	sshll.u32 s8, $0x1;
	s5 =	sadd.s32 s6, s19  }
0x9e: {  	s9 =	simm.s32 $0x0;
	s20 =	sshll.u32 s7, $0x1;
	s7 =	sadd.s32 s21, s5  }
0x9f: {  	[timem:s9], [sflag:s22] =	dma.local [hbm:s7], s20  }
0xa0: {  	_ =	swait.ge [sflag:s22], s20  }
0xa1: {  	s6 =	ssub.s32 $0x0, s20;
	[sflag:s22] =	ssyncset.done $0x0  }
0xa2: {  	[sflag:s22] =	ssyncadd.s32 s6;
	_ =	sdelay $0x1  }
0xa3: {  	s23 =	simm.s32 $0x1B8B  }
0xa4: {  	_ =	swait.ge [sflag:s23], $0x1  }
0xa5: {  	[sflag:s23] =	ssyncset.done $0x0  }
0xa6: {  	s25 =	simm.s32 $0x1B8E;
	s24 =	sld [smem:$0x3FFE];
	[sflag:s23] =	ssyncadd.s32 $0xFFFFFFFF  }
0xa7: {  	s26 =	simm.s32 $execute0_lowered;
	[smem:$0x3FD2] =	sst s25  }
0xa8: {  	s7 =	sshll.u32 s26, $0x1;
	_ =	strace $0x80000046;
	[dreg:$0x1] =	wrdreg $0xFFFFFFFF  }
0xa9: {  	s28 =	simm.s32 $_size_execute0_lowered;
	s5 =	sadd.s32 s5, s7;
	[dreg:$0x0] =	wrdreg $0x0  }
0xaa: {  	s7 =	sshll.u32 s28, $0x1;
	[dreg:$0x2] =	wrdreg s5  }
0xab: {  	[dreg:$0x3] =	wrdreg s7  }
0xac: {  	[dreg:$0x4] =	wrdreg $0xC0  }
0xad: {  	_ =	task [dreg:s9], $0x5FFFF  }
0xae: {  	[dreg:$0x1] =	wrdreg $0xFFFFFFFF  }
0xaf: {  	[dreg:$0x0] =	wrdreg $0x60  }
0xb0: {  	[dreg:$0x2] =	wrdreg s2  }
0xb1: {  	[dreg:$0x3] =	wrdreg s18  }
0xb2: {  	[dreg:$0x4] =	wrdreg s4  }
0xb3: {  	[dreg:$0x5] =	wrdreg s24  }
0xb4: {  	[dreg:$0x6] =	wrdreg $0x9  }
0xb5: {  	_ =	task.clear_ibuf [dreg:s9], $0x7FFFF;
	_ =	strace $0x90000046  }
0xb6: {  	s29 =	simm.s32 $0x9;
	_ =	strace $0x80000048  }
0xb7: {  	_ =	swait.ge [sflag:s29], $0x1  }
0xb8: {  	[sflag:s29] =	ssyncadd.s32 $0xFFFFFFFF  }
0xb9: {  	_ =	strace $0x90000048  }
0xba: {  	_ =	sfence  }
0xbb: {  	s30 =	sld [smem:$0x0];
	_ =	sdelay $0x2  }
0xbc: {  	s31 =	sshll.u32 s1, $0xD;
	s1 =	sshrl.u32 s1, $0x2  }
0xbd: {  	s3 =	sand.u32 $0x4000, s31;
	s1 =	sadd.s32 s1, s30  }
0xbe: {  	s0 =	sor.u32 s3, s0;
	s1 =	sshll.u32 s1, $0x11  }
0xbf: {  	s0 =	sor.u32 s1, s0  }
0xc0: {  	s0 =	sadd.s32 $0x8F2B, s0  }
0xc1: {  	[sflag:s0] =	ssyncadd.remote.s32 $0x1  }
0xc2: {  	_ =	sfence.sel $0xFFFF  }
0xc3: {  	[dreg:$0x0] =	wrdreg $0xFFFFFFFF;
	(pc) =	sbr.abs _section_cstart, $3  }
0xc4: {  	[dreg:$0x1] =	wrdreg $0xFFFFFFFF  }
0xc5: {  	_ =	task.clear_ibuf [dreg:s9], $0x2FFFF;
	_ =	strace $0x9FFFFFFF  }
0xc6: {  	(tm) =	ssettm $0x7FFFFFFF  }
0xc7: {  	_ =	shalt  }
tec
execute0_lowered:
.L_overlay_start_1:
0x0: {  	(tag) =	ssettag $0x1  }
0x1: {  	v2 =	vlaneseq.u32;
	v3 =	vimm.s32 $0x6780;
	vm0 =	vcmask $0x300  }
0x2: {  	v4 =	vimm.s32 $0x12F80;
	vm1 =	vcmask $0x704;
	vm15 =	vcmask $0xB08  }
0x3: {  	vm4 =	vcmask $0xF0C;
	v3 =	vsel vm0, $0x0, v3;
	v4 =	vsel vm0, $0xC800, v4  }
0x4: {  	s1 =	srdreg.scid;
	s7 =	rddreg [dreg:$0x1];
	vm5 =	vcmask $0x1310;
	v3 =	vsel vm1, $0x80, v3;
	v4 =	vsel vm1, $0xC880, v4  }
0x5: {  	s0 =	stileid.u32;
	vm6 =	vcmask $0x1714;
	s8 =	rddreg [dreg:$0x3];
	v3 =	vsel vm15, $0x100, v3;
	v4 =	vsel vm15, $0xC900, v4  }
0x6: {  	vm7 =	vcmask $0x1B18;
	s3 =	rddreg [dreg:$0x4];
	s4 =	simm.s32 $0x0;
	s10 =	simm.s32 $0x6400;
	v3 =	vsel vm4, $0x180, v3;
	v4 =	vsel vm4, $0xC980, v4  }
0x7: {  	vm8 =	vcmask $0x1F1C;
	s11 =	simm.s32 $0xC3800;
	s12 =	simm.s32 $0x400;
	s13 =	simm.s32 $0x1;
	v3 =	vsel vm5, $0x200, v3;
	v4 =	vsel vm5, $0xCA00, v4  }
0x8: {  	vm9 =	vcmask $0x2320;
	s14 =	simm.s32 $0x80;
	s15 =	simm.s32 $0x19B00;
	s16 =	simm.s32 $0x19F00;
	v3 =	vsel vm6, $0x280, v3;
	v4 =	vsel vm6, $0xCA80, v4  }
0x9: {  	vm10 =	vcmask $0x2724;
	s17 =	simm.s32 $0x19B80;
	s5 =	sand.u32 $0x1, s1;
	s30 =	sshll.u32 s0, $0x1;
	v3 =	vsel vm7, $0x300, v3;
	v4 =	vsel vm7, $0xCB00, v4  }
0xa: {  	vm11 =	vcmask $0x2B28;
	s18 =	simm.s32 $0x19C00;
	s19 =	simm.s32 $0x19C80;
	s1 =	sor.u32 s5, s30;
	v3 =	vsel vm8, $0x380, v3;
	v4 =	vsel vm8, $0xCB80, v4  }
0xb: {  	vm12 =	vcmask $0x2F2C;
	s20 =	simm.s32 $0x19D00;
	s21 =	simm.s32 $0x19D80;
	s1 =	smul.u32 $0xC38, s1;
	v3 =	vsel vm9, $0x6400, v3;
	v4 =	vsel vm9, $0x12C00, v4  }
0xc: {  	vm13 =	vcmask $0x3330;
	s22 =	simm.s32 $0x0;
	[smem:$0x7FF] =	sst s4;
	s5 =	ssub.s32 $0x2, s5;
	v3 =	vsel vm10, $0x6480, v3;
	v4 =	vsel vm10, $0x12C80, v4  }
.Ltmp0:
0xd: {  	vm14 =	vcmask $0x3734;
	s9 =	sshrl.u32 s5, $0x1;
	s2 =	sadd.s32 $0xC38, s1;
	v3 =	vsel vm11, $0x6500, v3;
	v4 =	vsel vm11, $0x12D00, v4;
	(pc) =	sbr.rel .LBB2_1-.Ltmp0, $4  }
0xe: {  	vm15 =	vcmask $0x3B38;
	s9 =	ssub.s32 s5, s9;
	s6 =	sand.u32 $0x1FF80, s1;
	s2 =	sand.u32 $0x3FF80, s2;
	v3 =	vsel vm12, $0x6580, v3;
	v4 =	vsel vm12, $0x12D80, v4  }
0xf: {  	s5 =	sadd.s32 $0xA00, s8;
	s8 =	simm.s32 $0x1DF00;
	v0 =	vmov s6;
	s31 =	smin.u32 s2, $0x186A0;
	v3 =	vsel vm13, $0x6600, v3;
	v4 =	vsel vm13, $0x12E00, v4  }
0x10: {  	s1 =	rddreg [dreg:$0x0];
	s6 =	sadd.s32 s7, s6;
	s7 =	smax.u32 s9, $0x1;
	v1 =	vmov s31;
	v5 =	vsel vm14, $0x6680, v3;
	v6 =	vsel vm14, $0x12E80, v4  }
0x11: {  	s9 =	simm.s32 $0x2;
	s2 =	rddreg [dreg:$0x2];
	_ =	strace $0x80000047;
	v3 =	vor.u32 $0x4000, v2;
	v4 =	vsel vm15, $0x6700, v5;
	v5 =	vsel vm15, $0x12F00, v6  }
.LBB2_26:
0x12: {  	s22 =	sadd.s32 $0x1, s22  }
0x13: {  	p0 =	sne.s32 s22, s7  }
.Ltmp1:
0x14: {  	_ = 	snop;
	(pc) =	sbr.rel @!p0 .LBB2_27-.Ltmp1, $1  }
0x15: {  	_ =	sdelay $0x3  }
.LBB2_1:
0x16: {  	[tilespmem:s8], [sflag:$0x2] =	stream.linear.gather [hbm4b:s2+s4], $0x80, $0x38;
	[tilespmem:$0x1DF80] =	vst v63  }
0x17: {  	_ =	swait.ge [sflag:s9], $0x80  }
0x18: {  	[sflag:s9] =	ssyncset.done $0x0  }
0x19: {  	[sflag:s9] =	ssyncadd.s32 $0xFFFFFF80  }
0x1a: {  	[tilespmem:s12], [sflag:$0x1] =	stream.strided.gather [hbm4b:s6+s10], $0x19000, s11, s10, $0x38;
	[tilespmem:$0x1DF80] =	vst v63  }
0x1b: {  	s24 =	simm.s32 $0x19400;
	s25 =	sand.u32 $0x70, s4;
	v6 =	vld [tilespmem:$0x1DF00]  }
0x1c: {  	s23 =	simm.s32 $0x19780;
	v8 =	vor.u32 s25, v3;
	v7 =	vld [tilespmem:$0x1DF10];
	[tilespmem:s24+$0x0] =	vst v0  }
0x1d: {  	s26 =	simm.s32 $0x19410;
	s25 =	simm.s32 $0x10;
	[tilespmem:s23+$0x0] =	vst v8  }
.LBB2_2:
0x1e: {  	s24 =	sand.u32 $0x70, s25;
	p0 =	sne.s32 s25, $0x2F0;
	s25 =	sadd.s32 $0x10, s25  }
.Ltmp2:
0x1f: {  	s23 =	sadd.s32 $0x10, s23;
	[tilespmem:s26+$0x0] =	vst v0;
	v8 =	vor.u32 s24, v3;
	(pc) =	sbr.rel @p0 .LBB2_2-.Ltmp2, $2  }
0x20: {  	s24 =	simm.s32 $0x0;
	[tilespmem:s23+$0x0] =	vst v8;
	_ =	sdelay $0x2  }
0x21: {  	s26 =	sadd.s32 $0x10, s26  }
0x22: {  	s25 =	simm.s32 $0x0;
	s23 =	simm.s32 $0x0;
	s26 =	simm.s32 $0x0  }
.LBB2_4:
0x23: {  	s28 =	sshll.u32 s26, $0x7  }
0x24: {  	s28 =	sadd.s32 s1, s28  }
0x25: {  	[tilespmem:s24], [sflag:$0x2] =	stream.linear.gather [hbm4b:s28+s24], $0x400, $0x38;
	[tilespmem:$0x1DF80] =	vst v63  }
0x26: {  	_ =	swait.ge [sflag:s9], $0x400  }
0x27: {  	[sflag:s9] =	ssyncset.done $0x0  }
0x28: {  	s28 =	simm.s32 $0x0;
	[sflag:s9] =	ssyncadd.s32 $0xFFFFFC00  }
0x29: {  	v8 =	vld [tilespmem:s28+$0x0];
	_ =	sdelay $0x4  }
0x2a: {  	vm0 =	vge.s32 v8, v0;
	vm1 =	vlt.s32 v8, v1  }
0x2b: {  	vm0 =	vmand vm0, vm1  }
0x2c: {  	v9 =	vmpcnt.ones.xlane vm0;
	_ =	sdelay $0x1  }
0x2d: {  	(v2sf) =	vpush v9, $0x0;
	_ =	sdelay $0x4  }
0x2e: {  	[tilespmem:s23+$0x19400] =	vst.msk vm0, v8;
	v8 =	vor.u32 s25, v2  }
0x2f: {  	s30 =	simm.s32 $0x10;
	s29 =	simm.s32 $0x80;
	s28 =	smov.u32 s25;
	[tilespmem:s23+$0x19780] =	vst.msk vm0, v8  }
.LBB2_5:
0x30: {  	p0 =	sne.s32 s29, $0xFC0;
	v8 =	vld [tilespmem:s30+$0x0];
	_ =	sdelay $0x4  }
0x31: {  	vm0 =	vge.s32 v8, v0;
	vm1 =	vlt.s32 v8, v1  }
0x32: {  	vm0 =	vmand vm0, vm1  }
0x33: {  	v9 =	vmpcnt.ones.xlane vm0  }
0x34: {  	s30 =	spop (v2sf)  }
0x35: {  	s28 =	sadd.s32 $0x10, s28;
	(v2sf) =	vpush v9, $0x0;
	s23 =	sadd.s32 s23, s30  }
0x36: {  	v9 =	vor.u32 s28, v2;
	[tilespmem:s23+$0x19400] =	vst.msk vm0, v8  }
.Ltmp3:
0x37: {  	[tilespmem:s23+$0x19780] =	vst.msk vm0, v9;
	(pc) =	sbr.rel @p0 .LBB2_5-.Ltmp3, $2  }
0x38: {  	_ =	sdelay $0x2  }
0x39: {  	s30 =	sshra.s32 s29, $0x2;
	s29 =	sadd.s32 $0x40, s29  }
0x3a: {  	v8 =	vld [tilespmem:s30+$0x0];
	_ =	sdelay $0x4  }
0x3b: {  	vm0 =	vge.s32 v8, v0;
	vm1 =	vlt.s32 v8, v1  }
0x3c: {  	vm0 =	vmand vm0, vm1  }
0x3d: {  	v9 =	vmpcnt.ones.xlane vm0;
	_ =	sdelay $0x1  }
0x3e: {  	(v2sf) =	vpush v9, $0x0;
	_ =	sdelay $0x9  }
0x3f: {  	s26 =	sadd.s32 $0x1, s26  }
0x40: {  	p0 =	sne.s32 s26, $0x10  }
.Ltmp4:
0x41: {  	_ = 	snop;
	(pc) =	sbr.rel @p0 .LBB2_4-.Ltmp4, $4  }
0x42: {  	s29 =	spop (v2sf)  }
0x43: {  	s28 =	sadd.s32 $0x10, s28;
	s23 =	sadd.s32 s23, s29  }
0x44: {  	v63 =	vor.u32 s28, v2;
	[tilespmem:s23+$0x19400] =	vst.msk vm0, v8;
	s31 =	spop (v2sf)  }
0x45: {  	s25 =	sadd.s32 $0x400, s25;
	[tilespmem:s23+$0x19780] =	vst.msk vm0, v63;
	s23 =	sadd.s32 s23, s31  }
0x46: {  	_ =	swait.ge [sflag:s13], $0x19000  }
0x47: {  	[sflag:s13] =	ssyncset.done $0x0  }
0x48: {  	[sflag:s13] =	ssyncadd.s32 $0xFFFE7000  }
0x49: {  	v8 =	vld [tilespmem:$0x19780]  }
0x4a: {  	v9 =	vld [tilespmem:$0x19790]  }
0x4b: {  	v10 =	vld [tilespmem:$0x197A0]  }
0x4c: {  	v11 =	vld [tilespmem:$0x197B0]  }
0x4d: {  	v12 =	vld [tilespmem:$0x197C0]  }
0x4e: {  	v30 =	vld [tilespmem:$0x197E0];
	[tilespmem:$0x19B00] =	vst v8  }
0x4f: {  	v31 =	vld [tilespmem:$0x197F0];
	[tilespmem:$0x19B10] =	vst v9  }
0x50: {  	v8 =	vld [tilespmem:$0x197D0];
	[tilespmem:$0x19B20] =	vst v10  }
0x51: {  	v32 =	vld [tilespmem:$0x19800];
	[tilespmem:$0x19B30] =	vst v11  }
0x52: {  	v33 =	vld [tilespmem:$0x19810];
	[tilespmem:$0x19B40] =	vst v12  }
0x53: {  	v34 =	vld [tilespmem:$0x19830];
	[tilespmem:$0x19B60] =	vst v30  }
0x54: {  	v35 =	vld [tilespmem:$0x19840];
	[tilespmem:$0x19B70] =	vst v31  }
0x55: {  	[tilespmem:$0x19B50] =	vst v8;
	v8 =	vld [tilespmem:$0x19820]  }
0x56: {  	v36 =	vld [tilespmem:$0x19850];
	[tilespmem:$0x19B80] =	vst v32  }
0x57: {  	v37 =	vld [tilespmem:$0x19860];
	[tilespmem:$0x19B90] =	vst v33  }
0x58: {  	v38 =	vld [tilespmem:$0x19880];
	[tilespmem:$0x19BB0] =	vst v34  }
0x59: {  	v39 =	vld [tilespmem:$0x19890];
	[tilespmem:$0x19BC0] =	vst v35  }
0x5a: {  	[tilespmem:$0x19BA0] =	vst v8;
	v8 =	vld [tilespmem:$0x19870]  }
0x5b: {  	v40 =	vld [tilespmem:$0x198A0];
	[tilespmem:$0x19BD0] =	vst v36  }
0x5c: {  	v41 =	vld [tilespmem:$0x198B0];
	[tilespmem:$0x19BE0] =	vst v37  }
0x5d: {  	v42 =	vld [tilespmem:$0x198D0];
	[tilespmem:$0x19C00] =	vst v38  }
0x5e: {  	v43 =	vld [tilespmem:$0x198E0];
	[tilespmem:$0x19C10] =	vst v39  }
0x5f: {  	[tilespmem:$0x19BF0] =	vst v8;
	v8 =	vld [tilespmem:$0x198C0]  }
0x60: {  	v44 =	vld [tilespmem:$0x198F0];
	[tilespmem:$0x19C20] =	vst v40  }
0x61: {  	v45 =	vld [tilespmem:$0x19900];
	[tilespmem:$0x19C30] =	vst v41  }
0x62: {  	v46 =	vld [tilespmem:$0x19920];
	[tilespmem:$0x19C50] =	vst v42  }
0x63: {  	v47 =	vld [tilespmem:$0x19930];
	[tilespmem:$0x19C60] =	vst v43  }
0x64: {  	[tilespmem:$0x19C40] =	vst v8;
	v8 =	vld [tilespmem:$0x19910]  }
0x65: {  	v48 =	vld [tilespmem:$0x19940];
	[tilespmem:$0x19C70] =	vst v44  }
0x66: {  	v49 =	vld [tilespmem:$0x19950];
	[tilespmem:$0x19C80] =	vst v45  }
0x67: {  	v50 =	vld [tilespmem:$0x19970];
	[tilespmem:$0x19CA0] =	vst v46  }
0x68: {  	v51 =	vld [tilespmem:$0x19980];
	[tilespmem:$0x19CB0] =	vst v47  }
0x69: {  	[tilespmem:$0x19C90] =	vst v8;
	v8 =	vld [tilespmem:$0x19960]  }
0x6a: {  	v52 =	vld [tilespmem:$0x19990];
	[tilespmem:$0x19CC0] =	vst v48  }
0x6b: {  	v53 =	vld [tilespmem:$0x199A0];
	[tilespmem:$0x19CD0] =	vst v49  }
0x6c: {  	v54 =	vld [tilespmem:$0x199C0];
	[tilespmem:$0x19CF0] =	vst v50  }
0x6d: {  	v55 =	vld [tilespmem:$0x199D0];
	[tilespmem:$0x19D00] =	vst v51  }
0x6e: {  	[tilespmem:$0x19CE0] =	vst v8;
	v8 =	vld [tilespmem:$0x199B0]  }
0x6f: {  	v56 =	vld [tilespmem:$0x199E0];
	[tilespmem:$0x19D10] =	vst v52  }
0x70: {  	v57 =	vld [tilespmem:$0x199F0];
	[tilespmem:$0x19D20] =	vst v53  }
0x71: {  	v58 =	vld [tilespmem:$0x19A10];
	[tilespmem:$0x19D40] =	vst v54  }
0x72: {  	v59 =	vld [tilespmem:$0x19A20];
	[tilespmem:$0x19D50] =	vst v55  }
0x73: {  	[tilespmem:$0x19D30] =	vst v8;
	v8 =	vld [tilespmem:$0x19A00]  }
0x74: {  	v60 =	vld [tilespmem:$0x19A30];
	[tilespmem:$0x19D60] =	vst v56  }
0x75: {  	v61 =	vld [tilespmem:$0x19A40];
	[tilespmem:$0x19D70] =	vst v57  }
0x76: {  	v62 =	vld [tilespmem:$0x19A60];
	[tilespmem:$0x19D90] =	vst v58  }
0x77: {  	v63 =	vld [tilespmem:$0x19A70];
	[tilespmem:$0x19DA0] =	vst v59  }
0x78: {  	p0 =	slt.s32 s23, $0x1;
	[tilespmem:$0x19D80] =	vst v8;
	v8 =	vld [tilespmem:$0x19A50]  }
.Ltmp5:
0x79: {  	[tilespmem:$0x19DB0] =	vst v60;
	(pc) =	sbr.rel @p0 .LBB2_26-.Ltmp5, $4  }
0x7a: {  	[tilespmem:$0x19DC0] =	vst v61  }
0x7b: {  	[tilespmem:$0x19DE0] =	vst v62  }
0x7c: {  	[tilespmem:$0x19DF0] =	vst v63  }
0x7d: {  	[tilespmem:$0x19DD0] =	vst v8  }
0x7e: {  	s24 =	simm.s32 $0x0  }
0x7f: {  	v8 =	vld [tilespmem:s24+$0x19400];
	_ =	sdelay $0x4  }
0x80: {  	v9 =	vsub.s32 v8, v0  }
0x81: {  	v8 =	vbroadcast v9, $0x0;
	_ =	sdelay $0x1  }
0x82: {  	v10 =	vshll.u32 v8, $0x3  }
0x83: {  	v8 =	vand.u32 $0x7F, v8;
	v10 =	vand.u32 $0xFFFFFC00, v10  }
0x84: {  	v8 =	vor.u32 v8, v10  }
0x85: {  	v10 =	vadd.s32 v5, v8  }
0x86: {  	v8 =	vadd.s32 v4, v8;
	_ =	sdelay $0x2  }
0x87: {  	v11 =	vbroadcast v9, $0x1  }
0x88: {  	v10 =	vld.idx.msk [tilespmem:v10+s12+$0x0], $0xffff  }
0x89: {  	v12 =	vshll.u32 v11, $0x3;
	v8 =	vld.idx.msk [tilespmem:v8+s12+$0x0], $0xffff  }
0x8a: {  	v11 =	vand.u32 $0x7F, v11;
	v12 =	vand.u32 $0xFFFFFC00, v12  }
0x8b: {  	v11 =	vor.u32 v11, v12  }
0x8c: {  	v12 =	vadd.s32 v4, v11  }
0x8d: {  	v11 =	vadd.s32 v5, v11;
	v10 =	vmul.f32 v10, v7  }
0x8e: {  	s24 =	simm.s32 $0x1A300;
	v8 =	vmul.f32 v8, v6  }
0x8f: {  	[tilespmem:s24+$0xFFFFFC10] =	vst v10  }
0x90: {  	v10 =	vbroadcast v9, $0x2;
	[tilespmem:s24+$0xFFFFFC00] =	vst v8  }
0x91: {  	v8 =	vld.idx.msk [tilespmem:v12+s12+$0x0], $0xffff  }
0x92: {  	v11 =	vld.idx.msk [tilespmem:v11+s12+$0x0], $0xffff;
	v12 =	vshll.u32 v10, $0x3  }
0x93: {  	v10 =	vand.u32 $0x7F, v10;
	v12 =	vand.u32 $0xFFFFFC00, v12  }
0x94: {  	v10 =	vor.u32 v10, v12  }
0x95: {  	v12 =	vadd.s32 v4, v10  }
0x96: {  	v10 =	vadd.s32 v5, v10;
	v8 =	vmul.f32 v8, v6  }
0x97: {  	v11 =	vmul.f32 v11, v7  }
0x98: {  	[tilespmem:s24+$0xFFFFFC80] =	vst v8  }
0x99: {  	v8 =	vbroadcast v9, $0x3;
	[tilespmem:s24+$0xFFFFFC90] =	vst v11  }
0x9a: {  	v11 =	vld.idx.msk [tilespmem:v12+s12+$0x0], $0xffff  }
0x9b: {  	v12 =	vshll.u32 v8, $0x3;
	v10 =	vld.idx.msk [tilespmem:v10+s12+$0x0], $0xffff  }
0x9c: {  	v8 =	vand.u32 $0x7F, v8;
	v12 =	vand.u32 $0xFFFFFC00, v12  }
0x9d: {  	v8 =	vor.u32 v8, v12  }
0x9e: {  	v12 =	vadd.s32 v4, v8  }
0x9f: {  	v8 =	vadd.s32 v5, v8;
	v11 =	vmul.f32 v11, v6  }
0xa0: {  	v10 =	vmul.f32 v10, v7  }
0xa1: {  	[tilespmem:s24+$0xFFFFFD00] =	vst v11  }
0xa2: {  	v11 =	vbroadcast v9, $0x4;
	[tilespmem:s24+$0xFFFFFD10] =	vst v10  }
0xa3: {  	v10 =	vld.idx.msk [tilespmem:v12+s12+$0x0], $0xffff  }
0xa4: {  	v8 =	vld.idx.msk [tilespmem:v8+s12+$0x0], $0xffff;
	v12 =	vshll.u32 v11, $0x3  }
0xa5: {  	v11 =	vand.u32 $0x7F, v11;
	v12 =	vand.u32 $0xFFFFFC00, v12  }
0xa6: {  	v11 =	vor.u32 v11, v12  }
0xa7: {  	v12 =	vadd.s32 v4, v11  }
0xa8: {  	v11 =	vadd.s32 v5, v11;
	v10 =	vmul.f32 v10, v6  }
0xa9: {  	v8 =	vmul.f32 v8, v7  }
0xaa: {  	[tilespmem:s24+$0xFFFFFD80] =	vst v10  }
0xab: {  	v10 =	vbroadcast v9, $0x5;
	[tilespmem:s24+$0xFFFFFD90] =	vst v8  }
0xac: {  	v8 =	vld.idx.msk [tilespmem:v12+s12+$0x0], $0xffff  }
0xad: {  	v12 =	vshll.u32 v10, $0x3;
	v11 =	vld.idx.msk [tilespmem:v11+s12+$0x0], $0xffff  }
0xae: {  	v10 =	vand.u32 $0x7F, v10;
	v12 =	vand.u32 $0xFFFFFC00, v12  }
0xaf: {  	v10 =	vor.u32 v10, v12  }
0xb0: {  	v12 =	vadd.s32 v4, v10  }
0xb1: {  	v10 =	vadd.s32 v5, v10;
	v8 =	vmul.f32 v8, v6  }
0xb2: {  	v11 =	vmul.f32 v11, v7  }
0xb3: {  	[tilespmem:s24+$0xFFFFFE00] =	vst v8  }
0xb4: {  	v8 =	vbroadcast v9, $0x6;
	[tilespmem:s24+$0xFFFFFE10] =	vst v11  }
0xb5: {  	v11 =	vld.idx.msk [tilespmem:v12+s12+$0x0], $0xffff  }
0xb6: {  	v10 =	vld.idx.msk [tilespmem:v10+s12+$0x0], $0xffff;
	v12 =	vshll.u32 v8, $0x3  }
0xb7: {  	v8 =	vand.u32 $0x7F, v8;
	v12 =	vand.u32 $0xFFFFFC00, v12  }
0xb8: {  	v8 =	vor.u32 v8, v12  }
0xb9: {  	v12 =	vadd.s32 v4, v8  }
0xba: {  	v8 =	vadd.s32 v5, v8;
	v11 =	vmul.f32 v11, v6  }
0xbb: {  	v10 =	vmul.f32 v10, v7  }
0xbc: {  	[tilespmem:s24+$0xFFFFFE80] =	vst v11  }
0xbd: {  	v11 =	vbroadcast v9, $0x7;
	[tilespmem:s24+$0xFFFFFE90] =	vst v10  }
0xbe: {  	v10 =	vld.idx.msk [tilespmem:v12+s12+$0x0], $0xffff  }
0xbf: {  	v12 =	vshll.u32 v11, $0x3;
	v8 =	vld.idx.msk [tilespmem:v8+s12+$0x0], $0xffff  }
0xc0: {  	v11 =	vand.u32 $0x7F, v11;
	v12 =	vand.u32 $0xFFFFFC00, v12  }
0xc1: {  	v11 =	vor.u32 v11, v12  }
0xc2: {  	v12 =	vadd.s32 v4, v11  }
0xc3: {  	v11 =	vadd.s32 v5, v11;
	v10 =	vmul.f32 v10, v6  }
0xc4: {  	v8 =	vmul.f32 v8, v7  }
0xc5: {  	v13 =	vbroadcast v9, $0xB;
	[tilespmem:s24+$0xFFFFFF00] =	vst v10  }
0xc6: {  	v14 =	vbroadcast v9, $0xA;
	v10 =	vbroadcast v9, $0x8;
	[tilespmem:s24+$0xFFFFFF10] =	vst v8  }
0xc7: {  	v16 =	vbroadcast v9, $0xD;
	v18 =	vbroadcast v9, $0xE;
	v12 =	vld.idx.msk [tilespmem:v12+s12+$0x0], $0xffff  }
0xc8: {  	v15 =	vshll.u32 v13, $0x3;
	v13 =	vand.u32 $0x7F, v13;
	v11 =	vld.idx.msk [tilespmem:v11+s12+$0x0], $0xffff;
	v17 =	vshll.u32 v10, $0x3  }
0xc9: {  	v20 =	vshll.u32 v18, $0x3;
	v10 =	vand.u32 $0x7F, v10;
	v17 =	vand.u32 $0xFFFFFC00, v17  }
0xca: {  	v15 =	vand.u32 $0xFFFFFC00, v15;
	v20 =	vand.u32 $0xFFFFFC00, v20;
	v10 =	vor.u32 v10, v17  }
0xcb: {  	v19 =	vor.u32 v13, v15;
	v13 =	vshll.u32 v16, $0x3;
	v17 =	vadd.s32 v4, v10  }
0xcc: {  	v8 =	vbroadcast v9, $0xC;
	v10 =	vadd.s32 v5, v10;
	v12 =	vmul.f32 v12, v6  }
0xcd: {  	v16 =	vand.u32 $0x7F, v16;
	v13 =	vand.u32 $0xFFFFFC00, v13;
	v11 =	vmul.f32 v11, v7  }
0xce: {  	v15 =	vshll.u32 v8, $0x3;
	v21 =	vand.u32 $0x7F, v8;
	v8 =	vor.u32 v16, v13;
	[tilespmem:s24+$0xFFFFFF80] =	vst v12  }
0xcf: {  	v16 =	vbroadcast v9, $0x9;
	v13 =	vshll.u32 v14, $0x3;
	v9 =	vbroadcast v9, $0xF;
	[tilespmem:s24+$0xFFFFFF90] =	vst v11  }
0xd0: {  	v13 =	vand.u32 $0xFFFFFC00, v13;
	v12 =	vand.u32 $0x7F, v18;
	v11 =	vand.u32 $0x7F, v14;
	v17 =	vld.idx.msk [tilespmem:v17+s12+$0x0], $0xffff  }
0xd1: {  	v14 =	vshll.u32 v16, $0x3;
	v16 =	vand.u32 $0x7F, v16;
	v13 =	vor.u32 v11, v13;
	v22 =	vld.idx.msk [tilespmem:v10+s12+$0x0], $0xffff  }
0xd2: {  	v11 =	vand.u32 $0xFFFFFC00, v15;
	v14 =	vand.u32 $0xFFFFFC00, v14;
	v10 =	vshll.u32 v9, $0x3  }
0xd3: {  	v11 =	vor.u32 v21, v11;
	v9 =	vand.u32 $0x7F, v9;
	v15 =	vand.u32 $0xFFFFFC00, v10  }
0xd4: {  	v10 =	vor.u32 v12, v20;
	v12 =	vor.u32 v16, v14;
	v16 =	vadd.s32 v4, v19  }
0xd5: {  	v9 =	vor.u32 v9, v15;
	v14 =	vadd.s32 v4, v12;
	v15 =	vadd.s32 v5, v12  }
0xd6: {  	s25 =	simm.s32 $0x40;
	s26 =	simm.s32 $0x1A300;
	v12 =	vadd.s32 v5, v19;
	v18 =	vmul.f32 v17, v6;
	v17 =	vmul.f32 v22, v7  }
.LBB2_9:
0xd7: {  	p0 =	sne.s32 s25, $0x1C0  }
0xd8: {  	[tilespmem:s24+$0x0] =	vst v18;
	s26 =	sadd.s32 $0x800, s26;
	s28 =	smov.u32 s25;
	s25 =	sadd.s32 $0x40, s25  }
0xd9: {  	[tilespmem:s24+$0x10] =	vst v17  }
0xda: {  	v14 =	vld.idx.msk [tilespmem:v14+s12+$0x0], $0xffff  }
0xdb: {  	v15 =	vld.idx.msk [tilespmem:v15+s12+$0x0], $0xffff;
	_ =	sdelay $0x3  }
0xdc: {  	v17 =	vadd.s32 v4, v13  }
0xdd: {  	v13 =	vadd.s32 v5, v13;
	v14 =	vmul.f32 v14, v6  }
0xde: {  	v15 =	vmul.f32 v15, v7  }
0xdf: {  	[tilespmem:s24+$0x80] =	vst v14  }
0xe0: {  	[tilespmem:s24+$0x90] =	vst v15  }
0xe1: {  	v14 =	vld.idx.msk [tilespmem:v17+s12+$0x0], $0xffff  }
0xe2: {  	v13 =	vld.idx.msk [tilespmem:v13+s12+$0x0], $0xffff;
	_ =	sdelay $0x2  }
0xe3: {  	s28 =	sshra.s32 s28, $0x2;
	_ =	sdelay $0x1  }
0xe4: {  	v14 =	vmul.f32 v14, v6  }
0xe5: {  	v13 =	vmul.f32 v13, v7  }
0xe6: {  	[tilespmem:s24+$0x100] =	vst v14  }
0xe7: {  	[tilespmem:s24+$0x110] =	vst v13;
	v13 =	vadd.s32 v4, v8;
	v8 =	vadd.s32 v5, v8  }
0xe8: {  	v14 =	vld.idx.msk [tilespmem:v16+s12+$0x0], $0xffff  }
0xe9: {  	v12 =	vld.idx.msk [tilespmem:v12+s12+$0x0], $0xffff;
	_ =	sdelay $0x3  }
0xea: {  	v15 =	vadd.s32 v4, v11  }
0xeb: {  	v11 =	vadd.s32 v5, v11;
	v14 =	vmul.f32 v14, v6  }
0xec: {  	v12 =	vmul.f32 v12, v7  }
0xed: {  	[tilespmem:s24+$0x180] =	vst v14  }
0xee: {  	[tilespmem:s24+$0x190] =	vst v12  }
0xef: {  	v12 =	vld.idx.msk [tilespmem:v15+s12+$0x0], $0xffff  }
0xf0: {  	v11 =	vld.idx.msk [tilespmem:v11+s12+$0x0], $0xffff;
	_ =	sdelay $0x4  }
0xf1: {  	v12 =	vmul.f32 v12, v6  }
0xf2: {  	v11 =	vmul.f32 v11, v7  }
0xf3: {  	[tilespmem:s24+$0x200] =	vst v12  }
0xf4: {  	[tilespmem:s24+$0x210] =	vst v11  }
0xf5: {  	v11 =	vld.idx.msk [tilespmem:v13+s12+$0x0], $0xffff  }
0xf6: {  	v8 =	vld.idx.msk [tilespmem:v8+s12+$0x0], $0xffff;
	_ =	sdelay $0x2  }
0xf7: {  	v12 =	vadd.s32 v5, v10;
	_ =	sdelay $0x1  }
0xf8: {  	v10 =	vadd.s32 v4, v10;
	v11 =	vmul.f32 v11, v6  }
0xf9: {  	v8 =	vmul.f32 v8, v7  }
0xfa: {  	[tilespmem:s24+$0x280] =	vst v11  }
0xfb: {  	[tilespmem:s24+$0x290] =	vst v8  }
0xfc: {  	v8 =	vld.idx.msk [tilespmem:v12+s12+$0x0], $0xffff  }
0xfd: {  	v10 =	vld.idx.msk [tilespmem:v10+s12+$0x0], $0xffff;
	_ =	sdelay $0x3  }
0xfe: {  	v11 =	vadd.s32 v4, v9  }
0xff: {  	v9 =	vadd.s32 v5, v9;
	v8 =	vmul.f32 v8, v7  }
0x100: {  	v10 =	vmul.f32 v10, v6  }
0x101: {  	[tilespmem:s24+$0x310] =	vst v8  }
0x102: {  	[tilespmem:s24+$0x300] =	vst v10  }
0x103: {  	v8 =	vld.idx.msk [tilespmem:v11+s12+$0x0], $0xffff  }
0x104: {  	v9 =	vld.idx.msk [tilespmem:v9+s12+$0x0], $0xffff;
	_ =	sdelay $0x4  }
0x105: {  	v8 =	vmul.f32 v8, v6  }
0x106: {  	v9 =	vmul.f32 v9, v7  }
0x107: {  	[tilespmem:s24+$0x380] =	vst v8  }
0x108: {  	[tilespmem:s24+$0x390] =	vst v9;
	s24 =	smov.u32 s26  }
0x109: {  	v8 =	vld [tilespmem:s28+$0x19400];
	_ =	sdelay $0x4  }
0x10a: {  	v14 =	vsub.s32 v8, v0  }
0x10b: {  	v8 =	vbroadcast v14, $0x0;
	v9 =	vbroadcast v14, $0x4  }
0x10c: {  	v10 =	vbroadcast v14, $0xA;
	v11 =	vbroadcast v14, $0xE  }
0x10d: {  	v13 =	vbroadcast v14, $0x1;
	v15 =	vbroadcast v14, $0xB;
	v12 =	vshll.u32 v8, $0x3  }
0x10e: {  	v16 =	vbroadcast v14, $0xC;
	v8 =	vand.u32 $0x7F, v8;
	v12 =	vand.u32 $0xFFFFFC00, v12  }
0x10f: {  	v17 =	vbroadcast v14, $0xD;
	v8 =	vor.u32 v8, v12;
	v12 =	vshll.u32 v15, $0x3  }
0x110: {  	v15 =	vand.u32 $0x7F, v15;
	v18 =	vadd.s32 v5, v8;
	v12 =	vand.u32 $0xFFFFFC00, v12  }
0x111: {  	v19 =	vadd.s32 v4, v8;
	v12 =	vor.u32 v15, v12;
	v15 =	vshll.u32 v16, $0x3  }
0x112: {  	v20 =	vshll.u32 v11, $0x3;
	v8 =	vshll.u32 v17, $0x3;
	v16 =	vand.u32 $0x7F, v16  }
0x113: {  	v20 =	vand.u32 $0xFFFFFC00, v20;
	v17 =	vand.u32 $0x7F, v17;
	v8 =	vand.u32 $0xFFFFFC00, v8  }
0x114: {  	v21 =	vshll.u32 v9, $0x3;
	v8 =	vor.u32 v17, v8;
	v17 =	vand.u32 $0x7F, v11  }
0x115: {  	v9 =	vand.u32 $0x7F, v9;
	v21 =	vand.u32 $0xFFFFFC00, v21;
	v11 =	vld.idx.msk [tilespmem:v18+s12+$0x0], $0xffff;
	v18 =	vshll.u32 v13, $0x3  }
0x116: {  	v9 =	vor.u32 v9, v21;
	v13 =	vand.u32 $0x7F, v13;
	v19 =	vld.idx.msk [tilespmem:v19+s12+$0x0], $0xffff;
	v18 =	vand.u32 $0xFFFFFC00, v18  }
0x117: {  	v21 =	vadd.s32 v4, v9;
	v13 =	vor.u32 v13, v18;
	v18 =	vbroadcast v14, $0x2  }
0x118: {  	v22 =	vbroadcast v14, $0x3;
	v24 =	vbroadcast v14, $0x9;
	v23 =	vadd.s32 v5, v9  }
0x119: {  	v9 =	vadd.s32 v4, v13;
	v25 =	vand.u32 $0x7F, v18;
	v18 =	vshll.u32 v18, $0x3  }
0x11a: {  	v26 =	vand.u32 $0x7F, v22;
	v13 =	vadd.s32 v5, v13;
	v18 =	vand.u32 $0xFFFFFC00, v18  }
0x11b: {  	v22 =	vshll.u32 v22, $0x3;
	v11 =	vmul.f32 v11, v7;
	v18 =	vor.u32 v25, v18  }
0x11c: {  	v22 =	vand.u32 $0xFFFFFC00, v22;
	v19 =	vmul.f32 v19, v6;
	v25 =	vbroadcast v14, $0x5  }
0x11d: {  	v22 =	vor.u32 v26, v22;
	v26 =	vshll.u32 v24, $0x3;
	[tilespmem:s26+$0xFFFFFC10] =	vst v11;
	v11 =	vbroadcast v14, $0x6  }
0x11e: {  	v27 =	vbroadcast v14, $0x7;
	v28 =	vshll.u32 v10, $0x3;
	[tilespmem:s26+$0xFFFFFC00] =	vst v19;
	v19 =	vshll.u32 v25, $0x3  }
0x11f: {  	v25 =	vand.u32 $0x7F, v25;
	v9 =	vld.idx.msk [tilespmem:v9+s12+$0x0], $0xffff;
	v19 =	vand.u32 $0xFFFFFC00, v19;
	v29 =	vshll.u32 v11, $0x3  }
0x120: {  	v11 =	vand.u32 $0x7F, v11;
	v30 =	vld.idx.msk [tilespmem:v13+s12+$0x0], $0xffff;
	v13 =	vor.u32 v25, v19;
	v19 =	vand.u32 $0xFFFFFC00, v29  }
0x121: {  	v25 =	vadd.s32 v5, v13;
	v19 =	vor.u32 v11, v19;
	v11 =	vshll.u32 v27, $0x3  }
0x122: {  	v29 =	vadd.s32 v4, v13;
	v13 =	vand.u32 $0x7F, v27;
	v11 =	vand.u32 $0xFFFFFC00, v11  }
0x123: {  	v10 =	vand.u32 $0x7F, v10;
	v27 =	vor.u32 v13, v11;
	v11 =	vand.u32 $0xFFFFFC00, v28  }
0x124: {  	v28 =	vadd.s32 v4, v18;
	v13 =	vor.u32 v10, v11;
	v10 =	vand.u32 $0xFFFFFC00, v15  }
0x125: {  	v9 =	vmul.f32 v9, v6;
	v15 =	vadd.s32 v5, v18;
	v11 =	vor.u32 v16, v10  }
0x126: {  	v16 =	vmul.f32 v30, v7;
	v10 =	vor.u32 v17, v20;
	v17 =	vbroadcast v14, $0xF  }
0x127: {  	[tilespmem:s26+$0xFFFFFC80] =	vst v9  }
0x128: {  	v9 =	vshll.u32 v17, $0x3;
	[tilespmem:s26+$0xFFFFFC90] =	vst v16  }
0x129: {  	v17 =	vand.u32 $0x7F, v17;
	v9 =	vand.u32 $0xFFFFFC00, v9;
	v16 =	vld.idx.msk [tilespmem:v28+s12+$0x0], $0xffff  }
0x12a: {  	v9 =	vor.u32 v17, v9;
	v15 =	vld.idx.msk [tilespmem:v15+s12+$0x0], $0xffff;
	_ =	sdelay $0x3  }
0x12b: {  	v17 =	vadd.s32 v4, v22  }
0x12c: {  	v18 =	vadd.s32 v5, v22;
	v16 =	vmul.f32 v16, v6  }
0x12d: {  	v15 =	vmul.f32 v15, v7  }
0x12e: {  	[tilespmem:s26+$0xFFFFFD00] =	vst v16  }
0x12f: {  	[tilespmem:s26+$0xFFFFFD10] =	vst v15  }
0x130: {  	v15 =	vld.idx.msk [tilespmem:v17+s12+$0x0], $0xffff  }
0x131: {  	v16 =	vld.idx.msk [tilespmem:v18+s12+$0x0], $0xffff;
	_ =	sdelay $0x4  }
0x132: {  	v15 =	vmul.f32 v15, v6  }
0x133: {  	v14 =	vbroadcast v14, $0x8;
	v16 =	vmul.f32 v16, v7  }
0x134: {  	[tilespmem:s26+$0xFFFFFD80] =	vst v15  }
0x135: {  	v15 =	vshll.u32 v14, $0x3;
	[tilespmem:s26+$0xFFFFFD90] =	vst v16  }
0x136: {  	v14 =	vand.u32 $0x7F, v14;
	v15 =	vand.u32 $0xFFFFFC00, v15;
	v16 =	vld.idx.msk [tilespmem:v21+s12+$0x0], $0xffff  }
0x137: {  	v14 =	vor.u32 v14, v15;
	v17 =	vld.idx.msk [tilespmem:v23+s12+$0x0], $0xffff  }
0x138: {  	v18 =	vadd.s32 v5, v14  }
0x139: {  	v20 =	vadd.s32 v4, v14;
	_ =	sdelay $0x2  }
0x13a: {  	v14 =	vmul.f32 v16, v6  }
0x13b: {  	v15 =	vmul.f32 v17, v7  }
0x13c: {  	[tilespmem:s26+$0xFFFFFE00] =	vst v14  }
0x13d: {  	[tilespmem:s26+$0xFFFFFE10] =	vst v15  }
0x13e: {  	v14 =	vand.u32 $0x7F, v24;
	v15 =	vand.u32 $0xFFFFFC00, v26;
	v16 =	vld.idx.msk [tilespmem:v29+s12+$0x0], $0xffff  }
0x13f: {  	v15 =	vor.u32 v14, v15;
	v17 =	vld.idx.msk [tilespmem:v25+s12+$0x0], $0xffff  }
0x140: {  	v14 =	vadd.s32 v4, v15  }
0x141: {  	v15 =	vadd.s32 v5, v15;
	_ =	sdelay $0x1  }
0x142: {  	v21 =	vadd.s32 v4, v19  }
0x143: {  	v19 =	vadd.s32 v5, v19;
	v16 =	vmul.f32 v16, v6  }
0x144: {  	v17 =	vmul.f32 v17, v7  }
0x145: {  	[tilespmem:s26+$0xFFFFFE80] =	vst v16  }
0x146: {  	[tilespmem:s26+$0xFFFFFE90] =	vst v17  }
0x147: {  	v16 =	vld.idx.msk [tilespmem:v21+s12+$0x0], $0xffff  }
0x148: {  	v17 =	vld.idx.msk [tilespmem:v19+s12+$0x0], $0xffff;
	_ =	sdelay $0x3  }
0x149: {  	v19 =	vadd.s32 v4, v27  }
0x14a: {  	v21 =	vadd.s32 v5, v27;
	v16 =	vmul.f32 v16, v6  }
0x14b: {  	v17 =	vmul.f32 v17, v7  }
0x14c: {  	[tilespmem:s26+$0xFFFFFF00] =	vst v16  }
0x14d: {  	[tilespmem:s26+$0xFFFFFF10] =	vst v17  }
0x14e: {  	v16 =	vld.idx.msk [tilespmem:v19+s12+$0x0], $0xffff  }
0x14f: {  	v17 =	vld.idx.msk [tilespmem:v21+s12+$0x0], $0xffff;
	_ =	sdelay $0x4  }
0x150: {  	v16 =	vmul.f32 v16, v6  }
0x151: {  	v17 =	vmul.f32 v17, v7  }
0x152: {  	[tilespmem:s26+$0xFFFFFF80] =	vst v16  }
0x153: {  	[tilespmem:s26+$0xFFFFFF90] =	vst v17  }
0x154: {  	v17 =	vld.idx.msk [tilespmem:v20+s12+$0x0], $0xffff  }
0x155: {  	v19 =	vld.idx.msk [tilespmem:v18+s12+$0x0], $0xffff;
	_ =	sdelay $0x1  }
.Ltmp6:
0x156: {  	(pc) =	sbr.rel @p0 .LBB2_9-.Ltmp6, $3  }
0x157: {  	v16 =	vadd.s32 v4, v12;
	v12 =	vadd.s32 v5, v12;
	_ =	sdelay $0x1  }
0x158: {  	v18 =	vmul.f32 v17, v6  }
0x159: {  	v17 =	vmul.f32 v19, v7  }
0x15a: {  	_ =	sdelay $0x1  }
0x15b: {  	[tilespmem:s24+$0x0] =	vst v18  }
0x15c: {  	[tilespmem:s24+$0x10] =	vst v17  }
0x15d: {  	v14 =	vld.idx.msk [tilespmem:v14+s12+$0x0], $0xffff  }
0x15e: {  	v15 =	vld.idx.msk [tilespmem:v15+s12+$0x0], $0xffff;
	_ =	sdelay $0x2  }
0x15f: {  	v55 =	vadd.s32 v4, v13  }
0x160: {  	v56 =	vadd.s32 v5, v13;
	v14 =	vmul.f32 v14, v6  }
0x161: {  	v15 =	vmul.f32 v15, v7  }
0x162: {  	[tilespmem:s24+$0x80] =	vst v14  }
0x163: {  	[tilespmem:s24+$0x90] =	vst v15  }
0x164: {  	v14 =	vld.idx.msk [tilespmem:v55+s12+$0x0], $0xffff  }
0x165: {  	v13 =	vld.idx.msk [tilespmem:v56+s12+$0x0], $0xffff;
	_ =	sdelay $0x3  }
0x166: {  	v14 =	vmul.f32 v14, v6  }
0x167: {  	v13 =	vmul.f32 v13, v7  }
0x168: {  	[tilespmem:s24+$0x100] =	vst v14  }
0x169: {  	[tilespmem:s24+$0x110] =	vst v13  }
0x16a: {  	v13 =	vld.idx.msk [tilespmem:v16+s12+$0x0], $0xffff  }
0x16b: {  	v12 =	vld.idx.msk [tilespmem:v12+s12+$0x0], $0xffff;
	_ =	sdelay $0x2  }
0x16c: {  	v57 =	vadd.s32 v4, v11  }
0x16d: {  	v58 =	vadd.s32 v5, v11;
	v13 =	vmul.f32 v13, v6  }
0x16e: {  	v12 =	vmul.f32 v12, v7  }
0x16f: {  	[tilespmem:s24+$0x180] =	vst v13  }
0x170: {  	[tilespmem:s24+$0x190] =	vst v12  }
0x171: {  	v12 =	vld.idx.msk [tilespmem:v57+s12+$0x0], $0xffff  }
0x172: {  	v11 =	vld.idx.msk [tilespmem:v58+s12+$0x0], $0xffff;
	_ =	sdelay $0x2  }
0x173: {  	v59 =	vadd.s32 v4, v8  }
0x174: {  	v8 =	vadd.s32 v5, v8;
	v12 =	vmul.f32 v12, v6  }
0x175: {  	v11 =	vmul.f32 v11, v7  }
0x176: {  	[tilespmem:s24+$0x200] =	vst v12  }
0x177: {  	[tilespmem:s24+$0x210] =	vst v11  }
0x178: {  	v11 =	vld.idx.msk [tilespmem:v59+s12+$0x0], $0xffff  }
0x179: {  	v8 =	vld.idx.msk [tilespmem:v8+s12+$0x0], $0xffff;
	_ =	sdelay $0x2  }
0x17a: {  	v60 =	vadd.s32 v5, v10  }
0x17b: {  	v61 =	vadd.s32 v4, v10;
	v11 =	vmul.f32 v11, v6  }
0x17c: {  	v8 =	vmul.f32 v8, v7  }
0x17d: {  	[tilespmem:s24+$0x280] =	vst v11  }
0x17e: {  	[tilespmem:s24+$0x290] =	vst v8  }
0x17f: {  	v8 =	vld.idx.msk [tilespmem:v60+s12+$0x0], $0xffff  }
0x180: {  	v10 =	vld.idx.msk [tilespmem:v61+s12+$0x0], $0xffff;
	_ =	sdelay $0x2  }
0x181: {  	v62 =	vadd.s32 v4, v9  }
0x182: {  	v63 =	vadd.s32 v5, v9;
	v8 =	vmul.f32 v8, v7  }
0x183: {  	v10 =	vmul.f32 v10, v6  }
0x184: {  	[tilespmem:s24+$0x310] =	vst v8  }
0x185: {  	[tilespmem:s24+$0x300] =	vst v10  }
0x186: {  	v8 =	vld.idx.msk [tilespmem:v62+s12+$0x0], $0xffff  }
0x187: {  	v9 =	vld.idx.msk [tilespmem:v63+s12+$0x0], $0xffff;
	_ =	sdelay $0x3  }
0x188: {  	v8 =	vmul.f32 v8, v6  }
0x189: {  	v9 =	vmul.f32 v9, v7  }
0x18a: {  	p0 =	slt.u32 s23, $0x81;
	[tilespmem:s24+$0x380] =	vst v8  }
.Ltmp7:
0x18b: {  	[tilespmem:s24+$0x390] =	vst v9;
	(pc) =	sbr.rel @p0 .LBB2_26-.Ltmp7, $4  }
0x18c: {  	[hbm4b:s5+s14] =	stream.indirect.scatter [tilespmem:s16], [sflag:$0x1], $0x80, s15, s14, $0xb8;
	[tilespmem:$0x1DF80] =	vst v63  }
0x18d: {  	_ =	swait.ge [sflag:s13], $0x4000  }
0x18e: {  	[sflag:s13] =	ssyncset.done $0x0  }
0x18f: {  	[sflag:s13] =	ssyncadd.s32 $0xFFFFC000  }
0x190: {  	s24 =	simm.s32 $0x0  }
0x191: {  	v8 =	vld [tilespmem:s24+$0x19480];
	_ =	sdelay $0x4  }
0x192: {  	v9 =	vsub.s32 v8, v0  }
0x193: {  	v8 =	vbroadcast v9, $0x0;
	_ =	sdelay $0x1  }
0x194: {  	v10 =	vshll.u32 v8, $0x3  }
0x195: {  	v8 =	vand.u32 $0x7F, v8;
	v10 =	vand.u32 $0xFFFFFC00, v10  }
0x196: {  	v8 =	vor.u32 v8, v10  }
0x197: {  	v10 =	vadd.s32 v5, v8  }
0x198: {  	v8 =	vadd.s32 v4, v8;
	_ =	sdelay $0x2  }
0x199: {  	v11 =	vbroadcast v9, $0x1  }
0x19a: {  	v10 =	vld.idx.msk [tilespmem:v10+s12+$0x0], $0xffff  }
0x19b: {  	v12 =	vshll.u32 v11, $0x3;
	v8 =	vld.idx.msk [tilespmem:v8+s12+$0x0], $0xffff  }
0x19c: {  	v11 =	vand.u32 $0x7F, v11;
	v12 =	vand.u32 $0xFFFFFC00, v12  }
0x19d: {  	v11 =	vor.u32 v11, v12  }
0x19e: {  	v12 =	vadd.s32 v4, v11  }
0x19f: {  	v11 =	vadd.s32 v5, v11;
	v10 =	vmul.f32 v10, v7  }
0x1a0: {  	s24 =	simm.s32 $0x1A300;
	v8 =	vmul.f32 v8, v6  }
0x1a1: {  	[tilespmem:s24+$0xFFFFFC10] =	vst v10  }
0x1a2: {  	v10 =	vbroadcast v9, $0x2;
	[tilespmem:s24+$0xFFFFFC00] =	vst v8  }
0x1a3: {  	v8 =	vld.idx.msk [tilespmem:v12+s12+$0x0], $0xffff  }
0x1a4: {  	v11 =	vld.idx.msk [tilespmem:v11+s12+$0x0], $0xffff;
	v12 =	vshll.u32 v10, $0x3  }
0x1a5: {  	v10 =	vand.u32 $0x7F, v10;
	v12 =	vand.u32 $0xFFFFFC00, v12  }
0x1a6: {  	v10 =	vor.u32 v10, v12  }
0x1a7: {  	v12 =	vadd.s32 v4, v10  }
0x1a8: {  	v10 =	vadd.s32 v5, v10;
	v8 =	vmul.f32 v8, v6  }
0x1a9: {  	v11 =	vmul.f32 v11, v7  }
0x1aa: {  	[tilespmem:s24+$0xFFFFFC80] =	vst v8  }
0x1ab: {  	v8 =	vbroadcast v9, $0x3;
	[tilespmem:s24+$0xFFFFFC90] =	vst v11  }
0x1ac: {  	v11 =	vld.idx.msk [tilespmem:v12+s12+$0x0], $0xffff  }
0x1ad: {  	v12 =	vshll.u32 v8, $0x3;
	v10 =	vld.idx.msk [tilespmem:v10+s12+$0x0], $0xffff  }
0x1ae: {  	v8 =	vand.u32 $0x7F, v8;
	v12 =	vand.u32 $0xFFFFFC00, v12  }
0x1af: {  	v8 =	vor.u32 v8, v12  }
0x1b0: {  	v12 =	vadd.s32 v4, v8  }
0x1b1: {  	v8 =	vadd.s32 v5, v8;
	v11 =	vmul.f32 v11, v6  }
0x1b2: {  	v10 =	vmul.f32 v10, v7  }
0x1b3: {  	[tilespmem:s24+$0xFFFFFD00] =	vst v11  }
0x1b4: {  	v11 =	vbroadcast v9, $0x4;
	[tilespmem:s24+$0xFFFFFD10] =	vst v10  }
0x1b5: {  	v10 =	vld.idx.msk [tilespmem:v12+s12+$0x0], $0xffff  }
0x1b6: {  	v8 =	vld.idx.msk [tilespmem:v8+s12+$0x0], $0xffff;
	v12 =	vshll.u32 v11, $0x3  }
0x1b7: {  	v11 =	vand.u32 $0x7F, v11;
	v12 =	vand.u32 $0xFFFFFC00, v12  }
0x1b8: {  	v11 =	vor.u32 v11, v12  }
0x1b9: {  	v12 =	vadd.s32 v4, v11  }
0x1ba: {  	v11 =	vadd.s32 v5, v11;
	v10 =	vmul.f32 v10, v6  }
0x1bb: {  	v8 =	vmul.f32 v8, v7  }
0x1bc: {  	[tilespmem:s24+$0xFFFFFD80] =	vst v10  }
0x1bd: {  	v10 =	vbroadcast v9, $0x5;
	[tilespmem:s24+$0xFFFFFD90] =	vst v8  }
0x1be: {  	v8 =	vld.idx.msk [tilespmem:v12+s12+$0x0], $0xffff  }
0x1bf: {  	v12 =	vshll.u32 v10, $0x3;
	v11 =	vld.idx.msk [tilespmem:v11+s12+$0x0], $0xffff  }
0x1c0: {  	v10 =	vand.u32 $0x7F, v10;
	v12 =	vand.u32 $0xFFFFFC00, v12  }
0x1c1: {  	v10 =	vor.u32 v10, v12  }
0x1c2: {  	v12 =	vadd.s32 v4, v10  }
0x1c3: {  	v10 =	vadd.s32 v5, v10;
	v8 =	vmul.f32 v8, v6  }
0x1c4: {  	v11 =	vmul.f32 v11, v7  }
0x1c5: {  	[tilespmem:s24+$0xFFFFFE00] =	vst v8  }
0x1c6: {  	v8 =	vbroadcast v9, $0x6;
	[tilespmem:s24+$0xFFFFFE10] =	vst v11  }
0x1c7: {  	v11 =	vld.idx.msk [tilespmem:v12+s12+$0x0], $0xffff  }
0x1c8: {  	v10 =	vld.idx.msk [tilespmem:v10+s12+$0x0], $0xffff;
	v12 =	vshll.u32 v8, $0x3  }
0x1c9: {  	v8 =	vand.u32 $0x7F, v8;
	v12 =	vand.u32 $0xFFFFFC00, v12  }
0x1ca: {  	v8 =	vor.u32 v8, v12  }
0x1cb: {  	v12 =	vadd.s32 v4, v8  }
0x1cc: {  	v8 =	vadd.s32 v5, v8;
	v11 =	vmul.f32 v11, v6  }
0x1cd: {  	v10 =	vmul.f32 v10, v7  }
0x1ce: {  	[tilespmem:s24+$0xFFFFFE80] =	vst v11  }
0x1cf: {  	v11 =	vbroadcast v9, $0x7;
	[tilespmem:s24+$0xFFFFFE90] =	vst v10  }
0x1d0: {  	v10 =	vld.idx.msk [tilespmem:v12+s12+$0x0], $0xffff  }
0x1d1: {  	v12 =	vshll.u32 v11, $0x3;
	v8 =	vld.idx.msk [tilespmem:v8+s12+$0x0], $0xffff  }
0x1d2: {  	v11 =	vand.u32 $0x7F, v11;
	v12 =	vand.u32 $0xFFFFFC00, v12  }
0x1d3: {  	v11 =	vor.u32 v11, v12  }
0x1d4: {  	v12 =	vadd.s32 v4, v11  }
0x1d5: {  	v11 =	vadd.s32 v5, v11;
	v10 =	vmul.f32 v10, v6  }
0x1d6: {  	v8 =	vmul.f32 v8, v7  }
0x1d7: {  	v13 =	vbroadcast v9, $0xB;
	[tilespmem:s24+$0xFFFFFF00] =	vst v10  }
0x1d8: {  	v14 =	vbroadcast v9, $0xA;
	v10 =	vbroadcast v9, $0x8;
	[tilespmem:s24+$0xFFFFFF10] =	vst v8  }
0x1d9: {  	v16 =	vbroadcast v9, $0xD;
	v18 =	vbroadcast v9, $0xE;
	v12 =	vld.idx.msk [tilespmem:v12+s12+$0x0], $0xffff  }
0x1da: {  	v15 =	vshll.u32 v13, $0x3;
	v13 =	vand.u32 $0x7F, v13;
	v11 =	vld.idx.msk [tilespmem:v11+s12+$0x0], $0xffff;
	v17 =	vshll.u32 v10, $0x3  }
0x1db: {  	v20 =	vshll.u32 v18, $0x3;
	v10 =	vand.u32 $0x7F, v10;
	v17 =	vand.u32 $0xFFFFFC00, v17  }
0x1dc: {  	v15 =	vand.u32 $0xFFFFFC00, v15;
	v20 =	vand.u32 $0xFFFFFC00, v20;
	v10 =	vor.u32 v10, v17  }
0x1dd: {  	v19 =	vor.u32 v13, v15;
	v13 =	vshll.u32 v16, $0x3;
	v17 =	vadd.s32 v4, v10  }
0x1de: {  	v8 =	vbroadcast v9, $0xC;
	v10 =	vadd.s32 v5, v10;
	v12 =	vmul.f32 v12, v6  }
0x1df: {  	v16 =	vand.u32 $0x7F, v16;
	v13 =	vand.u32 $0xFFFFFC00, v13;
	v11 =	vmul.f32 v11, v7  }
0x1e0: {  	v15 =	vshll.u32 v8, $0x3;
	v21 =	vand.u32 $0x7F, v8;
	v8 =	vor.u32 v16, v13;
	[tilespmem:s24+$0xFFFFFF80] =	vst v12  }
0x1e1: {  	v16 =	vbroadcast v9, $0x9;
	v13 =	vshll.u32 v14, $0x3;
	v9 =	vbroadcast v9, $0xF;
	[tilespmem:s24+$0xFFFFFF90] =	vst v11  }
0x1e2: {  	v13 =	vand.u32 $0xFFFFFC00, v13;
	v12 =	vand.u32 $0x7F, v18;
	v11 =	vand.u32 $0x7F, v14;
	v17 =	vld.idx.msk [tilespmem:v17+s12+$0x0], $0xffff  }
0x1e3: {  	v14 =	vshll.u32 v16, $0x3;
	v16 =	vand.u32 $0x7F, v16;
	v13 =	vor.u32 v11, v13;
	v22 =	vld.idx.msk [tilespmem:v10+s12+$0x0], $0xffff  }
0x1e4: {  	v11 =	vand.u32 $0xFFFFFC00, v15;
	v14 =	vand.u32 $0xFFFFFC00, v14;
	v10 =	vshll.u32 v9, $0x3  }
0x1e5: {  	v11 =	vor.u32 v21, v11;
	v9 =	vand.u32 $0x7F, v9;
	v15 =	vand.u32 $0xFFFFFC00, v10  }
0x1e6: {  	v10 =	vor.u32 v12, v20;
	v12 =	vor.u32 v16, v14;
	v16 =	vadd.s32 v4, v19  }
0x1e7: {  	v9 =	vor.u32 v9, v15;
	v14 =	vadd.s32 v4, v12;
	v15 =	vadd.s32 v5, v12  }
0x1e8: {  	s25 =	simm.s32 $0x40;
	s26 =	simm.s32 $0x1A300;
	v12 =	vadd.s32 v5, v19;
	v18 =	vmul.f32 v17, v6;
	v17 =	vmul.f32 v22, v7  }
.LBB2_12:
0x1e9: {  	p0 =	sne.s32 s25, $0x1C0  }
0x1ea: {  	[tilespmem:s24+$0x0] =	vst v18;
	s26 =	sadd.s32 $0x800, s26;
	s28 =	smov.u32 s25;
	s25 =	sadd.s32 $0x40, s25  }
0x1eb: {  	[tilespmem:s24+$0x10] =	vst v17  }
0x1ec: {  	v14 =	vld.idx.msk [tilespmem:v14+s12+$0x0], $0xffff  }
0x1ed: {  	v15 =	vld.idx.msk [tilespmem:v15+s12+$0x0], $0xffff;
	_ =	sdelay $0x3  }
0x1ee: {  	v17 =	vadd.s32 v4, v13  }
0x1ef: {  	v13 =	vadd.s32 v5, v13;
	v14 =	vmul.f32 v14, v6  }
0x1f0: {  	v15 =	vmul.f32 v15, v7  }
0x1f1: {  	[tilespmem:s24+$0x80] =	vst v14  }
0x1f2: {  	[tilespmem:s24+$0x90] =	vst v15  }
0x1f3: {  	v14 =	vld.idx.msk [tilespmem:v17+s12+$0x0], $0xffff  }
0x1f4: {  	v13 =	vld.idx.msk [tilespmem:v13+s12+$0x0], $0xffff;
	_ =	sdelay $0x2  }
0x1f5: {  	s28 =	sshra.s32 s28, $0x2;
	_ =	sdelay $0x1  }
0x1f6: {  	v14 =	vmul.f32 v14, v6  }
0x1f7: {  	v13 =	vmul.f32 v13, v7  }
0x1f8: {  	[tilespmem:s24+$0x100] =	vst v14  }
0x1f9: {  	[tilespmem:s24+$0x110] =	vst v13;
	v13 =	vadd.s32 v4, v8;
	v8 =	vadd.s32 v5, v8  }
0x1fa: {  	v14 =	vld.idx.msk [tilespmem:v16+s12+$0x0], $0xffff  }
0x1fb: {  	v12 =	vld.idx.msk [tilespmem:v12+s12+$0x0], $0xffff;
	_ =	sdelay $0x3  }
0x1fc: {  	v15 =	vadd.s32 v4, v11  }
0x1fd: {  	v11 =	vadd.s32 v5, v11;
	v14 =	vmul.f32 v14, v6  }
0x1fe: {  	v12 =	vmul.f32 v12, v7  }
0x1ff: {  	[tilespmem:s24+$0x180] =	vst v14  }
0x200: {  	[tilespmem:s24+$0x190] =	vst v12  }
0x201: {  	v12 =	vld.idx.msk [tilespmem:v15+s12+$0x0], $0xffff  }
0x202: {  	v11 =	vld.idx.msk [tilespmem:v11+s12+$0x0], $0xffff;
	_ =	sdelay $0x4  }
0x203: {  	v12 =	vmul.f32 v12, v6  }
0x204: {  	v11 =	vmul.f32 v11, v7  }
0x205: {  	[tilespmem:s24+$0x200] =	vst v12  }
0x206: {  	[tilespmem:s24+$0x210] =	vst v11  }
0x207: {  	v11 =	vld.idx.msk [tilespmem:v13+s12+$0x0], $0xffff  }
0x208: {  	v8 =	vld.idx.msk [tilespmem:v8+s12+$0x0], $0xffff;
	_ =	sdelay $0x2  }
0x209: {  	v12 =	vadd.s32 v5, v10;
	_ =	sdelay $0x1  }
0x20a: {  	v10 =	vadd.s32 v4, v10;
	v11 =	vmul.f32 v11, v6  }
0x20b: {  	v8 =	vmul.f32 v8, v7  }
0x20c: {  	[tilespmem:s24+$0x280] =	vst v11  }
0x20d: {  	[tilespmem:s24+$0x290] =	vst v8  }
0x20e: {  	v8 =	vld.idx.msk [tilespmem:v12+s12+$0x0], $0xffff  }
0x20f: {  	v10 =	vld.idx.msk [tilespmem:v10+s12+$0x0], $0xffff;
	_ =	sdelay $0x3  }
0x210: {  	v11 =	vadd.s32 v4, v9  }
0x211: {  	v9 =	vadd.s32 v5, v9;
	v8 =	vmul.f32 v8, v7  }
0x212: {  	v10 =	vmul.f32 v10, v6  }
0x213: {  	[tilespmem:s24+$0x310] =	vst v8  }
0x214: {  	[tilespmem:s24+$0x300] =	vst v10  }
0x215: {  	v8 =	vld.idx.msk [tilespmem:v11+s12+$0x0], $0xffff  }
0x216: {  	v9 =	vld.idx.msk [tilespmem:v9+s12+$0x0], $0xffff;
	_ =	sdelay $0x4  }
0x217: {  	v8 =	vmul.f32 v8, v6  }
0x218: {  	v9 =	vmul.f32 v9, v7  }
0x219: {  	[tilespmem:s24+$0x380] =	vst v8  }
0x21a: {  	[tilespmem:s24+$0x390] =	vst v9;
	s24 =	smov.u32 s26  }
0x21b: {  	v8 =	vld [tilespmem:s28+$0x19480];
	_ =	sdelay $0x4  }
0x21c: {  	v14 =	vsub.s32 v8, v0  }
0x21d: {  	v8 =	vbroadcast v14, $0x0;
	v9 =	vbroadcast v14, $0x4  }
0x21e: {  	v10 =	vbroadcast v14, $0xA;
	v11 =	vbroadcast v14, $0xE  }
0x21f: {  	v13 =	vbroadcast v14, $0x1;
	v15 =	vbroadcast v14, $0xB;
	v12 =	vshll.u32 v8, $0x3  }
0x220: {  	v16 =	vbroadcast v14, $0xC;
	v8 =	vand.u32 $0x7F, v8;
	v12 =	vand.u32 $0xFFFFFC00, v12  }
0x221: {  	v17 =	vbroadcast v14, $0xD;
	v8 =	vor.u32 v8, v12;
	v12 =	vshll.u32 v15, $0x3  }
0x222: {  	v15 =	vand.u32 $0x7F, v15;
	v18 =	vadd.s32 v5, v8;
	v12 =	vand.u32 $0xFFFFFC00, v12  }
0x223: {  	v19 =	vadd.s32 v4, v8;
	v12 =	vor.u32 v15, v12;
	v15 =	vshll.u32 v16, $0x3  }
0x224: {  	v20 =	vshll.u32 v11, $0x3;
	v8 =	vshll.u32 v17, $0x3;
	v16 =	vand.u32 $0x7F, v16  }
0x225: {  	v20 =	vand.u32 $0xFFFFFC00, v20;
	v17 =	vand.u32 $0x7F, v17;
	v8 =	vand.u32 $0xFFFFFC00, v8  }
0x226: {  	v21 =	vshll.u32 v9, $0x3;
	v8 =	vor.u32 v17, v8;
	v17 =	vand.u32 $0x7F, v11  }
0x227: {  	v9 =	vand.u32 $0x7F, v9;
	v21 =	vand.u32 $0xFFFFFC00, v21;
	v11 =	vld.idx.msk [tilespmem:v18+s12+$0x0], $0xffff;
	v18 =	vshll.u32 v13, $0x3  }
0x228: {  	v9 =	vor.u32 v9, v21;
	v13 =	vand.u32 $0x7F, v13;
	v19 =	vld.idx.msk [tilespmem:v19+s12+$0x0], $0xffff;
	v18 =	vand.u32 $0xFFFFFC00, v18  }
0x229: {  	v21 =	vadd.s32 v4, v9;
	v13 =	vor.u32 v13, v18;
	v18 =	vbroadcast v14, $0x2  }
0x22a: {  	v22 =	vbroadcast v14, $0x3;
	v24 =	vbroadcast v14, $0x9;
	v23 =	vadd.s32 v5, v9  }
0x22b: {  	v9 =	vadd.s32 v4, v13;
	v25 =	vand.u32 $0x7F, v18;
	v18 =	vshll.u32 v18, $0x3  }
0x22c: {  	v26 =	vand.u32 $0x7F, v22;
	v13 =	vadd.s32 v5, v13;
	v18 =	vand.u32 $0xFFFFFC00, v18  }
0x22d: {  	v22 =	vshll.u32 v22, $0x3;
	v11 =	vmul.f32 v11, v7;
	v18 =	vor.u32 v25, v18  }
0x22e: {  	v22 =	vand.u32 $0xFFFFFC00, v22;
	v19 =	vmul.f32 v19, v6;
	v25 =	vbroadcast v14, $0x5  }
0x22f: {  	v22 =	vor.u32 v26, v22;
	v26 =	vshll.u32 v24, $0x3;
	[tilespmem:s26+$0xFFFFFC10] =	vst v11;
	v11 =	vbroadcast v14, $0x6  }
0x230: {  	v27 =	vbroadcast v14, $0x7;
	v28 =	vshll.u32 v10, $0x3;
	[tilespmem:s26+$0xFFFFFC00] =	vst v19;
	v19 =	vshll.u32 v25, $0x3  }
0x231: {  	v25 =	vand.u32 $0x7F, v25;
	v9 =	vld.idx.msk [tilespmem:v9+s12+$0x0], $0xffff;
	v19 =	vand.u32 $0xFFFFFC00, v19;
	v29 =	vshll.u32 v11, $0x3  }
0x232: {  	v11 =	vand.u32 $0x7F, v11;
	v30 =	vld.idx.msk [tilespmem:v13+s12+$0x0], $0xffff;
	v13 =	vor.u32 v25, v19;
	v19 =	vand.u32 $0xFFFFFC00, v29  }
0x233: {  	v25 =	vadd.s32 v5, v13;
	v19 =	vor.u32 v11, v19;
	v11 =	vshll.u32 v27, $0x3  }
0x234: {  	v29 =	vadd.s32 v4, v13;
	v13 =	vand.u32 $0x7F, v27;
	v11 =	vand.u32 $0xFFFFFC00, v11  }
0x235: {  	v10 =	vand.u32 $0x7F, v10;
	v27 =	vor.u32 v13, v11;
	v11 =	vand.u32 $0xFFFFFC00, v28  }
0x236: {  	v28 =	vadd.s32 v4, v18;
	v13 =	vor.u32 v10, v11;
	v10 =	vand.u32 $0xFFFFFC00, v15  }
0x237: {  	v9 =	vmul.f32 v9, v6;
	v15 =	vadd.s32 v5, v18;
	v11 =	vor.u32 v16, v10  }
0x238: {  	v16 =	vmul.f32 v30, v7;
	v10 =	vor.u32 v17, v20;
	v17 =	vbroadcast v14, $0xF  }
0x239: {  	[tilespmem:s26+$0xFFFFFC80] =	vst v9  }
0x23a: {  	v9 =	vshll.u32 v17, $0x3;
	[tilespmem:s26+$0xFFFFFC90] =	vst v16  }
0x23b: {  	v17 =	vand.u32 $0x7F, v17;
	v9 =	vand.u32 $0xFFFFFC00, v9;
	v16 =	vld.idx.msk [tilespmem:v28+s12+$0x0], $0xffff  }
0x23c: {  	v9 =	vor.u32 v17, v9;
	v15 =	vld.idx.msk [tilespmem:v15+s12+$0x0], $0xffff;
	_ =	sdelay $0x3  }
0x23d: {  	v17 =	vadd.s32 v4, v22  }
0x23e: {  	v18 =	vadd.s32 v5, v22;
	v16 =	vmul.f32 v16, v6  }
0x23f: {  	v15 =	vmul.f32 v15, v7  }
0x240: {  	[tilespmem:s26+$0xFFFFFD00] =	vst v16  }
0x241: {  	[tilespmem:s26+$0xFFFFFD10] =	vst v15  }
0x242: {  	v15 =	vld.idx.msk [tilespmem:v17+s12+$0x0], $0xffff  }
0x243: {  	v16 =	vld.idx.msk [tilespmem:v18+s12+$0x0], $0xffff;
	_ =	sdelay $0x4  }
0x244: {  	v15 =	vmul.f32 v15, v6  }
0x245: {  	v14 =	vbroadcast v14, $0x8;
	v16 =	vmul.f32 v16, v7  }
0x246: {  	[tilespmem:s26+$0xFFFFFD80] =	vst v15  }
0x247: {  	v15 =	vshll.u32 v14, $0x3;
	[tilespmem:s26+$0xFFFFFD90] =	vst v16  }
0x248: {  	v14 =	vand.u32 $0x7F, v14;
	v15 =	vand.u32 $0xFFFFFC00, v15;
	v16 =	vld.idx.msk [tilespmem:v21+s12+$0x0], $0xffff  }
0x249: {  	v14 =	vor.u32 v14, v15;
	v17 =	vld.idx.msk [tilespmem:v23+s12+$0x0], $0xffff  }
0x24a: {  	v18 =	vadd.s32 v5, v14  }
0x24b: {  	v20 =	vadd.s32 v4, v14;
	_ =	sdelay $0x2  }
0x24c: {  	v14 =	vmul.f32 v16, v6  }
0x24d: {  	v15 =	vmul.f32 v17, v7  }
0x24e: {  	[tilespmem:s26+$0xFFFFFE00] =	vst v14  }
0x24f: {  	[tilespmem:s26+$0xFFFFFE10] =	vst v15  }
0x250: {  	v14 =	vand.u32 $0x7F, v24;
	v15 =	vand.u32 $0xFFFFFC00, v26;
	v16 =	vld.idx.msk [tilespmem:v29+s12+$0x0], $0xffff  }
0x251: {  	v15 =	vor.u32 v14, v15;
	v17 =	vld.idx.msk [tilespmem:v25+s12+$0x0], $0xffff  }
0x252: {  	v14 =	vadd.s32 v4, v15  }
0x253: {  	v15 =	vadd.s32 v5, v15;
	_ =	sdelay $0x1  }
0x254: {  	v21 =	vadd.s32 v4, v19  }
0x255: {  	v19 =	vadd.s32 v5, v19;
	v16 =	vmul.f32 v16, v6  }
0x256: {  	v17 =	vmul.f32 v17, v7  }
0x257: {  	[tilespmem:s26+$0xFFFFFE80] =	vst v16  }
0x258: {  	[tilespmem:s26+$0xFFFFFE90] =	vst v17  }
0x259: {  	v16 =	vld.idx.msk [tilespmem:v21+s12+$0x0], $0xffff  }
0x25a: {  	v17 =	vld.idx.msk [tilespmem:v19+s12+$0x0], $0xffff;
	_ =	sdelay $0x3  }
0x25b: {  	v19 =	vadd.s32 v4, v27  }
0x25c: {  	v21 =	vadd.s32 v5, v27;
	v16 =	vmul.f32 v16, v6  }
0x25d: {  	v17 =	vmul.f32 v17, v7  }
0x25e: {  	[tilespmem:s26+$0xFFFFFF00] =	vst v16  }
0x25f: {  	[tilespmem:s26+$0xFFFFFF10] =	vst v17  }
0x260: {  	v16 =	vld.idx.msk [tilespmem:v19+s12+$0x0], $0xffff  }
0x261: {  	v17 =	vld.idx.msk [tilespmem:v21+s12+$0x0], $0xffff;
	_ =	sdelay $0x4  }
0x262: {  	v16 =	vmul.f32 v16, v6  }
0x263: {  	v17 =	vmul.f32 v17, v7  }
0x264: {  	[tilespmem:s26+$0xFFFFFF80] =	vst v16  }
0x265: {  	[tilespmem:s26+$0xFFFFFF90] =	vst v17  }
0x266: {  	v17 =	vld.idx.msk [tilespmem:v20+s12+$0x0], $0xffff  }
0x267: {  	v19 =	vld.idx.msk [tilespmem:v18+s12+$0x0], $0xffff;
	_ =	sdelay $0x1  }
.Ltmp8:
0x268: {  	(pc) =	sbr.rel @p0 .LBB2_12-.Ltmp8, $3  }
0x269: {  	v16 =	vadd.s32 v4, v12;
	v12 =	vadd.s32 v5, v12;
	_ =	sdelay $0x1  }
0x26a: {  	v18 =	vmul.f32 v17, v6  }
0x26b: {  	v17 =	vmul.f32 v19, v7  }
0x26c: {  	_ =	sdelay $0x1  }
0x26d: {  	[tilespmem:s24+$0x0] =	vst v18  }
0x26e: {  	[tilespmem:s24+$0x10] =	vst v17  }
0x26f: {  	v14 =	vld.idx.msk [tilespmem:v14+s12+$0x0], $0xffff  }
0x270: {  	v15 =	vld.idx.msk [tilespmem:v15+s12+$0x0], $0xffff;
	_ =	sdelay $0x2  }
0x271: {  	v55 =	vadd.s32 v4, v13  }
0x272: {  	v56 =	vadd.s32 v5, v13;
	v14 =	vmul.f32 v14, v6  }
0x273: {  	v15 =	vmul.f32 v15, v7  }
0x274: {  	[tilespmem:s24+$0x80] =	vst v14  }
0x275: {  	[tilespmem:s24+$0x90] =	vst v15  }
0x276: {  	v14 =	vld.idx.msk [tilespmem:v55+s12+$0x0], $0xffff  }
0x277: {  	v13 =	vld.idx.msk [tilespmem:v56+s12+$0x0], $0xffff;
	_ =	sdelay $0x3  }
0x278: {  	v14 =	vmul.f32 v14, v6  }
0x279: {  	v13 =	vmul.f32 v13, v7  }
0x27a: {  	[tilespmem:s24+$0x100] =	vst v14  }
0x27b: {  	[tilespmem:s24+$0x110] =	vst v13  }
0x27c: {  	v13 =	vld.idx.msk [tilespmem:v16+s12+$0x0], $0xffff  }
0x27d: {  	v12 =	vld.idx.msk [tilespmem:v12+s12+$0x0], $0xffff;
	_ =	sdelay $0x2  }
0x27e: {  	v57 =	vadd.s32 v4, v11  }
0x27f: {  	v58 =	vadd.s32 v5, v11;
	v13 =	vmul.f32 v13, v6  }
0x280: {  	v12 =	vmul.f32 v12, v7  }
0x281: {  	[tilespmem:s24+$0x180] =	vst v13  }
0x282: {  	[tilespmem:s24+$0x190] =	vst v12  }
0x283: {  	v12 =	vld.idx.msk [tilespmem:v57+s12+$0x0], $0xffff  }
0x284: {  	v11 =	vld.idx.msk [tilespmem:v58+s12+$0x0], $0xffff;
	_ =	sdelay $0x2  }
0x285: {  	v59 =	vadd.s32 v4, v8  }
0x286: {  	v8 =	vadd.s32 v5, v8;
	v12 =	vmul.f32 v12, v6  }
0x287: {  	v11 =	vmul.f32 v11, v7  }
0x288: {  	[tilespmem:s24+$0x200] =	vst v12  }
0x289: {  	[tilespmem:s24+$0x210] =	vst v11  }
0x28a: {  	v11 =	vld.idx.msk [tilespmem:v59+s12+$0x0], $0xffff  }
0x28b: {  	v8 =	vld.idx.msk [tilespmem:v8+s12+$0x0], $0xffff;
	_ =	sdelay $0x2  }
0x28c: {  	v60 =	vadd.s32 v5, v10  }
0x28d: {  	v61 =	vadd.s32 v4, v10;
	v11 =	vmul.f32 v11, v6  }
0x28e: {  	v8 =	vmul.f32 v8, v7  }
0x28f: {  	[tilespmem:s24+$0x280] =	vst v11  }
0x290: {  	[tilespmem:s24+$0x290] =	vst v8  }
0x291: {  	v8 =	vld.idx.msk [tilespmem:v60+s12+$0x0], $0xffff  }
0x292: {  	v10 =	vld.idx.msk [tilespmem:v61+s12+$0x0], $0xffff;
	_ =	sdelay $0x2  }
0x293: {  	v62 =	vadd.s32 v4, v9  }
0x294: {  	v63 =	vadd.s32 v5, v9;
	v8 =	vmul.f32 v8, v7  }
0x295: {  	v10 =	vmul.f32 v10, v6  }
0x296: {  	[tilespmem:s24+$0x310] =	vst v8  }
0x297: {  	[tilespmem:s24+$0x300] =	vst v10  }
0x298: {  	v8 =	vld.idx.msk [tilespmem:v62+s12+$0x0], $0xffff  }
0x299: {  	v9 =	vld.idx.msk [tilespmem:v63+s12+$0x0], $0xffff;
	_ =	sdelay $0x3  }
0x29a: {  	v8 =	vmul.f32 v8, v6  }
0x29b: {  	v9 =	vmul.f32 v9, v7  }
0x29c: {  	p0 =	slt.u32 s23, $0x101;
	[tilespmem:s24+$0x380] =	vst v8  }
.Ltmp9:
0x29d: {  	[tilespmem:s24+$0x390] =	vst v9;
	(pc) =	sbr.rel @p0 .LBB2_26-.Ltmp9, $4  }
0x29e: {  	[hbm4b:s5+s14] =	stream.indirect.scatter [tilespmem:s16], [sflag:$0x1], $0x80, s17, s14, $0xb8;
	[tilespmem:$0x1DF80] =	vst v63  }
0x29f: {  	_ =	swait.ge [sflag:s13], $0x4000  }
0x2a0: {  	[sflag:s13] =	ssyncset.done $0x0  }
0x2a1: {  	[sflag:s13] =	ssyncadd.s32 $0xFFFFC000  }
0x2a2: {  	s24 =	simm.s32 $0x0  }
0x2a3: {  	v8 =	vld [tilespmem:s24+$0x19500];
	_ =	sdelay $0x4  }
0x2a4: {  	v9 =	vsub.s32 v8, v0  }
0x2a5: {  	v8 =	vbroadcast v9, $0x0;
	_ =	sdelay $0x1  }
0x2a6: {  	v10 =	vshll.u32 v8, $0x3  }
0x2a7: {  	v8 =	vand.u32 $0x7F, v8;
	v10 =	vand.u32 $0xFFFFFC00, v10  }
0x2a8: {  	v8 =	vor.u32 v8, v10  }
0x2a9: {  	v10 =	vadd.s32 v5, v8  }
0x2aa: {  	v8 =	vadd.s32 v4, v8;
	_ =	sdelay $0x2  }
0x2ab: {  	v11 =	vbroadcast v9, $0x1  }
0x2ac: {  	v10 =	vld.idx.msk [tilespmem:v10+s12+$0x0], $0xffff  }
0x2ad: {  	v12 =	vshll.u32 v11, $0x3;
	v8 =	vld.idx.msk [tilespmem:v8+s12+$0x0], $0xffff  }
0x2ae: {  	v11 =	vand.u32 $0x7F, v11;
	v12 =	vand.u32 $0xFFFFFC00, v12  }
0x2af: {  	v11 =	vor.u32 v11, v12  }
0x2b0: {  	v12 =	vadd.s32 v4, v11  }
0x2b1: {  	v11 =	vadd.s32 v5, v11;
	v10 =	vmul.f32 v10, v7  }
0x2b2: {  	s24 =	simm.s32 $0x1A300;
	v8 =	vmul.f32 v8, v6  }
0x2b3: {  	[tilespmem:s24+$0xFFFFFC10] =	vst v10  }
0x2b4: {  	v10 =	vbroadcast v9, $0x2;
	[tilespmem:s24+$0xFFFFFC00] =	vst v8  }
0x2b5: {  	v8 =	vld.idx.msk [tilespmem:v12+s12+$0x0], $0xffff  }
0x2b6: {  	v11 =	vld.idx.msk [tilespmem:v11+s12+$0x0], $0xffff;
	v12 =	vshll.u32 v10, $0x3  }
0x2b7: {  	v10 =	vand.u32 $0x7F, v10;
	v12 =	vand.u32 $0xFFFFFC00, v12  }
0x2b8: {  	v10 =	vor.u32 v10, v12  }
0x2b9: {  	v12 =	vadd.s32 v4, v10  }
0x2ba: {  	v10 =	vadd.s32 v5, v10;
	v8 =	vmul.f32 v8, v6  }
0x2bb: {  	v11 =	vmul.f32 v11, v7  }
0x2bc: {  	[tilespmem:s24+$0xFFFFFC80] =	vst v8  }
0x2bd: {  	v8 =	vbroadcast v9, $0x3;
	[tilespmem:s24+$0xFFFFFC90] =	vst v11  }
0x2be: {  	v11 =	vld.idx.msk [tilespmem:v12+s12+$0x0], $0xffff  }
0x2bf: {  	v12 =	vshll.u32 v8, $0x3;
	v10 =	vld.idx.msk [tilespmem:v10+s12+$0x0], $0xffff  }
0x2c0: {  	v8 =	vand.u32 $0x7F, v8;
	v12 =	vand.u32 $0xFFFFFC00, v12  }
0x2c1: {  	v8 =	vor.u32 v8, v12  }
0x2c2: {  	v12 =	vadd.s32 v4, v8  }
0x2c3: {  	v8 =	vadd.s32 v5, v8;
	v11 =	vmul.f32 v11, v6  }
0x2c4: {  	v10 =	vmul.f32 v10, v7  }
0x2c5: {  	[tilespmem:s24+$0xFFFFFD00] =	vst v11  }
0x2c6: {  	v11 =	vbroadcast v9, $0x4;
	[tilespmem:s24+$0xFFFFFD10] =	vst v10  }
0x2c7: {  	v10 =	vld.idx.msk [tilespmem:v12+s12+$0x0], $0xffff  }
0x2c8: {  	v8 =	vld.idx.msk [tilespmem:v8+s12+$0x0], $0xffff;
	v12 =	vshll.u32 v11, $0x3  }
0x2c9: {  	v11 =	vand.u32 $0x7F, v11;
	v12 =	vand.u32 $0xFFFFFC00, v12  }
0x2ca: {  	v11 =	vor.u32 v11, v12  }
0x2cb: {  	v12 =	vadd.s32 v4, v11  }
0x2cc: {  	v11 =	vadd.s32 v5, v11;
	v10 =	vmul.f32 v10, v6  }
0x2cd: {  	v8 =	vmul.f32 v8, v7  }
0x2ce: {  	[tilespmem:s24+$0xFFFFFD80] =	vst v10  }
0x2cf: {  	v10 =	vbroadcast v9, $0x5;
	[tilespmem:s24+$0xFFFFFD90] =	vst v8  }
0x2d0: {  	v8 =	vld.idx.msk [tilespmem:v12+s12+$0x0], $0xffff  }
0x2d1: {  	v12 =	vshll.u32 v10, $0x3;
	v11 =	vld.idx.msk [tilespmem:v11+s12+$0x0], $0xffff  }
0x2d2: {  	v10 =	vand.u32 $0x7F, v10;
	v12 =	vand.u32 $0xFFFFFC00, v12  }
0x2d3: {  	v10 =	vor.u32 v10, v12  }
0x2d4: {  	v12 =	vadd.s32 v4, v10  }
0x2d5: {  	v10 =	vadd.s32 v5, v10;
	v8 =	vmul.f32 v8, v6  }
0x2d6: {  	v11 =	vmul.f32 v11, v7  }
0x2d7: {  	[tilespmem:s24+$0xFFFFFE00] =	vst v8  }
0x2d8: {  	v8 =	vbroadcast v9, $0x6;
	[tilespmem:s24+$0xFFFFFE10] =	vst v11  }
0x2d9: {  	v11 =	vld.idx.msk [tilespmem:v12+s12+$0x0], $0xffff  }
0x2da: {  	v10 =	vld.idx.msk [tilespmem:v10+s12+$0x0], $0xffff;
	v12 =	vshll.u32 v8, $0x3  }
0x2db: {  	v8 =	vand.u32 $0x7F, v8;
	v12 =	vand.u32 $0xFFFFFC00, v12  }
0x2dc: {  	v8 =	vor.u32 v8, v12  }
0x2dd: {  	v12 =	vadd.s32 v4, v8  }
0x2de: {  	v8 =	vadd.s32 v5, v8;
	v11 =	vmul.f32 v11, v6  }
0x2df: {  	v10 =	vmul.f32 v10, v7  }
0x2e0: {  	[tilespmem:s24+$0xFFFFFE80] =	vst v11  }
0x2e1: {  	v11 =	vbroadcast v9, $0x7;
	[tilespmem:s24+$0xFFFFFE90] =	vst v10  }
0x2e2: {  	v10 =	vld.idx.msk [tilespmem:v12+s12+$0x0], $0xffff  }
0x2e3: {  	v12 =	vshll.u32 v11, $0x3;
	v8 =	vld.idx.msk [tilespmem:v8+s12+$0x0], $0xffff  }
0x2e4: {  	v11 =	vand.u32 $0x7F, v11;
	v12 =	vand.u32 $0xFFFFFC00, v12  }
0x2e5: {  	v11 =	vor.u32 v11, v12  }
0x2e6: {  	v12 =	vadd.s32 v4, v11  }
0x2e7: {  	v11 =	vadd.s32 v5, v11;
	v10 =	vmul.f32 v10, v6  }
0x2e8: {  	v8 =	vmul.f32 v8, v7  }
0x2e9: {  	v13 =	vbroadcast v9, $0xB;
	[tilespmem:s24+$0xFFFFFF00] =	vst v10  }
0x2ea: {  	v14 =	vbroadcast v9, $0xA;
	v10 =	vbroadcast v9, $0x8;
	[tilespmem:s24+$0xFFFFFF10] =	vst v8  }
0x2eb: {  	v16 =	vbroadcast v9, $0xD;
	v18 =	vbroadcast v9, $0xE;
	v12 =	vld.idx.msk [tilespmem:v12+s12+$0x0], $0xffff  }
0x2ec: {  	v15 =	vshll.u32 v13, $0x3;
	v13 =	vand.u32 $0x7F, v13;
	v11 =	vld.idx.msk [tilespmem:v11+s12+$0x0], $0xffff;
	v17 =	vshll.u32 v10, $0x3  }
0x2ed: {  	v20 =	vshll.u32 v18, $0x3;
	v10 =	vand.u32 $0x7F, v10;
	v17 =	vand.u32 $0xFFFFFC00, v17  }
0x2ee: {  	v15 =	vand.u32 $0xFFFFFC00, v15;
	v20 =	vand.u32 $0xFFFFFC00, v20;
	v10 =	vor.u32 v10, v17  }
0x2ef: {  	v19 =	vor.u32 v13, v15;
	v13 =	vshll.u32 v16, $0x3;
	v17 =	vadd.s32 v4, v10  }
0x2f0: {  	v8 =	vbroadcast v9, $0xC;
	v10 =	vadd.s32 v5, v10;
	v12 =	vmul.f32 v12, v6  }
0x2f1: {  	v16 =	vand.u32 $0x7F, v16;
	v13 =	vand.u32 $0xFFFFFC00, v13;
	v11 =	vmul.f32 v11, v7  }
0x2f2: {  	v15 =	vshll.u32 v8, $0x3;
	v21 =	vand.u32 $0x7F, v8;
	v8 =	vor.u32 v16, v13;
	[tilespmem:s24+$0xFFFFFF80] =	vst v12  }
0x2f3: {  	v16 =	vbroadcast v9, $0x9;
	v13 =	vshll.u32 v14, $0x3;
	v9 =	vbroadcast v9, $0xF;
	[tilespmem:s24+$0xFFFFFF90] =	vst v11  }
0x2f4: {  	v13 =	vand.u32 $0xFFFFFC00, v13;
	v12 =	vand.u32 $0x7F, v18;
	v11 =	vand.u32 $0x7F, v14;
	v17 =	vld.idx.msk [tilespmem:v17+s12+$0x0], $0xffff  }
0x2f5: {  	v14 =	vshll.u32 v16, $0x3;
	v16 =	vand.u32 $0x7F, v16;
	v13 =	vor.u32 v11, v13;
	v22 =	vld.idx.msk [tilespmem:v10+s12+$0x0], $0xffff  }
0x2f6: {  	v11 =	vand.u32 $0xFFFFFC00, v15;
	v14 =	vand.u32 $0xFFFFFC00, v14;
	v10 =	vshll.u32 v9, $0x3  }
0x2f7: {  	v11 =	vor.u32 v21, v11;
	v9 =	vand.u32 $0x7F, v9;
	v15 =	vand.u32 $0xFFFFFC00, v10  }
0x2f8: {  	v10 =	vor.u32 v12, v20;
	v12 =	vor.u32 v16, v14;
	v16 =	vadd.s32 v4, v19  }
0x2f9: {  	v9 =	vor.u32 v9, v15;
	v14 =	vadd.s32 v4, v12;
	v15 =	vadd.s32 v5, v12  }
0x2fa: {  	s25 =	simm.s32 $0x40;
	s26 =	simm.s32 $0x1A300;
	v12 =	vadd.s32 v5, v19;
	v18 =	vmul.f32 v17, v6;
	v17 =	vmul.f32 v22, v7  }
.LBB2_15:
0x2fb: {  	p0 =	sne.s32 s25, $0x1C0  }
0x2fc: {  	[tilespmem:s24+$0x0] =	vst v18;
	s26 =	sadd.s32 $0x800, s26;
	s28 =	smov.u32 s25;
	s25 =	sadd.s32 $0x40, s25  }
0x2fd: {  	[tilespmem:s24+$0x10] =	vst v17  }
0x2fe: {  	v14 =	vld.idx.msk [tilespmem:v14+s12+$0x0], $0xffff  }
0x2ff: {  	v15 =	vld.idx.msk [tilespmem:v15+s12+$0x0], $0xffff;
	_ =	sdelay $0x3  }
0x300: {  	v17 =	vadd.s32 v4, v13  }
0x301: {  	v13 =	vadd.s32 v5, v13;
	v14 =	vmul.f32 v14, v6  }
0x302: {  	v15 =	vmul.f32 v15, v7  }
0x303: {  	[tilespmem:s24+$0x80] =	vst v14  }
0x304: {  	[tilespmem:s24+$0x90] =	vst v15  }
0x305: {  	v14 =	vld.idx.msk [tilespmem:v17+s12+$0x0], $0xffff  }
0x306: {  	v13 =	vld.idx.msk [tilespmem:v13+s12+$0x0], $0xffff;
	_ =	sdelay $0x2  }
0x307: {  	s28 =	sshra.s32 s28, $0x2;
	_ =	sdelay $0x1  }
0x308: {  	v14 =	vmul.f32 v14, v6  }
0x309: {  	v13 =	vmul.f32 v13, v7  }
0x30a: {  	[tilespmem:s24+$0x100] =	vst v14  }
0x30b: {  	[tilespmem:s24+$0x110] =	vst v13;
	v13 =	vadd.s32 v4, v8;
	v8 =	vadd.s32 v5, v8  }
0x30c: {  	v14 =	vld.idx.msk [tilespmem:v16+s12+$0x0], $0xffff  }
0x30d: {  	v12 =	vld.idx.msk [tilespmem:v12+s12+$0x0], $0xffff;
	_ =	sdelay $0x3  }
0x30e: {  	v15 =	vadd.s32 v4, v11  }
0x30f: {  	v11 =	vadd.s32 v5, v11;
	v14 =	vmul.f32 v14, v6  }
0x310: {  	v12 =	vmul.f32 v12, v7  }
0x311: {  	[tilespmem:s24+$0x180] =	vst v14  }
0x312: {  	[tilespmem:s24+$0x190] =	vst v12  }
0x313: {  	v12 =	vld.idx.msk [tilespmem:v15+s12+$0x0], $0xffff  }
0x314: {  	v11 =	vld.idx.msk [tilespmem:v11+s12+$0x0], $0xffff;
	_ =	sdelay $0x4  }
0x315: {  	v12 =	vmul.f32 v12, v6  }
0x316: {  	v11 =	vmul.f32 v11, v7  }
0x317: {  	[tilespmem:s24+$0x200] =	vst v12  }
0x318: {  	[tilespmem:s24+$0x210] =	vst v11  }
0x319: {  	v11 =	vld.idx.msk [tilespmem:v13+s12+$0x0], $0xffff  }
0x31a: {  	v8 =	vld.idx.msk [tilespmem:v8+s12+$0x0], $0xffff;
	_ =	sdelay $0x2  }
0x31b: {  	v12 =	vadd.s32 v5, v10;
	_ =	sdelay $0x1  }
0x31c: {  	v10 =	vadd.s32 v4, v10;
	v11 =	vmul.f32 v11, v6  }
0x31d: {  	v8 =	vmul.f32 v8, v7  }
0x31e: {  	[tilespmem:s24+$0x280] =	vst v11  }
0x31f: {  	[tilespmem:s24+$0x290] =	vst v8  }
0x320: {  	v8 =	vld.idx.msk [tilespmem:v12+s12+$0x0], $0xffff  }
0x321: {  	v10 =	vld.idx.msk [tilespmem:v10+s12+$0x0], $0xffff;
	_ =	sdelay $0x3  }
0x322: {  	v11 =	vadd.s32 v4, v9  }
0x323: {  	v9 =	vadd.s32 v5, v9;
	v8 =	vmul.f32 v8, v7  }
0x324: {  	v10 =	vmul.f32 v10, v6  }
0x325: {  	[tilespmem:s24+$0x310] =	vst v8  }
0x326: {  	[tilespmem:s24+$0x300] =	vst v10  }
0x327: {  	v8 =	vld.idx.msk [tilespmem:v11+s12+$0x0], $0xffff  }
0x328: {  	v9 =	vld.idx.msk [tilespmem:v9+s12+$0x0], $0xffff;
	_ =	sdelay $0x4  }
0x329: {  	v8 =	vmul.f32 v8, v6  }
0x32a: {  	v9 =	vmul.f32 v9, v7  }
0x32b: {  	[tilespmem:s24+$0x380] =	vst v8  }
0x32c: {  	[tilespmem:s24+$0x390] =	vst v9;
	s24 =	smov.u32 s26  }
0x32d: {  	v8 =	vld [tilespmem:s28+$0x19500];
	_ =	sdelay $0x4  }
0x32e: {  	v14 =	vsub.s32 v8, v0  }
0x32f: {  	v8 =	vbroadcast v14, $0x0;
	v9 =	vbroadcast v14, $0x4  }
0x330: {  	v10 =	vbroadcast v14, $0xA;
	v11 =	vbroadcast v14, $0xE  }
0x331: {  	v13 =	vbroadcast v14, $0x1;
	v15 =	vbroadcast v14, $0xB;
	v12 =	vshll.u32 v8, $0x3  }
0x332: {  	v16 =	vbroadcast v14, $0xC;
	v8 =	vand.u32 $0x7F, v8;
	v12 =	vand.u32 $0xFFFFFC00, v12  }
0x333: {  	v17 =	vbroadcast v14, $0xD;
	v8 =	vor.u32 v8, v12;
	v12 =	vshll.u32 v15, $0x3  }
0x334: {  	v15 =	vand.u32 $0x7F, v15;
	v18 =	vadd.s32 v5, v8;
	v12 =	vand.u32 $0xFFFFFC00, v12  }
0x335: {  	v19 =	vadd.s32 v4, v8;
	v12 =	vor.u32 v15, v12;
	v15 =	vshll.u32 v16, $0x3  }
0x336: {  	v20 =	vshll.u32 v11, $0x3;
	v8 =	vshll.u32 v17, $0x3;
	v16 =	vand.u32 $0x7F, v16  }
0x337: {  	v20 =	vand.u32 $0xFFFFFC00, v20;
	v17 =	vand.u32 $0x7F, v17;
	v8 =	vand.u32 $0xFFFFFC00, v8  }
0x338: {  	v21 =	vshll.u32 v9, $0x3;
	v8 =	vor.u32 v17, v8;
	v17 =	vand.u32 $0x7F, v11  }
0x339: {  	v9 =	vand.u32 $0x7F, v9;
	v21 =	vand.u32 $0xFFFFFC00, v21;
	v11 =	vld.idx.msk [tilespmem:v18+s12+$0x0], $0xffff;
	v18 =	vshll.u32 v13, $0x3  }
0x33a: {  	v9 =	vor.u32 v9, v21;
	v13 =	vand.u32 $0x7F, v13;
	v19 =	vld.idx.msk [tilespmem:v19+s12+$0x0], $0xffff;
	v18 =	vand.u32 $0xFFFFFC00, v18  }
0x33b: {  	v21 =	vadd.s32 v4, v9;
	v13 =	vor.u32 v13, v18;
	v18 =	vbroadcast v14, $0x2  }
0x33c: {  	v22 =	vbroadcast v14, $0x3;
	v24 =	vbroadcast v14, $0x9;
	v23 =	vadd.s32 v5, v9  }
0x33d: {  	v9 =	vadd.s32 v4, v13;
	v25 =	vand.u32 $0x7F, v18;
	v18 =	vshll.u32 v18, $0x3  }
0x33e: {  	v26 =	vand.u32 $0x7F, v22;
	v13 =	vadd.s32 v5, v13;
	v18 =	vand.u32 $0xFFFFFC00, v18  }
0x33f: {  	v22 =	vshll.u32 v22, $0x3;
	v11 =	vmul.f32 v11, v7;
	v18 =	vor.u32 v25, v18  }
0x340: {  	v22 =	vand.u32 $0xFFFFFC00, v22;
	v19 =	vmul.f32 v19, v6;
	v25 =	vbroadcast v14, $0x5  }
0x341: {  	v22 =	vor.u32 v26, v22;
	v26 =	vshll.u32 v24, $0x3;
	[tilespmem:s26+$0xFFFFFC10] =	vst v11;
	v11 =	vbroadcast v14, $0x6  }
0x342: {  	v27 =	vbroadcast v14, $0x7;
	v28 =	vshll.u32 v10, $0x3;
	[tilespmem:s26+$0xFFFFFC00] =	vst v19;
	v19 =	vshll.u32 v25, $0x3  }
0x343: {  	v25 =	vand.u32 $0x7F, v25;
	v9 =	vld.idx.msk [tilespmem:v9+s12+$0x0], $0xffff;
	v19 =	vand.u32 $0xFFFFFC00, v19;
	v29 =	vshll.u32 v11, $0x3  }
0x344: {  	v11 =	vand.u32 $0x7F, v11;
	v30 =	vld.idx.msk [tilespmem:v13+s12+$0x0], $0xffff;
	v13 =	vor.u32 v25, v19;
	v19 =	vand.u32 $0xFFFFFC00, v29  }
0x345: {  	v25 =	vadd.s32 v5, v13;
	v19 =	vor.u32 v11, v19;
	v11 =	vshll.u32 v27, $0x3  }
0x346: {  	v29 =	vadd.s32 v4, v13;
	v13 =	vand.u32 $0x7F, v27;
	v11 =	vand.u32 $0xFFFFFC00, v11  }
0x347: {  	v10 =	vand.u32 $0x7F, v10;
	v27 =	vor.u32 v13, v11;
	v11 =	vand.u32 $0xFFFFFC00, v28  }
0x348: {  	v28 =	vadd.s32 v4, v18;
	v13 =	vor.u32 v10, v11;
	v10 =	vand.u32 $0xFFFFFC00, v15  }
0x349: {  	v9 =	vmul.f32 v9, v6;
	v15 =	vadd.s32 v5, v18;
	v11 =	vor.u32 v16, v10  }
0x34a: {  	v16 =	vmul.f32 v30, v7;
	v10 =	vor.u32 v17, v20;
	v17 =	vbroadcast v14, $0xF  }
0x34b: {  	[tilespmem:s26+$0xFFFFFC80] =	vst v9  }
0x34c: {  	v9 =	vshll.u32 v17, $0x3;
	[tilespmem:s26+$0xFFFFFC90] =	vst v16  }
0x34d: {  	v17 =	vand.u32 $0x7F, v17;
	v9 =	vand.u32 $0xFFFFFC00, v9;
	v16 =	vld.idx.msk [tilespmem:v28+s12+$0x0], $0xffff  }
0x34e: {  	v9 =	vor.u32 v17, v9;
	v15 =	vld.idx.msk [tilespmem:v15+s12+$0x0], $0xffff;
	_ =	sdelay $0x3  }
0x34f: {  	v17 =	vadd.s32 v4, v22  }
0x350: {  	v18 =	vadd.s32 v5, v22;
	v16 =	vmul.f32 v16, v6  }
0x351: {  	v15 =	vmul.f32 v15, v7  }
0x352: {  	[tilespmem:s26+$0xFFFFFD00] =	vst v16  }
0x353: {  	[tilespmem:s26+$0xFFFFFD10] =	vst v15  }
0x354: {  	v15 =	vld.idx.msk [tilespmem:v17+s12+$0x0], $0xffff  }
0x355: {  	v16 =	vld.idx.msk [tilespmem:v18+s12+$0x0], $0xffff;
	_ =	sdelay $0x4  }
0x356: {  	v15 =	vmul.f32 v15, v6  }
0x357: {  	v14 =	vbroadcast v14, $0x8;
	v16 =	vmul.f32 v16, v7  }
0x358: {  	[tilespmem:s26+$0xFFFFFD80] =	vst v15  }
0x359: {  	v15 =	vshll.u32 v14, $0x3;
	[tilespmem:s26+$0xFFFFFD90] =	vst v16  }
0x35a: {  	v14 =	vand.u32 $0x7F, v14;
	v15 =	vand.u32 $0xFFFFFC00, v15;
	v16 =	vld.idx.msk [tilespmem:v21+s12+$0x0], $0xffff  }
0x35b: {  	v14 =	vor.u32 v14, v15;
	v17 =	vld.idx.msk [tilespmem:v23+s12+$0x0], $0xffff  }
0x35c: {  	v18 =	vadd.s32 v5, v14  }
0x35d: {  	v20 =	vadd.s32 v4, v14;
	_ =	sdelay $0x2  }
0x35e: {  	v14 =	vmul.f32 v16, v6  }
0x35f: {  	v15 =	vmul.f32 v17, v7  }
0x360: {  	[tilespmem:s26+$0xFFFFFE00] =	vst v14  }
0x361: {  	[tilespmem:s26+$0xFFFFFE10] =	vst v15  }
0x362: {  	v14 =	vand.u32 $0x7F, v24;
	v15 =	vand.u32 $0xFFFFFC00, v26;
	v16 =	vld.idx.msk [tilespmem:v29+s12+$0x0], $0xffff  }
0x363: {  	v15 =	vor.u32 v14, v15;
	v17 =	vld.idx.msk [tilespmem:v25+s12+$0x0], $0xffff  }
0x364: {  	v14 =	vadd.s32 v4, v15  }
0x365: {  	v15 =	vadd.s32 v5, v15;
	_ =	sdelay $0x1  }
0x366: {  	v21 =	vadd.s32 v4, v19  }
0x367: {  	v19 =	vadd.s32 v5, v19;
	v16 =	vmul.f32 v16, v6  }
0x368: {  	v17 =	vmul.f32 v17, v7  }
0x369: {  	[tilespmem:s26+$0xFFFFFE80] =	vst v16  }
0x36a: {  	[tilespmem:s26+$0xFFFFFE90] =	vst v17  }
0x36b: {  	v16 =	vld.idx.msk [tilespmem:v21+s12+$0x0], $0xffff  }
0x36c: {  	v17 =	vld.idx.msk [tilespmem:v19+s12+$0x0], $0xffff;
	_ =	sdelay $0x3  }
0x36d: {  	v19 =	vadd.s32 v4, v27  }
0x36e: {  	v21 =	vadd.s32 v5, v27;
	v16 =	vmul.f32 v16, v6  }
0x36f: {  	v17 =	vmul.f32 v17, v7  }
0x370: {  	[tilespmem:s26+$0xFFFFFF00] =	vst v16  }
0x371: {  	[tilespmem:s26+$0xFFFFFF10] =	vst v17  }
0x372: {  	v16 =	vld.idx.msk [tilespmem:v19+s12+$0x0], $0xffff  }
0x373: {  	v17 =	vld.idx.msk [tilespmem:v21+s12+$0x0], $0xffff;
	_ =	sdelay $0x4  }
0x374: {  	v16 =	vmul.f32 v16, v6  }
0x375: {  	v17 =	vmul.f32 v17, v7  }
0x376: {  	[tilespmem:s26+$0xFFFFFF80] =	vst v16  }
0x377: {  	[tilespmem:s26+$0xFFFFFF90] =	vst v17  }
0x378: {  	v17 =	vld.idx.msk [tilespmem:v20+s12+$0x0], $0xffff  }
0x379: {  	v19 =	vld.idx.msk [tilespmem:v18+s12+$0x0], $0xffff;
	_ =	sdelay $0x1  }
.Ltmp10:
0x37a: {  	(pc) =	sbr.rel @p0 .LBB2_15-.Ltmp10, $3  }
0x37b: {  	v16 =	vadd.s32 v4, v12;
	v12 =	vadd.s32 v5, v12;
	_ =	sdelay $0x1  }
0x37c: {  	v18 =	vmul.f32 v17, v6  }
0x37d: {  	v17 =	vmul.f32 v19, v7  }
0x37e: {  	_ =	sdelay $0x1  }
0x37f: {  	[tilespmem:s24+$0x0] =	vst v18  }
0x380: {  	[tilespmem:s24+$0x10] =	vst v17  }
0x381: {  	v14 =	vld.idx.msk [tilespmem:v14+s12+$0x0], $0xffff  }
0x382: {  	v15 =	vld.idx.msk [tilespmem:v15+s12+$0x0], $0xffff;
	_ =	sdelay $0x2  }
0x383: {  	v55 =	vadd.s32 v4, v13  }
0x384: {  	v56 =	vadd.s32 v5, v13;
	v14 =	vmul.f32 v14, v6  }
0x385: {  	v15 =	vmul.f32 v15, v7  }
0x386: {  	[tilespmem:s24+$0x80] =	vst v14  }
0x387: {  	[tilespmem:s24+$0x90] =	vst v15  }
0x388: {  	v14 =	vld.idx.msk [tilespmem:v55+s12+$0x0], $0xffff  }
0x389: {  	v13 =	vld.idx.msk [tilespmem:v56+s12+$0x0], $0xffff;
	_ =	sdelay $0x3  }
0x38a: {  	v14 =	vmul.f32 v14, v6  }
0x38b: {  	v13 =	vmul.f32 v13, v7  }
0x38c: {  	[tilespmem:s24+$0x100] =	vst v14  }
0x38d: {  	[tilespmem:s24+$0x110] =	vst v13  }
0x38e: {  	v13 =	vld.idx.msk [tilespmem:v16+s12+$0x0], $0xffff  }
0x38f: {  	v12 =	vld.idx.msk [tilespmem:v12+s12+$0x0], $0xffff;
	_ =	sdelay $0x2  }
0x390: {  	v57 =	vadd.s32 v4, v11  }
0x391: {  	v58 =	vadd.s32 v5, v11;
	v13 =	vmul.f32 v13, v6  }
0x392: {  	v12 =	vmul.f32 v12, v7  }
0x393: {  	[tilespmem:s24+$0x180] =	vst v13  }
0x394: {  	[tilespmem:s24+$0x190] =	vst v12  }
0x395: {  	v12 =	vld.idx.msk [tilespmem:v57+s12+$0x0], $0xffff  }
0x396: {  	v11 =	vld.idx.msk [tilespmem:v58+s12+$0x0], $0xffff;
	_ =	sdelay $0x2  }
0x397: {  	v59 =	vadd.s32 v4, v8  }
0x398: {  	v8 =	vadd.s32 v5, v8;
	v12 =	vmul.f32 v12, v6  }
0x399: {  	v11 =	vmul.f32 v11, v7  }
0x39a: {  	[tilespmem:s24+$0x200] =	vst v12  }
0x39b: {  	[tilespmem:s24+$0x210] =	vst v11  }
0x39c: {  	v11 =	vld.idx.msk [tilespmem:v59+s12+$0x0], $0xffff  }
0x39d: {  	v8 =	vld.idx.msk [tilespmem:v8+s12+$0x0], $0xffff;
	_ =	sdelay $0x2  }
0x39e: {  	v60 =	vadd.s32 v5, v10  }
0x39f: {  	v61 =	vadd.s32 v4, v10;
	v11 =	vmul.f32 v11, v6  }
0x3a0: {  	v8 =	vmul.f32 v8, v7  }
0x3a1: {  	[tilespmem:s24+$0x280] =	vst v11  }
0x3a2: {  	[tilespmem:s24+$0x290] =	vst v8  }
0x3a3: {  	v8 =	vld.idx.msk [tilespmem:v60+s12+$0x0], $0xffff  }
0x3a4: {  	v10 =	vld.idx.msk [tilespmem:v61+s12+$0x0], $0xffff;
	_ =	sdelay $0x2  }
0x3a5: {  	v62 =	vadd.s32 v4, v9  }
0x3a6: {  	v63 =	vadd.s32 v5, v9;
	v8 =	vmul.f32 v8, v7  }
0x3a7: {  	v10 =	vmul.f32 v10, v6  }
0x3a8: {  	[tilespmem:s24+$0x310] =	vst v8  }
0x3a9: {  	[tilespmem:s24+$0x300] =	vst v10  }
0x3aa: {  	v8 =	vld.idx.msk [tilespmem:v62+s12+$0x0], $0xffff  }
0x3ab: {  	v9 =	vld.idx.msk [tilespmem:v63+s12+$0x0], $0xffff;
	_ =	sdelay $0x3  }
0x3ac: {  	v8 =	vmul.f32 v8, v6  }
0x3ad: {  	v9 =	vmul.f32 v9, v7  }
0x3ae: {  	p0 =	slt.u32 s23, $0x181;
	[tilespmem:s24+$0x380] =	vst v8  }
.Ltmp11:
0x3af: {  	[tilespmem:s24+$0x390] =	vst v9;
	(pc) =	sbr.rel @p0 .LBB2_26-.Ltmp11, $4  }
0x3b0: {  	[hbm4b:s5+s14] =	stream.indirect.scatter [tilespmem:s16], [sflag:$0x1], $0x80, s18, s14, $0xb8;
	[tilespmem:$0x1DF80] =	vst v63  }
0x3b1: {  	_ =	swait.ge [sflag:s13], $0x4000  }
0x3b2: {  	[sflag:s13] =	ssyncset.done $0x0  }
0x3b3: {  	[sflag:s13] =	ssyncadd.s32 $0xFFFFC000  }
0x3b4: {  	s24 =	simm.s32 $0x0  }
0x3b5: {  	v8 =	vld [tilespmem:s24+$0x19580];
	_ =	sdelay $0x4  }
0x3b6: {  	v9 =	vsub.s32 v8, v0  }
0x3b7: {  	v8 =	vbroadcast v9, $0x0;
	_ =	sdelay $0x1  }
0x3b8: {  	v10 =	vshll.u32 v8, $0x3  }
0x3b9: {  	v8 =	vand.u32 $0x7F, v8;
	v10 =	vand.u32 $0xFFFFFC00, v10  }
0x3ba: {  	v8 =	vor.u32 v8, v10  }
0x3bb: {  	v10 =	vadd.s32 v5, v8  }
0x3bc: {  	v8 =	vadd.s32 v4, v8;
	_ =	sdelay $0x2  }
0x3bd: {  	v11 =	vbroadcast v9, $0x1  }
0x3be: {  	v10 =	vld.idx.msk [tilespmem:v10+s12+$0x0], $0xffff  }
0x3bf: {  	v12 =	vshll.u32 v11, $0x3;
	v8 =	vld.idx.msk [tilespmem:v8+s12+$0x0], $0xffff  }
0x3c0: {  	v11 =	vand.u32 $0x7F, v11;
	v12 =	vand.u32 $0xFFFFFC00, v12  }
0x3c1: {  	v11 =	vor.u32 v11, v12  }
0x3c2: {  	v12 =	vadd.s32 v4, v11  }
0x3c3: {  	v11 =	vadd.s32 v5, v11;
	v10 =	vmul.f32 v10, v7  }
0x3c4: {  	s24 =	simm.s32 $0x1A300;
	v8 =	vmul.f32 v8, v6  }
0x3c5: {  	[tilespmem:s24+$0xFFFFFC10] =	vst v10  }
0x3c6: {  	v10 =	vbroadcast v9, $0x2;
	[tilespmem:s24+$0xFFFFFC00] =	vst v8  }
0x3c7: {  	v8 =	vld.idx.msk [tilespmem:v12+s12+$0x0], $0xffff  }
0x3c8: {  	v11 =	vld.idx.msk [tilespmem:v11+s12+$0x0], $0xffff;
	v12 =	vshll.u32 v10, $0x3  }
0x3c9: {  	v10 =	vand.u32 $0x7F, v10;
	v12 =	vand.u32 $0xFFFFFC00, v12  }
0x3ca: {  	v10 =	vor.u32 v10, v12  }
0x3cb: {  	v12 =	vadd.s32 v4, v10  }
0x3cc: {  	v10 =	vadd.s32 v5, v10;
	v8 =	vmul.f32 v8, v6  }
0x3cd: {  	v11 =	vmul.f32 v11, v7  }
0x3ce: {  	[tilespmem:s24+$0xFFFFFC80] =	vst v8  }
0x3cf: {  	v8 =	vbroadcast v9, $0x3;
	[tilespmem:s24+$0xFFFFFC90] =	vst v11  }
0x3d0: {  	v11 =	vld.idx.msk [tilespmem:v12+s12+$0x0], $0xffff  }
0x3d1: {  	v12 =	vshll.u32 v8, $0x3;
	v10 =	vld.idx.msk [tilespmem:v10+s12+$0x0], $0xffff  }
0x3d2: {  	v8 =	vand.u32 $0x7F, v8;
	v12 =	vand.u32 $0xFFFFFC00, v12  }
0x3d3: {  	v8 =	vor.u32 v8, v12  }
0x3d4: {  	v12 =	vadd.s32 v4, v8  }
0x3d5: {  	v8 =	vadd.s32 v5, v8;
	v11 =	vmul.f32 v11, v6  }
0x3d6: {  	v10 =	vmul.f32 v10, v7  }
0x3d7: {  	[tilespmem:s24+$0xFFFFFD00] =	vst v11  }
0x3d8: {  	v11 =	vbroadcast v9, $0x4;
	[tilespmem:s24+$0xFFFFFD10] =	vst v10  }
0x3d9: {  	v10 =	vld.idx.msk [tilespmem:v12+s12+$0x0], $0xffff  }
0x3da: {  	v8 =	vld.idx.msk [tilespmem:v8+s12+$0x0], $0xffff;
	v12 =	vshll.u32 v11, $0x3  }
0x3db: {  	v11 =	vand.u32 $0x7F, v11;
	v12 =	vand.u32 $0xFFFFFC00, v12  }
0x3dc: {  	v11 =	vor.u32 v11, v12  }
0x3dd: {  	v12 =	vadd.s32 v4, v11  }
0x3de: {  	v11 =	vadd.s32 v5, v11;
	v10 =	vmul.f32 v10, v6  }
0x3df: {  	v8 =	vmul.f32 v8, v7  }
0x3e0: {  	[tilespmem:s24+$0xFFFFFD80] =	vst v10  }
0x3e1: {  	v10 =	vbroadcast v9, $0x5;
	[tilespmem:s24+$0xFFFFFD90] =	vst v8  }
0x3e2: {  	v8 =	vld.idx.msk [tilespmem:v12+s12+$0x0], $0xffff  }
0x3e3: {  	v12 =	vshll.u32 v10, $0x3;
	v11 =	vld.idx.msk [tilespmem:v11+s12+$0x0], $0xffff  }
0x3e4: {  	v10 =	vand.u32 $0x7F, v10;
	v12 =	vand.u32 $0xFFFFFC00, v12  }
0x3e5: {  	v10 =	vor.u32 v10, v12  }
0x3e6: {  	v12 =	vadd.s32 v4, v10  }
0x3e7: {  	v10 =	vadd.s32 v5, v10;
	v8 =	vmul.f32 v8, v6  }
0x3e8: {  	v11 =	vmul.f32 v11, v7  }
0x3e9: {  	[tilespmem:s24+$0xFFFFFE00] =	vst v8  }
0x3ea: {  	v8 =	vbroadcast v9, $0x6;
	[tilespmem:s24+$0xFFFFFE10] =	vst v11  }
0x3eb: {  	v11 =	vld.idx.msk [tilespmem:v12+s12+$0x0], $0xffff  }
0x3ec: {  	v10 =	vld.idx.msk [tilespmem:v10+s12+$0x0], $0xffff;
	v12 =	vshll.u32 v8, $0x3  }
0x3ed: {  	v8 =	vand.u32 $0x7F, v8;
	v12 =	vand.u32 $0xFFFFFC00, v12  }
0x3ee: {  	v8 =	vor.u32 v8, v12  }
0x3ef: {  	v12 =	vadd.s32 v4, v8  }
0x3f0: {  	v8 =	vadd.s32 v5, v8;
	v11 =	vmul.f32 v11, v6  }
0x3f1: {  	v10 =	vmul.f32 v10, v7  }
0x3f2: {  	[tilespmem:s24+$0xFFFFFE80] =	vst v11  }
0x3f3: {  	v11 =	vbroadcast v9, $0x7;
	[tilespmem:s24+$0xFFFFFE90] =	vst v10  }
0x3f4: {  	v10 =	vld.idx.msk [tilespmem:v12+s12+$0x0], $0xffff  }
0x3f5: {  	v12 =	vshll.u32 v11, $0x3;
	v8 =	vld.idx.msk [tilespmem:v8+s12+$0x0], $0xffff  }
0x3f6: {  	v11 =	vand.u32 $0x7F, v11;
	v12 =	vand.u32 $0xFFFFFC00, v12  }
0x3f7: {  	v11 =	vor.u32 v11, v12  }
0x3f8: {  	v12 =	vadd.s32 v4, v11  }
0x3f9: {  	v11 =	vadd.s32 v5, v11;
	v10 =	vmul.f32 v10, v6  }
0x3fa: {  	v8 =	vmul.f32 v8, v7  }
0x3fb: {  	v13 =	vbroadcast v9, $0xB;
	[tilespmem:s24+$0xFFFFFF00] =	vst v10  }
0x3fc: {  	v14 =	vbroadcast v9, $0xA;
	v10 =	vbroadcast v9, $0x8;
	[tilespmem:s24+$0xFFFFFF10] =	vst v8  }
0x3fd: {  	v16 =	vbroadcast v9, $0xD;
	v18 =	vbroadcast v9, $0xE;
	v12 =	vld.idx.msk [tilespmem:v12+s12+$0x0], $0xffff  }
0x3fe: {  	v15 =	vshll.u32 v13, $0x3;
	v13 =	vand.u32 $0x7F, v13;
	v11 =	vld.idx.msk [tilespmem:v11+s12+$0x0], $0xffff;
	v17 =	vshll.u32 v10, $0x3  }
0x3ff: {  	v20 =	vshll.u32 v18, $0x3;
	v10 =	vand.u32 $0x7F, v10;
	v17 =	vand.u32 $0xFFFFFC00, v17  }
0x400: {  	v15 =	vand.u32 $0xFFFFFC00, v15;
	v20 =	vand.u32 $0xFFFFFC00, v20;
	v10 =	vor.u32 v10, v17  }
0x401: {  	v19 =	vor.u32 v13, v15;
	v13 =	vshll.u32 v16, $0x3;
	v17 =	vadd.s32 v4, v10  }
0x402: {  	v8 =	vbroadcast v9, $0xC;
	v10 =	vadd.s32 v5, v10;
	v12 =	vmul.f32 v12, v6  }
0x403: {  	v16 =	vand.u32 $0x7F, v16;
	v13 =	vand.u32 $0xFFFFFC00, v13;
	v11 =	vmul.f32 v11, v7  }
0x404: {  	v15 =	vshll.u32 v8, $0x3;
	v21 =	vand.u32 $0x7F, v8;
	v8 =	vor.u32 v16, v13;
	[tilespmem:s24+$0xFFFFFF80] =	vst v12  }
0x405: {  	v16 =	vbroadcast v9, $0x9;
	v13 =	vshll.u32 v14, $0x3;
	v9 =	vbroadcast v9, $0xF;
	[tilespmem:s24+$0xFFFFFF90] =	vst v11  }
0x406: {  	v13 =	vand.u32 $0xFFFFFC00, v13;
	v12 =	vand.u32 $0x7F, v18;
	v11 =	vand.u32 $0x7F, v14;
	v17 =	vld.idx.msk [tilespmem:v17+s12+$0x0], $0xffff  }
0x407: {  	v14 =	vshll.u32 v16, $0x3;
	v16 =	vand.u32 $0x7F, v16;
	v13 =	vor.u32 v11, v13;
	v22 =	vld.idx.msk [tilespmem:v10+s12+$0x0], $0xffff  }
0x408: {  	v11 =	vand.u32 $0xFFFFFC00, v15;
	v14 =	vand.u32 $0xFFFFFC00, v14;
	v10 =	vshll.u32 v9, $0x3  }
0x409: {  	v11 =	vor.u32 v21, v11;
	v9 =	vand.u32 $0x7F, v9;
	v15 =	vand.u32 $0xFFFFFC00, v10  }
0x40a: {  	v10 =	vor.u32 v12, v20;
	v12 =	vor.u32 v16, v14;
	v16 =	vadd.s32 v4, v19  }
0x40b: {  	v9 =	vor.u32 v9, v15;
	v14 =	vadd.s32 v4, v12;
	v15 =	vadd.s32 v5, v12  }
0x40c: {  	s25 =	simm.s32 $0x40;
	s26 =	simm.s32 $0x1A300;
	v12 =	vadd.s32 v5, v19;
	v18 =	vmul.f32 v17, v6;
	v17 =	vmul.f32 v22, v7  }
.LBB2_18:
0x40d: {  	p0 =	sne.s32 s25, $0x1C0  }
0x40e: {  	[tilespmem:s24+$0x0] =	vst v18;
	s26 =	sadd.s32 $0x800, s26;
	s28 =	smov.u32 s25;
	s25 =	sadd.s32 $0x40, s25  }
0x40f: {  	[tilespmem:s24+$0x10] =	vst v17  }
0x410: {  	v14 =	vld.idx.msk [tilespmem:v14+s12+$0x0], $0xffff  }
0x411: {  	v15 =	vld.idx.msk [tilespmem:v15+s12+$0x0], $0xffff;
	_ =	sdelay $0x3  }
0x412: {  	v17 =	vadd.s32 v4, v13  }
0x413: {  	v13 =	vadd.s32 v5, v13;
	v14 =	vmul.f32 v14, v6  }
0x414: {  	v15 =	vmul.f32 v15, v7  }
0x415: {  	[tilespmem:s24+$0x80] =	vst v14  }
0x416: {  	[tilespmem:s24+$0x90] =	vst v15  }
0x417: {  	v14 =	vld.idx.msk [tilespmem:v17+s12+$0x0], $0xffff  }
0x418: {  	v13 =	vld.idx.msk [tilespmem:v13+s12+$0x0], $0xffff;
	_ =	sdelay $0x2  }
0x419: {  	s28 =	sshra.s32 s28, $0x2;
	_ =	sdelay $0x1  }
0x41a: {  	v14 =	vmul.f32 v14, v6  }
0x41b: {  	v13 =	vmul.f32 v13, v7  }
0x41c: {  	[tilespmem:s24+$0x100] =	vst v14  }
0x41d: {  	[tilespmem:s24+$0x110] =	vst v13;
	v13 =	vadd.s32 v4, v8;
	v8 =	vadd.s32 v5, v8  }
0x41e: {  	v14 =	vld.idx.msk [tilespmem:v16+s12+$0x0], $0xffff  }
0x41f: {  	v12 =	vld.idx.msk [tilespmem:v12+s12+$0x0], $0xffff;
	_ =	sdelay $0x3  }
0x420: {  	v15 =	vadd.s32 v4, v11  }
0x421: {  	v11 =	vadd.s32 v5, v11;
	v14 =	vmul.f32 v14, v6  }
0x422: {  	v12 =	vmul.f32 v12, v7  }
0x423: {  	[tilespmem:s24+$0x180] =	vst v14  }
0x424: {  	[tilespmem:s24+$0x190] =	vst v12  }
0x425: {  	v12 =	vld.idx.msk [tilespmem:v15+s12+$0x0], $0xffff  }
0x426: {  	v11 =	vld.idx.msk [tilespmem:v11+s12+$0x0], $0xffff;
	_ =	sdelay $0x4  }
0x427: {  	v12 =	vmul.f32 v12, v6  }
0x428: {  	v11 =	vmul.f32 v11, v7  }
0x429: {  	[tilespmem:s24+$0x200] =	vst v12  }
0x42a: {  	[tilespmem:s24+$0x210] =	vst v11  }
0x42b: {  	v11 =	vld.idx.msk [tilespmem:v13+s12+$0x0], $0xffff  }
0x42c: {  	v8 =	vld.idx.msk [tilespmem:v8+s12+$0x0], $0xffff;
	_ =	sdelay $0x2  }
0x42d: {  	v12 =	vadd.s32 v5, v10;
	_ =	sdelay $0x1  }
0x42e: {  	v10 =	vadd.s32 v4, v10;
	v11 =	vmul.f32 v11, v6  }
0x42f: {  	v8 =	vmul.f32 v8, v7  }
0x430: {  	[tilespmem:s24+$0x280] =	vst v11  }
0x431: {  	[tilespmem:s24+$0x290] =	vst v8  }
0x432: {  	v8 =	vld.idx.msk [tilespmem:v12+s12+$0x0], $0xffff  }
0x433: {  	v10 =	vld.idx.msk [tilespmem:v10+s12+$0x0], $0xffff;
	_ =	sdelay $0x3  }
0x434: {  	v11 =	vadd.s32 v4, v9  }
0x435: {  	v9 =	vadd.s32 v5, v9;
	v8 =	vmul.f32 v8, v7  }
0x436: {  	v10 =	vmul.f32 v10, v6  }
0x437: {  	[tilespmem:s24+$0x310] =	vst v8  }
0x438: {  	[tilespmem:s24+$0x300] =	vst v10  }
0x439: {  	v8 =	vld.idx.msk [tilespmem:v11+s12+$0x0], $0xffff  }
0x43a: {  	v9 =	vld.idx.msk [tilespmem:v9+s12+$0x0], $0xffff;
	_ =	sdelay $0x4  }
0x43b: {  	v8 =	vmul.f32 v8, v6  }
0x43c: {  	v9 =	vmul.f32 v9, v7  }
0x43d: {  	[tilespmem:s24+$0x380] =	vst v8  }
0x43e: {  	[tilespmem:s24+$0x390] =	vst v9;
	s24 =	smov.u32 s26  }
0x43f: {  	v8 =	vld [tilespmem:s28+$0x19580];
	_ =	sdelay $0x4  }
0x440: {  	v14 =	vsub.s32 v8, v0  }
0x441: {  	v8 =	vbroadcast v14, $0x0;
	v9 =	vbroadcast v14, $0x4  }
0x442: {  	v10 =	vbroadcast v14, $0xA;
	v11 =	vbroadcast v14, $0xE  }
0x443: {  	v13 =	vbroadcast v14, $0x1;
	v15 =	vbroadcast v14, $0xB;
	v12 =	vshll.u32 v8, $0x3  }
0x444: {  	v16 =	vbroadcast v14, $0xC;
	v8 =	vand.u32 $0x7F, v8;
	v12 =	vand.u32 $0xFFFFFC00, v12  }
0x445: {  	v17 =	vbroadcast v14, $0xD;
	v8 =	vor.u32 v8, v12;
	v12 =	vshll.u32 v15, $0x3  }
0x446: {  	v15 =	vand.u32 $0x7F, v15;
	v18 =	vadd.s32 v5, v8;
	v12 =	vand.u32 $0xFFFFFC00, v12  }
0x447: {  	v19 =	vadd.s32 v4, v8;
	v12 =	vor.u32 v15, v12;
	v15 =	vshll.u32 v16, $0x3  }
0x448: {  	v20 =	vshll.u32 v11, $0x3;
	v8 =	vshll.u32 v17, $0x3;
	v16 =	vand.u32 $0x7F, v16  }
0x449: {  	v20 =	vand.u32 $0xFFFFFC00, v20;
	v17 =	vand.u32 $0x7F, v17;
	v8 =	vand.u32 $0xFFFFFC00, v8  }
0x44a: {  	v21 =	vshll.u32 v9, $0x3;
	v8 =	vor.u32 v17, v8;
	v17 =	vand.u32 $0x7F, v11  }
0x44b: {  	v9 =	vand.u32 $0x7F, v9;
	v21 =	vand.u32 $0xFFFFFC00, v21;
	v11 =	vld.idx.msk [tilespmem:v18+s12+$0x0], $0xffff;
	v18 =	vshll.u32 v13, $0x3  }
0x44c: {  	v9 =	vor.u32 v9, v21;
	v13 =	vand.u32 $0x7F, v13;
	v19 =	vld.idx.msk [tilespmem:v19+s12+$0x0], $0xffff;
	v18 =	vand.u32 $0xFFFFFC00, v18  }
0x44d: {  	v21 =	vadd.s32 v4, v9;
	v13 =	vor.u32 v13, v18;
	v18 =	vbroadcast v14, $0x2  }
0x44e: {  	v22 =	vbroadcast v14, $0x3;
	v24 =	vbroadcast v14, $0x9;
	v23 =	vadd.s32 v5, v9  }
0x44f: {  	v9 =	vadd.s32 v4, v13;
	v25 =	vand.u32 $0x7F, v18;
	v18 =	vshll.u32 v18, $0x3  }
0x450: {  	v26 =	vand.u32 $0x7F, v22;
	v13 =	vadd.s32 v5, v13;
	v18 =	vand.u32 $0xFFFFFC00, v18  }
0x451: {  	v22 =	vshll.u32 v22, $0x3;
	v11 =	vmul.f32 v11, v7;
	v18 =	vor.u32 v25, v18  }
0x452: {  	v22 =	vand.u32 $0xFFFFFC00, v22;
	v19 =	vmul.f32 v19, v6;
	v25 =	vbroadcast v14, $0x5  }
0x453: {  	v22 =	vor.u32 v26, v22;
	v26 =	vshll.u32 v24, $0x3;
	[tilespmem:s26+$0xFFFFFC10] =	vst v11;
	v11 =	vbroadcast v14, $0x6  }
0x454: {  	v27 =	vbroadcast v14, $0x7;
	v28 =	vshll.u32 v10, $0x3;
	[tilespmem:s26+$0xFFFFFC00] =	vst v19;
	v19 =	vshll.u32 v25, $0x3  }
0x455: {  	v25 =	vand.u32 $0x7F, v25;
	v9 =	vld.idx.msk [tilespmem:v9+s12+$0x0], $0xffff;
	v19 =	vand.u32 $0xFFFFFC00, v19;
	v29 =	vshll.u32 v11, $0x3  }
0x456: {  	v11 =	vand.u32 $0x7F, v11;
	v30 =	vld.idx.msk [tilespmem:v13+s12+$0x0], $0xffff;
	v13 =	vor.u32 v25, v19;
	v19 =	vand.u32 $0xFFFFFC00, v29  }
0x457: {  	v25 =	vadd.s32 v5, v13;
	v19 =	vor.u32 v11, v19;
	v11 =	vshll.u32 v27, $0x3  }
0x458: {  	v29 =	vadd.s32 v4, v13;
	v13 =	vand.u32 $0x7F, v27;
	v11 =	vand.u32 $0xFFFFFC00, v11  }
0x459: {  	v10 =	vand.u32 $0x7F, v10;
	v27 =	vor.u32 v13, v11;
	v11 =	vand.u32 $0xFFFFFC00, v28  }
0x45a: {  	v28 =	vadd.s32 v4, v18;
	v13 =	vor.u32 v10, v11;
	v10 =	vand.u32 $0xFFFFFC00, v15  }
0x45b: {  	v9 =	vmul.f32 v9, v6;
	v15 =	vadd.s32 v5, v18;
	v11 =	vor.u32 v16, v10  }
0x45c: {  	v16 =	vmul.f32 v30, v7;
	v10 =	vor.u32 v17, v20;
	v17 =	vbroadcast v14, $0xF  }
0x45d: {  	[tilespmem:s26+$0xFFFFFC80] =	vst v9  }
0x45e: {  	v9 =	vshll.u32 v17, $0x3;
	[tilespmem:s26+$0xFFFFFC90] =	vst v16  }
0x45f: {  	v17 =	vand.u32 $0x7F, v17;
	v9 =	vand.u32 $0xFFFFFC00, v9;
	v16 =	vld.idx.msk [tilespmem:v28+s12+$0x0], $0xffff  }
0x460: {  	v9 =	vor.u32 v17, v9;
	v15 =	vld.idx.msk [tilespmem:v15+s12+$0x0], $0xffff;
	_ =	sdelay $0x3  }
0x461: {  	v17 =	vadd.s32 v4, v22  }
0x462: {  	v18 =	vadd.s32 v5, v22;
	v16 =	vmul.f32 v16, v6  }
0x463: {  	v15 =	vmul.f32 v15, v7  }
0x464: {  	[tilespmem:s26+$0xFFFFFD00] =	vst v16  }
0x465: {  	[tilespmem:s26+$0xFFFFFD10] =	vst v15  }
0x466: {  	v15 =	vld.idx.msk [tilespmem:v17+s12+$0x0], $0xffff  }
0x467: {  	v16 =	vld.idx.msk [tilespmem:v18+s12+$0x0], $0xffff;
	_ =	sdelay $0x4  }
0x468: {  	v15 =	vmul.f32 v15, v6  }
0x469: {  	v14 =	vbroadcast v14, $0x8;
	v16 =	vmul.f32 v16, v7  }
0x46a: {  	[tilespmem:s26+$0xFFFFFD80] =	vst v15  }
0x46b: {  	v15 =	vshll.u32 v14, $0x3;
	[tilespmem:s26+$0xFFFFFD90] =	vst v16  }
0x46c: {  	v14 =	vand.u32 $0x7F, v14;
	v15 =	vand.u32 $0xFFFFFC00, v15;
	v16 =	vld.idx.msk [tilespmem:v21+s12+$0x0], $0xffff  }
0x46d: {  	v14 =	vor.u32 v14, v15;
	v17 =	vld.idx.msk [tilespmem:v23+s12+$0x0], $0xffff  }
0x46e: {  	v18 =	vadd.s32 v5, v14  }
0x46f: {  	v20 =	vadd.s32 v4, v14;
	_ =	sdelay $0x2  }
0x470: {  	v14 =	vmul.f32 v16, v6  }
0x471: {  	v15 =	vmul.f32 v17, v7  }
0x472: {  	[tilespmem:s26+$0xFFFFFE00] =	vst v14  }
0x473: {  	[tilespmem:s26+$0xFFFFFE10] =	vst v15  }
0x474: {  	v14 =	vand.u32 $0x7F, v24;
	v15 =	vand.u32 $0xFFFFFC00, v26;
	v16 =	vld.idx.msk [tilespmem:v29+s12+$0x0], $0xffff  }
0x475: {  	v15 =	vor.u32 v14, v15;
	v17 =	vld.idx.msk [tilespmem:v25+s12+$0x0], $0xffff  }
0x476: {  	v14 =	vadd.s32 v4, v15  }
0x477: {  	v15 =	vadd.s32 v5, v15;
	_ =	sdelay $0x1  }
0x478: {  	v21 =	vadd.s32 v4, v19  }
0x479: {  	v19 =	vadd.s32 v5, v19;
	v16 =	vmul.f32 v16, v6  }
0x47a: {  	v17 =	vmul.f32 v17, v7  }
0x47b: {  	[tilespmem:s26+$0xFFFFFE80] =	vst v16  }
0x47c: {  	[tilespmem:s26+$0xFFFFFE90] =	vst v17  }
0x47d: {  	v16 =	vld.idx.msk [tilespmem:v21+s12+$0x0], $0xffff  }
0x47e: {  	v17 =	vld.idx.msk [tilespmem:v19+s12+$0x0], $0xffff;
	_ =	sdelay $0x3  }
0x47f: {  	v19 =	vadd.s32 v4, v27  }
0x480: {  	v21 =	vadd.s32 v5, v27;
	v16 =	vmul.f32 v16, v6  }
0x481: {  	v17 =	vmul.f32 v17, v7  }
0x482: {  	[tilespmem:s26+$0xFFFFFF00] =	vst v16  }
0x483: {  	[tilespmem:s26+$0xFFFFFF10] =	vst v17  }
0x484: {  	v16 =	vld.idx.msk [tilespmem:v19+s12+$0x0], $0xffff  }
0x485: {  	v17 =	vld.idx.msk [tilespmem:v21+s12+$0x0], $0xffff;
	_ =	sdelay $0x4  }
0x486: {  	v16 =	vmul.f32 v16, v6  }
0x487: {  	v17 =	vmul.f32 v17, v7  }
0x488: {  	[tilespmem:s26+$0xFFFFFF80] =	vst v16  }
0x489: {  	[tilespmem:s26+$0xFFFFFF90] =	vst v17  }
0x48a: {  	v17 =	vld.idx.msk [tilespmem:v20+s12+$0x0], $0xffff  }
0x48b: {  	v19 =	vld.idx.msk [tilespmem:v18+s12+$0x0], $0xffff;
	_ =	sdelay $0x1  }
.Ltmp12:
0x48c: {  	(pc) =	sbr.rel @p0 .LBB2_18-.Ltmp12, $3  }
0x48d: {  	v16 =	vadd.s32 v4, v12;
	v12 =	vadd.s32 v5, v12;
	_ =	sdelay $0x1  }
0x48e: {  	v18 =	vmul.f32 v17, v6  }
0x48f: {  	v17 =	vmul.f32 v19, v7  }
0x490: {  	_ =	sdelay $0x1  }
0x491: {  	[tilespmem:s24+$0x0] =	vst v18  }
0x492: {  	[tilespmem:s24+$0x10] =	vst v17  }
0x493: {  	v14 =	vld.idx.msk [tilespmem:v14+s12+$0x0], $0xffff  }
0x494: {  	v15 =	vld.idx.msk [tilespmem:v15+s12+$0x0], $0xffff;
	_ =	sdelay $0x2  }
0x495: {  	v55 =	vadd.s32 v4, v13  }
0x496: {  	v56 =	vadd.s32 v5, v13;
	v14 =	vmul.f32 v14, v6  }
0x497: {  	v15 =	vmul.f32 v15, v7  }
0x498: {  	[tilespmem:s24+$0x80] =	vst v14  }
0x499: {  	[tilespmem:s24+$0x90] =	vst v15  }
0x49a: {  	v14 =	vld.idx.msk [tilespmem:v55+s12+$0x0], $0xffff  }
0x49b: {  	v13 =	vld.idx.msk [tilespmem:v56+s12+$0x0], $0xffff;
	_ =	sdelay $0x3  }
0x49c: {  	v14 =	vmul.f32 v14, v6  }
0x49d: {  	v13 =	vmul.f32 v13, v7  }
0x49e: {  	[tilespmem:s24+$0x100] =	vst v14  }
0x49f: {  	[tilespmem:s24+$0x110] =	vst v13  }
0x4a0: {  	v13 =	vld.idx.msk [tilespmem:v16+s12+$0x0], $0xffff  }
0x4a1: {  	v12 =	vld.idx.msk [tilespmem:v12+s12+$0x0], $0xffff;
	_ =	sdelay $0x2  }
0x4a2: {  	v57 =	vadd.s32 v4, v11  }
0x4a3: {  	v58 =	vadd.s32 v5, v11;
	v13 =	vmul.f32 v13, v6  }
0x4a4: {  	v12 =	vmul.f32 v12, v7  }
0x4a5: {  	[tilespmem:s24+$0x180] =	vst v13  }
0x4a6: {  	[tilespmem:s24+$0x190] =	vst v12  }
0x4a7: {  	v12 =	vld.idx.msk [tilespmem:v57+s12+$0x0], $0xffff  }
0x4a8: {  	v11 =	vld.idx.msk [tilespmem:v58+s12+$0x0], $0xffff;
	_ =	sdelay $0x2  }
0x4a9: {  	v59 =	vadd.s32 v4, v8  }
0x4aa: {  	v8 =	vadd.s32 v5, v8;
	v12 =	vmul.f32 v12, v6  }
0x4ab: {  	v11 =	vmul.f32 v11, v7  }
0x4ac: {  	[tilespmem:s24+$0x200] =	vst v12  }
0x4ad: {  	[tilespmem:s24+$0x210] =	vst v11  }
0x4ae: {  	v11 =	vld.idx.msk [tilespmem:v59+s12+$0x0], $0xffff  }
0x4af: {  	v8 =	vld.idx.msk [tilespmem:v8+s12+$0x0], $0xffff;
	_ =	sdelay $0x2  }
0x4b0: {  	v60 =	vadd.s32 v5, v10  }
0x4b1: {  	v61 =	vadd.s32 v4, v10;
	v11 =	vmul.f32 v11, v6  }
0x4b2: {  	v8 =	vmul.f32 v8, v7  }
0x4b3: {  	[tilespmem:s24+$0x280] =	vst v11  }
0x4b4: {  	[tilespmem:s24+$0x290] =	vst v8  }
0x4b5: {  	v8 =	vld.idx.msk [tilespmem:v60+s12+$0x0], $0xffff  }
0x4b6: {  	v10 =	vld.idx.msk [tilespmem:v61+s12+$0x0], $0xffff;
	_ =	sdelay $0x2  }
0x4b7: {  	v62 =	vadd.s32 v4, v9  }
0x4b8: {  	v63 =	vadd.s32 v5, v9;
	v8 =	vmul.f32 v8, v7  }
0x4b9: {  	v10 =	vmul.f32 v10, v6  }
0x4ba: {  	[tilespmem:s24+$0x310] =	vst v8  }
0x4bb: {  	[tilespmem:s24+$0x300] =	vst v10  }
0x4bc: {  	v8 =	vld.idx.msk [tilespmem:v62+s12+$0x0], $0xffff  }
0x4bd: {  	v9 =	vld.idx.msk [tilespmem:v63+s12+$0x0], $0xffff;
	_ =	sdelay $0x3  }
0x4be: {  	v8 =	vmul.f32 v8, v6  }
0x4bf: {  	v9 =	vmul.f32 v9, v7  }
0x4c0: {  	p0 =	slt.u32 s23, $0x201;
	[tilespmem:s24+$0x380] =	vst v8  }
.Ltmp13:
0x4c1: {  	[tilespmem:s24+$0x390] =	vst v9;
	(pc) =	sbr.rel @p0 .LBB2_26-.Ltmp13, $4  }
0x4c2: {  	[hbm4b:s5+s14] =	stream.indirect.scatter [tilespmem:s16], [sflag:$0x1], $0x80, s19, s14, $0xb8;
	[tilespmem:$0x1DF80] =	vst v63  }
0x4c3: {  	_ =	swait.ge [sflag:s13], $0x4000  }
0x4c4: {  	[sflag:s13] =	ssyncset.done $0x0  }
0x4c5: {  	[sflag:s13] =	ssyncadd.s32 $0xFFFFC000  }
0x4c6: {  	s24 =	simm.s32 $0x0  }
0x4c7: {  	v8 =	vld [tilespmem:s24+$0x19600];
	_ =	sdelay $0x4  }
0x4c8: {  	v9 =	vsub.s32 v8, v0  }
0x4c9: {  	v8 =	vbroadcast v9, $0x0;
	_ =	sdelay $0x1  }
0x4ca: {  	v10 =	vshll.u32 v8, $0x3  }
0x4cb: {  	v8 =	vand.u32 $0x7F, v8;
	v10 =	vand.u32 $0xFFFFFC00, v10  }
0x4cc: {  	v8 =	vor.u32 v8, v10  }
0x4cd: {  	v10 =	vadd.s32 v5, v8  }
0x4ce: {  	v8 =	vadd.s32 v4, v8;
	_ =	sdelay $0x2  }
0x4cf: {  	v11 =	vbroadcast v9, $0x1  }
0x4d0: {  	v10 =	vld.idx.msk [tilespmem:v10+s12+$0x0], $0xffff  }
0x4d1: {  	v12 =	vshll.u32 v11, $0x3;
	v8 =	vld.idx.msk [tilespmem:v8+s12+$0x0], $0xffff  }
0x4d2: {  	v11 =	vand.u32 $0x7F, v11;
	v12 =	vand.u32 $0xFFFFFC00, v12  }
0x4d3: {  	v11 =	vor.u32 v11, v12  }
0x4d4: {  	v12 =	vadd.s32 v4, v11  }
0x4d5: {  	v11 =	vadd.s32 v5, v11;
	v10 =	vmul.f32 v10, v7  }
0x4d6: {  	s24 =	simm.s32 $0x1A300;
	v8 =	vmul.f32 v8, v6  }
0x4d7: {  	[tilespmem:s24+$0xFFFFFC10] =	vst v10  }
0x4d8: {  	v10 =	vbroadcast v9, $0x2;
	[tilespmem:s24+$0xFFFFFC00] =	vst v8  }
0x4d9: {  	v8 =	vld.idx.msk [tilespmem:v12+s12+$0x0], $0xffff  }
0x4da: {  	v11 =	vld.idx.msk [tilespmem:v11+s12+$0x0], $0xffff;
	v12 =	vshll.u32 v10, $0x3  }
0x4db: {  	v10 =	vand.u32 $0x7F, v10;
	v12 =	vand.u32 $0xFFFFFC00, v12  }
0x4dc: {  	v10 =	vor.u32 v10, v12  }
0x4dd: {  	v12 =	vadd.s32 v4, v10  }
0x4de: {  	v10 =	vadd.s32 v5, v10;
	v8 =	vmul.f32 v8, v6  }
0x4df: {  	v11 =	vmul.f32 v11, v7  }
0x4e0: {  	[tilespmem:s24+$0xFFFFFC80] =	vst v8  }
0x4e1: {  	v8 =	vbroadcast v9, $0x3;
	[tilespmem:s24+$0xFFFFFC90] =	vst v11  }
0x4e2: {  	v11 =	vld.idx.msk [tilespmem:v12+s12+$0x0], $0xffff  }
0x4e3: {  	v12 =	vshll.u32 v8, $0x3;
	v10 =	vld.idx.msk [tilespmem:v10+s12+$0x0], $0xffff  }
0x4e4: {  	v8 =	vand.u32 $0x7F, v8;
	v12 =	vand.u32 $0xFFFFFC00, v12  }
0x4e5: {  	v8 =	vor.u32 v8, v12  }
0x4e6: {  	v12 =	vadd.s32 v4, v8  }
0x4e7: {  	v8 =	vadd.s32 v5, v8;
	v11 =	vmul.f32 v11, v6  }
0x4e8: {  	v10 =	vmul.f32 v10, v7  }
0x4e9: {  	[tilespmem:s24+$0xFFFFFD00] =	vst v11  }
0x4ea: {  	v11 =	vbroadcast v9, $0x4;
	[tilespmem:s24+$0xFFFFFD10] =	vst v10  }
0x4eb: {  	v10 =	vld.idx.msk [tilespmem:v12+s12+$0x0], $0xffff  }
0x4ec: {  	v8 =	vld.idx.msk [tilespmem:v8+s12+$0x0], $0xffff;
	v12 =	vshll.u32 v11, $0x3  }
0x4ed: {  	v11 =	vand.u32 $0x7F, v11;
	v12 =	vand.u32 $0xFFFFFC00, v12  }
0x4ee: {  	v11 =	vor.u32 v11, v12  }
0x4ef: {  	v12 =	vadd.s32 v4, v11  }
0x4f0: {  	v11 =	vadd.s32 v5, v11;
	v10 =	vmul.f32 v10, v6  }
0x4f1: {  	v8 =	vmul.f32 v8, v7  }
0x4f2: {  	[tilespmem:s24+$0xFFFFFD80] =	vst v10  }
0x4f3: {  	v10 =	vbroadcast v9, $0x5;
	[tilespmem:s24+$0xFFFFFD90] =	vst v8  }
0x4f4: {  	v8 =	vld.idx.msk [tilespmem:v12+s12+$0x0], $0xffff  }
0x4f5: {  	v12 =	vshll.u32 v10, $0x3;
	v11 =	vld.idx.msk [tilespmem:v11+s12+$0x0], $0xffff  }
0x4f6: {  	v10 =	vand.u32 $0x7F, v10;
	v12 =	vand.u32 $0xFFFFFC00, v12  }
0x4f7: {  	v10 =	vor.u32 v10, v12  }
0x4f8: {  	v12 =	vadd.s32 v4, v10  }
0x4f9: {  	v10 =	vadd.s32 v5, v10;
	v8 =	vmul.f32 v8, v6  }
0x4fa: {  	v11 =	vmul.f32 v11, v7  }
0x4fb: {  	[tilespmem:s24+$0xFFFFFE00] =	vst v8  }
0x4fc: {  	v8 =	vbroadcast v9, $0x6;
	[tilespmem:s24+$0xFFFFFE10] =	vst v11  }
0x4fd: {  	v11 =	vld.idx.msk [tilespmem:v12+s12+$0x0], $0xffff  }
0x4fe: {  	v10 =	vld.idx.msk [tilespmem:v10+s12+$0x0], $0xffff;
	v12 =	vshll.u32 v8, $0x3  }
0x4ff: {  	v8 =	vand.u32 $0x7F, v8;
	v12 =	vand.u32 $0xFFFFFC00, v12  }
0x500: {  	v8 =	vor.u32 v8, v12  }
0x501: {  	v12 =	vadd.s32 v4, v8  }
0x502: {  	v8 =	vadd.s32 v5, v8;
	v11 =	vmul.f32 v11, v6  }
0x503: {  	v10 =	vmul.f32 v10, v7  }
0x504: {  	[tilespmem:s24+$0xFFFFFE80] =	vst v11  }
0x505: {  	v11 =	vbroadcast v9, $0x7;
	[tilespmem:s24+$0xFFFFFE90] =	vst v10  }
0x506: {  	v10 =	vld.idx.msk [tilespmem:v12+s12+$0x0], $0xffff  }
0x507: {  	v12 =	vshll.u32 v11, $0x3;
	v8 =	vld.idx.msk [tilespmem:v8+s12+$0x0], $0xffff  }
0x508: {  	v11 =	vand.u32 $0x7F, v11;
	v12 =	vand.u32 $0xFFFFFC00, v12  }
0x509: {  	v11 =	vor.u32 v11, v12  }
0x50a: {  	v12 =	vadd.s32 v4, v11  }
0x50b: {  	v11 =	vadd.s32 v5, v11;
	v10 =	vmul.f32 v10, v6  }
0x50c: {  	v8 =	vmul.f32 v8, v7  }
0x50d: {  	v13 =	vbroadcast v9, $0xB;
	[tilespmem:s24+$0xFFFFFF00] =	vst v10  }
0x50e: {  	v14 =	vbroadcast v9, $0xA;
	v10 =	vbroadcast v9, $0x8;
	[tilespmem:s24+$0xFFFFFF10] =	vst v8  }
0x50f: {  	v16 =	vbroadcast v9, $0xD;
	v18 =	vbroadcast v9, $0xE;
	v12 =	vld.idx.msk [tilespmem:v12+s12+$0x0], $0xffff  }
0x510: {  	v15 =	vshll.u32 v13, $0x3;
	v13 =	vand.u32 $0x7F, v13;
	v11 =	vld.idx.msk [tilespmem:v11+s12+$0x0], $0xffff;
	v17 =	vshll.u32 v10, $0x3  }
0x511: {  	v20 =	vshll.u32 v18, $0x3;
	v10 =	vand.u32 $0x7F, v10;
	v17 =	vand.u32 $0xFFFFFC00, v17  }
0x512: {  	v15 =	vand.u32 $0xFFFFFC00, v15;
	v20 =	vand.u32 $0xFFFFFC00, v20;
	v10 =	vor.u32 v10, v17  }
0x513: {  	v19 =	vor.u32 v13, v15;
	v13 =	vshll.u32 v16, $0x3;
	v17 =	vadd.s32 v4, v10  }
0x514: {  	v8 =	vbroadcast v9, $0xC;
	v10 =	vadd.s32 v5, v10;
	v12 =	vmul.f32 v12, v6  }
0x515: {  	v16 =	vand.u32 $0x7F, v16;
	v13 =	vand.u32 $0xFFFFFC00, v13;
	v11 =	vmul.f32 v11, v7  }
0x516: {  	v15 =	vshll.u32 v8, $0x3;
	v21 =	vand.u32 $0x7F, v8;
	v8 =	vor.u32 v16, v13;
	[tilespmem:s24+$0xFFFFFF80] =	vst v12  }
0x517: {  	v16 =	vbroadcast v9, $0x9;
	v13 =	vshll.u32 v14, $0x3;
	v9 =	vbroadcast v9, $0xF;
	[tilespmem:s24+$0xFFFFFF90] =	vst v11  }
0x518: {  	v13 =	vand.u32 $0xFFFFFC00, v13;
	v12 =	vand.u32 $0x7F, v18;
	v11 =	vand.u32 $0x7F, v14;
	v17 =	vld.idx.msk [tilespmem:v17+s12+$0x0], $0xffff  }
0x519: {  	v14 =	vshll.u32 v16, $0x3;
	v16 =	vand.u32 $0x7F, v16;
	v13 =	vor.u32 v11, v13;
	v22 =	vld.idx.msk [tilespmem:v10+s12+$0x0], $0xffff  }
0x51a: {  	v11 =	vand.u32 $0xFFFFFC00, v15;
	v14 =	vand.u32 $0xFFFFFC00, v14;
	v10 =	vshll.u32 v9, $0x3  }
0x51b: {  	v11 =	vor.u32 v21, v11;
	v9 =	vand.u32 $0x7F, v9;
	v15 =	vand.u32 $0xFFFFFC00, v10  }
0x51c: {  	v10 =	vor.u32 v12, v20;
	v12 =	vor.u32 v16, v14;
	v16 =	vadd.s32 v4, v19  }
0x51d: {  	v9 =	vor.u32 v9, v15;
	v14 =	vadd.s32 v4, v12;
	v15 =	vadd.s32 v5, v12  }
0x51e: {  	s25 =	simm.s32 $0x40;
	s26 =	simm.s32 $0x1A300;
	v12 =	vadd.s32 v5, v19;
	v18 =	vmul.f32 v17, v6;
	v17 =	vmul.f32 v22, v7  }
.LBB2_21:
0x51f: {  	p0 =	sne.s32 s25, $0x1C0  }
0x520: {  	[tilespmem:s24+$0x0] =	vst v18;
	s26 =	sadd.s32 $0x800, s26;
	s28 =	smov.u32 s25;
	s25 =	sadd.s32 $0x40, s25  }
0x521: {  	[tilespmem:s24+$0x10] =	vst v17  }
0x522: {  	v14 =	vld.idx.msk [tilespmem:v14+s12+$0x0], $0xffff  }
0x523: {  	v15 =	vld.idx.msk [tilespmem:v15+s12+$0x0], $0xffff;
	_ =	sdelay $0x3  }
0x524: {  	v17 =	vadd.s32 v4, v13  }
0x525: {  	v13 =	vadd.s32 v5, v13;
	v14 =	vmul.f32 v14, v6  }
0x526: {  	v15 =	vmul.f32 v15, v7  }
0x527: {  	[tilespmem:s24+$0x80] =	vst v14  }
0x528: {  	[tilespmem:s24+$0x90] =	vst v15  }
0x529: {  	v14 =	vld.idx.msk [tilespmem:v17+s12+$0x0], $0xffff  }
0x52a: {  	v13 =	vld.idx.msk [tilespmem:v13+s12+$0x0], $0xffff;
	_ =	sdelay $0x2  }
0x52b: {  	s28 =	sshra.s32 s28, $0x2;
	_ =	sdelay $0x1  }
0x52c: {  	v14 =	vmul.f32 v14, v6  }
0x52d: {  	v13 =	vmul.f32 v13, v7  }
0x52e: {  	[tilespmem:s24+$0x100] =	vst v14  }
0x52f: {  	[tilespmem:s24+$0x110] =	vst v13;
	v13 =	vadd.s32 v4, v8;
	v8 =	vadd.s32 v5, v8  }
0x530: {  	v14 =	vld.idx.msk [tilespmem:v16+s12+$0x0], $0xffff  }
0x531: {  	v12 =	vld.idx.msk [tilespmem:v12+s12+$0x0], $0xffff;
	_ =	sdelay $0x3  }
0x532: {  	v15 =	vadd.s32 v4, v11  }
0x533: {  	v11 =	vadd.s32 v5, v11;
	v14 =	vmul.f32 v14, v6  }
0x534: {  	v12 =	vmul.f32 v12, v7  }
0x535: {  	[tilespmem:s24+$0x180] =	vst v14  }
0x536: {  	[tilespmem:s24+$0x190] =	vst v12  }
0x537: {  	v12 =	vld.idx.msk [tilespmem:v15+s12+$0x0], $0xffff  }
0x538: {  	v11 =	vld.idx.msk [tilespmem:v11+s12+$0x0], $0xffff;
	_ =	sdelay $0x4  }
0x539: {  	v12 =	vmul.f32 v12, v6  }
0x53a: {  	v11 =	vmul.f32 v11, v7  }
0x53b: {  	[tilespmem:s24+$0x200] =	vst v12  }
0x53c: {  	[tilespmem:s24+$0x210] =	vst v11  }
0x53d: {  	v11 =	vld.idx.msk [tilespmem:v13+s12+$0x0], $0xffff  }
0x53e: {  	v8 =	vld.idx.msk [tilespmem:v8+s12+$0x0], $0xffff;
	_ =	sdelay $0x2  }
0x53f: {  	v12 =	vadd.s32 v5, v10;
	_ =	sdelay $0x1  }
0x540: {  	v10 =	vadd.s32 v4, v10;
	v11 =	vmul.f32 v11, v6  }
0x541: {  	v8 =	vmul.f32 v8, v7  }
0x542: {  	[tilespmem:s24+$0x280] =	vst v11  }
0x543: {  	[tilespmem:s24+$0x290] =	vst v8  }
0x544: {  	v8 =	vld.idx.msk [tilespmem:v12+s12+$0x0], $0xffff  }
0x545: {  	v10 =	vld.idx.msk [tilespmem:v10+s12+$0x0], $0xffff;
	_ =	sdelay $0x3  }
0x546: {  	v11 =	vadd.s32 v4, v9  }
0x547: {  	v9 =	vadd.s32 v5, v9;
	v8 =	vmul.f32 v8, v7  }
0x548: {  	v10 =	vmul.f32 v10, v6  }
0x549: {  	[tilespmem:s24+$0x310] =	vst v8  }
0x54a: {  	[tilespmem:s24+$0x300] =	vst v10  }
0x54b: {  	v8 =	vld.idx.msk [tilespmem:v11+s12+$0x0], $0xffff  }
0x54c: {  	v9 =	vld.idx.msk [tilespmem:v9+s12+$0x0], $0xffff;
	_ =	sdelay $0x4  }
0x54d: {  	v8 =	vmul.f32 v8, v6  }
0x54e: {  	v9 =	vmul.f32 v9, v7  }
0x54f: {  	[tilespmem:s24+$0x380] =	vst v8  }
0x550: {  	[tilespmem:s24+$0x390] =	vst v9;
	s24 =	smov.u32 s26  }
0x551: {  	v8 =	vld [tilespmem:s28+$0x19600];
	_ =	sdelay $0x4  }
0x552: {  	v14 =	vsub.s32 v8, v0  }
0x553: {  	v8 =	vbroadcast v14, $0x0;
	v9 =	vbroadcast v14, $0x4  }
0x554: {  	v10 =	vbroadcast v14, $0xA;
	v11 =	vbroadcast v14, $0xE  }
0x555: {  	v13 =	vbroadcast v14, $0x1;
	v15 =	vbroadcast v14, $0xB;
	v12 =	vshll.u32 v8, $0x3  }
0x556: {  	v16 =	vbroadcast v14, $0xC;
	v8 =	vand.u32 $0x7F, v8;
	v12 =	vand.u32 $0xFFFFFC00, v12  }
0x557: {  	v17 =	vbroadcast v14, $0xD;
	v8 =	vor.u32 v8, v12;
	v12 =	vshll.u32 v15, $0x3  }
0x558: {  	v15 =	vand.u32 $0x7F, v15;
	v18 =	vadd.s32 v5, v8;
	v12 =	vand.u32 $0xFFFFFC00, v12  }
0x559: {  	v19 =	vadd.s32 v4, v8;
	v12 =	vor.u32 v15, v12;
	v15 =	vshll.u32 v16, $0x3  }
0x55a: {  	v20 =	vshll.u32 v11, $0x3;
	v8 =	vshll.u32 v17, $0x3;
	v16 =	vand.u32 $0x7F, v16  }
0x55b: {  	v20 =	vand.u32 $0xFFFFFC00, v20;
	v17 =	vand.u32 $0x7F, v17;
	v8 =	vand.u32 $0xFFFFFC00, v8  }
0x55c: {  	v21 =	vshll.u32 v9, $0x3;
	v8 =	vor.u32 v17, v8;
	v17 =	vand.u32 $0x7F, v11  }
0x55d: {  	v9 =	vand.u32 $0x7F, v9;
	v21 =	vand.u32 $0xFFFFFC00, v21;
	v11 =	vld.idx.msk [tilespmem:v18+s12+$0x0], $0xffff;
	v18 =	vshll.u32 v13, $0x3  }
0x55e: {  	v9 =	vor.u32 v9, v21;
	v13 =	vand.u32 $0x7F, v13;
	v19 =	vld.idx.msk [tilespmem:v19+s12+$0x0], $0xffff;
	v18 =	vand.u32 $0xFFFFFC00, v18  }
0x55f: {  	v21 =	vadd.s32 v4, v9;
	v13 =	vor.u32 v13, v18;
	v18 =	vbroadcast v14, $0x2  }
0x560: {  	v22 =	vbroadcast v14, $0x3;
	v24 =	vbroadcast v14, $0x9;
	v23 =	vadd.s32 v5, v9  }
0x561: {  	v9 =	vadd.s32 v4, v13;
	v25 =	vand.u32 $0x7F, v18;
	v18 =	vshll.u32 v18, $0x3  }
0x562: {  	v26 =	vand.u32 $0x7F, v22;
	v13 =	vadd.s32 v5, v13;
	v18 =	vand.u32 $0xFFFFFC00, v18  }
0x563: {  	v22 =	vshll.u32 v22, $0x3;
	v11 =	vmul.f32 v11, v7;
	v18 =	vor.u32 v25, v18  }
0x564: {  	v22 =	vand.u32 $0xFFFFFC00, v22;
	v19 =	vmul.f32 v19, v6;
	v25 =	vbroadcast v14, $0x5  }
0x565: {  	v22 =	vor.u32 v26, v22;
	v26 =	vshll.u32 v24, $0x3;
	[tilespmem:s26+$0xFFFFFC10] =	vst v11;
	v11 =	vbroadcast v14, $0x6  }
0x566: {  	v27 =	vbroadcast v14, $0x7;
	v28 =	vshll.u32 v10, $0x3;
	[tilespmem:s26+$0xFFFFFC00] =	vst v19;
	v19 =	vshll.u32 v25, $0x3  }
0x567: {  	v25 =	vand.u32 $0x7F, v25;
	v9 =	vld.idx.msk [tilespmem:v9+s12+$0x0], $0xffff;
	v19 =	vand.u32 $0xFFFFFC00, v19;
	v29 =	vshll.u32 v11, $0x3  }
0x568: {  	v11 =	vand.u32 $0x7F, v11;
	v30 =	vld.idx.msk [tilespmem:v13+s12+$0x0], $0xffff;
	v13 =	vor.u32 v25, v19;
	v19 =	vand.u32 $0xFFFFFC00, v29  }
0x569: {  	v25 =	vadd.s32 v5, v13;
	v19 =	vor.u32 v11, v19;
	v11 =	vshll.u32 v27, $0x3  }
0x56a: {  	v29 =	vadd.s32 v4, v13;
	v13 =	vand.u32 $0x7F, v27;
	v11 =	vand.u32 $0xFFFFFC00, v11  }
0x56b: {  	v10 =	vand.u32 $0x7F, v10;
	v27 =	vor.u32 v13, v11;
	v11 =	vand.u32 $0xFFFFFC00, v28  }
0x56c: {  	v28 =	vadd.s32 v4, v18;
	v13 =	vor.u32 v10, v11;
	v10 =	vand.u32 $0xFFFFFC00, v15  }
0x56d: {  	v9 =	vmul.f32 v9, v6;
	v15 =	vadd.s32 v5, v18;
	v11 =	vor.u32 v16, v10  }
0x56e: {  	v16 =	vmul.f32 v30, v7;
	v10 =	vor.u32 v17, v20;
	v17 =	vbroadcast v14, $0xF  }
0x56f: {  	[tilespmem:s26+$0xFFFFFC80] =	vst v9  }
0x570: {  	v9 =	vshll.u32 v17, $0x3;
	[tilespmem:s26+$0xFFFFFC90] =	vst v16  }
0x571: {  	v17 =	vand.u32 $0x7F, v17;
	v9 =	vand.u32 $0xFFFFFC00, v9;
	v16 =	vld.idx.msk [tilespmem:v28+s12+$0x0], $0xffff  }
0x572: {  	v9 =	vor.u32 v17, v9;
	v15 =	vld.idx.msk [tilespmem:v15+s12+$0x0], $0xffff;
	_ =	sdelay $0x3  }
0x573: {  	v17 =	vadd.s32 v4, v22  }
0x574: {  	v18 =	vadd.s32 v5, v22;
	v16 =	vmul.f32 v16, v6  }
0x575: {  	v15 =	vmul.f32 v15, v7  }
0x576: {  	[tilespmem:s26+$0xFFFFFD00] =	vst v16  }
0x577: {  	[tilespmem:s26+$0xFFFFFD10] =	vst v15  }
0x578: {  	v15 =	vld.idx.msk [tilespmem:v17+s12+$0x0], $0xffff  }
0x579: {  	v16 =	vld.idx.msk [tilespmem:v18+s12+$0x0], $0xffff;
	_ =	sdelay $0x4  }
0x57a: {  	v15 =	vmul.f32 v15, v6  }
0x57b: {  	v14 =	vbroadcast v14, $0x8;
	v16 =	vmul.f32 v16, v7  }
0x57c: {  	[tilespmem:s26+$0xFFFFFD80] =	vst v15  }
0x57d: {  	v15 =	vshll.u32 v14, $0x3;
	[tilespmem:s26+$0xFFFFFD90] =	vst v16  }
0x57e: {  	v14 =	vand.u32 $0x7F, v14;
	v15 =	vand.u32 $0xFFFFFC00, v15;
	v16 =	vld.idx.msk [tilespmem:v21+s12+$0x0], $0xffff  }
0x57f: {  	v14 =	vor.u32 v14, v15;
	v17 =	vld.idx.msk [tilespmem:v23+s12+$0x0], $0xffff  }
0x580: {  	v18 =	vadd.s32 v5, v14  }
0x581: {  	v20 =	vadd.s32 v4, v14;
	_ =	sdelay $0x2  }
0x582: {  	v14 =	vmul.f32 v16, v6  }
0x583: {  	v15 =	vmul.f32 v17, v7  }
0x584: {  	[tilespmem:s26+$0xFFFFFE00] =	vst v14  }
0x585: {  	[tilespmem:s26+$0xFFFFFE10] =	vst v15  }
0x586: {  	v14 =	vand.u32 $0x7F, v24;
	v15 =	vand.u32 $0xFFFFFC00, v26;
	v16 =	vld.idx.msk [tilespmem:v29+s12+$0x0], $0xffff  }
0x587: {  	v15 =	vor.u32 v14, v15;
	v17 =	vld.idx.msk [tilespmem:v25+s12+$0x0], $0xffff  }
0x588: {  	v14 =	vadd.s32 v4, v15  }
0x589: {  	v15 =	vadd.s32 v5, v15;
	_ =	sdelay $0x1  }
0x58a: {  	v21 =	vadd.s32 v4, v19  }
0x58b: {  	v19 =	vadd.s32 v5, v19;
	v16 =	vmul.f32 v16, v6  }
0x58c: {  	v17 =	vmul.f32 v17, v7  }
0x58d: {  	[tilespmem:s26+$0xFFFFFE80] =	vst v16  }
0x58e: {  	[tilespmem:s26+$0xFFFFFE90] =	vst v17  }
0x58f: {  	v16 =	vld.idx.msk [tilespmem:v21+s12+$0x0], $0xffff  }
0x590: {  	v17 =	vld.idx.msk [tilespmem:v19+s12+$0x0], $0xffff;
	_ =	sdelay $0x3  }
0x591: {  	v19 =	vadd.s32 v4, v27  }
0x592: {  	v21 =	vadd.s32 v5, v27;
	v16 =	vmul.f32 v16, v6  }
0x593: {  	v17 =	vmul.f32 v17, v7  }
0x594: {  	[tilespmem:s26+$0xFFFFFF00] =	vst v16  }
0x595: {  	[tilespmem:s26+$0xFFFFFF10] =	vst v17  }
0x596: {  	v16 =	vld.idx.msk [tilespmem:v19+s12+$0x0], $0xffff  }
0x597: {  	v17 =	vld.idx.msk [tilespmem:v21+s12+$0x0], $0xffff;
	_ =	sdelay $0x4  }
0x598: {  	v16 =	vmul.f32 v16, v6  }
0x599: {  	v17 =	vmul.f32 v17, v7  }
0x59a: {  	[tilespmem:s26+$0xFFFFFF80] =	vst v16  }
0x59b: {  	[tilespmem:s26+$0xFFFFFF90] =	vst v17  }
0x59c: {  	v17 =	vld.idx.msk [tilespmem:v20+s12+$0x0], $0xffff  }
0x59d: {  	v19 =	vld.idx.msk [tilespmem:v18+s12+$0x0], $0xffff;
	_ =	sdelay $0x1  }
.Ltmp14:
0x59e: {  	(pc) =	sbr.rel @p0 .LBB2_21-.Ltmp14, $3  }
0x59f: {  	v16 =	vadd.s32 v4, v12;
	v12 =	vadd.s32 v5, v12;
	_ =	sdelay $0x1  }
0x5a0: {  	v18 =	vmul.f32 v17, v6  }
0x5a1: {  	v17 =	vmul.f32 v19, v7  }
0x5a2: {  	_ =	sdelay $0x1  }
0x5a3: {  	[tilespmem:s24+$0x0] =	vst v18  }
0x5a4: {  	[tilespmem:s24+$0x10] =	vst v17  }
0x5a5: {  	v14 =	vld.idx.msk [tilespmem:v14+s12+$0x0], $0xffff  }
0x5a6: {  	v15 =	vld.idx.msk [tilespmem:v15+s12+$0x0], $0xffff;
	_ =	sdelay $0x2  }
0x5a7: {  	v55 =	vadd.s32 v4, v13  }
0x5a8: {  	v56 =	vadd.s32 v5, v13;
	v14 =	vmul.f32 v14, v6  }
0x5a9: {  	v15 =	vmul.f32 v15, v7  }
0x5aa: {  	[tilespmem:s24+$0x80] =	vst v14  }
0x5ab: {  	[tilespmem:s24+$0x90] =	vst v15  }
0x5ac: {  	v14 =	vld.idx.msk [tilespmem:v55+s12+$0x0], $0xffff  }
0x5ad: {  	v13 =	vld.idx.msk [tilespmem:v56+s12+$0x0], $0xffff;
	_ =	sdelay $0x3  }
0x5ae: {  	v14 =	vmul.f32 v14, v6  }
0x5af: {  	v13 =	vmul.f32 v13, v7  }
0x5b0: {  	[tilespmem:s24+$0x100] =	vst v14  }
0x5b1: {  	[tilespmem:s24+$0x110] =	vst v13  }
0x5b2: {  	v13 =	vld.idx.msk [tilespmem:v16+s12+$0x0], $0xffff  }
0x5b3: {  	v12 =	vld.idx.msk [tilespmem:v12+s12+$0x0], $0xffff;
	_ =	sdelay $0x2  }
0x5b4: {  	v57 =	vadd.s32 v4, v11  }
0x5b5: {  	v58 =	vadd.s32 v5, v11;
	v13 =	vmul.f32 v13, v6  }
0x5b6: {  	v12 =	vmul.f32 v12, v7  }
0x5b7: {  	[tilespmem:s24+$0x180] =	vst v13  }
0x5b8: {  	[tilespmem:s24+$0x190] =	vst v12  }
0x5b9: {  	v12 =	vld.idx.msk [tilespmem:v57+s12+$0x0], $0xffff  }
0x5ba: {  	v11 =	vld.idx.msk [tilespmem:v58+s12+$0x0], $0xffff;
	_ =	sdelay $0x2  }
0x5bb: {  	v59 =	vadd.s32 v4, v8  }
0x5bc: {  	v8 =	vadd.s32 v5, v8;
	v12 =	vmul.f32 v12, v6  }
0x5bd: {  	v11 =	vmul.f32 v11, v7  }
0x5be: {  	[tilespmem:s24+$0x200] =	vst v12  }
0x5bf: {  	[tilespmem:s24+$0x210] =	vst v11  }
0x5c0: {  	v11 =	vld.idx.msk [tilespmem:v59+s12+$0x0], $0xffff  }
0x5c1: {  	v8 =	vld.idx.msk [tilespmem:v8+s12+$0x0], $0xffff;
	_ =	sdelay $0x2  }
0x5c2: {  	v60 =	vadd.s32 v5, v10  }
0x5c3: {  	v61 =	vadd.s32 v4, v10;
	v11 =	vmul.f32 v11, v6  }
0x5c4: {  	v8 =	vmul.f32 v8, v7  }
0x5c5: {  	[tilespmem:s24+$0x280] =	vst v11  }
0x5c6: {  	[tilespmem:s24+$0x290] =	vst v8  }
0x5c7: {  	v8 =	vld.idx.msk [tilespmem:v60+s12+$0x0], $0xffff  }
0x5c8: {  	v10 =	vld.idx.msk [tilespmem:v61+s12+$0x0], $0xffff;
	_ =	sdelay $0x2  }
0x5c9: {  	v62 =	vadd.s32 v4, v9  }
0x5ca: {  	v63 =	vadd.s32 v5, v9;
	v8 =	vmul.f32 v8, v7  }
0x5cb: {  	v10 =	vmul.f32 v10, v6  }
0x5cc: {  	[tilespmem:s24+$0x310] =	vst v8  }
0x5cd: {  	[tilespmem:s24+$0x300] =	vst v10  }
0x5ce: {  	v8 =	vld.idx.msk [tilespmem:v62+s12+$0x0], $0xffff  }
0x5cf: {  	v9 =	vld.idx.msk [tilespmem:v63+s12+$0x0], $0xffff;
	_ =	sdelay $0x3  }
0x5d0: {  	v8 =	vmul.f32 v8, v6  }
0x5d1: {  	v9 =	vmul.f32 v9, v7  }
0x5d2: {  	p0 =	slt.u32 s23, $0x281;
	[tilespmem:s24+$0x380] =	vst v8  }
.Ltmp15:
0x5d3: {  	[tilespmem:s24+$0x390] =	vst v9;
	(pc) =	sbr.rel @p0 .LBB2_26-.Ltmp15, $4  }
0x5d4: {  	[hbm4b:s5+s14] =	stream.indirect.scatter [tilespmem:s16], [sflag:$0x1], $0x80, s20, s14, $0xb8;
	[tilespmem:$0x1DF80] =	vst v63  }
0x5d5: {  	_ =	swait.ge [sflag:s13], $0x4000  }
0x5d6: {  	[sflag:s13] =	ssyncset.done $0x0  }
0x5d7: {  	[sflag:s13] =	ssyncadd.s32 $0xFFFFC000  }
0x5d8: {  	s23 =	simm.s32 $0x0  }
0x5d9: {  	v8 =	vld [tilespmem:s23+$0x19680];
	_ =	sdelay $0x4  }
0x5da: {  	v9 =	vsub.s32 v8, v0  }
0x5db: {  	v8 =	vbroadcast v9, $0x0;
	_ =	sdelay $0x1  }
0x5dc: {  	v10 =	vshll.u32 v8, $0x3  }
0x5dd: {  	v8 =	vand.u32 $0x7F, v8;
	v10 =	vand.u32 $0xFFFFFC00, v10  }
0x5de: {  	v8 =	vor.u32 v8, v10  }
0x5df: {  	v10 =	vadd.s32 v5, v8  }
0x5e0: {  	v8 =	vadd.s32 v4, v8;
	_ =	sdelay $0x2  }
0x5e1: {  	v11 =	vbroadcast v9, $0x1  }
0x5e2: {  	v10 =	vld.idx.msk [tilespmem:v10+s12+$0x0], $0xffff  }
0x5e3: {  	v12 =	vshll.u32 v11, $0x3;
	v8 =	vld.idx.msk [tilespmem:v8+s12+$0x0], $0xffff  }
0x5e4: {  	v11 =	vand.u32 $0x7F, v11;
	v12 =	vand.u32 $0xFFFFFC00, v12  }
0x5e5: {  	v11 =	vor.u32 v11, v12  }
0x5e6: {  	v12 =	vadd.s32 v4, v11  }
0x5e7: {  	v11 =	vadd.s32 v5, v11;
	v10 =	vmul.f32 v10, v7  }
0x5e8: {  	s23 =	simm.s32 $0x1A300;
	v8 =	vmul.f32 v8, v6  }
0x5e9: {  	[tilespmem:s23+$0xFFFFFC10] =	vst v10  }
0x5ea: {  	v10 =	vbroadcast v9, $0x2;
	[tilespmem:s23+$0xFFFFFC00] =	vst v8  }
0x5eb: {  	v8 =	vld.idx.msk [tilespmem:v12+s12+$0x0], $0xffff  }
0x5ec: {  	v11 =	vld.idx.msk [tilespmem:v11+s12+$0x0], $0xffff;
	v12 =	vshll.u32 v10, $0x3  }
0x5ed: {  	v10 =	vand.u32 $0x7F, v10;
	v12 =	vand.u32 $0xFFFFFC00, v12  }
0x5ee: {  	v10 =	vor.u32 v10, v12  }
0x5ef: {  	v12 =	vadd.s32 v4, v10  }
0x5f0: {  	v10 =	vadd.s32 v5, v10;
	v8 =	vmul.f32 v8, v6  }
0x5f1: {  	v11 =	vmul.f32 v11, v7  }
0x5f2: {  	[tilespmem:s23+$0xFFFFFC80] =	vst v8  }
0x5f3: {  	v8 =	vbroadcast v9, $0x3;
	[tilespmem:s23+$0xFFFFFC90] =	vst v11  }
0x5f4: {  	v11 =	vld.idx.msk [tilespmem:v12+s12+$0x0], $0xffff  }
0x5f5: {  	v12 =	vshll.u32 v8, $0x3;
	v10 =	vld.idx.msk [tilespmem:v10+s12+$0x0], $0xffff  }
0x5f6: {  	v8 =	vand.u32 $0x7F, v8;
	v12 =	vand.u32 $0xFFFFFC00, v12  }
0x5f7: {  	v8 =	vor.u32 v8, v12  }
0x5f8: {  	v12 =	vadd.s32 v4, v8  }
0x5f9: {  	v8 =	vadd.s32 v5, v8;
	v11 =	vmul.f32 v11, v6  }
0x5fa: {  	v10 =	vmul.f32 v10, v7  }
0x5fb: {  	[tilespmem:s23+$0xFFFFFD00] =	vst v11  }
0x5fc: {  	v11 =	vbroadcast v9, $0x4;
	[tilespmem:s23+$0xFFFFFD10] =	vst v10  }
0x5fd: {  	v10 =	vld.idx.msk [tilespmem:v12+s12+$0x0], $0xffff  }
0x5fe: {  	v8 =	vld.idx.msk [tilespmem:v8+s12+$0x0], $0xffff;
	v12 =	vshll.u32 v11, $0x3  }
0x5ff: {  	v11 =	vand.u32 $0x7F, v11;
	v12 =	vand.u32 $0xFFFFFC00, v12  }
0x600: {  	v11 =	vor.u32 v11, v12  }
0x601: {  	v12 =	vadd.s32 v4, v11  }
0x602: {  	v11 =	vadd.s32 v5, v11;
	v10 =	vmul.f32 v10, v6  }
0x603: {  	v8 =	vmul.f32 v8, v7  }
0x604: {  	[tilespmem:s23+$0xFFFFFD80] =	vst v10  }
0x605: {  	v10 =	vbroadcast v9, $0x5;
	[tilespmem:s23+$0xFFFFFD90] =	vst v8  }
0x606: {  	v8 =	vld.idx.msk [tilespmem:v12+s12+$0x0], $0xffff  }
0x607: {  	v12 =	vshll.u32 v10, $0x3;
	v11 =	vld.idx.msk [tilespmem:v11+s12+$0x0], $0xffff  }
0x608: {  	v10 =	vand.u32 $0x7F, v10;
	v12 =	vand.u32 $0xFFFFFC00, v12  }
0x609: {  	v10 =	vor.u32 v10, v12  }
0x60a: {  	v12 =	vadd.s32 v4, v10  }
0x60b: {  	v10 =	vadd.s32 v5, v10;
	v8 =	vmul.f32 v8, v6  }
0x60c: {  	v11 =	vmul.f32 v11, v7  }
0x60d: {  	[tilespmem:s23+$0xFFFFFE00] =	vst v8  }
0x60e: {  	v8 =	vbroadcast v9, $0x6;
	[tilespmem:s23+$0xFFFFFE10] =	vst v11  }
0x60f: {  	v11 =	vld.idx.msk [tilespmem:v12+s12+$0x0], $0xffff  }
0x610: {  	v10 =	vld.idx.msk [tilespmem:v10+s12+$0x0], $0xffff;
	v12 =	vshll.u32 v8, $0x3  }
0x611: {  	v8 =	vand.u32 $0x7F, v8;
	v12 =	vand.u32 $0xFFFFFC00, v12  }
0x612: {  	v8 =	vor.u32 v8, v12  }
0x613: {  	v12 =	vadd.s32 v4, v8  }
0x614: {  	v8 =	vadd.s32 v5, v8;
	v11 =	vmul.f32 v11, v6  }
0x615: {  	v10 =	vmul.f32 v10, v7  }
0x616: {  	[tilespmem:s23+$0xFFFFFE80] =	vst v11  }
0x617: {  	v11 =	vbroadcast v9, $0x7;
	[tilespmem:s23+$0xFFFFFE90] =	vst v10  }
0x618: {  	v10 =	vld.idx.msk [tilespmem:v12+s12+$0x0], $0xffff  }
0x619: {  	v12 =	vshll.u32 v11, $0x3;
	v8 =	vld.idx.msk [tilespmem:v8+s12+$0x0], $0xffff  }
0x61a: {  	v11 =	vand.u32 $0x7F, v11;
	v12 =	vand.u32 $0xFFFFFC00, v12  }
0x61b: {  	v11 =	vor.u32 v11, v12  }
0x61c: {  	v12 =	vadd.s32 v4, v11  }
0x61d: {  	v11 =	vadd.s32 v5, v11;
	v10 =	vmul.f32 v10, v6  }
0x61e: {  	v8 =	vmul.f32 v8, v7  }
0x61f: {  	v13 =	vbroadcast v9, $0xB;
	[tilespmem:s23+$0xFFFFFF00] =	vst v10  }
0x620: {  	v14 =	vbroadcast v9, $0xA;
	v10 =	vbroadcast v9, $0x8;
	[tilespmem:s23+$0xFFFFFF10] =	vst v8  }
0x621: {  	v16 =	vbroadcast v9, $0xD;
	v18 =	vbroadcast v9, $0xE;
	v12 =	vld.idx.msk [tilespmem:v12+s12+$0x0], $0xffff  }
0x622: {  	v15 =	vshll.u32 v13, $0x3;
	v13 =	vand.u32 $0x7F, v13;
	v11 =	vld.idx.msk [tilespmem:v11+s12+$0x0], $0xffff;
	v17 =	vshll.u32 v10, $0x3  }
0x623: {  	v20 =	vshll.u32 v18, $0x3;
	v10 =	vand.u32 $0x7F, v10;
	v17 =	vand.u32 $0xFFFFFC00, v17  }
0x624: {  	v15 =	vand.u32 $0xFFFFFC00, v15;
	v20 =	vand.u32 $0xFFFFFC00, v20;
	v10 =	vor.u32 v10, v17  }
0x625: {  	v19 =	vor.u32 v13, v15;
	v13 =	vshll.u32 v16, $0x3;
	v17 =	vadd.s32 v4, v10  }
0x626: {  	v8 =	vbroadcast v9, $0xC;
	v10 =	vadd.s32 v5, v10;
	v12 =	vmul.f32 v12, v6  }
0x627: {  	v16 =	vand.u32 $0x7F, v16;
	v13 =	vand.u32 $0xFFFFFC00, v13;
	v11 =	vmul.f32 v11, v7  }
0x628: {  	v15 =	vshll.u32 v8, $0x3;
	v21 =	vand.u32 $0x7F, v8;
	v8 =	vor.u32 v16, v13;
	[tilespmem:s23+$0xFFFFFF80] =	vst v12  }
0x629: {  	v16 =	vbroadcast v9, $0x9;
	v13 =	vshll.u32 v14, $0x3;
	v9 =	vbroadcast v9, $0xF;
	[tilespmem:s23+$0xFFFFFF90] =	vst v11  }
0x62a: {  	v13 =	vand.u32 $0xFFFFFC00, v13;
	v12 =	vand.u32 $0x7F, v18;
	v11 =	vand.u32 $0x7F, v14;
	v17 =	vld.idx.msk [tilespmem:v17+s12+$0x0], $0xffff  }
0x62b: {  	v14 =	vshll.u32 v16, $0x3;
	v16 =	vand.u32 $0x7F, v16;
	v13 =	vor.u32 v11, v13;
	v22 =	vld.idx.msk [tilespmem:v10+s12+$0x0], $0xffff  }
0x62c: {  	v11 =	vand.u32 $0xFFFFFC00, v15;
	v14 =	vand.u32 $0xFFFFFC00, v14;
	v10 =	vshll.u32 v9, $0x3  }
0x62d: {  	v11 =	vor.u32 v21, v11;
	v9 =	vand.u32 $0x7F, v9;
	v15 =	vand.u32 $0xFFFFFC00, v10  }
0x62e: {  	v10 =	vor.u32 v12, v20;
	v12 =	vor.u32 v16, v14;
	v16 =	vadd.s32 v4, v19  }
0x62f: {  	v9 =	vor.u32 v9, v15;
	v14 =	vadd.s32 v4, v12;
	v15 =	vadd.s32 v5, v12  }
0x630: {  	s24 =	simm.s32 $0x40;
	s25 =	simm.s32 $0x1A300;
	v12 =	vadd.s32 v5, v19;
	v18 =	vmul.f32 v17, v6;
	v17 =	vmul.f32 v22, v7  }
.LBB2_24:
0x631: {  	p0 =	sne.s32 s24, $0x1C0  }
0x632: {  	[tilespmem:s23+$0x0] =	vst v18;
	s25 =	sadd.s32 $0x800, s25;
	s26 =	smov.u32 s24;
	s24 =	sadd.s32 $0x40, s24  }
0x633: {  	[tilespmem:s23+$0x10] =	vst v17  }
0x634: {  	v14 =	vld.idx.msk [tilespmem:v14+s12+$0x0], $0xffff  }
0x635: {  	v15 =	vld.idx.msk [tilespmem:v15+s12+$0x0], $0xffff;
	_ =	sdelay $0x3  }
0x636: {  	v17 =	vadd.s32 v4, v13  }
0x637: {  	v13 =	vadd.s32 v5, v13;
	v14 =	vmul.f32 v14, v6  }
0x638: {  	v15 =	vmul.f32 v15, v7  }
0x639: {  	[tilespmem:s23+$0x80] =	vst v14  }
0x63a: {  	[tilespmem:s23+$0x90] =	vst v15  }
0x63b: {  	v14 =	vld.idx.msk [tilespmem:v17+s12+$0x0], $0xffff  }
0x63c: {  	v13 =	vld.idx.msk [tilespmem:v13+s12+$0x0], $0xffff;
	_ =	sdelay $0x2  }
0x63d: {  	s26 =	sshra.s32 s26, $0x2;
	_ =	sdelay $0x1  }
0x63e: {  	v14 =	vmul.f32 v14, v6  }
0x63f: {  	v13 =	vmul.f32 v13, v7  }
0x640: {  	[tilespmem:s23+$0x100] =	vst v14  }
0x641: {  	[tilespmem:s23+$0x110] =	vst v13;
	v13 =	vadd.s32 v4, v8;
	v8 =	vadd.s32 v5, v8  }
0x642: {  	v14 =	vld.idx.msk [tilespmem:v16+s12+$0x0], $0xffff  }
0x643: {  	v12 =	vld.idx.msk [tilespmem:v12+s12+$0x0], $0xffff;
	_ =	sdelay $0x3  }
0x644: {  	v15 =	vadd.s32 v4, v11  }
0x645: {  	v11 =	vadd.s32 v5, v11;
	v14 =	vmul.f32 v14, v6  }
0x646: {  	v12 =	vmul.f32 v12, v7  }
0x647: {  	[tilespmem:s23+$0x180] =	vst v14  }
0x648: {  	[tilespmem:s23+$0x190] =	vst v12  }
0x649: {  	v12 =	vld.idx.msk [tilespmem:v15+s12+$0x0], $0xffff  }
0x64a: {  	v11 =	vld.idx.msk [tilespmem:v11+s12+$0x0], $0xffff;
	_ =	sdelay $0x4  }
0x64b: {  	v12 =	vmul.f32 v12, v6  }
0x64c: {  	v11 =	vmul.f32 v11, v7  }
0x64d: {  	[tilespmem:s23+$0x200] =	vst v12  }
0x64e: {  	[tilespmem:s23+$0x210] =	vst v11  }
0x64f: {  	v11 =	vld.idx.msk [tilespmem:v13+s12+$0x0], $0xffff  }
0x650: {  	v8 =	vld.idx.msk [tilespmem:v8+s12+$0x0], $0xffff;
	_ =	sdelay $0x2  }
0x651: {  	v12 =	vadd.s32 v5, v10;
	_ =	sdelay $0x1  }
0x652: {  	v10 =	vadd.s32 v4, v10;
	v11 =	vmul.f32 v11, v6  }
0x653: {  	v8 =	vmul.f32 v8, v7  }
0x654: {  	[tilespmem:s23+$0x280] =	vst v11  }
0x655: {  	[tilespmem:s23+$0x290] =	vst v8  }
0x656: {  	v8 =	vld.idx.msk [tilespmem:v12+s12+$0x0], $0xffff  }
0x657: {  	v10 =	vld.idx.msk [tilespmem:v10+s12+$0x0], $0xffff;
	_ =	sdelay $0x3  }
0x658: {  	v11 =	vadd.s32 v4, v9  }
0x659: {  	v9 =	vadd.s32 v5, v9;
	v8 =	vmul.f32 v8, v7  }
0x65a: {  	v10 =	vmul.f32 v10, v6  }
0x65b: {  	[tilespmem:s23+$0x310] =	vst v8  }
0x65c: {  	[tilespmem:s23+$0x300] =	vst v10  }
0x65d: {  	v8 =	vld.idx.msk [tilespmem:v11+s12+$0x0], $0xffff  }
0x65e: {  	v9 =	vld.idx.msk [tilespmem:v9+s12+$0x0], $0xffff;
	_ =	sdelay $0x4  }
0x65f: {  	v8 =	vmul.f32 v8, v6  }
0x660: {  	v9 =	vmul.f32 v9, v7  }
0x661: {  	[tilespmem:s23+$0x380] =	vst v8  }
0x662: {  	[tilespmem:s23+$0x390] =	vst v9;
	s23 =	smov.u32 s25  }
0x663: {  	v8 =	vld [tilespmem:s26+$0x19680];
	_ =	sdelay $0x4  }
0x664: {  	v14 =	vsub.s32 v8, v0  }
0x665: {  	v8 =	vbroadcast v14, $0x0;
	v9 =	vbroadcast v14, $0x4  }
0x666: {  	v10 =	vbroadcast v14, $0xA;
	v11 =	vbroadcast v14, $0xE  }
0x667: {  	v13 =	vbroadcast v14, $0x1;
	v15 =	vbroadcast v14, $0xB;
	v12 =	vshll.u32 v8, $0x3  }
0x668: {  	v16 =	vbroadcast v14, $0xC;
	v8 =	vand.u32 $0x7F, v8;
	v12 =	vand.u32 $0xFFFFFC00, v12  }
0x669: {  	v17 =	vbroadcast v14, $0xD;
	v8 =	vor.u32 v8, v12;
	v12 =	vshll.u32 v15, $0x3  }
0x66a: {  	v15 =	vand.u32 $0x7F, v15;
	v18 =	vadd.s32 v5, v8;
	v12 =	vand.u32 $0xFFFFFC00, v12  }
0x66b: {  	v19 =	vadd.s32 v4, v8;
	v12 =	vor.u32 v15, v12;
	v15 =	vshll.u32 v16, $0x3  }
0x66c: {  	v20 =	vshll.u32 v11, $0x3;
	v8 =	vshll.u32 v17, $0x3;
	v16 =	vand.u32 $0x7F, v16  }
0x66d: {  	v20 =	vand.u32 $0xFFFFFC00, v20;
	v17 =	vand.u32 $0x7F, v17;
	v8 =	vand.u32 $0xFFFFFC00, v8  }
0x66e: {  	v21 =	vshll.u32 v9, $0x3;
	v8 =	vor.u32 v17, v8;
	v17 =	vand.u32 $0x7F, v11  }
0x66f: {  	v9 =	vand.u32 $0x7F, v9;
	v21 =	vand.u32 $0xFFFFFC00, v21;
	v11 =	vld.idx.msk [tilespmem:v18+s12+$0x0], $0xffff;
	v18 =	vshll.u32 v13, $0x3  }
0x670: {  	v9 =	vor.u32 v9, v21;
	v13 =	vand.u32 $0x7F, v13;
	v19 =	vld.idx.msk [tilespmem:v19+s12+$0x0], $0xffff;
	v18 =	vand.u32 $0xFFFFFC00, v18  }
0x671: {  	v21 =	vadd.s32 v4, v9;
	v13 =	vor.u32 v13, v18;
	v18 =	vbroadcast v14, $0x2  }
0x672: {  	v22 =	vbroadcast v14, $0x3;
	v24 =	vbroadcast v14, $0x9;
	v23 =	vadd.s32 v5, v9  }
0x673: {  	v9 =	vadd.s32 v4, v13;
	v25 =	vand.u32 $0x7F, v18;
	v18 =	vshll.u32 v18, $0x3  }
0x674: {  	v26 =	vand.u32 $0x7F, v22;
	v13 =	vadd.s32 v5, v13;
	v18 =	vand.u32 $0xFFFFFC00, v18  }
0x675: {  	v22 =	vshll.u32 v22, $0x3;
	v11 =	vmul.f32 v11, v7;
	v18 =	vor.u32 v25, v18  }
0x676: {  	v22 =	vand.u32 $0xFFFFFC00, v22;
	v19 =	vmul.f32 v19, v6;
	v25 =	vbroadcast v14, $0x5  }
0x677: {  	v22 =	vor.u32 v26, v22;
	v26 =	vshll.u32 v24, $0x3;
	[tilespmem:s25+$0xFFFFFC10] =	vst v11;
	v11 =	vbroadcast v14, $0x6  }
0x678: {  	v27 =	vbroadcast v14, $0x7;
	v28 =	vshll.u32 v10, $0x3;
	[tilespmem:s25+$0xFFFFFC00] =	vst v19;
	v19 =	vshll.u32 v25, $0x3  }
0x679: {  	v25 =	vand.u32 $0x7F, v25;
	v9 =	vld.idx.msk [tilespmem:v9+s12+$0x0], $0xffff;
	v19 =	vand.u32 $0xFFFFFC00, v19;
	v29 =	vshll.u32 v11, $0x3  }
0x67a: {  	v11 =	vand.u32 $0x7F, v11;
	v30 =	vld.idx.msk [tilespmem:v13+s12+$0x0], $0xffff;
	v13 =	vor.u32 v25, v19;
	v19 =	vand.u32 $0xFFFFFC00, v29  }
0x67b: {  	v25 =	vadd.s32 v5, v13;
	v19 =	vor.u32 v11, v19;
	v11 =	vshll.u32 v27, $0x3  }
0x67c: {  	v29 =	vadd.s32 v4, v13;
	v13 =	vand.u32 $0x7F, v27;
	v11 =	vand.u32 $0xFFFFFC00, v11  }
0x67d: {  	v10 =	vand.u32 $0x7F, v10;
	v27 =	vor.u32 v13, v11;
	v11 =	vand.u32 $0xFFFFFC00, v28  }
0x67e: {  	v28 =	vadd.s32 v4, v18;
	v13 =	vor.u32 v10, v11;
	v10 =	vand.u32 $0xFFFFFC00, v15  }
0x67f: {  	v9 =	vmul.f32 v9, v6;
	v15 =	vadd.s32 v5, v18;
	v11 =	vor.u32 v16, v10  }
0x680: {  	v16 =	vmul.f32 v30, v7;
	v10 =	vor.u32 v17, v20;
	v17 =	vbroadcast v14, $0xF  }
0x681: {  	[tilespmem:s25+$0xFFFFFC80] =	vst v9  }
0x682: {  	v9 =	vshll.u32 v17, $0x3;
	[tilespmem:s25+$0xFFFFFC90] =	vst v16  }
0x683: {  	v17 =	vand.u32 $0x7F, v17;
	v9 =	vand.u32 $0xFFFFFC00, v9;
	v16 =	vld.idx.msk [tilespmem:v28+s12+$0x0], $0xffff  }
0x684: {  	v9 =	vor.u32 v17, v9;
	v15 =	vld.idx.msk [tilespmem:v15+s12+$0x0], $0xffff;
	_ =	sdelay $0x3  }
0x685: {  	v17 =	vadd.s32 v4, v22  }
0x686: {  	v18 =	vadd.s32 v5, v22;
	v16 =	vmul.f32 v16, v6  }
0x687: {  	v15 =	vmul.f32 v15, v7  }
0x688: {  	[tilespmem:s25+$0xFFFFFD00] =	vst v16  }
0x689: {  	[tilespmem:s25+$0xFFFFFD10] =	vst v15  }
0x68a: {  	v15 =	vld.idx.msk [tilespmem:v17+s12+$0x0], $0xffff  }
0x68b: {  	v16 =	vld.idx.msk [tilespmem:v18+s12+$0x0], $0xffff;
	_ =	sdelay $0x4  }
0x68c: {  	v15 =	vmul.f32 v15, v6  }
0x68d: {  	v14 =	vbroadcast v14, $0x8;
	v16 =	vmul.f32 v16, v7  }
0x68e: {  	[tilespmem:s25+$0xFFFFFD80] =	vst v15  }
0x68f: {  	v15 =	vshll.u32 v14, $0x3;
	[tilespmem:s25+$0xFFFFFD90] =	vst v16  }
0x690: {  	v14 =	vand.u32 $0x7F, v14;
	v15 =	vand.u32 $0xFFFFFC00, v15;
	v16 =	vld.idx.msk [tilespmem:v21+s12+$0x0], $0xffff  }
0x691: {  	v14 =	vor.u32 v14, v15;
	v17 =	vld.idx.msk [tilespmem:v23+s12+$0x0], $0xffff  }
0x692: {  	v18 =	vadd.s32 v5, v14  }
0x693: {  	v20 =	vadd.s32 v4, v14;
	_ =	sdelay $0x2  }
0x694: {  	v14 =	vmul.f32 v16, v6  }
0x695: {  	v15 =	vmul.f32 v17, v7  }
0x696: {  	[tilespmem:s25+$0xFFFFFE00] =	vst v14  }
0x697: {  	[tilespmem:s25+$0xFFFFFE10] =	vst v15  }
0x698: {  	v14 =	vand.u32 $0x7F, v24;
	v15 =	vand.u32 $0xFFFFFC00, v26;
	v16 =	vld.idx.msk [tilespmem:v29+s12+$0x0], $0xffff  }
0x699: {  	v15 =	vor.u32 v14, v15;
	v17 =	vld.idx.msk [tilespmem:v25+s12+$0x0], $0xffff  }
0x69a: {  	v14 =	vadd.s32 v4, v15  }
0x69b: {  	v15 =	vadd.s32 v5, v15;
	_ =	sdelay $0x1  }
0x69c: {  	v21 =	vadd.s32 v4, v19  }
0x69d: {  	v19 =	vadd.s32 v5, v19;
	v16 =	vmul.f32 v16, v6  }
0x69e: {  	v17 =	vmul.f32 v17, v7  }
0x69f: {  	[tilespmem:s25+$0xFFFFFE80] =	vst v16  }
0x6a0: {  	[tilespmem:s25+$0xFFFFFE90] =	vst v17  }
0x6a1: {  	v16 =	vld.idx.msk [tilespmem:v21+s12+$0x0], $0xffff  }
0x6a2: {  	v17 =	vld.idx.msk [tilespmem:v19+s12+$0x0], $0xffff;
	_ =	sdelay $0x3  }
0x6a3: {  	v19 =	vadd.s32 v4, v27  }
0x6a4: {  	v21 =	vadd.s32 v5, v27;
	v16 =	vmul.f32 v16, v6  }
0x6a5: {  	v17 =	vmul.f32 v17, v7  }
0x6a6: {  	[tilespmem:s25+$0xFFFFFF00] =	vst v16  }
0x6a7: {  	[tilespmem:s25+$0xFFFFFF10] =	vst v17  }
0x6a8: {  	v16 =	vld.idx.msk [tilespmem:v19+s12+$0x0], $0xffff  }
0x6a9: {  	v17 =	vld.idx.msk [tilespmem:v21+s12+$0x0], $0xffff;
	_ =	sdelay $0x4  }
0x6aa: {  	v16 =	vmul.f32 v16, v6  }
0x6ab: {  	v17 =	vmul.f32 v17, v7  }
0x6ac: {  	[tilespmem:s25+$0xFFFFFF80] =	vst v16  }
0x6ad: {  	[tilespmem:s25+$0xFFFFFF90] =	vst v17  }
0x6ae: {  	v17 =	vld.idx.msk [tilespmem:v20+s12+$0x0], $0xffff  }
0x6af: {  	v19 =	vld.idx.msk [tilespmem:v18+s12+$0x0], $0xffff;
	_ =	sdelay $0x1  }
.Ltmp16:
0x6b0: {  	(pc) =	sbr.rel @p0 .LBB2_24-.Ltmp16, $3  }
0x6b1: {  	v16 =	vadd.s32 v4, v12;
	v12 =	vadd.s32 v5, v12;
	_ =	sdelay $0x1  }
0x6b2: {  	v18 =	vmul.f32 v17, v6  }
0x6b3: {  	v17 =	vmul.f32 v19, v7  }
0x6b4: {  	_ =	sdelay $0x1  }
0x6b5: {  	[tilespmem:s23+$0x0] =	vst v18  }
0x6b6: {  	[tilespmem:s23+$0x10] =	vst v17  }
0x6b7: {  	v14 =	vld.idx.msk [tilespmem:v14+s12+$0x0], $0xffff  }
0x6b8: {  	v15 =	vld.idx.msk [tilespmem:v15+s12+$0x0], $0xffff;
	_ =	sdelay $0x2  }
0x6b9: {  	v54 =	vadd.s32 v4, v13  }
0x6ba: {  	v55 =	vadd.s32 v5, v13;
	v14 =	vmul.f32 v14, v6  }
0x6bb: {  	v15 =	vmul.f32 v15, v7  }
0x6bc: {  	[tilespmem:s23+$0x80] =	vst v14  }
0x6bd: {  	[tilespmem:s23+$0x90] =	vst v15  }
0x6be: {  	v14 =	vld.idx.msk [tilespmem:v54+s12+$0x0], $0xffff  }
0x6bf: {  	v13 =	vld.idx.msk [tilespmem:v55+s12+$0x0], $0xffff;
	_ =	sdelay $0x3  }
0x6c0: {  	v14 =	vmul.f32 v14, v6  }
0x6c1: {  	v13 =	vmul.f32 v13, v7  }
0x6c2: {  	[tilespmem:s23+$0x100] =	vst v14  }
0x6c3: {  	[tilespmem:s23+$0x110] =	vst v13  }
0x6c4: {  	v13 =	vld.idx.msk [tilespmem:v16+s12+$0x0], $0xffff  }
0x6c5: {  	v12 =	vld.idx.msk [tilespmem:v12+s12+$0x0], $0xffff;
	_ =	sdelay $0x2  }
0x6c6: {  	v56 =	vadd.s32 v4, v11  }
0x6c7: {  	v57 =	vadd.s32 v5, v11;
	v13 =	vmul.f32 v13, v6  }
0x6c8: {  	v12 =	vmul.f32 v12, v7  }
0x6c9: {  	[tilespmem:s23+$0x180] =	vst v13  }
0x6ca: {  	[tilespmem:s23+$0x190] =	vst v12  }
0x6cb: {  	v12 =	vld.idx.msk [tilespmem:v56+s12+$0x0], $0xffff  }
0x6cc: {  	v11 =	vld.idx.msk [tilespmem:v57+s12+$0x0], $0xffff;
	_ =	sdelay $0x2  }
0x6cd: {  	v58 =	vadd.s32 v4, v8  }
0x6ce: {  	v59 =	vadd.s32 v5, v8;
	v12 =	vmul.f32 v12, v6  }
0x6cf: {  	v11 =	vmul.f32 v11, v7  }
0x6d0: {  	[tilespmem:s23+$0x200] =	vst v12  }
0x6d1: {  	[tilespmem:s23+$0x210] =	vst v11  }
0x6d2: {  	v11 =	vld.idx.msk [tilespmem:v58+s12+$0x0], $0xffff  }
0x6d3: {  	v8 =	vld.idx.msk [tilespmem:v59+s12+$0x0], $0xffff;
	_ =	sdelay $0x2  }
0x6d4: {  	v60 =	vadd.s32 v5, v10  }
0x6d5: {  	v61 =	vadd.s32 v4, v10;
	v11 =	vmul.f32 v11, v6  }
0x6d6: {  	v8 =	vmul.f32 v8, v7  }
0x6d7: {  	[tilespmem:s23+$0x280] =	vst v11  }
0x6d8: {  	[tilespmem:s23+$0x290] =	vst v8  }
0x6d9: {  	v8 =	vld.idx.msk [tilespmem:v60+s12+$0x0], $0xffff  }
0x6da: {  	v10 =	vld.idx.msk [tilespmem:v61+s12+$0x0], $0xffff;
	_ =	sdelay $0x2  }
0x6db: {  	v62 =	vadd.s32 v4, v9  }
0x6dc: {  	v63 =	vadd.s32 v5, v9;
	v8 =	vmul.f32 v8, v7  }
0x6dd: {  	v10 =	vmul.f32 v10, v6  }
0x6de: {  	[tilespmem:s23+$0x310] =	vst v8  }
0x6df: {  	[tilespmem:s23+$0x300] =	vst v10  }
0x6e0: {  	v8 =	vld.idx.msk [tilespmem:v62+s12+$0x0], $0xffff  }
0x6e1: {  	v9 =	vld.idx.msk [tilespmem:v63+s12+$0x0], $0xffff;
	_ =	sdelay $0x3  }
0x6e2: {  	v6 =	vmul.f32 v8, v6  }
0x6e3: {  	v7 =	vmul.f32 v9, v7  }
0x6e4: {  	[tilespmem:s23+$0x380] =	vst v6  }
.Ltmp17:
0x6e5: {  	[tilespmem:s23+$0x390] =	vst v7;
	(pc) =	sbr.rel .LBB2_26-.Ltmp17, $4  }
0x6e6: {  	[hbm4b:s5+s14] =	stream.indirect.scatter [tilespmem:s16], [sflag:$0x1], $0x80, s21, s14, $0xb8;
	[tilespmem:$0x1DF80] =	vst v63  }
0x6e7: {  	_ =	swait.ge [sflag:s13], $0x4000  }
0x6e8: {  	[sflag:s13] =	ssyncset.done $0x0  }
0x6e9: {  	[sflag:s13] =	ssyncadd.s32 $0xFFFFC000  }
.LBB2_27:
0x6ea: {  	_ =	sfence.sel $0x180000  }
0x6eb: {  	[bflag:$0x0] =	sbarrier.arrive $0xFFFF  }
0x6ec: {  	p0 =	sne.s32 s0, $0x0;
	_ =	strace $0x90000047  }
0x6ed: {  	s0 =	sadd.s32 @!p0 $0x100000, s3;
	[bflag:$0x2] =	sbarrier.arrive $0xFFFF  }
0x6ee: {  	[sflag:s0] =	ssyncadd.tile.s32 @!p0 $0x1;
	_ =	shalt  }
.Lfunc_end2:
_tile_overlayer_lowered:
.L_overlay_start_2:
0x6ef: {  	(tag) =	ssettag $0x2  }
0x6f0: {  	s0 =	rddreg [dreg:$0x0];
	s2 =	stileid.u32  }
0x6f1: {  	s1 =	rddreg [dreg:$0x1];
	p0 =	sne.s32 s2, $0x0  }
0x6f2: {  	s3 =	rddreg [dreg:$0x2];
	[bflag:$0x3] =	sbarrier.arrive $0xFFFF;
	s2 =	simm.s32 @!p0 $0x1C02  }
0x6f3: {  	[timem:s3], [sflag:s2] =	dma.local @!p0 [hbm:s0], s1  }
0x6f4: {  	s0 =	simm.s32 @!p0 $0x2  }
0x6f5: {  	_ =	swait.ge @!p0 [sflag:s0], s1  }
0x6f6: {  	s1 =	ssub.s32 @!p0 $0x0, s1;
	[sflag:s0] =	ssyncset.done @!p0 $0x0  }
0x6f7: {  	[sflag:s0] =	ssyncadd.s32 @!p0 s1  }
0x6f8: {  	[bflag:$0x3] =	sbarrier.arrive $0xFFFF  }
0x6f9: {  	_ =	shalt  }

// kernel: _gmf.7.cloned.1.call-start
scs
__scs_entry_jumppad:
0x0: {  	(pc) =	sbr.rel $0x88, $3  }
0x1: {  	(tag) =	ssettag $0x0;
	lr =	simm.s32 $0x1  }
0x2: {  	[smem:$0x3F9B] =	sst lr;
	_ =	strace $0xD0000000  }
0x3: {  	_ = 	snop  }
0x4: {  	_ = 	snop  }
0x5: {  	_ = 	snop  }
0x6: {  	_ = 	snop  }
0x7: {  	_ = 	snop  }
__scs_overlays_trampoline_lowered:
0x8: {  	[smem:$0x3FAA] =	sst s0  }
0x9: {  	[smem:$0x3FAB] =	sst s1  }
0xa: {  	[smem:$0x3FAC] =	sst s2  }
0xb: {  	[smem:$0x3FAD] =	sst s3  }
0xc: {  	[smem:$0x3FAE] =	sst s4  }
0xd: {  	[smem:$0x3FAF] =	sst s5  }
0xe: {  	[smem:$0x3FB0] =	sst s6  }
0xf: {  	[smem:$0x3FB1] =	sst s7  }
0x10: {  	[smem:$0x3FB2] =	sst s8  }
0x11: {  	[smem:$0x3FB3] =	sst s9;
	s0 =	simm.s32 @!p0 $0x0  }
0x12: {  	s1 =	sld [smem:$0x3F99];
	s0 =	simm.s32 @p0 $0x1  }
0x13: {  	[smem:$0x3FB4] =	sst s0;
	s0 =	simm.s32 @!p1 $0x0  }
0x14: {  	s2 =	sld [smem:$0x3F98];
	s0 =	simm.s32 @p1 $0x1  }
0x15: {  	[smem:$0x3FB5] =	sst s0;
	s0 =	simm.s32 @!p2 $0x0  }
0x16: {  	s3 =	sld [smem:$0x3FDB];
	s0 =	simm.s32 @p2 $0x1  }
0x17: {  	s4 =	simm.s32 $0x1BF5;
	[smem:$0x3FB7] =	sst s0  }
0x18: {  	s0 =	sld [smem:$0x3F9A];
	_ =	swait.ge [sflag:s4], $0x0  }
0x19: {  	s7 =	sld [smem:$0x3F9B]  }
0x1a: {  	s8 =	sadd.s32 $0xFFFFE003, lr  }
0x1b: {  	s9 =	sadd.s32 $0xFFFFFEF7, lr;
	s5 =	simm.s32 $0xFFFFFFFF;
	p2 =	slt.u32 s8, $0xFFFFF086  }
0x1c: {  	p1 =	slt.u32 s9, $0xF7A;
	s5 =	simm.s32 @!p2 $0x0  }
0x1d: {  	s5 =	simm.s32 @p1 $0x1;
	p0 =	seq.s32 s7, s2  }
0x1e: {  	s7 =	smul.u32 @!p0 $0xF7A, s2;
	p2 =	seq.s32 @!p0 s5, $0x0  }
0x1f: {  	s9 =	smul.u32 $0xF7A, s1;
	s8 =	simm.s32 @!p0 $0x1BF5;
	p2 =	por !p2, p0  }
0x20: {  	[sflag:s8] =	ssyncset.s32 @!p0 $0xFFFFF086;
	s6 =	sadd.s32 @!p0 s3, s7;
	s7 =	simm.s32 @!p0 $0x108  }
0x21: {  	s3 =	sadd.s32 s3, s9;
	s6 =	sadd.s32 @!p0 $0x88, s6;
	s7 =	simm.s32 @p2 $0x1082  }
0x22: {  	[simem:s7], [sflag:s8] =	dma.local @!p0 [hbm:s6], $0xF7A  }
0x23: {  	s9 =	sor.u32 $0xD0000000, s2;
	s6 =	simm.s32 $0x108;
	_ =	swait.ge @!p0 [sflag:s8], $0x0  }
0x24: {  	s3 =	sadd.s32 $0x88, s3;
	s6 =	simm.s32 @!p1 $0x1082;
	[sflag:s4] =	ssyncset.s32 $0xFFFFF086  }
0x25: {  	[simem:s6], [sflag:s4] =	dma.local [hbm:s3], $0xF7A  }
0x26: {  	[smem:$0x3F9B] =	sst s1;
	(tag) =	ssettag s2;
	_ =	strace s9  }
0x27: {  	s1 =	sld [smem:$0x3FAB]  }
0x28: {  	s2 =	sld [smem:$0x3FAC]  }
0x29: {  	s4 =	sld [smem:$0x3FAE]  }
0x2a: {  	p0 =	seq.s32 s5, $0x0;
	s5 =	sld [smem:$0x3FAF]  }
0x2b: {  	s6 =	sld [smem:$0x3FB0]  }
0x2c: {  	s7 =	sld [smem:$0x3FB1]  }
0x2d: {  	s3 =	simm.s32 $0x108;
	s8 =	sld [smem:$0x3FB2]  }
0x2e: {  	s3 =	simm.s32 @!p0 $0x1082;
	s9 =	sld [smem:$0x3FB3]  }
0x2f: {  	lr =	sadd.s32 s0, s3;
	s0 =	sld [smem:$0x3FAA]  }
0x30: {  	s3 =	sld [smem:$0x3FAD]  }
0x31: {  	[smem:$0x3FB6] =	sst s10  }
0x32: {  	s10 =	sld [smem:$0x3FB4];
	_ =	sdelay $0x3  }
0x33: {  	p0 =	seq.s32 s10, $0x1;
	s10 =	sld [smem:$0x3FB6];
	_ =	sdelay $0x3  }
0x34: {  	[smem:$0x3FB6] =	sst s10  }
0x35: {  	s10 =	sld [smem:$0x3FB5];
	_ =	sdelay $0x3  }
0x36: {  	p1 =	seq.s32 s10, $0x1;
	s10 =	sld [smem:$0x3FB6];
	_ =	sdelay $0x3  }
0x37: {  	[smem:$0x3FB6] =	sst s10  }
0x38: {  	s10 =	sld [smem:$0x3FB7]  }
0x39: {  	_ = 	snop;
	(pc) =	sbr.ind lr, $3  }
0x3a: {  	_ = 	snop  }
0x3b: {  	_ = 	snop  }
0x3c: {  	p2 =	seq.s32 s10, $0x1;
	s10 =	sld [smem:$0x3FB6]  }
0x3d: {  	_ =	shalt  }
0x3e: {  	_ =	shalt  }
0x3f: {  	_ =	shalt  }
0x40: {  	_ =	shalt  }
0x41: {  	_ =	shalt  }
0x42: {  	_ =	shalt  }
0x43: {  	_ =	shalt  }
0x44: {  	_ =	shalt  }
0x45: {  	_ =	shalt  }
0x46: {  	_ =	shalt  }
0x47: {  	_ =	shalt  }
0x48: {  	_ =	shalt  }
0x49: {  	_ =	shalt  }
0x4a: {  	_ =	shalt  }
0x4b: {  	_ =	shalt  }
0x4c: {  	_ =	shalt  }
0x4d: {  	_ =	shalt  }
0x4e: {  	_ =	shalt  }
0x4f: {  	_ =	shalt  }
0x50: {  	_ =	shalt  }
0x51: {  	_ =	shalt  }
0x52: {  	_ =	shalt  }
0x53: {  	_ =	shalt  }
0x54: {  	_ =	shalt  }
0x55: {  	_ =	shalt  }
0x56: {  	_ =	shalt  }
0x57: {  	_ =	shalt  }
0x58: {  	_ =	shalt  }
0x59: {  	_ =	shalt  }
0x5a: {  	_ =	shalt  }
0x5b: {  	_ =	shalt  }
0x5c: {  	_ =	shalt  }
0x5d: {  	_ =	shalt  }
0x5e: {  	_ =	shalt  }
0x5f: {  	_ =	shalt  }
0x60: {  	_ =	shalt  }
0x61: {  	_ =	shalt  }
0x62: {  	_ =	shalt  }
0x63: {  	_ =	shalt  }
0x64: {  	_ =	shalt  }
0x65: {  	_ =	shalt  }
0x66: {  	_ =	shalt  }
0x67: {  	_ =	shalt  }
0x68: {  	_ =	shalt  }
0x69: {  	_ =	shalt  }
0x6a: {  	_ =	shalt  }
0x6b: {  	_ =	shalt  }
0x6c: {  	_ =	shalt  }
0x6d: {  	_ =	shalt  }
0x6e: {  	_ =	shalt  }
0x6f: {  	_ =	shalt  }
0x70: {  	_ =	shalt  }
0x71: {  	_ =	shalt  }
0x72: {  	_ =	shalt  }
0x73: {  	_ =	shalt  }
0x74: {  	_ =	shalt  }
0x75: {  	_ =	shalt  }
0x76: {  	_ =	shalt  }
0x77: {  	_ =	shalt  }
0x78: {  	_ =	shalt  }
0x79: {  	_ =	shalt  }
0x7a: {  	_ =	shalt  }
0x7b: {  	_ =	shalt  }
0x7c: {  	_ =	shalt  }
0x7d: {  	_ =	shalt  }
0x7e: {  	_ =	shalt  }
0x7f: {  	_ =	shalt  }
0x80: {  	_ =	shalt  }
0x81: {  	_ =	shalt  }
0x82: {  	_ =	shalt  }
0x83: {  	_ =	shalt  }
0x84: {  	_ =	shalt  }
0x85: {  	_ =	shalt  }
0x86: {  	_ =	shalt  }
0x87: {  	_ =	shalt  }
.Lfunc_end0:
.L_simem_size_0:
called_computation.1_lowered:
.L_overlay_start_0:
0x88: {  	s2 =	sld [smem:$0x3FD9]  }
0x89: {  	s3 =	sld [smem:$0x3FFE];
	_ =	sdelay $0x1  }
0x8a: {  	s1 =	srdreg.scid  }
0x8b: {  	s0 =	sand.u32 $0x1, s1  }
0x8c: {  	s17 =	sshll.u32 s0, $0xA;
	s2 =	sadd.s32 s3, s2  }
0x8d: {  	s2 =	sadd.s32 s2, s17  }
0x8e: {  	[smem:$0x3FC2] =	sst s2  }
0x8f: {  	_ = 	snop  }
0x90: {  	s2 =	sld [smem:$0x3FC7]  }
0x91: {  	s18 =	sld [smem:$0x3FC4]  }
0x92: {  	s4 =	sld [smem:$0x3FD0];
	(tm) =	ssettm $0x1  }
0x93: {  	s5 =	sld [smem:$0x3FFB];
	_ =	sdelay $0x3  }
0x94: {  	_ =	strace s5  }
0x95: {  	s5 =	sld [smem:$0x3FFC];
	_ =	sdelay $0x3  }
0x96: {  	_ =	strace s5  }
0x97: {  	s5 =	sld [smem:$0x3FFD];
	_ =	sdelay $0x3  }
0x98: {  	_ =	strace s5  }
0x99: {  	_ =	strace $0x8FFFFFFF  }
0x9a: {  	s19 =	sld [smem:$0x3FDB];
	_ =	sdelay $0x1  }
0x9b: {  	s6 =	simm.s32 $_scs_section_size  }
0x9c: {  	s7 =	simm.s32 $_size__tile_overlayer_lowered;
	s8 =	simm.s32 $_tile_overlayer_lowered  }
0x9d: {  	s22 =	simm.s32 $0x1BFF;
	s21 =	sshll.u32 s8, $0x1;
	s5 =	sadd.s32 s6, s19  }
0x9e: {  	s9 =	simm.s32 $0x0;
	s20 =	sshll.u32 s7, $0x1;
	s7 =	sadd.s32 s21, s5  }
0x9f: {  	[timem:s9], [sflag:s22] =	dma.local [hbm:s7], s20  }
0xa0: {  	_ =	swait.ge [sflag:s22], s20  }
0xa1: {  	s6 =	ssub.s32 $0x0, s20;
	[sflag:s22] =	ssyncset.done $0x0  }
0xa2: {  	[sflag:s22] =	ssyncadd.s32 s6;
	_ =	sdelay $0x1  }
0xa3: {  	s23 =	simm.s32 $0x1B8B  }
0xa4: {  	_ =	swait.ge [sflag:s23], $0x1  }
0xa5: {  	[sflag:s23] =	ssyncset.done $0x0  }
0xa6: {  	s25 =	simm.s32 $0x1B8E;
	s24 =	sld [smem:$0x3FFE];
	[sflag:s23] =	ssyncadd.s32 $0xFFFFFFFF  }
0xa7: {  	s26 =	simm.s32 $execute0_lowered;
	[smem:$0x3FD2] =	sst s25  }
0xa8: {  	s7 =	sshll.u32 s26, $0x1;
	_ =	strace $0x80000049;
	[dreg:$0x1] =	wrdreg $0xFFFFFFFF  }
0xa9: {  	s28 =	simm.s32 $_size_execute0_lowered;
	s5 =	sadd.s32 s5, s7;
	[dreg:$0x0] =	wrdreg $0x0  }
0xaa: {  	s7 =	sshll.u32 s28, $0x1;
	[dreg:$0x2] =	wrdreg s5  }
0xab: {  	[dreg:$0x3] =	wrdreg s7  }
0xac: {  	[dreg:$0x4] =	wrdreg $0xC0  }
0xad: {  	_ =	task [dreg:s9], $0x5FFFF  }
0xae: {  	[dreg:$0x1] =	wrdreg $0xFFFFFFFF  }
0xaf: {  	[dreg:$0x0] =	wrdreg $0x60  }
0xb0: {  	[dreg:$0x2] =	wrdreg s24  }
0xb1: {  	[dreg:$0x3] =	wrdreg s2  }
0xb2: {  	[dreg:$0x4] =	wrdreg s18  }
0xb3: {  	[dreg:$0x5] =	wrdreg s4  }
0xb4: {  	[dreg:$0x6] =	wrdreg $0x9  }
0xb5: {  	_ =	task.clear_ibuf [dreg:s9], $0x7FFFF;
	_ =	strace $0x90000049  }
0xb6: {  	s29 =	simm.s32 $0x9;
	_ =	strace $0x8000004B  }
0xb7: {  	_ =	swait.ge [sflag:s29], $0x1  }
0xb8: {  	[sflag:s29] =	ssyncadd.s32 $0xFFFFFFFF  }
0xb9: {  	_ =	strace $0x9000004B  }
0xba: {  	_ =	sfence  }
0xbb: {  	s30 =	sld [smem:$0x0];
	_ =	sdelay $0x2  }
0xbc: {  	s31 =	sshll.u32 s1, $0xD;
	s1 =	sshrl.u32 s1, $0x2  }
0xbd: {  	s3 =	sand.u32 $0x4000, s31;
	s1 =	sadd.s32 s1, s30  }
0xbe: {  	s0 =	sor.u32 s3, s0;
	s1 =	sshll.u32 s1, $0x11  }
0xbf: {  	s0 =	sor.u32 s1, s0  }
0xc0: {  	s0 =	sadd.s32 $0x8F2B, s0  }
0xc1: {  	[sflag:s0] =	ssyncadd.remote.s32 $0x1  }
0xc2: {  	_ =	sfence.sel $0xFFFF  }
0xc3: {  	[dreg:$0x0] =	wrdreg $0xFFFFFFFF;
	(pc) =	sbr.abs _section_cstart, $3  }
0xc4: {  	[dreg:$0x1] =	wrdreg $0xFFFFFFFF  }
0xc5: {  	_ =	task.clear_ibuf [dreg:s9], $0x2FFFF;
	_ =	strace $0x9FFFFFFF  }
0xc6: {  	(tm) =	ssettm $0x7FFFFFFF  }
0xc7: {  	_ =	shalt  }
tec
execute0_lowered:
.L_overlay_start_1:
0x0: {  	(tag) =	ssettag $0x1  }
0x1: {  	s0 =	rddreg [dreg:$0x0]  }
0x2: {  	s1 =	rddreg [dreg:$0x1]  }
0x3: {  	s2 =	rddreg [dreg:$0x3];
	s4 =	simm.s32 $0x0  }
0x4: {  	s6 =	stileid.u32;
	s5 =	srdreg.scid;
	s10 =	simm.s32 $0x400  }
0x5: {  	s11 =	simm.s32 $0x3;
	s14 =	simm.s32 $0x2;
	s15 =	simm.s32 $0x7A1400  }
0x6: {  	s16 =	simm.s32 $0x10280;
	s24 =	simm.s32 $0x18280;
	s25 =	simm.s32 $0x19280  }
0x7: {  	s26 =	simm.s32 $0x1;
	s28 =	simm.s32 $0x1C280;
	s29 =	simm.s32 $0x0  }
0x8: {  	[smem:$0x7FF] =	sst s4;
	s3 =	sshll.u32 s6, $0x7;
	s5 =	sand.u32 $0x1, s5  }
0x9: {  	s6 =	sshll.u32 s6, $0x1;
	s3 =	sand.u32 $0x600, s3;
	_ =	strace $0x8000004A  }
0xa: {  	s6 =	sor.u32 s5, s6;
	s5 =	ssub.s32 $0x2, s5;
	s3 =	sadd.s32 s3, s0  }
0xb: {  	v0 =	vlaneseq.u32;
	s7 =	sshll.u32 s6, $0xD;
	s8 =	sshll.u32 s6, $0x4;
	s30 =	sshrl.u32 s5, $0x1  }
0xc: {  	v1 =	vmul.u32 $0x80, v0;
	s31 =	sshll.u32 s6, $0x6;
	s0 =	sadd.s32 s7, s0;
	s8 =	sand.u32 $0x70, s8  }
0xd: {  	v2 =	vimm.s32 $0x0;
	s9 =	ssub.s32 s5, s30;
	s7 =	sadd.s32 s2, s31;
	s3 =	sadd.s32 s8, s3  }
0xe: {  	v3 =	vor.u32 $0x800, v1;
	v4 =	vor.u32 $0x1000, v1;
	v5 =	vor.u32 $0x1800, v1;
	s6 =	sadd.s32 $0xA00, s0;
	s8 =	smax.u32 s9, $0x1;
	s5 =	sadd.s32 $0x41A00, s3  }
.LBB2_1:
0xf: {  	s0 =	simm.s32 $0x80  }
0x10: {  	[tilespmem:s4], [sflag:$0x3] =	stream.strided.gather [hbm4b:s5+s0], $0x200, s10, s0, $0x38;
	[tilespmem:$0x1C500] =	vst v63  }
0x11: {  	_ =	swait.ge [sflag:s11], $0x200  }
0x12: {  	[sflag:s11] =	ssyncset.done $0x0  }
0x13: {  	[sflag:s11] =	ssyncadd.s32 $0xFFFFFE00  }
0x14: {  	s2 =	simm.s32 $0x1C480;
	s3 =	rddreg [dreg:$0x2]  }
0x15: {  	[tilespmem:s2], [sflag:$0x3] =	stream.linear.gather [hbm4b:s3+s4], $0x80, $0x38;
	[tilespmem:$0x1C500] =	vst v63  }
0x16: {  	_ =	swait.ge [sflag:s11], $0x80  }
0x17: {  	[sflag:s11] =	ssyncset.done $0x0  }
0x18: {  	[sflag:s11] =	ssyncadd.s32 $0xFFFFFF80  }
0x19: {  	s9 =	simm.s32 $0x280;
	[tilespmem:$0x200] =	vst v2  }
0x1a: {  	[tilespmem:s9], [sflag:$0x2] =	stream.linear.gather [hbm4b:s6+s4], $0x10000, $0x38;
	[tilespmem:$0x1C500] =	vst v63  }
0x1b: {  	_ =	swait.ge [sflag:s14], $0x10000  }
0x1c: {  	[sflag:s14] =	ssyncset.done $0x0  }
0x1d: {  	[sflag:s14] =	ssyncadd.s32 $0xFFFF0000  }
0x1e: {  	v6 =	vld [tilespmem:$0x0];
	_ =	sdelay $0x4  }
0x1f: {  	(v2sf) =	vpush v6, $0x0;
	_ =	sdelay $0x1  }
0x20: {  	(v2sf) =	vpush v6, $0x1;
	_ =	sdelay $0xc  }
0x21: {  	s12 =	spop (v2sf)  }
0x22: {  	s0 =	sand.u32 $0xFFFFF80, s12  }
0x23: {  	s13 =	spop (v2sf);
	s0 =	sadd.s32 s1, s0  }
0x24: {  	v6 =	vld [tilespmem:$0x1C480];
	[tilespmem:s16], [sflag:$0x1] =	stream.strided.gather [hbm4b:s0+s10], $0x1000, s15, s10, $0x38  }
0x25: {  	s0 =	sand.u32 $0xFFFFF80, s13  }
0x26: {  	s17 =	simm.s32 $0x11280;
	s0 =	sadd.s32 s1, s0  }
0x27: {  	[tilespmem:s17], [sflag:$0x1] =	stream.strided.gather [hbm4b:s0+s10], $0x1000, s15, s10, $0x38;
	[tilespmem:$0x1C500] =	vst v63  }
0x28: {  	v7 =	vld [tilespmem:$0x2];
	_ =	sdelay $0x4  }
0x29: {  	(v2sf) =	vpush v7, $0x0;
	_ =	sdelay $0x1  }
0x2a: {  	(v2sf) =	vpush v7, $0x1;
	_ =	sdelay $0xc  }
0x2b: {  	s18 =	spop (v2sf)  }
0x2c: {  	s0 =	sand.u32 $0xFFFFF80, s18  }
0x2d: {  	s19 =	simm.s32 $0x12280;
	s20 =	spop (v2sf);
	s0 =	sadd.s32 s1, s0  }
0x2e: {  	[tilespmem:s19], [sflag:$0x1] =	stream.strided.gather [hbm4b:s0+s10], $0x1000, s15, s10, $0x38;
	[tilespmem:$0x1C500] =	vst v63  }
0x2f: {  	s0 =	sand.u32 $0xFFFFF80, s20  }
0x30: {  	s21 =	simm.s32 $0x13280;
	s0 =	sadd.s32 s1, s0  }
0x31: {  	[tilespmem:s21], [sflag:$0x1] =	stream.strided.gather [hbm4b:s0+s10], $0x1000, s15, s10, $0x38;
	[tilespmem:$0x1C500] =	vst v63  }
0x32: {  	v7 =	vld [tilespmem:$0x4];
	_ =	sdelay $0x4  }
0x33: {  	(v2sf) =	vpush v7, $0x0;
	_ =	sdelay $0x1  }
0x34: {  	(v2sf) =	vpush v7, $0x1;
	_ =	sdelay $0xc  }
0x35: {  	s22 =	spop (v2sf)  }
0x36: {  	s0 =	sand.u32 $0xFFFFF80, s22  }
0x37: {  	s23 =	simm.s32 $0x14280;
	s3 =	spop (v2sf);
	s0 =	sadd.s32 s1, s0  }
0x38: {  	[tilespmem:s23], [sflag:$0x1] =	stream.strided.gather [hbm4b:s0+s10], $0x1000, s15, s10, $0x38;
	[tilespmem:$0x1C500] =	vst v63  }
0x39: {  	s0 =	sand.u32 $0xFFFFF80, s3  }
0x3a: {  	s9 =	simm.s32 $0x15280;
	s0 =	sadd.s32 s1, s0  }
0x3b: {  	[tilespmem:s9], [sflag:$0x1] =	stream.strided.gather [hbm4b:s0+s10], $0x1000, s15, s10, $0x38;
	[tilespmem:$0x1C500] =	vst v63  }
0x3c: {  	v7 =	vld [tilespmem:$0x6];
	_ =	sdelay $0x4  }
0x3d: {  	(v2sf) =	vpush v7, $0x0;
	_ =	sdelay $0x1  }
0x3e: {  	(v2sf) =	vpush v7, $0x1;
	_ =	sdelay $0xc  }
0x3f: {  	s12 =	spop (v2sf)  }
0x40: {  	s0 =	sand.u32 $0xFFFFF80, s12  }
0x41: {  	s13 =	simm.s32 $0x16280;
	s17 =	spop (v2sf);
	s0 =	sadd.s32 s1, s0  }
0x42: {  	[tilespmem:s13], [sflag:$0x1] =	stream.strided.gather [hbm4b:s0+s10], $0x1000, s15, s10, $0x38;
	[tilespmem:$0x1C500] =	vst v63  }
0x43: {  	s0 =	sand.u32 $0xFFFFF80, s17  }
0x44: {  	s18 =	simm.s32 $0x17280;
	s0 =	sadd.s32 s1, s0  }
0x45: {  	[tilespmem:s18], [sflag:$0x1] =	stream.strided.gather [hbm4b:s0+s10], $0x1000, s15, s10, $0x38;
	[tilespmem:$0x1C500] =	vst v63  }
0x46: {  	v7 =	vld [tilespmem:$0x8];
	_ =	sdelay $0x4  }
0x47: {  	(v2sf) =	vpush v7, $0x0;
	_ =	sdelay $0x1  }
0x48: {  	(v2sf) =	vpush v7, $0x1;
	_ =	sdelay $0xc  }
0x49: {  	s19 =	spop (v2sf)  }
0x4a: {  	s0 =	sand.u32 $0xFFFFF80, s19  }
0x4b: {  	s20 =	spop (v2sf);
	s0 =	sadd.s32 s1, s0  }
0x4c: {  	[tilespmem:s24], [sflag:$0x1] =	stream.strided.gather [hbm4b:s0+s10], $0x1000, s15, s10, $0x38;
	[tilespmem:$0x1C500] =	vst v63  }
0x4d: {  	s0 =	sand.u32 $0xFFFFF80, s20  }
0x4e: {  	p0 =	por $0x0, $0x0;
	s0 =	sadd.s32 s1, s0  }
0x4f: {  	[tilespmem:s25], [sflag:$0x1] =	stream.strided.gather [hbm4b:s0+s10], $0x1000, s15, s10, $0x38;
	[tilespmem:$0x1C500] =	vst v63  }
0x50: {  	s0 =	simm.s32 @!p0 $0x0  }
0x51: {  	v7 =	vld @!p0 [tilespmem:s0+$0xA];
	_ =	sdelay $0x4  }
0x52: {  	(v2sf) =	vpush @!p0 v7, $0x0  }
0x53: {  	(v2sf) =	vpush @!p0 v7, $0x1;
	_ =	sdelay $0x5  }
0x54: {  	s30 =	simm.s32 $0x5  }
0x55: {  	s0 =	smul.u32 @!p0 $0xAB, s30;
	_ =	sdelay $0x1  }
0x56: {  	s0 =	sshrl.u32 @!p0 s0, $0xA  }
0x57: {  	s0 =	sand.u32 @!p0 $0x3F, s0  }
0x58: {  	s0 =	smul.u32 @!p0 $0x6, s0;
	_ =	sdelay $0x1  }
0x59: {  	s21 =	simm.s32 $0x0;
	s12 =	simm.s32 @!p0 $0x7A1400;
	s0 =	ssub.s32 @!p0 $0x5, s0  }
0x5a: {  	s17 =	simm.s32 @!p0 $0x400;
	s0 =	sand.u32 @!p0 $0xFF, s0;
	s9 =	spop @!p0 (v2sf)  }
0x5b: {  	s0 =	sshll.u32 @!p0 s0, $0xD;
	s9 =	sand.u32 @!p0 $0xFFFFF80, s9;
	s13 =	spop @!p0 (v2sf)  }
0x5c: {  	s3 =	sor.u32 @!p0 $0x10280, s0;
	s9 =	sadd.s32 @!p0 s1, s9;
	s13 =	sand.u32 @!p0 $0xFFFFF80, s13  }
0x5d: {  	[tilespmem:s3], [sflag:$0x1] =	stream.strided.gather @!p0 [hbm4b:s9+s17], $0x1000, s12, s17, $0x38;
	[tilespmem:$0x1C500] =	vst v63  }
0x5e: {  	s2 =	smul.u32 $0xAB, s21;
	s0 =	sor.u32 @!p0 $0x11280, s0;
	s3 =	sadd.s32 @!p0 s1, s13  }
0x5f: {  	[tilespmem:s0], [sflag:$0x1] =	stream.strided.gather @!p0 [hbm4b:s3+s17], $0x1000, s12, s17, $0x38;
	[tilespmem:$0x1C500] =	vst v63  }
0x60: {  	_ =	swait.ge [sflag:s26], $0x1000  }
0x61: {  	s31 =	simm.s32 $0x0;
	s22 =	sshrl.u32 s2, $0xA;
	[sflag:s26] =	ssyncset.done $0x0  }
0x62: {  	s2 =	simm.s32 $0x310;
	s0 =	sand.u32 $0x3F, s22;
	[sflag:s26] =	ssyncadd.s32 $0xFFFFF000  }
0x63: {  	s23 =	simm.s32 $0x0;
	s0 =	smul.u32 $0x6, s0;
	_ =	swait.ge [sflag:s26], $0x1000  }
0x64: {  	s9 =	simm.s32 $0x3;
	s13 =	simm.s32 $0x310;
	[sflag:s26] =	ssyncset.done $0x0  }
0x65: {  	s3 =	simm.s32 $0x6;
	s0 =	ssub.s32 $0x0, s0;
	[sflag:s26] =	ssyncadd.s32 $0xFFFFF000  }
0x66: {  	v7 =	vimm.f32 $0.0e+00;
	s12 =	simm.s32 $0x0;
	s17 =	sand.u32 $0xFF, s0;
	s0 =	simm.s32 $0x1;
	v8 =	vld [tilespmem:s23+$0x0]  }
.LBB2_2:
0x67: {  	s12 =	sadd.s32 $0x8, s12  }
0x68: {  	v9 =	vld [tilespmem:s2+$0xFFFFFF70];
	s13 =	sadd.s32 $0x100, s13;
	s21 =	smov.u32 s3;
	s3 =	sadd.s32 $0x1, s3  }
0x69: {  	s18 =	sadd.s32 $0xFFFFFFFB, s21;
	p0 =	sne.s32 s3, $0x105;
	v10 =	vld [tilespmem:s2+$0xFFFFFF80]  }
0x6a: {  	s20 =	smul.u32 $0xAB, s18;
	p1 =	sgt.u32 s18, $0xFA;
	v11 =	vld [tilespmem:s2+$0xFFFFFFF0]  }
0x6b: {  	s19 =	sshra.s32 @!p1 s12, $0x2;
	s22 =	smul.u32 @!p1 $0xAB, s21;
	v12 =	vld [tilespmem:s2+$0x0];
	s2 =	smov.u32 s13  }
0x6c: {  	s17 =	sshll.u32 s17, $0xD;
	s20 =	sshrl.u32 s20, $0xA;
	v8 =	vand.u32 $0x7F, v8  }
0x6d: {  	s20 =	sand.u32 $0x3F, s20;
	s22 =	sshrl.u32 @!p1 s22, $0xA;
	v13 =	vor.u32 s17, v8;
	v8 =	vbroadcast v8, $0x1  }
0x6e: {  	s20 =	smul.u32 $0x6, s20;
	s22 =	sand.u32 @!p1 $0x3F, s22;
	v13 =	vbroadcast v13, $0x0  }
0x6f: {  	s22 =	smul.u32 @!p1 $0x6, s22;
	v8 =	vor.u32 s17, v8  }
0x70: {  	s17 =	ssub.s32 s18, s20;
	v14 =	vor.u32 v1, v13;
	v13 =	vor.u32 v3, v13;
	v15 =	vor.u32 v4, v8  }
0x71: {  	v8 =	vor.u32 v5, v8;
	s17 =	sand.u32 $0xFF, s17;
	s18 =	ssub.s32 @!p1 s21, s22  }
0x72: {  	s18 =	sand.u32 @!p1 $0xFF, s18  }
0x73: {  	s18 =	sshll.u32 @!p1 s18, $0xD  }
0x74: {  	s20 =	sor.u32 @!p1 $0x10280, s18;
	s18 =	sor.u32 @!p1 $0x11280, s18  }
0x75: {  	v14 =	vld.idx.msk [tilespmem:v14+s16+$0x0], $0xffff  }
0x76: {  	v13 =	vld.idx.msk [tilespmem:v13+s16+$0x0], $0xffff  }
0x77: {  	v15 =	vld.idx.msk [tilespmem:v15+s16+$0x0], $0xffff  }
0x78: {  	v8 =	vld.idx.msk [tilespmem:v8+s16+$0x0], $0xffff;
	_ =	sdelay $0x2  }
0x79: {  	v9 =	vmul.f32 v9, v14  }
0x7a: {  	v10 =	vmul.f32 v10, v13  }
0x7b: {  	v11 =	vmul.f32 v11, v15  }
0x7c: {  	v9 =	vadd.f32 v10, v9;
	v8 =	vmul.f32 v12, v8;
	_ =	sdelay $0x1  }
0x7d: {  	v8 =	vadd.f32 v8, v11;
	(xrf2) =	vadd.scan.msk.f32 $0xffff, v9;
	_ =	sdelay $0x2  }
0x7e: {  	(xrf2) =	vadd.scan.msk.f32 $0xffff, v8;
	_ =	sdelay $0x6  }
0x7f: {  	v8, _, _ =	vpop (xrf2)  }
0x80: {  	s22 =	sadd.s32 $0xFFFFFFFF, s0;
	v8 =	vbroadcast v8, $0xF  }
0x81: {  	s22 =	sand.u32 $0xE, s22  }
0x82: {  	v9 =	vmov s22;
	s22 =	sand.u32 $0xF, s0;
	s0 =	smov.u32 s9;
	v10, _, _ =	vpop (xrf2)  }
0x83: {  	vm0 =	veq.s32 v9, v0;
	v9 =	vmov s22;
	s22 =	sadd.s32 $0xFFFFFFFC, s30;
	s30 =	smov.u32 s21;
	v10 =	vbroadcast v10, $0xF  }
0x84: {  	s21 =	sand.u32 $0x7, s22;
	v7 =	vsel vm0, v8, v7;
	vm0 =	veq.s32 v9, v0  }
0x85: {  	p2 =	sne.s32 s21, $0x0;
	v7 =	vsel vm0, v10, v7  }
0x86: {  	s21 =	sand.u32 @!p2 $0x7C0, s31;
	s31 =	smov.u32 s12;
	v8 =	vadd.f32 @!p2 v7, v6  }
0x87: {  	s21 =	sshrl.u32 @!p2 s21, $0x2  }
0x88: {  	v8 =	vsub.f32 @!p2 $0.0e+00, v8;
	_ =	sdelay $0x1  }
0x89: {  	v8 =	vmul.f32 @!p2 $1.442695020e+00, v8;
	_ =	sdelay $0x1  }
0x8a: {  	(erf) = vpow2.f32 @!p2 v8;
	_ =	sdelay $0x8  }
0x8b: {  	v8 =	vpop @!p2 (erf)  }
0x8c: {  	v8 =	vadd.f32 @!p2 $1.000000000e+00, v8;
	_ =	sdelay $0x1  }
0x8d: {  	(erf) = vrcp.f32 @!p2 v8;
	_ =	sdelay $0x8  }
0x8e: {  	v8 =	vpop @!p2 (erf)  }
0x8f: {  	[tilespmem:s21+$0x1C280] =	vst @!p2 v8  }
0x90: {  	v8 =	vld @!p1 [tilespmem:s19+$0xA];
	_ =	sdelay $0x4  }
0x91: {  	(v2sf) =	vpush @!p1 v8, $0x0  }
0x92: {  	(v2sf) =	vpush @!p1 v8, $0x1;
	_ =	sdelay $0xd  }
0x93: {  	s19 =	spop @!p1 (v2sf)  }
0x94: {  	s21 =	simm.s32 @!p1 $0x7A1400;
	s19 =	sand.u32 @!p1 $0xFFFFF80, s19;
	s22 =	spop @!p1 (v2sf)  }
0x95: {  	s23 =	simm.s32 @!p1 $0x400;
	s19 =	sadd.s32 @!p1 s1, s19;
	s22 =	sand.u32 @!p1 $0xFFFFF80, s22  }
0x96: {  	[tilespmem:s20], [sflag:$0x1] =	stream.strided.gather @!p1 [hbm4b:s19+s23], $0x1000, s21, s23, $0x38;
	[tilespmem:$0x1C500] =	vst v63  }
0x97: {  	s19 =	sadd.s32 @!p1 s1, s22  }
0x98: {  	[tilespmem:s18], [sflag:$0x1] =	stream.strided.gather @!p1 [hbm4b:s19+s23], $0x1000, s21, s23, $0x38;
	[tilespmem:$0x1C500] =	vst v63  }
0x99: {  	_ =	swait.ge [sflag:s26], $0x1000  }
0x9a: {  	[sflag:s26] =	ssyncset.done $0x0  }
.Ltmp0:
0x9b: {  	[sflag:s26] =	ssyncadd.s32 $0xFFFFF000;
	(pc) =	sbr.rel @p0 .LBB2_2-.Ltmp0, $4  }
0x9c: {  	_ =	swait.ge [sflag:s26], $0x1000  }
0x9d: {  	[sflag:s26] =	ssyncset.done $0x0  }
0x9e: {  	s18 =	sshra.s32 s12, $0x2;
	[sflag:s26] =	ssyncadd.s32 $0xFFFFF000  }
0x9f: {  	s9 =	sadd.s32 $0x2, s9;
	v8 =	vld [tilespmem:s18+$0x0]  }
0xa0: {  	_ =	sdelay $0x3  }
0xa1: {  	s3 =	sshll.u32 s17, $0xD;
	v8 =	vand.u32 $0x7F, v8  }
0xa2: {  	v9 =	vor.u32 s3, v8  }
0xa3: {  	v9 =	vbroadcast v9, $0x0  }
0xa4: {  	v8 =	vbroadcast v8, $0x1  }
0xa5: {  	v10 =	vor.u32 v1, v9  }
0xa6: {  	v11 =	vld [tilespmem:s2+$0xFFFFFF70];
	v8 =	vor.u32 s3, v8;
	v9 =	vor.u32 v3, v9  }
0xa7: {  	v12 =	vld [tilespmem:s2+$0xFFFFFF80];
	v13 =	vor.u32 v4, v8  }
0xa8: {  	v14 =	vld [tilespmem:s2+$0xFFFFFFF0];
	v8 =	vor.u32 v5, v8  }
0xa9: {  	v15 =	vld [tilespmem:s2+$0x0]  }
0xaa: {  	v10 =	vld.idx.msk [tilespmem:v10+s16+$0x0], $0xffff  }
0xab: {  	v9 =	vld.idx.msk [tilespmem:v9+s16+$0x0], $0xffff  }
0xac: {  	v13 =	vld.idx.msk [tilespmem:v13+s16+$0x0], $0xffff  }
0xad: {  	v8 =	vld.idx.msk [tilespmem:v8+s16+$0x0], $0xffff;
	_ =	sdelay $0x3  }
0xae: {  	v10 =	vmul.f32 v11, v10;
	v9 =	vmul.f32 v12, v9  }
0xaf: {  	v59 =	vmul.f32 v14, v13;
	v8 =	vmul.f32 v15, v8  }
0xb0: {  	v9 =	vadd.f32 v9, v10  }
0xb1: {  	v8 =	vadd.f32 v8, v59  }
0xb2: {  	(xrf2) =	vadd.scan.msk.f32 $0xffff, v9  }
0xb3: {  	(xrf2) =	vadd.scan.msk.f32 $0xffff, v8;
	_ =	sdelay $0x7  }
0xb4: {  	s22 =	sadd.s32 $0xFFFFFFFF, s0  }
0xb5: {  	s2 =	sand.u32 $0xE, s22;
	v60, _, _ =	vpop (xrf2)  }
0xb6: {  	s23 =	sand.u32 $0xF, s0;
	v61 =	vmov s2;
	v8 =	vbroadcast v60, $0xF;
	v62, _, _ =	vpop (xrf2)  }
0xb7: {  	s30 =	sadd.s32 $0xFFFFFFFC, s30;
	v63 =	vmov s23;
	vm0 =	veq.s32 v61, v0;
	v10 =	vbroadcast v62, $0xF  }
0xb8: {  	s0 =	sand.u32 $0x7, s30;
	vm15 =	veq.s32 v63, v0;
	v7 =	vsel vm0, v8, v7  }
0xb9: {  	p0 =	sne.s32 s0, $0x0;
	v7 =	vsel vm15, v10, v7  }
0xba: {  	v6 =	vadd.f32 @!p0 v7, v6;
	_ =	sdelay $0x1  }
0xbb: {  	v6 =	vsub.f32 @!p0 $0.0e+00, v6;
	_ =	sdelay $0x1  }
0xbc: {  	v6 =	vmul.f32 @!p0 $1.442695020e+00, v6;
	_ =	sdelay $0x1  }
0xbd: {  	(erf) = vpow2.f32 @!p0 v6;
	_ =	sdelay $0x8  }
0xbe: {  	v6 =	vpop @!p0 (erf)  }
0xbf: {  	v6 =	vadd.f32 @!p0 $1.000000000e+00, v6;
	_ =	sdelay $0x1  }
0xc0: {  	(erf) = vrcp.f32 @!p0 v6;
	_ =	sdelay $0x7  }
0xc1: {  	s0 =	sand.u32 @!p0 $0x7C0, s31  }
0xc2: {  	s29 =	sadd.s32 $0x1, s29;
	s0 =	sshrl.u32 @!p0 s0, $0x2;
	v6 =	vpop @!p0 (erf)  }
0xc3: {  	[tilespmem:s0+$0x1C280] =	vst @!p0 v6;
	p0 =	sne.s32 s29, s8  }
.Ltmp1:
0xc4: {  	_ = 	snop;
	(pc) =	sbr.rel @p0 .LBB2_1-.Ltmp1, $4  }
0xc5: {  	[hbm4b:s7+s4] =	stream.linear.scatter [tilespmem:s28], [sflag:$0x3], $0x200, $0x38;
	[tilespmem:$0x1C500] =	vst v63  }
0xc6: {  	_ =	swait.ge [sflag:s11], $0x200  }
0xc7: {  	[sflag:s11] =	ssyncset.done $0x0  }
0xc8: {  	[sflag:s11] =	ssyncadd.s32 $0xFFFFFE00  }
0xc9: {  	_ =	sfence.sel $0x180000  }
0xca: {  	[bflag:$0x0] =	sbarrier.arrive $0xFFFF  }
0xcb: {  	_ =	strace $0x9000004A  }
0xcc: {  	s0 =	stileid.u32;
	[bflag:$0x2] =	sbarrier.arrive $0xFFFF  }
0xcd: {  	p0 =	sne.s32 s0, $0x0;
	s0 =	rddreg [dreg:$0x4]  }
0xce: {  	s0 =	sadd.s32 @!p0 $0x100000, s0  }
0xcf: {  	[sflag:s0] =	ssyncadd.tile.s32 @!p0 $0x1;
	_ =	shalt  }
.Lfunc_end2:
_tile_overlayer_lowered:
.L_overlay_start_2:
0xd0: {  	(tag) =	ssettag $0x2  }
0xd1: {  	s0 =	rddreg [dreg:$0x0];
	s2 =	stileid.u32  }
0xd2: {  	s1 =	rddreg [dreg:$0x1];
	p0 =	sne.s32 s2, $0x0  }
0xd3: {  	s3 =	rddreg [dreg:$0x2];
	[bflag:$0x3] =	sbarrier.arrive $0xFFFF;
	s2 =	simm.s32 @!p0 $0x1C03  }
0xd4: {  	[timem:s3], [sflag:s2] =	dma.local @!p0 [hbm:s0], s1  }
0xd5: {  	s0 =	simm.s32 @!p0 $0x3  }
0xd6: {  	_ =	swait.ge @!p0 [sflag:s0], s1  }
0xd7: {  	s1 =	ssub.s32 @!p0 $0x0, s1;
	[sflag:s0] =	ssyncset.done @!p0 $0x0  }
0xd8: {  	[sflag:s0] =	ssyncadd.s32 @!p0 s1  }
0xd9: {  	[bflag:$0x3] =	sbarrier.arrive $0xFFFF  }
0xda: {  	_ =	shalt  }

</sc_bundles>
